<compile_context>
chip_gen: v7x
topology: tpu7x:2x2x1
jax: 0.10.2.dev20260603
libtpu: 0.0.44.dev20260713+nightly
codegen_flags: <defaults>
</compile_context>

<pallas_src>
import functools

import jax
import jax.numpy as jnp
from jax import lax
from jax.experimental import pallas as pl
from jax.experimental.pallas import tpu as pltpu
from jax.experimental.pallas import tpu_sc as plsc

_K = 9
_NBR = _K - 1
_TQ = 512
_TR = 512
_CP = 128
_NCHUNKQ = 2


def _table_body(qt_ref, tab_ref):
    qt = qt_ref[0]
    tab_ref[0] = jnp.concatenate(
        [qt.T, jnp.zeros((qt.shape[1], _CP - qt.shape[0]), jnp.float32)],
        axis=1)


def _table_call(xf):
    b, c, n = xf.shape
    return pl.pallas_call(
        _table_body,
        grid=(b, n // _TQ),
        in_specs=[pl.BlockSpec((1, c, _TQ), lambda i, q: (i, 0, q))],
        out_specs=pl.BlockSpec((1, _TQ, _CP), lambda i, q: (i, q, 0)),
        out_shape=jax.ShapeDtypeStruct((b, n, _CP), jnp.float32),
    )(xf)


def _topk_body(qt_ref, xf_ref, idx_ref, *, q0):
    qi = pl.program_id(0)
    qt = qt_ref[0]
    xf = xf_ref[0]
    c, n = xf.shape
    dot = lax.dot_general(qt, xf, (((0,), (0,)), ((), ())),
                          preferred_element_type=jnp.float32)
    nk = jnp.sum(xf * xf, axis=0, keepdims=True)
    r = nk - 2.0 * dot
    lane = lax.broadcasted_iota(jnp.int32, r.shape, 1)
    row = q0 + qi * _TQ + lax.broadcasted_iota(jnp.int32, r.shape, 0)
    inf = jnp.float32(jnp.inf)
    r = jnp.where(lane == row, inf, r)
    lane_f = lane.astype(jnp.float32)
    lane8 = lax.broadcasted_iota(jnp.int32, (r.shape[0], _NBR), 1)
    acc = jnp.zeros((r.shape[0], _NBR), jnp.float32)
    for k in range(_NBR):
        m = jnp.min(r, axis=1, keepdims=True)
        i_f = jnp.min(jnp.where(r == m, lane_f, inf), axis=1,
                      keepdims=True)
        acc = jnp.where(lane8 == k, i_f, acc)
        r = jnp.where(lane_f == i_f, inf, r)
    idx_ref[0] = acc.T.astype(jnp.int32)


def _topk_call(xf, b, q0, nq):
    _, c, n = xf.shape
    t0 = q0 // _TQ
    return pl.pallas_call(
        functools.partial(_topk_body, q0=q0),
        grid=(nq // _TQ,),
        in_specs=[
            pl.BlockSpec((1, c, _TQ), lambda q: (b, 0, t0 + q)),
            pl.BlockSpec((1, c, n), lambda q: (b, 0, 0)),
        ],
        out_specs=pl.BlockSpec((1, _NBR, _TQ), lambda q: (q, 0, 0)),
        out_shape=jax.ShapeDtypeStruct((nq // _TQ, _NBR, _TQ), jnp.int32),
    )(xf, xf)


def _make_gather(tot, cp):
    info = plsc.get_sparse_core_info()
    nw = info.num_cores * info.num_subcores
    per_w = tot // nw
    nchunk = per_w // 128
    nbuf = min(6, nchunk)
    ahead = max(1, nbuf - 2)
    mesh = plsc.VectorSubcoreMesh(core_axis_name="c", subcore_axis_name="s")

    @functools.partial(
        pl.kernel, mesh=mesh,
        out_type=jax.ShapeDtypeStruct((tot, cp), jnp.float32),
        scratch_types=[
            pltpu.VMEM((nchunk, 128), jnp.int32),
            pltpu.VMEM((nbuf, 128, cp), jnp.float32),
            pltpu.SemaphoreType.DMA,
            pltpu.SemaphoreType.DMA,
        ],
    )
    def gath(table_hbm, idx_hbm, out_hbm, idx_v, rows_v, gsem, wsem):
        wid = lax.axis_index("s") * info.num_cores + lax.axis_index("c")
        base = wid * per_w
        pltpu.sync_copy(idx_hbm.at[pl.ds(wid * nchunk, nchunk)], idx_v)
        gd = [None] * nchunk
        wd = [None] * nchunk
        for ck in range(min(ahead, nchunk)):
            gd[ck] = pltpu.async_copy(
                table_hbm.at[idx_v.at[ck]], rows_v.at[ck % nbuf], gsem)
        for ck in range(nchunk):
            nx = ck + ahead
            if nx < nchunk:
                if nx >= nbuf:
                    wd[nx - nbuf].wait()
                gd[nx] = pltpu.async_copy(
                    table_hbm.at[idx_v.at[nx]], rows_v.at[nx % nbuf], gsem)
            gd[ck].wait()
            wd[ck] = pltpu.async_copy(
                rows_v.at[ck % nbuf],
                out_hbm.at[pl.ds(base + ck * 128, 128)], wsem)
        for ck in range(max(0, nchunk - nbuf), nchunk):
            wd[ck].wait()

    return gath


def _conv_body(xfq_ref, g_ref, w0_ref, wr_ref, bias_ref, out_ref):
    c = w0_ref.shape[0]
    acc = lax.dot_general(xfq_ref[0], w0_ref[...], (((0,), (0,)), ((), ())),
                          preferred_element_type=jnp.float32)
    acc += bias_ref[...]
    for k in range(_NBR):
        acc += lax.dot_general(g_ref[0, k][:, :c], wr_ref[k],
                               (((1,), (0,)), ((), ())),
                               preferred_element_type=jnp.float32)
    out_ref[...] = acc.T


def _conv_call(xf, g4, w0, wr3, bias, b, q0):
    _, c, n = xf.shape
    nq = g4.shape[0] * g4.shape[2]
    co = w0.shape[1]
    t0 = q0 // _TR
    return pl.pallas_call(
        _conv_body,
        grid=(nq // _TR,),
        in_specs=[
            pl.BlockSpec((1, c, _TR), lambda t: (b, 0, t0 + t)),
            pl.BlockSpec((1, _NBR, _TR, _CP), lambda t: (t, 0, 0, 0)),
            pl.BlockSpec((c, co), lambda t: (0, 0)),
            pl.BlockSpec((_NBR, c, co), lambda t: (0, 0, 0)),
            pl.BlockSpec((1, co), lambda t: (0, 0)),
        ],
        out_specs=pl.BlockSpec((co, _TR), lambda t: (0, t)),
        out_shape=jax.ShapeDtypeStruct((co, nq), jnp.float32),
    )(xf, g4, w0, wr3, bias)


def kernel(x, conv_w, conv_b):
    b, c, h, w = x.shape
    n = h * w
    nq = n // _NCHUNKQ
    co = conv_w.shape[0]
    xf = x.reshape(b, c, n)

    wt = jnp.transpose(conv_w, (2, 1, 0))
    w0 = wt[0]
    wr3 = wt[1:]
    bias = conv_b.reshape(1, co)

    tables = _table_call(xf)
    gath = _make_gather(nq * _NBR, _CP)

    outs = []
    for bi in range(b):
        chunks = []
        for ci in range(_NCHUNKQ):
            q0 = ci * nq
            idx = _topk_call(xf, bi, q0, nq)
            flat_idx = idx.reshape(nq * _NBR // 128, 128)
            g = gath(tables[bi], flat_idx)
            g4 = g.reshape(nq // _TQ, _NBR, _TQ, _CP)
            chunks.append(_conv_call(xf, g4, w0, wr3, bias, bi, q0))
        outs.append(jnp.concatenate(chunks, axis=1))
    return jnp.stack(outs).reshape(b, co, h, w)

# --- scband reference (transcript-rebuilt; emitter-appended) ---
"""Pipeline reference for scband-conv2d-nn-36378372997762 (READ-ONLY COPY).

The authoritative reference and input builder live on the scoring server;
editing this copy changes nothing except your own understanding.
"""

import jax, jax.numpy as jnp
import numpy as np

K = 9

def setup_inputs(seed: int = 0) -> dict:
    key = jax.random.key(seed)
    k1, k2, k3 = jax.random.split(key, 3)
    x = jax.random.normal(k1, (2, 96, 64, 64), dtype=jnp.float32)
    fan_in = 96 * K
    bound = 1.0 / np.sqrt(fan_in)
    conv_w = jax.random.uniform(k2, (96, 96, K), minval=-bound, maxval=bound, dtype=jnp.float32)
    conv_b = jax.random.uniform(k3, (96,), minval=-bound, maxval=bound, dtype=jnp.float32)
    return {"x": x, "conv_w": conv_w, "conv_b": conv_b}

def _forward(x, conv_w, conv_b):
    b, c, h, w = x.shape
    n = h * w
    # shuffle_pattern='NA', padding=0, similarity_type='Col', aggregation_type='Col'
    # -> no pixel unshuffle, no pad, no coordinate encoding; x_sim == x
    xf = x.reshape(b, c, n)
    # _calculate_euclidean_matrix (squared euclidean, sqrt=False default)
    norm_sq = jnp.sum(xf * xf, axis=1)  # [b, n]
    dot = jnp.einsum('bcn,bcm->bnm', xf, xf)  # [b, n, n]
    dist = norm_sq[:, :, None] + norm_sq[:, None, :] - 2.0 * dot
    dist = jnp.maximum(dist, 0.0)
    diag = jnp.arange(n)
    dist = dist.at[:, diag, diag].set(0.0)  # self-distance exactly 0 -> self is nearest
    # _prime: maximum=False for euclidean -> K smallest distances
    _, idx = jax.lax.top_k(-dist, K)  # [b, n, K]
    idx_flat = idx.reshape(b, n * K)
    gathered = jnp.take_along_axis(
        xf, jnp.broadcast_to(idx_flat[:, None, :], (b, c, n * K)), axis=2
    )  # [b, c, n*K]
    # Conv1d kernel=K stride=K padding=0 over the concatenated neighborhoods
    out = jax.lax.conv_general_dilated(
        gathered, conv_w, window_strides=(K,), padding='VALID',
        dimension_numbers=('NCH', 'OIH', 'NCH')
    )
    out = out + conv_b[None, :, None]  # [b, out_c, n]
    return out.reshape(b, conv_w.shape[0], h, w)

def reference(x, conv_w, conv_b):
    return _forward(x, conv_w, conv_b)

if __name__ == "__main__":
    import jax
    _d = setup_inputs()
    print(jax.jit(kernel)(*tuple(_d.values())))

</pallas_src>

<mosaic_0001>
#map = affine_map<(d0, d1) -> (0, 0)>
module attributes {stable_mosaic.version = 14 : i64} {
  func.func @gath(%arg0: i32, %arg1: i32, %arg2: memref<4096x128xf32, #tpu.memory_space<hbm>>, %arg3: memref<128x128xi32, #tpu.memory_space<hbm>>, %arg4: memref<16384x128xf32, #tpu.memory_space<hbm>>, %arg5: memref<4x128xi32, #tpu.memory_space<vmem>>, %arg6: memref<4x128x128xf32, #tpu.memory_space<vmem>>, %arg7: memref<!tpu.dma_semaphore, #tpu.memory_space<semaphore_mem>>, %arg8: memref<!tpu.dma_semaphore, #tpu.memory_space<semaphore_mem>>) attributes {dimension_semantics = [#tpu.dimension_semantics<core_parallel>, #tpu.dimension_semantics<subcore_parallel>], iteration_bounds = array<i64: 2, 16>, scalar_prefetch = 0 : i64, scratch_operands = 4 : i64, tpu.core_type = #tpu.core_type<sc_vector_subcore>, window_params = [{transform_indices = #map}, {transform_indices = #map}, {transform_indices = #map}]} {
    %mul3A = arith.constant 2 : i32
    %mul3A_0 = arith.muli %arg1, %mul3A : i32
    %add3A = arith.addi %mul3A_0, %arg0 : i32
    %mul3A_1 = arith.constant 512 : i32
    %mul3A_2 = arith.muli %add3A, %mul3A_1 : i32
    %mul3A_3 = arith.constant 4 : i32
    %mul3A_4 = arith.muli %add3A, %mul3A_3 : i32
    "tpu.region"() ({
      %run_scoped3A = tpu.sem_alloc : memref<!tpu.dma_semaphore, #tpu.memory_space<semaphore_mem>>
      %dma_start3A_211 = arith.constant 0 : i32
      %dma_start3A_212 = tpu.memref_slice %arg3[%mul3A_4, %dma_start3A_211] : memref<128x128xi32, #tpu.memory_space<hbm>> -> memref<4x128xi32, #tpu.memory_space<hbm>>
      %dma_start3A_213 = arith.constant 0 : i32
      %dma_start3A_214 = tpu.memref_slice %arg3[%mul3A_4, %dma_start3A_213] : memref<128x128xi32, #tpu.memory_space<hbm>> -> memref<4x128xi32, #tpu.memory_space<hbm>>
      tpu.enqueue_dma source(%dma_start3A_214 : memref<4x128xi32, #tpu.memory_space<hbm>>) target(%arg5 : memref<4x128xi32, #tpu.memory_space<vmem>>) target_semaphore(%run_scoped3A : memref<!tpu.dma_semaphore, #tpu.memory_space<semaphore_mem>>)
      %dma_wait3A_215 = arith.constant 0 : i32
      %dma_wait3A_216 = tpu.memref_slice %arg3[%mul3A_4, %dma_wait3A_215] : memref<128x128xi32, #tpu.memory_space<hbm>> -> memref<4x128xi32, #tpu.memory_space<hbm>>
      %dma_wait3A_217 = arith.constant 0 : i32
      %dma_wait3A_218 = tpu.memref_slice %arg3[%mul3A_4, %dma_wait3A_217] : memref<128x128xi32, #tpu.memory_space<hbm>> -> memref<4x128xi32, #tpu.memory_space<hbm>>
      tpu.wait_dma2 semaphore(%run_scoped3A : memref<!tpu.dma_semaphore, #tpu.memory_space<semaphore_mem>>) src(%dma_wait3A_218 : memref<4x128xi32, #tpu.memory_space<hbm>>) dst(%arg5 : memref<4x128xi32, #tpu.memory_space<vmem>>)
      tpu.yield
    }) : () -> ()
    %dma_start3A = arith.constant 0 : i32
    %dma_start3A_5 = arith.constant 0 : i32
    %dma_start3A_6 = arith.constant 0 : i32
    %dma_start3A_7 = arith.constant 0 : i32
    %dma_start3A_8 = tpu.memref_slice %arg6[%dma_start3A_5, %dma_start3A_6, %dma_start3A_7] : memref<4x128x128xf32, #tpu.memory_space<vmem>> -> memref<1x128x128xf32, #tpu.memory_space<vmem>>
    %dma_start3A_9 = tpu.memref_squeeze %dma_start3A_8 : memref<1x128x128xf32, #tpu.memory_space<vmem>> -> memref<128x128xf32, #tpu.memory_space<vmem>>
    %dma_start3A_10 = arith.constant 0 : i32
    %dma_start3A_11 = tpu.memref_slice %arg5[%dma_start3A, %dma_start3A_10] : memref<4x128xi32, #tpu.memory_space<vmem>> -> memref<1x128xi32, #tpu.memory_space<vmem>>
    %dma_start3A_12 = tpu.memref_squeeze %dma_start3A_11 : memref<1x128xi32, #tpu.memory_space<vmem>> -> memref<128xi32, #tpu.memory_space<vmem>>
    %dma_start3A_13 = arith.constant 0 : i32
    %dma_start3A_14 = arith.constant 0 : i32
    %dma_start3A_15 = tpu.memref_slice %arg2[%dma_start3A_13, %dma_start3A_14] : memref<4096x128xf32, #tpu.memory_space<hbm>> -> memref<4096x128xf32, #tpu.memory_space<hbm>>
    tpu.enqueue_indirect_dma source(%dma_start3A_15 : memref<4096x128xf32, #tpu.memory_space<hbm>>) target(%dma_start3A_9 : memref<128x128xf32, #tpu.memory_space<vmem>>) offsets(%dma_start3A_12 : memref<128xi32, #tpu.memory_space<vmem>>) semaphore(%arg7 : memref<!tpu.dma_semaphore, #tpu.memory_space<semaphore_mem>>)
    %dma_start3A_16 = arith.constant 1 : i32
    %dma_start3A_17 = arith.constant 1 : i32
    %dma_start3A_18 = arith.constant 0 : i32
    %dma_start3A_19 = arith.constant 0 : i32
    %dma_start3A_20 = tpu.memref_slice %arg6[%dma_start3A_17, %dma_start3A_18, %dma_start3A_19] : memref<4x128x128xf32, #tpu.memory_space<vmem>> -> memref<1x128x128xf32, #tpu.memory_space<vmem>>
    %dma_start3A_21 = tpu.memref_squeeze %dma_start3A_20 : memref<1x128x128xf32, #tpu.memory_space<vmem>> -> memref<128x128xf32, #tpu.memory_space<vmem>>
    %dma_start3A_22 = arith.constant 0 : i32
    %dma_start3A_23 = tpu.memref_slice %arg5[%dma_start3A_16, %dma_start3A_22] : memref<4x128xi32, #tpu.memory_space<vmem>> -> memref<1x128xi32, #tpu.memory_space<vmem>>
    %dma_start3A_24 = tpu.memref_squeeze %dma_start3A_23 : memref<1x128xi32, #tpu.memory_space<vmem>> -> memref<128xi32, #tpu.memory_space<vmem>>
    %dma_start3A_25 = arith.constant 0 : i32
    %dma_start3A_26 = arith.constant 0 : i32
    %dma_start3A_27 = tpu.memref_slice %arg2[%dma_start3A_25, %dma_start3A_26] : memref<4096x128xf32, #tpu.memory_space<hbm>> -> memref<4096x128xf32, #tpu.memory_space<hbm>>
    tpu.enqueue_indirect_dma source(%dma_start3A_27 : memref<4096x128xf32, #tpu.memory_space<hbm>>) target(%dma_start3A_21 : memref<128x128xf32, #tpu.memory_space<vmem>>) offsets(%dma_start3A_24 : memref<128xi32, #tpu.memory_space<vmem>>) semaphore(%arg7 : memref<!tpu.dma_semaphore, #tpu.memory_space<semaphore_mem>>)
    %dma_start3A_28 = arith.constant 2 : i32
    %dma_start3A_29 = arith.constant 2 : i32
    %dma_start3A_30 = arith.constant 0 : i32
    %dma_start3A_31 = arith.constant 0 : i32
    %dma_start3A_32 = tpu.memref_slice %arg6[%dma_start3A_29, %dma_start3A_30, %dma_start3A_31] : memref<4x128x128xf32, #tpu.memory_space<vmem>> -> memref<1x128x128xf32, #tpu.memory_space<vmem>>
    %dma_start3A_33 = tpu.memref_squeeze %dma_start3A_32 : memref<1x128x128xf32, #tpu.memory_space<vmem>> -> memref<128x128xf32, #tpu.memory_space<vmem>>
    %dma_start3A_34 = arith.constant 0 : i32
    %dma_start3A_35 = tpu.memref_slice %arg5[%dma_start3A_28, %dma_start3A_34] : memref<4x128xi32, #tpu.memory_space<vmem>> -> memref<1x128xi32, #tpu.memory_space<vmem>>
    %dma_start3A_36 = tpu.memref_squeeze %dma_start3A_35 : memref<1x128xi32, #tpu.memory_space<vmem>> -> memref<128xi32, #tpu.memory_space<vmem>>
    %dma_start3A_37 = arith.constant 0 : i32
    %dma_start3A_38 = arith.constant 0 : i32
    %dma_start3A_39 = tpu.memref_slice %arg2[%dma_start3A_37, %dma_start3A_38] : memref<4096x128xf32, #tpu.memory_space<hbm>> -> memref<4096x128xf32, #tpu.memory_space<hbm>>
    tpu.enqueue_indirect_dma source(%dma_start3A_39 : memref<4096x128xf32, #tpu.memory_space<hbm>>) target(%dma_start3A_33 : memref<128x128xf32, #tpu.memory_space<vmem>>) offsets(%dma_start3A_36 : memref<128xi32, #tpu.memory_space<vmem>>) semaphore(%arg7 : memref<!tpu.dma_semaphore, #tpu.memory_space<semaphore_mem>>)
    %dma_wait3A = arith.constant 0 : i32
    %dma_wait3A_40 = arith.constant 0 : i32
    %dma_wait3A_41 = arith.constant 0 : i32
    %dma_wait3A_42 = arith.constant 0 : i32
    %dma_wait3A_43 = tpu.memref_slice %arg6[%dma_wait3A_40, %dma_wait3A_41, %dma_wait3A_42] : memref<4x128x128xf32, #tpu.memory_space<vmem>> -> memref<1x128x128xf32, #tpu.memory_space<vmem>>
    %dma_wait3A_44 = tpu.memref_squeeze %dma_wait3A_43 : memref<1x128x128xf32, #tpu.memory_space<vmem>> -> memref<128x128xf32, #tpu.memory_space<vmem>>
    %dma_wait3A_45 = arith.constant 0 : i32
    %dma_wait3A_46 = tpu.memref_slice %arg5[%dma_wait3A, %dma_wait3A_45] : memref<4x128xi32, #tpu.memory_space<vmem>> -> memref<1x128xi32, #tpu.memory_space<vmem>>
    %dma_wait3A_47 = tpu.memref_squeeze %dma_wait3A_46 : memref<1x128xi32, #tpu.memory_space<vmem>> -> memref<128xi32, #tpu.memory_space<vmem>>
    %dma_wait3A_48 = arith.constant 0 : i32
    %dma_wait3A_49 = arith.constant 0 : i32
    %dma_wait3A_50 = tpu.memref_slice %arg2[%dma_wait3A_48, %dma_wait3A_49] : memref<4096x128xf32, #tpu.memory_space<hbm>> -> memref<4096x128xf32, #tpu.memory_space<hbm>>
    tpu.wait_indirect_dma semaphore(%arg7 : memref<!tpu.dma_semaphore, #tpu.memory_space<semaphore_mem>>) src(%dma_wait3A_50 : memref<4096x128xf32, #tpu.memory_space<hbm>>) dst(%dma_wait3A_44 : memref<128x128xf32, #tpu.memory_space<vmem>>)
    %add3A_51 = arith.constant 0 : i32
    %add3A_52 = arith.addi %mul3A_2, %add3A_51 : i32
    %dma_start3A_53 = arith.constant 0 : i32
    %dma_start3A_54 = arith.constant 0 : i32
    %dma_start3A_55 = arith.constant 0 : i32
    %dma_start3A_56 = tpu.memref_slice %arg6[%dma_start3A_53, %dma_start3A_54, %dma_start3A_55] : memref<4x128x128xf32, #tpu.memory_space<vmem>> -> memref<1x128x128xf32, #tpu.memory_space<vmem>>
    %dma_start3A_57 = tpu.memref_squeeze %dma_start3A_56 : memref<1x128x128xf32, #tpu.memory_space<vmem>> -> memref<128x128xf32, #tpu.memory_space<vmem>>
    %dma_start3A_58 = arith.constant 0 : i32
    %dma_start3A_59 = tpu.memref_slice %arg4[%add3A_52, %dma_start3A_58] : memref<16384x128xf32, #tpu.memory_space<hbm>> -> memref<128x128xf32, #tpu.memory_space<hbm>>
    %dma_start3A_60 = arith.constant 0 : i32
    %dma_start3A_61 = tpu.memref_slice %arg4[%add3A_52, %dma_start3A_60] : memref<16384x128xf32, #tpu.memory_space<hbm>> -> memref<128x128xf32, #tpu.memory_space<hbm>>
    %dma_start3A_62 = arith.constant 0 : i32
    %dma_start3A_63 = arith.constant 0 : i32
    %dma_start3A_64 = tpu.memref_slice %arg6[%dma_start3A_53, %dma_start3A_62, %dma_start3A_63] : memref<4x128x128xf32, #tpu.memory_space<vmem>> -> memref<1x128x128xf32, #tpu.memory_space<vmem>>
    %dma_start3A_65 = tpu.memref_squeeze %dma_start3A_64 : memref<1x128x128xf32, #tpu.memory_space<vmem>> -> memref<128x128xf32, #tpu.memory_space<vmem>>
    tpu.enqueue_dma source(%dma_start3A_65 : memref<128x128xf32, #tpu.memory_space<vmem>>) target(%dma_start3A_61 : memref<128x128xf32, #tpu.memory_space<hbm>>) target_semaphore(%arg8 : memref<!tpu.dma_semaphore, #tpu.memory_space<semaphore_mem>>)
    %dma_start3A_66 = arith.constant 3 : i32
    %dma_start3A_67 = arith.constant 3 : i32
    %dma_start3A_68 = arith.constant 0 : i32
    %dma_start3A_69 = arith.constant 0 : i32
    %dma_start3A_70 = tpu.memref_slice %arg6[%dma_start3A_67, %dma_start3A_68, %dma_start3A_69] : memref<4x128x128xf32, #tpu.memory_space<vmem>> -> memref<1x128x128xf32, #tpu.memory_space<vmem>>
    %dma_start3A_71 = tpu.memref_squeeze %dma_start3A_70 : memref<1x128x128xf32, #tpu.memory_space<vmem>> -> memref<128x128xf32, #tpu.memory_space<vmem>>
    %dma_start3A_72 = arith.constant 0 : i32
    %dma_start3A_73 = tpu.memref_slice %arg5[%dma_start3A_66, %dma_start3A_72] : memref<4x128xi32, #tpu.memory_space<vmem>> -> memref<1x128xi32, #tpu.memory_space<vmem>>
    %dma_start3A_74 = tpu.memref_squeeze %dma_start3A_73 : memref<1x128xi32, #tpu.memory_space<vmem>> -> memref<128xi32, #tpu.memory_space<vmem>>
    %dma_start3A_75 = arith.constant 0 : i32
    %dma_start3A_76 = arith.constant 0 : i32
    %dma_start3A_77 = tpu.memref_slice %arg2[%dma_start3A_75, %dma_start3A_76] : memref<4096x128xf32, #tpu.memory_space<hbm>> -> memref<4096x128xf32, #tpu.memory_space<hbm>>
    tpu.enqueue_indirect_dma source(%dma_start3A_77 : memref<4096x128xf32, #tpu.memory_space<hbm>>) target(%dma_start3A_71 : memref<128x128xf32, #tpu.memory_space<vmem>>) offsets(%dma_start3A_74 : memref<128xi32, #tpu.memory_space<vmem>>) semaphore(%arg7 : memref<!tpu.dma_semaphore, #tpu.memory_space<semaphore_mem>>)
    %dma_wait3A_78 = arith.constant 1 : i32
    %dma_wait3A_79 = arith.constant 1 : i32
    %dma_wait3A_80 = arith.constant 0 : i32
    %dma_wait3A_81 = arith.constant 0 : i32
    %dma_wait3A_82 = tpu.memref_slice %arg6[%dma_wait3A_79, %dma_wait3A_80, %dma_wait3A_81] : memref<4x128x128xf32, #tpu.memory_space<vmem>> -> memref<1x128x128xf32, #tpu.memory_space<vmem>>
    %dma_wait3A_83 = tpu.memref_squeeze %dma_wait3A_82 : memref<1x128x128xf32, #tpu.memory_space<vmem>> -> memref<128x128xf32, #tpu.memory_space<vmem>>
    %dma_wait3A_84 = arith.constant 0 : i32
    %dma_wait3A_85 = tpu.memref_slice %arg5[%dma_wait3A_78, %dma_wait3A_84] : memref<4x128xi32, #tpu.memory_space<vmem>> -> memref<1x128xi32, #tpu.memory_space<vmem>>
    %dma_wait3A_86 = tpu.memref_squeeze %dma_wait3A_85 : memref<1x128xi32, #tpu.memory_space<vmem>> -> memref<128xi32, #tpu.memory_space<vmem>>
    %dma_wait3A_87 = arith.constant 0 : i32
    %dma_wait3A_88 = arith.constant 0 : i32
    %dma_wait3A_89 = tpu.memref_slice %arg2[%dma_wait3A_87, %dma_wait3A_88] : memref<4096x128xf32, #tpu.memory_space<hbm>> -> memref<4096x128xf32, #tpu.memory_space<hbm>>
    tpu.wait_indirect_dma semaphore(%arg7 : memref<!tpu.dma_semaphore, #tpu.memory_space<semaphore_mem>>) src(%dma_wait3A_89 : memref<4096x128xf32, #tpu.memory_space<hbm>>) dst(%dma_wait3A_83 : memref<128x128xf32, #tpu.memory_space<vmem>>)
    %add3A_90 = arith.constant 128 : i32
    %add3A_91 = arith.addi %mul3A_2, %add3A_90 : i32
    %dma_start3A_92 = arith.constant 1 : i32
    %dma_start3A_93 = arith.constant 0 : i32
    %dma_start3A_94 = arith.constant 0 : i32
    %dma_start3A_95 = tpu.memref_slice %arg6[%dma_start3A_92, %dma_start3A_93, %dma_start3A_94] : memref<4x128x128xf32, #tpu.memory_space<vmem>> -> memref<1x128x128xf32, #tpu.memory_space<vmem>>
    %dma_start3A_96 = tpu.memref_squeeze %dma_start3A_95 : memref<1x128x128xf32, #tpu.memory_space<vmem>> -> memref<128x128xf32, #tpu.memory_space<vmem>>
    %dma_start3A_97 = arith.constant 0 : i32
    %dma_start3A_98 = tpu.memref_slice %arg4[%add3A_91, %dma_start3A_97] : memref<16384x128xf32, #tpu.memory_space<hbm>> -> memref<128x128xf32, #tpu.memory_space<hbm>>
    %dma_start3A_99 = arith.constant 0 : i32
    %dma_start3A_100 = tpu.memref_slice %arg4[%add3A_91, %dma_start3A_99] : memref<16384x128xf32, #tpu.memory_space<hbm>> -> memref<128x128xf32, #tpu.memory_space<hbm>>
    %dma_start3A_101 = arith.constant 0 : i32
    %dma_start3A_102 = arith.constant 0 : i32
    %dma_start3A_103 = tpu.memref_slice %arg6[%dma_start3A_92, %dma_start3A_101, %dma_start3A_102] : memref<4x128x128xf32, #tpu.memory_space<vmem>> -> memref<1x128x128xf32, #tpu.memory_space<vmem>>
    %dma_start3A_104 = tpu.memref_squeeze %dma_start3A_103 : memref<1x128x128xf32, #tpu.memory_space<vmem>> -> memref<128x128xf32, #tpu.memory_space<vmem>>
    tpu.enqueue_dma source(%dma_start3A_104 : memref<128x128xf32, #tpu.memory_space<vmem>>) target(%dma_start3A_100 : memref<128x128xf32, #tpu.memory_space<hbm>>) target_semaphore(%arg8 : memref<!tpu.dma_semaphore, #tpu.memory_space<semaphore_mem>>)
    %dma_wait3A_105 = arith.constant 2 : i32
    %dma_wait3A_106 = arith.constant 2 : i32
    %dma_wait3A_107 = arith.constant 0 : i32
    %dma_wait3A_108 = arith.constant 0 : i32
    %dma_wait3A_109 = tpu.memref_slice %arg6[%dma_wait3A_106, %dma_wait3A_107, %dma_wait3A_108] : memref<4x128x128xf32, #tpu.memory_space<vmem>> -> memref<1x128x128xf32, #tpu.memory_space<vmem>>
    %dma_wait3A_110 = tpu.memref_squeeze %dma_wait3A_109 : memref<1x128x128xf32, #tpu.memory_space<vmem>> -> memref<128x128xf32, #tpu.memory_space<vmem>>
    %dma_wait3A_111 = arith.constant 0 : i32
    %dma_wait3A_112 = tpu.memref_slice %arg5[%dma_wait3A_105, %dma_wait3A_111] : memref<4x128xi32, #tpu.memory_space<vmem>> -> memref<1x128xi32, #tpu.memory_space<vmem>>
    %dma_wait3A_113 = tpu.memref_squeeze %dma_wait3A_112 : memref<1x128xi32, #tpu.memory_space<vmem>> -> memref<128xi32, #tpu.memory_space<vmem>>
    %dma_wait3A_114 = arith.constant 0 : i32
    %dma_wait3A_115 = arith.constant 0 : i32
    %dma_wait3A_116 = tpu.memref_slice %arg2[%dma_wait3A_114, %dma_wait3A_115] : memref<4096x128xf32, #tpu.memory_space<hbm>> -> memref<4096x128xf32, #tpu.memory_space<hbm>>
    tpu.wait_indirect_dma semaphore(%arg7 : memref<!tpu.dma_semaphore, #tpu.memory_space<semaphore_mem>>) src(%dma_wait3A_116 : memref<4096x128xf32, #tpu.memory_space<hbm>>) dst(%dma_wait3A_110 : memref<128x128xf32, #tpu.memory_space<vmem>>)
    %add3A_117 = arith.constant 256 : i32
    %add3A_118 = arith.addi %mul3A_2, %add3A_117 : i32
    %dma_start3A_119 = arith.constant 2 : i32
    %dma_start3A_120 = arith.constant 0 : i32
    %dma_start3A_121 = arith.constant 0 : i32
    %dma_start3A_122 = tpu.memref_slice %arg6[%dma_start3A_119, %dma_start3A_120, %dma_start3A_121] : memref<4x128x128xf32, #tpu.memory_space<vmem>> -> memref<1x128x128xf32, #tpu.memory_space<vmem>>
    %dma_start3A_123 = tpu.memref_squeeze %dma_start3A_122 : memref<1x128x128xf32, #tpu.memory_space<vmem>> -> memref<128x128xf32, #tpu.memory_space<vmem>>
    %dma_start3A_124 = arith.constant 0 : i32
    %dma_start3A_125 = tpu.memref_slice %arg4[%add3A_118, %dma_start3A_124] : memref<16384x128xf32, #tpu.memory_space<hbm>> -> memref<128x128xf32, #tpu.memory_space<hbm>>
    %dma_start3A_126 = arith.constant 0 : i32
    %dma_start3A_127 = tpu.memref_slice %arg4[%add3A_118, %dma_start3A_126] : memref<16384x128xf32, #tpu.memory_space<hbm>> -> memref<128x128xf32, #tpu.memory_space<hbm>>
    %dma_start3A_128 = arith.constant 0 : i32
    %dma_start3A_129 = arith.constant 0 : i32
    %dma_start3A_130 = tpu.memref_slice %arg6[%dma_start3A_119, %dma_start3A_128, %dma_start3A_129] : memref<4x128x128xf32, #tpu.memory_space<vmem>> -> memref<1x128x128xf32, #tpu.memory_space<vmem>>
    %dma_start3A_131 = tpu.memref_squeeze %dma_start3A_130 : memref<1x128x128xf32, #tpu.memory_space<vmem>> -> memref<128x128xf32, #tpu.memory_space<vmem>>
    tpu.enqueue_dma source(%dma_start3A_131 : memref<128x128xf32, #tpu.memory_space<vmem>>) target(%dma_start3A_127 : memref<128x128xf32, #tpu.memory_space<hbm>>) target_semaphore(%arg8 : memref<!tpu.dma_semaphore, #tpu.memory_space<semaphore_mem>>)
    %dma_wait3A_132 = arith.constant 3 : i32
    %dma_wait3A_133 = arith.constant 3 : i32
    %dma_wait3A_134 = arith.constant 0 : i32
    %dma_wait3A_135 = arith.constant 0 : i32
    %dma_wait3A_136 = tpu.memref_slice %arg6[%dma_wait3A_133, %dma_wait3A_134, %dma_wait3A_135] : memref<4x128x128xf32, #tpu.memory_space<vmem>> -> memref<1x128x128xf32, #tpu.memory_space<vmem>>
    %dma_wait3A_137 = tpu.memref_squeeze %dma_wait3A_136 : memref<1x128x128xf32, #tpu.memory_space<vmem>> -> memref<128x128xf32, #tpu.memory_space<vmem>>
    %dma_wait3A_138 = arith.constant 0 : i32
    %dma_wait3A_139 = tpu.memref_slice %arg5[%dma_wait3A_132, %dma_wait3A_138] : memref<4x128xi32, #tpu.memory_space<vmem>> -> memref<1x128xi32, #tpu.memory_space<vmem>>
    %dma_wait3A_140 = tpu.memref_squeeze %dma_wait3A_139 : memref<1x128xi32, #tpu.memory_space<vmem>> -> memref<128xi32, #tpu.memory_space<vmem>>
    %dma_wait3A_141 = arith.constant 0 : i32
    %dma_wait3A_142 = arith.constant 0 : i32
    %dma_wait3A_143 = tpu.memref_slice %arg2[%dma_wait3A_141, %dma_wait3A_142] : memref<4096x128xf32, #tpu.memory_space<hbm>> -> memref<4096x128xf32, #tpu.memory_space<hbm>>
    tpu.wait_indirect_dma semaphore(%arg7 : memref<!tpu.dma_semaphore, #tpu.memory_space<semaphore_mem>>) src(%dma_wait3A_143 : memref<4096x128xf32, #tpu.memory_space<hbm>>) dst(%dma_wait3A_137 : memref<128x128xf32, #tpu.memory_space<vmem>>)
    %add3A_144 = arith.constant 384 : i32
    %add3A_145 = arith.addi %mul3A_2, %add3A_144 : i32
    %dma_start3A_146 = arith.constant 3 : i32
    %dma_start3A_147 = arith.constant 0 : i32
    %dma_start3A_148 = arith.constant 0 : i32
    %dma_start3A_149 = tpu.memref_slice %arg6[%dma_start3A_146, %dma_start3A_147, %dma_start3A_148] : memref<4x128x128xf32, #tpu.memory_space<vmem>> -> memref<1x128x128xf32, #tpu.memory_space<vmem>>
    %dma_start3A_150 = tpu.memref_squeeze %dma_start3A_149 : memref<1x128x128xf32, #tpu.memory_space<vmem>> -> memref<128x128xf32, #tpu.memory_space<vmem>>
    %dma_start3A_151 = arith.constant 0 : i32
    %dma_start3A_152 = tpu.memref_slice %arg4[%add3A_145, %dma_start3A_151] : memref<16384x128xf32, #tpu.memory_space<hbm>> -> memref<128x128xf32, #tpu.memory_space<hbm>>
    %dma_start3A_153 = arith.constant 0 : i32
    %dma_start3A_154 = tpu.memref_slice %arg4[%add3A_145, %dma_start3A_153] : memref<16384x128xf32, #tpu.memory_space<hbm>> -> memref<128x128xf32, #tpu.memory_space<hbm>>
    %dma_start3A_155 = arith.constant 0 : i32
    %dma_start3A_156 = arith.constant 0 : i32
    %dma_start3A_157 = tpu.memref_slice %arg6[%dma_start3A_146, %dma_start3A_155, %dma_start3A_156] : memref<4x128x128xf32, #tpu.memory_space<vmem>> -> memref<1x128x128xf32, #tpu.memory_space<vmem>>
    %dma_start3A_158 = tpu.memref_squeeze %dma_start3A_157 : memref<1x128x128xf32, #tpu.memory_space<vmem>> -> memref<128x128xf32, #tpu.memory_space<vmem>>
    tpu.enqueue_dma source(%dma_start3A_158 : memref<128x128xf32, #tpu.memory_space<vmem>>) target(%dma_start3A_154 : memref<128x128xf32, #tpu.memory_space<hbm>>) target_semaphore(%arg8 : memref<!tpu.dma_semaphore, #tpu.memory_space<semaphore_mem>>)
    %dma_wait3A_159 = arith.constant 0 : i32
    %dma_wait3A_160 = arith.constant 0 : i32
    %dma_wait3A_161 = arith.constant 0 : i32
    %dma_wait3A_162 = tpu.memref_slice %arg6[%dma_wait3A_159, %dma_wait3A_160, %dma_wait3A_161] : memref<4x128x128xf32, #tpu.memory_space<vmem>> -> memref<1x128x128xf32, #tpu.memory_space<vmem>>
    %dma_wait3A_163 = tpu.memref_squeeze %dma_wait3A_162 : memref<1x128x128xf32, #tpu.memory_space<vmem>> -> memref<128x128xf32, #tpu.memory_space<vmem>>
    %dma_wait3A_164 = arith.constant 0 : i32
    %dma_wait3A_165 = tpu.memref_slice %arg4[%add3A_52, %dma_wait3A_164] : memref<16384x128xf32, #tpu.memory_space<hbm>> -> memref<128x128xf32, #tpu.memory_space<hbm>>
    %dma_wait3A_166 = arith.constant 0 : i32
    %dma_wait3A_167 = tpu.memref_slice %arg4[%add3A_52, %dma_wait3A_166] : memref<16384x128xf32, #tpu.memory_space<hbm>> -> memref<128x128xf32, #tpu.memory_space<hbm>>
    %dma_wait3A_168 = arith.constant 0 : i32
    %dma_wait3A_169 = arith.constant 0 : i32
    %dma_wait3A_170 = tpu.memref_slice %arg6[%dma_wait3A_159, %dma_wait3A_168, %dma_wait3A_169] : memref<4x128x128xf32, #tpu.memory_space<vmem>> -> memref<1x128x128xf32, #tpu.memory_space<vmem>>
    %dma_wait3A_171 = tpu.memref_squeeze %dma_wait3A_170 : memref<1x128x128xf32, #tpu.memory_space<vmem>> -> memref<128x128xf32, #tpu.memory_space<vmem>>
    tpu.wait_dma2 semaphore(%arg8 : memref<!tpu.dma_semaphore, #tpu.memory_space<semaphore_mem>>) src(%dma_wait3A_171 : memref<128x128xf32, #tpu.memory_space<vmem>>) dst(%dma_wait3A_167 : memref<128x128xf32, #tpu.memory_space<hbm>>)
    %dma_wait3A_172 = arith.constant 1 : i32
    %dma_wait3A_173 = arith.constant 0 : i32
    %dma_wait3A_174 = arith.constant 0 : i32
    %dma_wait3A_175 = tpu.memref_slice %arg6[%dma_wait3A_172, %dma_wait3A_173, %dma_wait3A_174] : memref<4x128x128xf32, #tpu.memory_space<vmem>> -> memref<1x128x128xf32, #tpu.memory_space<vmem>>
    %dma_wait3A_176 = tpu.memref_squeeze %dma_wait3A_175 : memref<1x128x128xf32, #tpu.memory_space<vmem>> -> memref<128x128xf32, #tpu.memory_space<vmem>>
    %dma_wait3A_177 = arith.constant 0 : i32
    %dma_wait3A_178 = tpu.memref_slice %arg4[%add3A_91, %dma_wait3A_177] : memref<16384x128xf32, #tpu.memory_space<hbm>> -> memref<128x128xf32, #tpu.memory_space<hbm>>
    %dma_wait3A_179 = arith.constant 0 : i32
    %dma_wait3A_180 = tpu.memref_slice %arg4[%add3A_91, %dma_wait3A_179] : memref<16384x128xf32, #tpu.memory_space<hbm>> -> memref<128x128xf32, #tpu.memory_space<hbm>>
    %dma_wait3A_181 = arith.constant 0 : i32
    %dma_wait3A_182 = arith.constant 0 : i32
    %dma_wait3A_183 = tpu.memref_slice %arg6[%dma_wait3A_172, %dma_wait3A_181, %dma_wait3A_182] : memref<4x128x128xf32, #tpu.memory_space<vmem>> -> memref<1x128x128xf32, #tpu.memory_space<vmem>>
    %dma_wait3A_184 = tpu.memref_squeeze %dma_wait3A_183 : memref<1x128x128xf32, #tpu.memory_space<vmem>> -> memref<128x128xf32, #tpu.memory_space<vmem>>
    tpu.wait_dma2 semaphore(%arg8 : memref<!tpu.dma_semaphore, #tpu.memory_space<semaphore_mem>>) src(%dma_wait3A_184 : memref<128x128xf32, #tpu.memory_space<vmem>>) dst(%dma_wait3A_180 : memref<128x128xf32, #tpu.memory_space<hbm>>)
    %dma_wait3A_185 = arith.constant 2 : i32
    %dma_wait3A_186 = arith.constant 0 : i32
    %dma_wait3A_187 = arith.constant 0 : i32
    %dma_wait3A_188 = tpu.memref_slice %arg6[%dma_wait3A_185, %dma_wait3A_186, %dma_wait3A_187] : memref<4x128x128xf32, #tpu.memory_space<vmem>> -> memref<1x128x128xf32, #tpu.memory_space<vmem>>
    %dma_wait3A_189 = tpu.memref_squeeze %dma_wait3A_188 : memref<1x128x128xf32, #tpu.memory_space<vmem>> -> memref<128x128xf32, #tpu.memory_space<vmem>>
    %dma_wait3A_190 = arith.constant 0 : i32
    %dma_wait3A_191 = tpu.memref_slice %arg4[%add3A_118, %dma_wait3A_190] : memref<16384x128xf32, #tpu.memory_space<hbm>> -> memref<128x128xf32, #tpu.memory_space<hbm>>
    %dma_wait3A_192 = arith.constant 0 : i32
    %dma_wait3A_193 = tpu.memref_slice %arg4[%add3A_118, %dma_wait3A_192] : memref<16384x128xf32, #tpu.memory_space<hbm>> -> memref<128x128xf32, #tpu.memory_space<hbm>>
    %dma_wait3A_194 = arith.constant 0 : i32
    %dma_wait3A_195 = arith.constant 0 : i32
    %dma_wait3A_196 = tpu.memref_slice %arg6[%dma_wait3A_185, %dma_wait3A_194, %dma_wait3A_195] : memref<4x128x128xf32, #tpu.memory_space<vmem>> -> memref<1x128x128xf32, #tpu.memory_space<vmem>>
    %dma_wait3A_197 = tpu.memref_squeeze %dma_wait3A_196 : memref<1x128x128xf32, #tpu.memory_space<vmem>> -> memref<128x128xf32, #tpu.memory_space<vmem>>
    tpu.wait_dma2 semaphore(%arg8 : memref<!tpu.dma_semaphore, #tpu.memory_space<semaphore_mem>>) src(%dma_wait3A_197 : memref<128x128xf32, #tpu.memory_space<vmem>>) dst(%dma_wait3A_193 : memref<128x128xf32, #tpu.memory_space<hbm>>)
    %dma_wait3A_198 = arith.constant 3 : i32
    %dma_wait3A_199 = arith.constant 0 : i32
    %dma_wait3A_200 = arith.constant 0 : i32
    %dma_wait3A_201 = tpu.memref_slice %arg6[%dma_wait3A_198, %dma_wait3A_199, %dma_wait3A_200] : memref<4x128x128xf32, #tpu.memory_space<vmem>> -> memref<1x128x128xf32, #tpu.memory_space<vmem>>
    %dma_wait3A_202 = tpu.memref_squeeze %dma_wait3A_201 : memref<1x128x128xf32, #tpu.memory_space<vmem>> -> memref<128x128xf32, #tpu.memory_space<vmem>>
    %dma_wait3A_203 = arith.constant 0 : i32
    %dma_wait3A_204 = tpu.memref_slice %arg4[%add3A_145, %dma_wait3A_203] : memref<16384x128xf32, #tpu.memory_space<hbm>> -> memref<128x128xf32, #tpu.memory_space<hbm>>
    %dma_wait3A_205 = arith.constant 0 : i32
    %dma_wait3A_206 = tpu.memref_slice %arg4[%add3A_145, %dma_wait3A_205] : memref<16384x128xf32, #tpu.memory_space<hbm>> -> memref<128x128xf32, #tpu.memory_space<hbm>>
    %dma_wait3A_207 = arith.constant 0 : i32
    %dma_wait3A_208 = arith.constant 0 : i32
    %dma_wait3A_209 = tpu.memref_slice %arg6[%dma_wait3A_198, %dma_wait3A_207, %dma_wait3A_208] : memref<4x128x128xf32, #tpu.memory_space<vmem>> -> memref<1x128x128xf32, #tpu.memory_space<vmem>>
    %dma_wait3A_210 = tpu.memref_squeeze %dma_wait3A_209 : memref<1x128x128xf32, #tpu.memory_space<vmem>> -> memref<128x128xf32, #tpu.memory_space<vmem>>
    tpu.wait_dma2 semaphore(%arg8 : memref<!tpu.dma_semaphore, #tpu.memory_space<semaphore_mem>>) src(%dma_wait3A_210 : memref<128x128xf32, #tpu.memory_space<vmem>>) dst(%dma_wait3A_206 : memref<128x128xf32, #tpu.memory_space<hbm>>)
    return
  }
}

#map = affine_map<(d0, d1) -> (0, 0)>
module attributes {stable_mosaic.version = 14 : i64} {
  func.func @gath(%arg0: i32, %arg1: i32, %arg2: memref<4096x128xf32, #tpu.memory_space<hbm>>, %arg3: memref<128x128xi32, #tpu.memory_space<hbm>>, %arg4: memref<16384x128xf32, #tpu.memory_space<hbm>>, %arg5: memref<4x128xi32, #tpu.memory_space<vmem>>, %arg6: memref<4x128x128xf32, #tpu.memory_space<vmem>>, %arg7: memref<!tpu.dma_semaphore, #tpu.memory_space<semaphore_mem>>, %arg8: memref<!tpu.dma_semaphore, #tpu.memory_space<semaphore_mem>>) attributes {dimension_semantics = [#tpu.dimension_semantics<core_parallel>, #tpu.dimension_semantics<subcore_parallel>], iteration_bounds = array<i64: 2, 16>, scalar_prefetch = 0 : i64, scratch_operands = 4 : i64, tpu.core_type = #tpu.core_type<sc_vector_subcore>, window_params = [{transform_indices = #map}, {transform_indices = #map}, {transform_indices = #map}]} {
    %mul3A = arith.constant 2 : i32
    %mul3A_0 = arith.muli %arg1, %mul3A : i32
    %add3A = arith.addi %mul3A_0, %arg0 : i32
    %mul3A_1 = arith.constant 512 : i32
    %mul3A_2 = arith.muli %add3A, %mul3A_1 : i32
    %mul3A_3 = arith.constant 4 : i32
    %mul3A_4 = arith.muli %add3A, %mul3A_3 : i32
    "tpu.region"() ({
      %run_scoped3A = tpu.sem_alloc : memref<!tpu.dma_semaphore, #tpu.memory_space<semaphore_mem>>
      %dma_start3A_211 = arith.constant 0 : i32
      %dma_start3A_212 = tpu.memref_slice %arg3[%mul3A_4, %dma_start3A_211] : memref<128x128xi32, #tpu.memory_space<hbm>> -> memref<4x128xi32, #tpu.memory_space<hbm>>
      %dma_start3A_213 = arith.constant 0 : i32
      %dma_start3A_214 = tpu.memref_slice %arg3[%mul3A_4, %dma_start3A_213] : memref<128x128xi32, #tpu.memory_space<hbm>> -> memref<4x128xi32, #tpu.memory_space<hbm>>
      tpu.enqueue_dma source(%dma_start3A_214 : memref<4x128xi32, #tpu.memory_space<hbm>>) target(%arg5 : memref<4x128xi32, #tpu.memory_space<vmem>>) target_semaphore(%run_scoped3A : memref<!tpu.dma_semaphore, #tpu.memory_space<semaphore_mem>>)
      %dma_wait3A_215 = arith.constant 0 : i32
      %dma_wait3A_216 = tpu.memref_slice %arg3[%mul3A_4, %dma_wait3A_215] : memref<128x128xi32, #tpu.memory_space<hbm>> -> memref<4x128xi32, #tpu.memory_space<hbm>>
      %dma_wait3A_217 = arith.constant 0 : i32
      %dma_wait3A_218 = tpu.memref_slice %arg3[%mul3A_4, %dma_wait3A_217] : memref<128x128xi32, #tpu.memory_space<hbm>> -> memref<4x128xi32, #tpu.memory_space<hbm>>
      tpu.wait_dma2 semaphore(%run_scoped3A : memref<!tpu.dma_semaphore, #tpu.memory_space<semaphore_mem>>) src(%dma_wait3A_218 : memref<4x128xi32, #tpu.memory_space<hbm>>) dst(%arg5 : memref<4x128xi32, #tpu.memory_space<vmem>>)
      tpu.yield
    }) : () -> ()
    %dma_start3A = arith.constant 0 : i32
    %dma_start3A_5 = arith.constant 0 : i32
    %dma_start3A_6 = arith.constant 0 : i32
    %dma_start3A_7 = arith.constant 0 : i32
    %dma_start3A_8 = tpu.memref_slice %arg6[%dma_start3A_5, %dma_start3A_6, %dma_start3A_7] : memref<4x128x128xf32, #tpu.memory_space<vmem>> -> memref<1x128x128xf32, #tpu.memory_space<vmem>>
    %dma_start3A_9 = tpu.memref_squeeze %dma_start3A_8 : memref<1x128x128xf32, #tpu.memory_space<vmem>> -> memref<128x128xf32, #tpu.memory_space<vmem>>
    %dma_start3A_10 = arith.constant 0 : i32
    %dma_start3A_11 = tpu.memref_slice %arg5[%dma_start3A, %dma_start3A_10] : memref<4x128xi32, #tpu.memory_space<vmem>> -> memref<1x128xi32, #tpu.memory_space<vmem>>
    %dma_start3A_12 = tpu.memref_squeeze %dma_start3A_11 : memref<1x128xi32, #tpu.memory_space<vmem>> -> memref<128xi32, #tpu.memory_space<vmem>>
    %dma_start3A_13 = arith.constant 0 : i32
    %dma_start3A_14 = arith.constant 0 : i32
    %dma_start3A_15 = tpu.memref_slice %arg2[%dma_start3A_13, %dma_start3A_14] : memref<4096x128xf32, #tpu.memory_space<hbm>> -> memref<4096x128xf32, #tpu.memory_space<hbm>>
    tpu.enqueue_indirect_dma source(%dma_start3A_15 : memref<4096x128xf32, #tpu.memory_space<hbm>>) target(%dma_start3A_9 : memref<128x128xf32, #tpu.memory_space<vmem>>) offsets(%dma_start3A_12 : memref<128xi32, #tpu.memory_space<vmem>>) semaphore(%arg7 : memref<!tpu.dma_semaphore, #tpu.memory_space<semaphore_mem>>)
    %dma_start3A_16 = arith.constant 1 : i32
    %dma_start3A_17 = arith.constant 1 : i32
    %dma_start3A_18 = arith.constant 0 : i32
    %dma_start3A_19 = arith.constant 0 : i32
    %dma_start3A_20 = tpu.memref_slice %arg6[%dma_start3A_17, %dma_start3A_18, %dma_start3A_19] : memref<4x128x128xf32, #tpu.memory_space<vmem>> -> memref<1x128x128xf32, #tpu.memory_space<vmem>>
    %dma_start3A_21 = tpu.memref_squeeze %dma_start3A_20 : memref<1x128x128xf32, #tpu.memory_space<vmem>> -> memref<128x128xf32, #tpu.memory_space<vmem>>
    %dma_start3A_22 = arith.constant 0 : i32
    %dma_start3A_23 = tpu.memref_slice %arg5[%dma_start3A_16, %dma_start3A_22] : memref<4x128xi32, #tpu.memory_space<vmem>> -> memref<1x128xi32, #tpu.memory_space<vmem>>
    %dma_start3A_24 = tpu.memref_squeeze %dma_start3A_23 : memref<1x128xi32, #tpu.memory_space<vmem>> -> memref<128xi32, #tpu.memory_space<vmem>>
    %dma_start3A_25 = arith.constant 0 : i32
    %dma_start3A_26 = arith.constant 0 : i32
    %dma_start3A_27 = tpu.memref_slice %arg2[%dma_start3A_25, %dma_start3A_26] : memref<4096x128xf32, #tpu.memory_space<hbm>> -> memref<4096x128xf32, #tpu.memory_space<hbm>>
    tpu.enqueue_indirect_dma source(%dma_start3A_27 : memref<4096x128xf32, #tpu.memory_space<hbm>>) target(%dma_start3A_21 : memref<128x128xf32, #tpu.memory_space<vmem>>) offsets(%dma_start3A_24 : memref<128xi32, #tpu.memory_space<vmem>>) semaphore(%arg7 : memref<!tpu.dma_semaphore, #tpu.memory_space<semaphore_mem>>)
    %dma_start3A_28 = arith.constant 2 : i32
    %dma_start3A_29 = arith.constant 2 : i32
    %dma_start3A_30 = arith.constant 0 : i32
    %dma_start3A_31 = arith.constant 0 : i32
    %dma_start3A_32 = tpu.memref_slice %arg6[%dma_start3A_29, %dma_start3A_30, %dma_start3A_31] : memref<4x128x128xf32, #tpu.memory_space<vmem>> -> memref<1x128x128xf32, #tpu.memory_space<vmem>>
    %dma_start3A_33 = tpu.memref_squeeze %dma_start3A_32 : memref<1x128x128xf32, #tpu.memory_space<vmem>> -> memref<128x128xf32, #tpu.memory_space<vmem>>
    %dma_start3A_34 = arith.constant 0 : i32
    %dma_start3A_35 = tpu.memref_slice %arg5[%dma_start3A_28, %dma_start3A_34] : memref<4x128xi32, #tpu.memory_space<vmem>> -> memref<1x128xi32, #tpu.memory_space<vmem>>
    %dma_start3A_36 = tpu.memref_squeeze %dma_start3A_35 : memref<1x128xi32, #tpu.memory_space<vmem>> -> memref<128xi32, #tpu.memory_space<vmem>>
    %dma_start3A_37 = arith.constant 0 : i32
    %dma_start3A_38 = arith.constant 0 : i32
    %dma_start3A_39 = tpu.memref_slice %arg2[%dma_start3A_37, %dma_start3A_38] : memref<4096x128xf32, #tpu.memory_space<hbm>> -> memref<4096x128xf32, #tpu.memory_space<hbm>>
    tpu.enqueue_indirect_dma source(%dma_start3A_39 : memref<4096x128xf32, #tpu.memory_space<hbm>>) target(%dma_start3A_33 : memref<128x128xf32, #tpu.memory_space<vmem>>) offsets(%dma_start3A_36 : memref<128xi32, #tpu.memory_space<vmem>>) semaphore(%arg7 : memref<!tpu.dma_semaphore, #tpu.memory_space<semaphore_mem>>)
    %dma_wait3A = arith.constant 0 : i32
    %dma_wait3A_40 = arith.constant 0 : i32
    %dma_wait3A_41 = arith.constant 0 : i32
    %dma_wait3A_42 = arith.constant 0 : i32
    %dma_wait3A_43 = tpu.memref_slice %arg6[%dma_wait3A_40, %dma_wait3A_41, %dma_wait3A_42] : memref<4x128x128xf32, #tpu.memory_space<vmem>> -> memref<1x128x128xf32, #tpu.memory_space<vmem>>
    %dma_wait3A_44 = tpu.memref_squeeze %dma_wait3A_43 : memref<1x128x128xf32, #tpu.memory_space<vmem>> -> memref<128x128xf32, #tpu.memory_space<vmem>>
    %dma_wait3A_45 = arith.constant 0 : i32
    %dma_wait3A_46 = tpu.memref_slice %arg5[%dma_wait3A, %dma_wait3A_45] : memref<4x128xi32, #tpu.memory_space<vmem>> -> memref<1x128xi32, #tpu.memory_space<vmem>>
    %dma_wait3A_47 = tpu.memref_squeeze %dma_wait3A_46 : memref<1x128xi32, #tpu.memory_space<vmem>> -> memref<128xi32, #tpu.memory_space<vmem>>
    %dma_wait3A_48 = arith.constant 0 : i32
    %dma_wait3A_49 = arith.constant 0 : i32
    %dma_wait3A_50 = tpu.memref_slice %arg2[%dma_wait3A_48, %dma_wait3A_49] : memref<4096x128xf32, #tpu.memory_space<hbm>> -> memref<4096x128xf32, #tpu.memory_space<hbm>>
    tpu.wait_indirect_dma semaphore(%arg7 : memref<!tpu.dma_semaphore, #tpu.memory_space<semaphore_mem>>) src(%dma_wait3A_50 : memref<4096x128xf32, #tpu.memory_space<hbm>>) dst(%dma_wait3A_44 : memref<128x128xf32, #tpu.memory_space<vmem>>)
    %add3A_51 = arith.constant 0 : i32
    %add3A_52 = arith.addi %mul3A_2, %add3A_51 : i32
    %dma_start3A_53 = arith.constant 0 : i32
    %dma_start3A_54 = arith.constant 0 : i32
    %dma_start3A_55 = arith.constant 0 : i32
    %dma_start3A_56 = tpu.memref_slice %arg6[%dma_start3A_53, %dma_start3A_54, %dma_start3A_55] : memref<4x128x128xf32, #tpu.memory_space<vmem>> -> memref<1x128x128xf32, #tpu.memory_space<vmem>>
    %dma_start3A_57 = tpu.memref_squeeze %dma_start3A_56 : memref<1x128x128xf32, #tpu.memory_space<vmem>> -> memref<128x128xf32, #tpu.memory_space<vmem>>
    %dma_start3A_58 = arith.constant 0 : i32
    %dma_start3A_59 = tpu.memref_slice %arg4[%add3A_52, %dma_start3A_58] : memref<16384x128xf32, #tpu.memory_space<hbm>> -> memref<128x128xf32, #tpu.memory_space<hbm>>
    %dma_start3A_60 = arith.constant 0 : i32
    %dma_start3A_61 = tpu.memref_slice %arg4[%add3A_52, %dma_start3A_60] : memref<16384x128xf32, #tpu.memory_space<hbm>> -> memref<128x128xf32, #tpu.memory_space<hbm>>
    %dma_start3A_62 = arith.constant 0 : i32
    %dma_start3A_63 = arith.constant 0 : i32
    %dma_start3A_64 = tpu.memref_slice %arg6[%dma_start3A_53, %dma_start3A_62, %dma_start3A_63] : memref<4x128x128xf32, #tpu.memory_space<vmem>> -> memref<1x128x128xf32, #tpu.memory_space<vmem>>
    %dma_start3A_65 = tpu.memref_squeeze %dma_start3A_64 : memref<1x128x128xf32, #tpu.memory_space<vmem>> -> memref<128x128xf32, #tpu.memory_space<vmem>>
    tpu.enqueue_dma source(%dma_start3A_65 : memref<128x128xf32, #tpu.memory_space<vmem>>) target(%dma_start3A_61 : memref<128x128xf32, #tpu.memory_space<hbm>>) target_semaphore(%arg8 : memref<!tpu.dma_semaphore, #tpu.memory_space<semaphore_mem>>)
    %dma_start3A_66 = arith.constant 3 : i32
    %dma_start3A_67 = arith.constant 3 : i32
    %dma_start3A_68 = arith.constant 0 : i32
    %dma_start3A_69 = arith.constant 0 : i32
    %dma_start3A_70 = tpu.memref_slice %arg6[%dma_start3A_67, %dma_start3A_68, %dma_start3A_69] : memref<4x128x128xf32, #tpu.memory_space<vmem>> -> memref<1x128x128xf32, #tpu.memory_space<vmem>>
    %dma_start3A_71 = tpu.memref_squeeze %dma_start3A_70 : memref<1x128x128xf32, #tpu.memory_space<vmem>> -> memref<128x128xf32, #tpu.memory_space<vmem>>
    %dma_start3A_72 = arith.constant 0 : i32
    %dma_start3A_73 = tpu.memref_slice %arg5[%dma_start3A_66, %dma_start3A_72] : memref<4x128xi32, #tpu.memory_space<vmem>> -> memref<1x128xi32, #tpu.memory_space<vmem>>
    %dma_start3A_74 = tpu.memref_squeeze %dma_start3A_73 : memref<1x128xi32, #tpu.memory_space<vmem>> -> memref<128xi32, #tpu.memory_space<vmem>>
    %dma_start3A_75 = arith.constant 0 : i32
    %dma_start3A_76 = arith.constant 0 : i32
    %dma_start3A_77 = tpu.memref_slice %arg2[%dma_start3A_75, %dma_start3A_76] : memref<4096x128xf32, #tpu.memory_space<hbm>> -> memref<4096x128xf32, #tpu.memory_space<hbm>>
    tpu.enqueue_indirect_dma source(%dma_start3A_77 : memref<4096x128xf32, #tpu.memory_space<hbm>>) target(%dma_start3A_71 : memref<128x128xf32, #tpu.memory_space<vmem>>) offsets(%dma_start3A_74 : memref<128xi32, #tpu.memory_space<vmem>>) semaphore(%arg7 : memref<!tpu.dma_semaphore, #tpu.memory_space<semaphore_mem>>)
    %dma_wait3A_78 = arith.constant 1 : i32
    %dma_wait3A_79 = arith.constant 1 : i32
    %dma_wait3A_80 = arith.constant 0 : i32
    %dma_wait3A_81 = arith.constant 0 : i32
    %dma_wait3A_82 = tpu.memref_slice %arg6[%dma_wait3A_79, %dma_wait3A_80, %dma_wait3A_81] : memref<4x128x128xf32, #tpu.memory_space<vmem>> -> memref<1x128x128xf32, #tpu.memory_space<vmem>>
    %dma_wait3A_83 = tpu.memref_squeeze %dma_wait3A_82 : memref<1x128x128xf32, #tpu.memory_space<vmem>> -> memref<128x128xf32, #tpu.memory_space<vmem>>
    %dma_wait3A_84 = arith.constant 0 : i32
    %dma_wait3A_85 = tpu.memref_slice %arg5[%dma_wait3A_78, %dma_wait3A_84] : memref<4x128xi32, #tpu.memory_space<vmem>> -> memref<1x128xi32, #tpu.memory_space<vmem>>
    %dma_wait3A_86 = tpu.memref_squeeze %dma_wait3A_85 : memref<1x128xi32, #tpu.memory_space<vmem>> -> memref<128xi32, #tpu.memory_space<vmem>>
    %dma_wait3A_87 = arith.constant 0 : i32
    %dma_wait3A_88 = arith.constant 0 : i32
    %dma_wait3A_89 = tpu.memref_slice %arg2[%dma_wait3A_87, %dma_wait3A_88] : memref<4096x128xf32, #tpu.memory_space<hbm>> -> memref<4096x128xf32, #tpu.memory_space<hbm>>
    tpu.wait_indirect_dma semaphore(%arg7 : memref<!tpu.dma_semaphore, #tpu.memory_space<semaphore_mem>>) src(%dma_wait3A_89 : memref<4096x128xf32, #tpu.memory_space<hbm>>) dst(%dma_wait3A_83 : memref<128x128xf32, #tpu.memory_space<vmem>>)
    %add3A_90 = arith.constant 128 : i32
    %add3A_91 = arith.addi %mul3A_2, %add3A_90 : i32
    %dma_start3A_92 = arith.constant 1 : i32
    %dma_start3A_93 = arith.constant 0 : i32
    %dma_start3A_94 = arith.constant 0 : i32
    %dma_start3A_95 = tpu.memref_slice %arg6[%dma_start3A_92, %dma_start3A_93, %dma_start3A_94] : memref<4x128x128xf32, #tpu.memory_space<vmem>> -> memref<1x128x128xf32, #tpu.memory_space<vmem>>
    %dma_start3A_96 = tpu.memref_squeeze %dma_start3A_95 : memref<1x128x128xf32, #tpu.memory_space<vmem>> -> memref<128x128xf32, #tpu.memory_space<vmem>>
    %dma_start3A_97 = arith.constant 0 : i32
    %dma_start3A_98 = tpu.memref_slice %arg4[%add3A_91, %dma_start3A_97] : memref<16384x128xf32, #tpu.memory_space<hbm>> -> memref<128x128xf32, #tpu.memory_space<hbm>>
    %dma_start3A_99 = arith.constant 0 : i32
    %dma_start3A_100 = tpu.memref_slice %arg4[%add3A_91, %dma_start3A_99] : memref<16384x128xf32, #tpu.memory_space<hbm>> -> memref<128x128xf32, #tpu.memory_space<hbm>>
    %dma_start3A_101 = arith.constant 0 : i32
    %dma_start3A_102 = arith.constant 0 : i32
    %dma_start3A_103 = tpu.memref_slice %arg6[%dma_start3A_92, %dma_start3A_101, %dma_start3A_102] : memref<4x128x128xf32, #tpu.memory_space<vmem>> -> memref<1x128x128xf32, #tpu.memory_space<vmem>>
    %dma_start3A_104 = tpu.memref_squeeze %dma_start3A_103 : memref<1x128x128xf32, #tpu.memory_space<vmem>> -> memref<128x128xf32, #tpu.memory_space<vmem>>
    tpu.enqueue_dma source(%dma_start3A_104 : memref<128x128xf32, #tpu.memory_space<vmem>>) target(%dma_start3A_100 : memref<128x128xf32, #tpu.memory_space<hbm>>) target_semaphore(%arg8 : memref<!tpu.dma_semaphore, #tpu.memory_space<semaphore_mem>>)
    %dma_wait3A_105 = arith.constant 2 : i32
    %dma_wait3A_106 = arith.constant 2 : i32
    %dma_wait3A_107 = arith.constant 0 : i32
    %dma_wait3A_108 = arith.constant 0 : i32
    %dma_wait3A_109 = tpu.memref_slice %arg6[%dma_wait3A_106, %dma_wait3A_107, %dma_wait3A_108] : memref<4x128x128xf32, #tpu.memory_space<vmem>> -> memref<1x128x128xf32, #tpu.memory_space<vmem>>
    %dma_wait3A_110 = tpu.memref_squeeze %dma_wait3A_109 : memref<1x128x128xf32, #tpu.memory_space<vmem>> -> memref<128x128xf32, #tpu.memory_space<vmem>>
    %dma_wait3A_111 = arith.constant 0 : i32
    %dma_wait3A_112 = tpu.memref_slice %arg5[%dma_wait3A_105, %dma_wait3A_111] : memref<4x128xi32, #tpu.memory_space<vmem>> -> memref<1x128xi32, #tpu.memory_space<vmem>>
    %dma_wait3A_113 = tpu.memref_squeeze %dma_wait3A_112 : memref<1x128xi32, #tpu.memory_space<vmem>> -> memref<128xi32, #tpu.memory_space<vmem>>
    %dma_wait3A_114 = arith.constant 0 : i32
    %dma_wait3A_115 = arith.constant 0 : i32
    %dma_wait3A_116 = tpu.memref_slice %arg2[%dma_wait3A_114, %dma_wait3A_115] : memref<4096x128xf32, #tpu.memory_space<hbm>> -> memref<4096x128xf32, #tpu.memory_space<hbm>>
    tpu.wait_indirect_dma semaphore(%arg7 : memref<!tpu.dma_semaphore, #tpu.memory_space<semaphore_mem>>) src(%dma_wait3A_116 : memref<4096x128xf32, #tpu.memory_space<hbm>>) dst(%dma_wait3A_110 : memref<128x128xf32, #tpu.memory_space<vmem>>)
    %add3A_117 = arith.constant 256 : i32
    %add3A_118 = arith.addi %mul3A_2, %add3A_117 : i32
    %dma_start3A_119 = arith.constant 2 : i32
    %dma_start3A_120 = arith.constant 0 : i32
    %dma_start3A_121 = arith.constant 0 : i32
    %dma_start3A_122 = tpu.memref_slice %arg6[%dma_start3A_119, %dma_start3A_120, %dma_start3A_121] : memref<4x128x128xf32, #tpu.memory_space<vmem>> -> memref<1x128x128xf32, #tpu.memory_space<vmem>>
    %dma_start3A_123 = tpu.memref_squeeze %dma_start3A_122 : memref<1x128x128xf32, #tpu.memory_space<vmem>> -> memref<128x128xf32, #tpu.memory_space<vmem>>
    %dma_start3A_124 = arith.constant 0 : i32
    %dma_start3A_125 = tpu.memref_slice %arg4[%add3A_118, %dma_start3A_124] : memref<16384x128xf32, #tpu.memory_space<hbm>> -> memref<128x128xf32, #tpu.memory_space<hbm>>
    %dma_start3A_126 = arith.constant 0 : i32
    %dma_start3A_127 = tpu.memref_slice %arg4[%add3A_118, %dma_start3A_126] : memref<16384x128xf32, #tpu.memory_space<hbm>> -> memref<128x128xf32, #tpu.memory_space<hbm>>
    %dma_start3A_128 = arith.constant 0 : i32
    %dma_start3A_129 = arith.constant 0 : i32
    %dma_start3A_130 = tpu.memref_slice %arg6[%dma_start3A_119, %dma_start3A_128, %dma_start3A_129] : memref<4x128x128xf32, #tpu.memory_space<vmem>> -> memref<1x128x128xf32, #tpu.memory_space<vmem>>
    %dma_start3A_131 = tpu.memref_squeeze %dma_start3A_130 : memref<1x128x128xf32, #tpu.memory_space<vmem>> -> memref<128x128xf32, #tpu.memory_space<vmem>>
    tpu.enqueue_dma source(%dma_start3A_131 : memref<128x128xf32, #tpu.memory_space<vmem>>) target(%dma_start3A_127 : memref<128x128xf32, #tpu.memory_space<hbm>>) target_semaphore(%arg8 : memref<!tpu.dma_semaphore, #tpu.memory_space<semaphore_mem>>)
    %dma_wait3A_132 = arith.constant 3 : i32
    %dma_wait3A_133 = arith.constant 3 : i32
    %dma_wait3A_134 = arith.constant 0 : i32
    %dma_wait3A_135 = arith.constant 0 : i32
    %dma_wait3A_136 = tpu.memref_slice %arg6[%dma_wait3A_133, %dma_wait3A_134, %dma_wait3A_135] : memref<4x128x128xf32, #tpu.memory_space<vmem>> -> memref<1x128x128xf32, #tpu.memory_space<vmem>>
    %dma_wait3A_137 = tpu.memref_squeeze %dma_wait3A_136 : memref<1x128x128xf32, #tpu.memory_space<vmem>> -> memref<128x128xf32, #tpu.memory_space<vmem>>
    %dma_wait3A_138 = arith.constant 0 : i32
    %dma_wait3A_139 = tpu.memref_slice %arg5[%dma_wait3A_132, %dma_wait3A_138] : memref<4x128xi32, #tpu.memory_space<vmem>> -> memref<1x128xi32, #tpu.memory_space<vmem>>
    %dma_wait3A_140 = tpu.memref_squeeze %dma_wait3A_139 : memref<1x128xi32, #tpu.memory_space<vmem>> -> memref<128xi32, #tpu.memory_space<vmem>>
    %dma_wait3A_141 = arith.constant 0 : i32
    %dma_wait3A_142 = arith.constant 0 : i32
    %dma_wait3A_143 = tpu.memref_slice %arg2[%dma_wait3A_141, %dma_wait3A_142] : memref<4096x128xf32, #tpu.memory_space<hbm>> -> memref<4096x128xf32, #tpu.memory_space<hbm>>
    tpu.wait_indirect_dma semaphore(%arg7 : memref<!tpu.dma_semaphore, #tpu.memory_space<semaphore_mem>>) src(%dma_wait3A_143 : memref<4096x128xf32, #tpu.memory_space<hbm>>) dst(%dma_wait3A_137 : memref<128x128xf32, #tpu.memory_space<vmem>>)
    %add3A_144 = arith.constant 384 : i32
    %add3A_145 = arith.addi %mul3A_2, %add3A_144 : i32
    %dma_start3A_146 = arith.constant 3 : i32
    %dma_start3A_147 = arith.constant 0 : i32
    %dma_start3A_148 = arith.constant 0 : i32
    %dma_start3A_149 = tpu.memref_slice %arg6[%dma_start3A_146, %dma_start3A_147, %dma_start3A_148] : memref<4x128x128xf32, #tpu.memory_space<vmem>> -> memref<1x128x128xf32, #tpu.memory_space<vmem>>
    %dma_start3A_150 = tpu.memref_squeeze %dma_start3A_149 : memref<1x128x128xf32, #tpu.memory_space<vmem>> -> memref<128x128xf32, #tpu.memory_space<vmem>>
    %dma_start3A_151 = arith.constant 0 : i32
    %dma_start3A_152 = tpu.memref_slice %arg4[%add3A_145, %dma_start3A_151] : memref<16384x128xf32, #tpu.memory_space<hbm>> -> memref<128x128xf32, #tpu.memory_space<hbm>>
    %dma_start3A_153 = arith.constant 0 : i32
    %dma_start3A_154 = tpu.memref_slice %arg4[%add3A_145, %dma_start3A_153] : memref<16384x128xf32, #tpu.memory_space<hbm>> -> memref<128x128xf32, #tpu.memory_space<hbm>>
    %dma_start3A_155 = arith.constant 0 : i32
    %dma_start3A_156 = arith.constant 0 : i32
    %dma_start3A_157 = tpu.memref_slice %arg6[%dma_start3A_146, %dma_start3A_155, %dma_start3A_156] : memref<4x128x128xf32, #tpu.memory_space<vmem>> -> memref<1x128x128xf32, #tpu.memory_space<vmem>>
    %dma_start3A_158 = tpu.memref_squeeze %dma_start3A_157 : memref<1x128x128xf32, #tpu.memory_space<vmem>> -> memref<128x128xf32, #tpu.memory_space<vmem>>
    tpu.enqueue_dma source(%dma_start3A_158 : memref<128x128xf32, #tpu.memory_space<vmem>>) target(%dma_start3A_154 : memref<128x128xf32, #tpu.memory_space<hbm>>) target_semaphore(%arg8 : memref<!tpu.dma_semaphore, #tpu.memory_space<semaphore_mem>>)
    %dma_wait3A_159 = arith.constant 0 : i32
    %dma_wait3A_160 = arith.constant 0 : i32
    %dma_wait3A_161 = arith.constant 0 : i32
    %dma_wait3A_162 = tpu.memref_slice %arg6[%dma_wait3A_159, %dma_wait3A_160, %dma_wait3A_161] : memref<4x128x128xf32, #tpu.memory_space<vmem>> -> memref<1x128x128xf32, #tpu.memory_space<vmem>>
    %dma_wait3A_163 = tpu.memref_squeeze %dma_wait3A_162 : memref<1x128x128xf32, #tpu.memory_space<vmem>> -> memref<128x128xf32, #tpu.memory_space<vmem>>
    %dma_wait3A_164 = arith.constant 0 : i32
    %dma_wait3A_165 = tpu.memref_slice %arg4[%add3A_52, %dma_wait3A_164] : memref<16384x128xf32, #tpu.memory_space<hbm>> -> memref<128x128xf32, #tpu.memory_space<hbm>>
    %dma_wait3A_166 = arith.constant 0 : i32
    %dma_wait3A_167 = tpu.memref_slice %arg4[%add3A_52, %dma_wait3A_166] : memref<16384x128xf32, #tpu.memory_space<hbm>> -> memref<128x128xf32, #tpu.memory_space<hbm>>
    %dma_wait3A_168 = arith.constant 0 : i32
    %dma_wait3A_169 = arith.constant 0 : i32
    %dma_wait3A_170 = tpu.memref_slice %arg6[%dma_wait3A_159, %dma_wait3A_168, %dma_wait3A_169] : memref<4x128x128xf32, #tpu.memory_space<vmem>> -> memref<1x128x128xf32, #tpu.memory_space<vmem>>
    %dma_wait3A_171 = tpu.memref_squeeze %dma_wait3A_170 : memref<1x128x128xf32, #tpu.memory_space<vmem>> -> memref<128x128xf32, #tpu.memory_space<vmem>>
    tpu.wait_dma2 semaphore(%arg8 : memref<!tpu.dma_semaphore, #tpu.memory_space<semaphore_mem>>) src(%dma_wait3A_171 : memref<128x128xf32, #tpu.memory_space<vmem>>) dst(%dma_wait3A_167 : memref<128x128xf32, #tpu.memory_space<hbm>>)
    %dma_wait3A_172 = arith.constant 1 : i32
    %dma_wait3A_173 = arith.constant 0 : i32
    %dma_wait3A_174 = arith.constant 0 : i32
    %dma_wait3A_175 = tpu.memref_slice %arg6[%dma_wait3A_172, %dma_wait3A_173, %dma_wait3A_174] : memref<4x128x128xf32, #tpu.memory_space<vmem>> -> memref<1x128x128xf32, #tpu.memory_space<vmem>>
    %dma_wait3A_176 = tpu.memref_squeeze %dma_wait3A_175 : memref<1x128x128xf32, #tpu.memory_space<vmem>> -> memref<128x128xf32, #tpu.memory_space<vmem>>
    %dma_wait3A_177 = arith.constant 0 : i32
    %dma_wait3A_178 = tpu.memref_slice %arg4[%add3A_91, %dma_wait3A_177] : memref<16384x128xf32, #tpu.memory_space<hbm>> -> memref<128x128xf32, #tpu.memory_space<hbm>>
    %dma_wait3A_179 = arith.constant 0 : i32
    %dma_wait3A_180 = tpu.memref_slice %arg4[%add3A_91, %dma_wait3A_179] : memref<16384x128xf32, #tpu.memory_space<hbm>> -> memref<128x128xf32, #tpu.memory_space<hbm>>
    %dma_wait3A_181 = arith.constant 0 : i32
    %dma_wait3A_182 = arith.constant 0 : i32
    %dma_wait3A_183 = tpu.memref_slice %arg6[%dma_wait3A_172, %dma_wait3A_181, %dma_wait3A_182] : memref<4x128x128xf32, #tpu.memory_space<vmem>> -> memref<1x128x128xf32, #tpu.memory_space<vmem>>
    %dma_wait3A_184 = tpu.memref_squeeze %dma_wait3A_183 : memref<1x128x128xf32, #tpu.memory_space<vmem>> -> memref<128x128xf32, #tpu.memory_space<vmem>>
    tpu.wait_dma2 semaphore(%arg8 : memref<!tpu.dma_semaphore, #tpu.memory_space<semaphore_mem>>) src(%dma_wait3A_184 : memref<128x128xf32, #tpu.memory_space<vmem>>) dst(%dma_wait3A_180 : memref<128x128xf32, #tpu.memory_space<hbm>>)
    %dma_wait3A_185 = arith.constant 2 : i32
    %dma_wait3A_186 = arith.constant 0 : i32
    %dma_wait3A_187 = arith.constant 0 : i32
    %dma_wait3A_188 = tpu.memref_slice %arg6[%dma_wait3A_185, %dma_wait3A_186, %dma_wait3A_187] : memref<4x128x128xf32, #tpu.memory_space<vmem>> -> memref<1x128x128xf32, #tpu.memory_space<vmem>>
    %dma_wait3A_189 = tpu.memref_squeeze %dma_wait3A_188 : memref<1x128x128xf32, #tpu.memory_space<vmem>> -> memref<128x128xf32, #tpu.memory_space<vmem>>
    %dma_wait3A_190 = arith.constant 0 : i32
    %dma_wait3A_191 = tpu.memref_slice %arg4[%add3A_118, %dma_wait3A_190] : memref<16384x128xf32, #tpu.memory_space<hbm>> -> memref<128x128xf32, #tpu.memory_space<hbm>>
    %dma_wait3A_192 = arith.constant 0 : i32
    %dma_wait3A_193 = tpu.memref_slice %arg4[%add3A_118, %dma_wait3A_192] : memref<16384x128xf32, #tpu.memory_space<hbm>> -> memref<128x128xf32, #tpu.memory_space<hbm>>
    %dma_wait3A_194 = arith.constant 0 : i32
    %dma_wait3A_195 = arith.constant 0 : i32
    %dma_wait3A_196 = tpu.memref_slice %arg6[%dma_wait3A_185, %dma_wait3A_194, %dma_wait3A_195] : memref<4x128x128xf32, #tpu.memory_space<vmem>> -> memref<1x128x128xf32, #tpu.memory_space<vmem>>
    %dma_wait3A_197 = tpu.memref_squeeze %dma_wait3A_196 : memref<1x128x128xf32, #tpu.memory_space<vmem>> -> memref<128x128xf32, #tpu.memory_space<vmem>>
    tpu.wait_dma2 semaphore(%arg8 : memref<!tpu.dma_semaphore, #tpu.memory_space<semaphore_mem>>) src(%dma_wait3A_197 : memref<128x128xf32, #tpu.memory_space<vmem>>) dst(%dma_wait3A_193 : memref<128x128xf32, #tpu.memory_space<hbm>>)
    %dma_wait3A_198 = arith.constant 3 : i32
    %dma_wait3A_199 = arith.constant 0 : i32
    %dma_wait3A_200 = arith.constant 0 : i32
    %dma_wait3A_201 = tpu.memref_slice %arg6[%dma_wait3A_198, %dma_wait3A_199, %dma_wait3A_200] : memref<4x128x128xf32, #tpu.memory_space<vmem>> -> memref<1x128x128xf32, #tpu.memory_space<vmem>>
    %dma_wait3A_202 = tpu.memref_squeeze %dma_wait3A_201 : memref<1x128x128xf32, #tpu.memory_space<vmem>> -> memref<128x128xf32, #tpu.memory_space<vmem>>
    %dma_wait3A_203 = arith.constant 0 : i32
    %dma_wait3A_204 = tpu.memref_slice %arg4[%add3A_145, %dma_wait3A_203] : memref<16384x128xf32, #tpu.memory_space<hbm>> -> memref<128x128xf32, #tpu.memory_space<hbm>>
    %dma_wait3A_205 = arith.constant 0 : i32
    %dma_wait3A_206 = tpu.memref_slice %arg4[%add3A_145, %dma_wait3A_205] : memref<16384x128xf32, #tpu.memory_space<hbm>> -> memref<128x128xf32, #tpu.memory_space<hbm>>
    %dma_wait3A_207 = arith.constant 0 : i32
    %dma_wait3A_208 = arith.constant 0 : i32
    %dma_wait3A_209 = tpu.memref_slice %arg6[%dma_wait3A_198, %dma_wait3A_207, %dma_wait3A_208] : memref<4x128x128xf32, #tpu.memory_space<vmem>> -> memref<1x128x128xf32, #tpu.memory_space<vmem>>
    %dma_wait3A_210 = tpu.memref_squeeze %dma_wait3A_209 : memref<1x128x128xf32, #tpu.memory_space<vmem>> -> memref<128x128xf32, #tpu.memory_space<vmem>>
    tpu.wait_dma2 semaphore(%arg8 : memref<!tpu.dma_semaphore, #tpu.memory_space<semaphore_mem>>) src(%dma_wait3A_210 : memref<128x128xf32, #tpu.memory_space<vmem>>) dst(%dma_wait3A_206 : memref<128x128xf32, #tpu.memory_space<hbm>>)
    return
  }
}

#map = affine_map<(d0, d1) -> (0, 0)>
module attributes {stable_mosaic.version = 14 : i64} {
  func.func @gath(%arg0: i32, %arg1: i32, %arg2: memref<4096x128xf32, #tpu.memory_space<hbm>>, %arg3: memref<128x128xi32, #tpu.memory_space<hbm>>, %arg4: memref<16384x128xf32, #tpu.memory_space<hbm>>, %arg5: memref<4x128xi32, #tpu.memory_space<vmem>>, %arg6: memref<4x128x128xf32, #tpu.memory_space<vmem>>, %arg7: memref<!tpu.dma_semaphore, #tpu.memory_space<semaphore_mem>>, %arg8: memref<!tpu.dma_semaphore, #tpu.memory_space<semaphore_mem>>) attributes {dimension_semantics = [#tpu.dimension_semantics<core_parallel>, #tpu.dimension_semantics<subcore_parallel>], iteration_bounds = array<i64: 2, 16>, scalar_prefetch = 0 : i64, scratch_operands = 4 : i64, tpu.core_type = #tpu.core_type<sc_vector_subcore>, window_params = [{transform_indices = #map}, {transform_indices = #map}, {transform_indices = #map}]} {
    %mul3A = arith.constant 2 : i32
    %mul3A_0 = arith.muli %arg1, %mul3A : i32
    %add3A = arith.addi %mul3A_0, %arg0 : i32
    %mul3A_1 = arith.constant 512 : i32
    %mul3A_2 = arith.muli %add3A, %mul3A_1 : i32
    %mul3A_3 = arith.constant 4 : i32
    %mul3A_4 = arith.muli %add3A, %mul3A_3 : i32
    "tpu.region"() ({
      %run_scoped3A = tpu.sem_alloc : memref<!tpu.dma_semaphore, #tpu.memory_space<semaphore_mem>>
      %dma_start3A_211 = arith.constant 0 : i32
      %dma_start3A_212 = tpu.memref_slice %arg3[%mul3A_4, %dma_start3A_211] : memref<128x128xi32, #tpu.memory_space<hbm>> -> memref<4x128xi32, #tpu.memory_space<hbm>>
      %dma_start3A_213 = arith.constant 0 : i32
      %dma_start3A_214 = tpu.memref_slice %arg3[%mul3A_4, %dma_start3A_213] : memref<128x128xi32, #tpu.memory_space<hbm>> -> memref<4x128xi32, #tpu.memory_space<hbm>>
      tpu.enqueue_dma source(%dma_start3A_214 : memref<4x128xi32, #tpu.memory_space<hbm>>) target(%arg5 : memref<4x128xi32, #tpu.memory_space<vmem>>) target_semaphore(%run_scoped3A : memref<!tpu.dma_semaphore, #tpu.memory_space<semaphore_mem>>)
      %dma_wait3A_215 = arith.constant 0 : i32
      %dma_wait3A_216 = tpu.memref_slice %arg3[%mul3A_4, %dma_wait3A_215] : memref<128x128xi32, #tpu.memory_space<hbm>> -> memref<4x128xi32, #tpu.memory_space<hbm>>
      %dma_wait3A_217 = arith.constant 0 : i32
      %dma_wait3A_218 = tpu.memref_slice %arg3[%mul3A_4, %dma_wait3A_217] : memref<128x128xi32, #tpu.memory_space<hbm>> -> memref<4x128xi32, #tpu.memory_space<hbm>>
      tpu.wait_dma2 semaphore(%run_scoped3A : memref<!tpu.dma_semaphore, #tpu.memory_space<semaphore_mem>>) src(%dma_wait3A_218 : memref<4x128xi32, #tpu.memory_space<hbm>>) dst(%arg5 : memref<4x128xi32, #tpu.memory_space<vmem>>)
      tpu.yield
    }) : () -> ()
    %dma_start3A = arith.constant 0 : i32
    %dma_start3A_5 = arith.constant 0 : i32
    %dma_start3A_6 = arith.constant 0 : i32
    %dma_start3A_7 = arith.constant 0 : i32
    %dma_start3A_8 = tpu.memref_slice %arg6[%dma_start3A_5, %dma_start3A_6, %dma_start3A_7] : memref<4x128x128xf32, #tpu.memory_space<vmem>> -> memref<1x128x128xf32, #tpu.memory_space<vmem>>
    %dma_start3A_9 = tpu.memref_squeeze %dma_start3A_8 : memref<1x128x128xf32, #tpu.memory_space<vmem>> -> memref<128x128xf32, #tpu.memory_space<vmem>>
    %dma_start3A_10 = arith.constant 0 : i32
    %dma_start3A_11 = tpu.memref_slice %arg5[%dma_start3A, %dma_start3A_10] : memref<4x128xi32, #tpu.memory_space<vmem>> -> memref<1x128xi32, #tpu.memory_space<vmem>>
    %dma_start3A_12 = tpu.memref_squeeze %dma_start3A_11 : memref<1x128xi32, #tpu.memory_space<vmem>> -> memref<128xi32, #tpu.memory_space<vmem>>
    %dma_start3A_13 = arith.constant 0 : i32
    %dma_start3A_14 = arith.constant 0 : i32
    %dma_start3A_15 = tpu.memref_slice %arg2[%dma_start3A_13, %dma_start3A_14] : memref<4096x128xf32, #tpu.memory_space<hbm>> -> memref<4096x128xf32, #tpu.memory_space<hbm>>
    tpu.enqueue_indirect_dma source(%dma_start3A_15 : memref<4096x128xf32, #tpu.memory_space<hbm>>) target(%dma_start3A_9 : memref<128x128xf32, #tpu.memory_space<vmem>>) offsets(%dma_start3A_12 : memref<128xi32, #tpu.memory_space<vmem>>) semaphore(%arg7 : memref<!tpu.dma_semaphore, #tpu.memory_space<semaphore_mem>>)
    %dma_start3A_16 = arith.constant 1 : i32
    %dma_start3A_17 = arith.constant 1 : i32
    %dma_start3A_18 = arith.constant 0 : i32
    %dma_start3A_19 = arith.constant 0 : i32
    %dma_start3A_20 = tpu.memref_slice %arg6[%dma_start3A_17, %dma_start3A_18, %dma_start3A_19] : memref<4x128x128xf32, #tpu.memory_space<vmem>> -> memref<1x128x128xf32, #tpu.memory_space<vmem>>
    %dma_start3A_21 = tpu.memref_squeeze %dma_start3A_20 : memref<1x128x128xf32, #tpu.memory_space<vmem>> -> memref<128x128xf32, #tpu.memory_space<vmem>>
    %dma_start3A_22 = arith.constant 0 : i32
    %dma_start3A_23 = tpu.memref_slice %arg5[%dma_start3A_16, %dma_start3A_22] : memref<4x128xi32, #tpu.memory_space<vmem>> -> memref<1x128xi32, #tpu.memory_space<vmem>>
    %dma_start3A_24 = tpu.memref_squeeze %dma_start3A_23 : memref<1x128xi32, #tpu.memory_space<vmem>> -> memref<128xi32, #tpu.memory_space<vmem>>
    %dma_start3A_25 = arith.constant 0 : i32
    %dma_start3A_26 = arith.constant 0 : i32
    %dma_start3A_27 = tpu.memref_slice %arg2[%dma_start3A_25, %dma_start3A_26] : memref<4096x128xf32, #tpu.memory_space<hbm>> -> memref<4096x128xf32, #tpu.memory_space<hbm>>
    tpu.enqueue_indirect_dma source(%dma_start3A_27 : memref<4096x128xf32, #tpu.memory_space<hbm>>) target(%dma_start3A_21 : memref<128x128xf32, #tpu.memory_space<vmem>>) offsets(%dma_start3A_24 : memref<128xi32, #tpu.memory_space<vmem>>) semaphore(%arg7 : memref<!tpu.dma_semaphore, #tpu.memory_space<semaphore_mem>>)
    %dma_start3A_28 = arith.constant 2 : i32
    %dma_start3A_29 = arith.constant 2 : i32
    %dma_start3A_30 = arith.constant 0 : i32
    %dma_start3A_31 = arith.constant 0 : i32
    %dma_start3A_32 = tpu.memref_slice %arg6[%dma_start3A_29, %dma_start3A_30, %dma_start3A_31] : memref<4x128x128xf32, #tpu.memory_space<vmem>> -> memref<1x128x128xf32, #tpu.memory_space<vmem>>
    %dma_start3A_33 = tpu.memref_squeeze %dma_start3A_32 : memref<1x128x128xf32, #tpu.memory_space<vmem>> -> memref<128x128xf32, #tpu.memory_space<vmem>>
    %dma_start3A_34 = arith.constant 0 : i32
    %dma_start3A_35 = tpu.memref_slice %arg5[%dma_start3A_28, %dma_start3A_34] : memref<4x128xi32, #tpu.memory_space<vmem>> -> memref<1x128xi32, #tpu.memory_space<vmem>>
    %dma_start3A_36 = tpu.memref_squeeze %dma_start3A_35 : memref<1x128xi32, #tpu.memory_space<vmem>> -> memref<128xi32, #tpu.memory_space<vmem>>
    %dma_start3A_37 = arith.constant 0 : i32
    %dma_start3A_38 = arith.constant 0 : i32
    %dma_start3A_39 = tpu.memref_slice %arg2[%dma_start3A_37, %dma_start3A_38] : memref<4096x128xf32, #tpu.memory_space<hbm>> -> memref<4096x128xf32, #tpu.memory_space<hbm>>
    tpu.enqueue_indirect_dma source(%dma_start3A_39 : memref<4096x128xf32, #tpu.memory_space<hbm>>) target(%dma_start3A_33 : memref<128x128xf32, #tpu.memory_space<vmem>>) offsets(%dma_start3A_36 : memref<128xi32, #tpu.memory_space<vmem>>) semaphore(%arg7 : memref<!tpu.dma_semaphore, #tpu.memory_space<semaphore_mem>>)
    %dma_wait3A = arith.constant 0 : i32
    %dma_wait3A_40 = arith.constant 0 : i32
    %dma_wait3A_41 = arith.constant 0 : i32
    %dma_wait3A_42 = arith.constant 0 : i32
    %dma_wait3A_43 = tpu.memref_slice %arg6[%dma_wait3A_40, %dma_wait3A_41, %dma_wait3A_42] : memref<4x128x128xf32, #tpu.memory_space<vmem>> -> memref<1x128x128xf32, #tpu.memory_space<vmem>>
    %dma_wait3A_44 = tpu.memref_squeeze %dma_wait3A_43 : memref<1x128x128xf32, #tpu.memory_space<vmem>> -> memref<128x128xf32, #tpu.memory_space<vmem>>
    %dma_wait3A_45 = arith.constant 0 : i32
    %dma_wait3A_46 = tpu.memref_slice %arg5[%dma_wait3A, %dma_wait3A_45] : memref<4x128xi32, #tpu.memory_space<vmem>> -> memref<1x128xi32, #tpu.memory_space<vmem>>
    %dma_wait3A_47 = tpu.memref_squeeze %dma_wait3A_46 : memref<1x128xi32, #tpu.memory_space<vmem>> -> memref<128xi32, #tpu.memory_space<vmem>>
    %dma_wait3A_48 = arith.constant 0 : i32
    %dma_wait3A_49 = arith.constant 0 : i32
    %dma_wait3A_50 = tpu.memref_slice %arg2[%dma_wait3A_48, %dma_wait3A_49] : memref<4096x128xf32, #tpu.memory_space<hbm>> -> memref<4096x128xf32, #tpu.memory_space<hbm>>
    tpu.wait_indirect_dma semaphore(%arg7 : memref<!tpu.dma_semaphore, #tpu.memory_space<semaphore_mem>>) src(%dma_wait3A_50 : memref<4096x128xf32, #tpu.memory_space<hbm>>) dst(%dma_wait3A_44 : memref<128x128xf32, #tpu.memory_space<vmem>>)
    %add3A_51 = arith.constant 0 : i32
    %add3A_52 = arith.addi %mul3A_2, %add3A_51 : i32
    %dma_start3A_53 = arith.constant 0 : i32
    %dma_start3A_54 = arith.constant 0 : i32
    %dma_start3A_55 = arith.constant 0 : i32
    %dma_start3A_56 = tpu.memref_slice %arg6[%dma_start3A_53, %dma_start3A_54, %dma_start3A_55] : memref<4x128x128xf32, #tpu.memory_space<vmem>> -> memref<1x128x128xf32, #tpu.memory_space<vmem>>
    %dma_start3A_57 = tpu.memref_squeeze %dma_start3A_56 : memref<1x128x128xf32, #tpu.memory_space<vmem>> -> memref<128x128xf32, #tpu.memory_space<vmem>>
    %dma_start3A_58 = arith.constant 0 : i32
    %dma_start3A_59 = tpu.memref_slice %arg4[%add3A_52, %dma_start3A_58] : memref<16384x128xf32, #tpu.memory_space<hbm>> -> memref<128x128xf32, #tpu.memory_space<hbm>>
    %dma_start3A_60 = arith.constant 0 : i32
    %dma_start3A_61 = tpu.memref_slice %arg4[%add3A_52, %dma_start3A_60] : memref<16384x128xf32, #tpu.memory_space<hbm>> -> memref<128x128xf32, #tpu.memory_space<hbm>>
    %dma_start3A_62 = arith.constant 0 : i32
    %dma_start3A_63 = arith.constant 0 : i32
    %dma_start3A_64 = tpu.memref_slice %arg6[%dma_start3A_53, %dma_start3A_62, %dma_start3A_63] : memref<4x128x128xf32, #tpu.memory_space<vmem>> -> memref<1x128x128xf32, #tpu.memory_space<vmem>>
    %dma_start3A_65 = tpu.memref_squeeze %dma_start3A_64 : memref<1x128x128xf32, #tpu.memory_space<vmem>> -> memref<128x128xf32, #tpu.memory_space<vmem>>
    tpu.enqueue_dma source(%dma_start3A_65 : memref<128x128xf32, #tpu.memory_space<vmem>>) target(%dma_start3A_61 : memref<128x128xf32, #tpu.memory_space<hbm>>) target_semaphore(%arg8 : memref<!tpu.dma_semaphore, #tpu.memory_space<semaphore_mem>>)
    %dma_start3A_66 = arith.constant 3 : i32
    %dma_start3A_67 = arith.constant 3 : i32
    %dma_start3A_68 = arith.constant 0 : i32
    %dma_start3A_69 = arith.constant 0 : i32
    %dma_start3A_70 = tpu.memref_slice %arg6[%dma_start3A_67, %dma_start3A_68, %dma_start3A_69] : memref<4x128x128xf32, #tpu.memory_space<vmem>> -> memref<1x128x128xf32, #tpu.memory_space<vmem>>
    %dma_start3A_71 = tpu.memref_squeeze %dma_start3A_70 : memref<1x128x128xf32, #tpu.memory_space<vmem>> -> memref<128x128xf32, #tpu.memory_space<vmem>>
    %dma_start3A_72 = arith.constant 0 : i32
    %dma_start3A_73 = tpu.memref_slice %arg5[%dma_start3A_66, %dma_start3A_72] : memref<4x128xi32, #tpu.memory_space<vmem>> -> memref<1x128xi32, #tpu.memory_space<vmem>>
    %dma_start3A_74 = tpu.memref_squeeze %dma_start3A_73 : memref<1x128xi32, #tpu.memory_space<vmem>> -> memref<128xi32, #tpu.memory_space<vmem>>
    %dma_start3A_75 = arith.constant 0 : i32
    %dma_start3A_76 = arith.constant 0 : i32
    %dma_start3A_77 = tpu.memref_slice %arg2[%dma_start3A_75, %dma_start3A_76] : memref<4096x128xf32, #tpu.memory_space<hbm>> -> memref<4096x128xf32, #tpu.memory_space<hbm>>
    tpu.enqueue_indirect_dma source(%dma_start3A_77 : memref<4096x128xf32, #tpu.memory_space<hbm>>) target(%dma_start3A_71 : memref<128x128xf32, #tpu.memory_space<vmem>>) offsets(%dma_start3A_74 : memref<128xi32, #tpu.memory_space<vmem>>) semaphore(%arg7 : memref<!tpu.dma_semaphore, #tpu.memory_space<semaphore_mem>>)
    %dma_wait3A_78 = arith.constant 1 : i32
    %dma_wait3A_79 = arith.constant 1 : i32
    %dma_wait3A_80 = arith.constant 0 : i32
    %dma_wait3A_81 = arith.constant 0 : i32
    %dma_wait3A_82 = tpu.memref_slice %arg6[%dma_wait3A_79, %dma_wait3A_80, %dma_wait3A_81] : memref<4x128x128xf32, #tpu.memory_space<vmem>> -> memref<1x128x128xf32, #tpu.memory_space<vmem>>
    %dma_wait3A_83 = tpu.memref_squeeze %dma_wait3A_82 : memref<1x128x128xf32, #tpu.memory_space<vmem>> -> memref<128x128xf32, #tpu.memory_space<vmem>>
    %dma_wait3A_84 = arith.constant 0 : i32
    %dma_wait3A_85 = tpu.memref_slice %arg5[%dma_wait3A_78, %dma_wait3A_84] : memref<4x128xi32, #tpu.memory_space<vmem>> -> memref<1x128xi32, #tpu.memory_space<vmem>>
    %dma_wait3A_86 = tpu.memref_squeeze %dma_wait3A_85 : memref<1x128xi32, #tpu.memory_space<vmem>> -> memref<128xi32, #tpu.memory_space<vmem>>
    %dma_wait3A_87 = arith.constant 0 : i32
    %dma_wait3A_88 = arith.constant 0 : i32
    %dma_wait3A_89 = tpu.memref_slice %arg2[%dma_wait3A_87, %dma_wait3A_88] : memref<4096x128xf32, #tpu.memory_space<hbm>> -> memref<4096x128xf32, #tpu.memory_space<hbm>>
    tpu.wait_indirect_dma semaphore(%arg7 : memref<!tpu.dma_semaphore, #tpu.memory_space<semaphore_mem>>) src(%dma_wait3A_89 : memref<4096x128xf32, #tpu.memory_space<hbm>>) dst(%dma_wait3A_83 : memref<128x128xf32, #tpu.memory_space<vmem>>)
    %add3A_90 = arith.constant 128 : i32
    %add3A_91 = arith.addi %mul3A_2, %add3A_90 : i32
    %dma_start3A_92 = arith.constant 1 : i32
    %dma_start3A_93 = arith.constant 0 : i32
    %dma_start3A_94 = arith.constant 0 : i32
    %dma_start3A_95 = tpu.memref_slice %arg6[%dma_start3A_92, %dma_start3A_93, %dma_start3A_94] : memref<4x128x128xf32, #tpu.memory_space<vmem>> -> memref<1x128x128xf32, #tpu.memory_space<vmem>>
    %dma_start3A_96 = tpu.memref_squeeze %dma_start3A_95 : memref<1x128x128xf32, #tpu.memory_space<vmem>> -> memref<128x128xf32, #tpu.memory_space<vmem>>
    %dma_start3A_97 = arith.constant 0 : i32
    %dma_start3A_98 = tpu.memref_slice %arg4[%add3A_91, %dma_start3A_97] : memref<16384x128xf32, #tpu.memory_space<hbm>> -> memref<128x128xf32, #tpu.memory_space<hbm>>
    %dma_start3A_99 = arith.constant 0 : i32
    %dma_start3A_100 = tpu.memref_slice %arg4[%add3A_91, %dma_start3A_99] : memref<16384x128xf32, #tpu.memory_space<hbm>> -> memref<128x128xf32, #tpu.memory_space<hbm>>
    %dma_start3A_101 = arith.constant 0 : i32
    %dma_start3A_102 = arith.constant 0 : i32
    %dma_start3A_103 = tpu.memref_slice %arg6[%dma_start3A_92, %dma_start3A_101, %dma_start3A_102] : memref<4x128x128xf32, #tpu.memory_space<vmem>> -> memref<1x128x128xf32, #tpu.memory_space<vmem>>
    %dma_start3A_104 = tpu.memref_squeeze %dma_start3A_103 : memref<1x128x128xf32, #tpu.memory_space<vmem>> -> memref<128x128xf32, #tpu.memory_space<vmem>>
    tpu.enqueue_dma source(%dma_start3A_104 : memref<128x128xf32, #tpu.memory_space<vmem>>) target(%dma_start3A_100 : memref<128x128xf32, #tpu.memory_space<hbm>>) target_semaphore(%arg8 : memref<!tpu.dma_semaphore, #tpu.memory_space<semaphore_mem>>)
    %dma_wait3A_105 = arith.constant 2 : i32
    %dma_wait3A_106 = arith.constant 2 : i32
    %dma_wait3A_107 = arith.constant 0 : i32
    %dma_wait3A_108 = arith.constant 0 : i32
    %dma_wait3A_109 = tpu.memref_slice %arg6[%dma_wait3A_106, %dma_wait3A_107, %dma_wait3A_108] : memref<4x128x128xf32, #tpu.memory_space<vmem>> -> memref<1x128x128xf32, #tpu.memory_space<vmem>>
    %dma_wait3A_110 = tpu.memref_squeeze %dma_wait3A_109 : memref<1x128x128xf32, #tpu.memory_space<vmem>> -> memref<128x128xf32, #tpu.memory_space<vmem>>
    %dma_wait3A_111 = arith.constant 0 : i32
    %dma_wait3A_112 = tpu.memref_slice %arg5[%dma_wait3A_105, %dma_wait3A_111] : memref<4x128xi32, #tpu.memory_space<vmem>> -> memref<1x128xi32, #tpu.memory_space<vmem>>
    %dma_wait3A_113 = tpu.memref_squeeze %dma_wait3A_112 : memref<1x128xi32, #tpu.memory_space<vmem>> -> memref<128xi32, #tpu.memory_space<vmem>>
    %dma_wait3A_114 = arith.constant 0 : i32
    %dma_wait3A_115 = arith.constant 0 : i32
    %dma_wait3A_116 = tpu.memref_slice %arg2[%dma_wait3A_114, %dma_wait3A_115] : memref<4096x128xf32, #tpu.memory_space<hbm>> -> memref<4096x128xf32, #tpu.memory_space<hbm>>
    tpu.wait_indirect_dma semaphore(%arg7 : memref<!tpu.dma_semaphore, #tpu.memory_space<semaphore_mem>>) src(%dma_wait3A_116 : memref<4096x128xf32, #tpu.memory_space<hbm>>) dst(%dma_wait3A_110 : memref<128x128xf32, #tpu.memory_space<vmem>>)
    %add3A_117 = arith.constant 256 : i32
    %add3A_118 = arith.addi %mul3A_2, %add3A_117 : i32
    %dma_start3A_119 = arith.constant 2 : i32
    %dma_start3A_120 = arith.constant 0 : i32
    %dma_start3A_121 = arith.constant 0 : i32
    %dma_start3A_122 = tpu.memref_slice %arg6[%dma_start3A_119, %dma_start3A_120, %dma_start3A_121] : memref<4x128x128xf32, #tpu.memory_space<vmem>> -> memref<1x128x128xf32, #tpu.memory_space<vmem>>
    %dma_start3A_123 = tpu.memref_squeeze %dma_start3A_122 : memref<1x128x128xf32, #tpu.memory_space<vmem>> -> memref<128x128xf32, #tpu.memory_space<vmem>>
    %dma_start3A_124 = arith.constant 0 : i32
    %dma_start3A_125 = tpu.memref_slice %arg4[%add3A_118, %dma_start3A_124] : memref<16384x128xf32, #tpu.memory_space<hbm>> -> memref<128x128xf32, #tpu.memory_space<hbm>>
    %dma_start3A_126 = arith.constant 0 : i32
    %dma_start3A_127 = tpu.memref_slice %arg4[%add3A_118, %dma_start3A_126] : memref<16384x128xf32, #tpu.memory_space<hbm>> -> memref<128x128xf32, #tpu.memory_space<hbm>>
    %dma_start3A_128 = arith.constant 0 : i32
    %dma_start3A_129 = arith.constant 0 : i32
    %dma_start3A_130 = tpu.memref_slice %arg6[%dma_start3A_119, %dma_start3A_128, %dma_start3A_129] : memref<4x128x128xf32, #tpu.memory_space<vmem>> -> memref<1x128x128xf32, #tpu.memory_space<vmem>>
    %dma_start3A_131 = tpu.memref_squeeze %dma_start3A_130 : memref<1x128x128xf32, #tpu.memory_space<vmem>> -> memref<128x128xf32, #tpu.memory_space<vmem>>
    tpu.enqueue_dma source(%dma_start3A_131 : memref<128x128xf32, #tpu.memory_space<vmem>>) target(%dma_start3A_127 : memref<128x128xf32, #tpu.memory_space<hbm>>) target_semaphore(%arg8 : memref<!tpu.dma_semaphore, #tpu.memory_space<semaphore_mem>>)
    %dma_wait3A_132 = arith.constant 3 : i32
    %dma_wait3A_133 = arith.constant 3 : i32
    %dma_wait3A_134 = arith.constant 0 : i32
    %dma_wait3A_135 = arith.constant 0 : i32
    %dma_wait3A_136 = tpu.memref_slice %arg6[%dma_wait3A_133, %dma_wait3A_134, %dma_wait3A_135] : memref<4x128x128xf32, #tpu.memory_space<vmem>> -> memref<1x128x128xf32, #tpu.memory_space<vmem>>
    %dma_wait3A_137 = tpu.memref_squeeze %dma_wait3A_136 : memref<1x128x128xf32, #tpu.memory_space<vmem>> -> memref<128x128xf32, #tpu.memory_space<vmem>>
    %dma_wait3A_138 = arith.constant 0 : i32
    %dma_wait3A_139 = tpu.memref_slice %arg5[%dma_wait3A_132, %dma_wait3A_138] : memref<4x128xi32, #tpu.memory_space<vmem>> -> memref<1x128xi32, #tpu.memory_space<vmem>>
    %dma_wait3A_140 = tpu.memref_squeeze %dma_wait3A_139 : memref<1x128xi32, #tpu.memory_space<vmem>> -> memref<128xi32, #tpu.memory_space<vmem>>
    %dma_wait3A_141 = arith.constant 0 : i32
    %dma_wait3A_142 = arith.constant 0 : i32
    %dma_wait3A_143 = tpu.memref_slice %arg2[%dma_wait3A_141, %dma_wait3A_142] : memref<4096x128xf32, #tpu.memory_space<hbm>> -> memref<4096x128xf32, #tpu.memory_space<hbm>>
    tpu.wait_indirect_dma semaphore(%arg7 : memref<!tpu.dma_semaphore, #tpu.memory_space<semaphore_mem>>) src(%dma_wait3A_143 : memref<4096x128xf32, #tpu.memory_space<hbm>>) dst(%dma_wait3A_137 : memref<128x128xf32, #tpu.memory_space<vmem>>)
    %add3A_144 = arith.constant 384 : i32
    %add3A_145 = arith.addi %mul3A_2, %add3A_144 : i32
    %dma_start3A_146 = arith.constant 3 : i32
    %dma_start3A_147 = arith.constant 0 : i32
    %dma_start3A_148 = arith.constant 0 : i32
    %dma_start3A_149 = tpu.memref_slice %arg6[%dma_start3A_146, %dma_start3A_147, %dma_start3A_148] : memref<4x128x128xf32, #tpu.memory_space<vmem>> -> memref<1x128x128xf32, #tpu.memory_space<vmem>>
    %dma_start3A_150 = tpu.memref_squeeze %dma_start3A_149 : memref<1x128x128xf32, #tpu.memory_space<vmem>> -> memref<128x128xf32, #tpu.memory_space<vmem>>
    %dma_start3A_151 = arith.constant 0 : i32
    %dma_start3A_152 = tpu.memref_slice %arg4[%add3A_145, %dma_start3A_151] : memref<16384x128xf32, #tpu.memory_space<hbm>> -> memref<128x128xf32, #tpu.memory_space<hbm>>
    %dma_start3A_153 = arith.constant 0 : i32
    %dma_start3A_154 = tpu.memref_slice %arg4[%add3A_145, %dma_start3A_153] : memref<16384x128xf32, #tpu.memory_space<hbm>> -> memref<128x128xf32, #tpu.memory_space<hbm>>
    %dma_start3A_155 = arith.constant 0 : i32
    %dma_start3A_156 = arith.constant 0 : i32
    %dma_start3A_157 = tpu.memref_slice %arg6[%dma_start3A_146, %dma_start3A_155, %dma_start3A_156] : memref<4x128x128xf32, #tpu.memory_space<vmem>> -> memref<1x128x128xf32, #tpu.memory_space<vmem>>
    %dma_start3A_158 = tpu.memref_squeeze %dma_start3A_157 : memref<1x128x128xf32, #tpu.memory_space<vmem>> -> memref<128x128xf32, #tpu.memory_space<vmem>>
    tpu.enqueue_dma source(%dma_start3A_158 : memref<128x128xf32, #tpu.memory_space<vmem>>) target(%dma_start3A_154 : memref<128x128xf32, #tpu.memory_space<hbm>>) target_semaphore(%arg8 : memref<!tpu.dma_semaphore, #tpu.memory_space<semaphore_mem>>)
    %dma_wait3A_159 = arith.constant 0 : i32
    %dma_wait3A_160 = arith.constant 0 : i32
    %dma_wait3A_161 = arith.constant 0 : i32
    %dma_wait3A_162 = tpu.memref_slice %arg6[%dma_wait3A_159, %dma_wait3A_160, %dma_wait3A_161] : memref<4x128x128xf32, #tpu.memory_space<vmem>> -> memref<1x128x128xf32, #tpu.memory_space<vmem>>
    %dma_wait3A_163 = tpu.memref_squeeze %dma_wait3A_162 : memref<1x128x128xf32, #tpu.memory_space<vmem>> -> memref<128x128xf32, #tpu.memory_space<vmem>>
    %dma_wait3A_164 = arith.constant 0 : i32
    %dma_wait3A_165 = tpu.memref_slice %arg4[%add3A_52, %dma_wait3A_164] : memref<16384x128xf32, #tpu.memory_space<hbm>> -> memref<128x128xf32, #tpu.memory_space<hbm>>
    %dma_wait3A_166 = arith.constant 0 : i32
    %dma_wait3A_167 = tpu.memref_slice %arg4[%add3A_52, %dma_wait3A_166] : memref<16384x128xf32, #tpu.memory_space<hbm>> -> memref<128x128xf32, #tpu.memory_space<hbm>>
    %dma_wait3A_168 = arith.constant 0 : i32
    %dma_wait3A_169 = arith.constant 0 : i32
    %dma_wait3A_170 = tpu.memref_slice %arg6[%dma_wait3A_159, %dma_wait3A_168, %dma_wait3A_169] : memref<4x128x128xf32, #tpu.memory_space<vmem>> -> memref<1x128x128xf32, #tpu.memory_space<vmem>>
    %dma_wait3A_171 = tpu.memref_squeeze %dma_wait3A_170 : memref<1x128x128xf32, #tpu.memory_space<vmem>> -> memref<128x128xf32, #tpu.memory_space<vmem>>
    tpu.wait_dma2 semaphore(%arg8 : memref<!tpu.dma_semaphore, #tpu.memory_space<semaphore_mem>>) src(%dma_wait3A_171 : memref<128x128xf32, #tpu.memory_space<vmem>>) dst(%dma_wait3A_167 : memref<128x128xf32, #tpu.memory_space<hbm>>)
    %dma_wait3A_172 = arith.constant 1 : i32
    %dma_wait3A_173 = arith.constant 0 : i32
    %dma_wait3A_174 = arith.constant 0 : i32
    %dma_wait3A_175 = tpu.memref_slice %arg6[%dma_wait3A_172, %dma_wait3A_173, %dma_wait3A_174] : memref<4x128x128xf32, #tpu.memory_space<vmem>> -> memref<1x128x128xf32, #tpu.memory_space<vmem>>
    %dma_wait3A_176 = tpu.memref_squeeze %dma_wait3A_175 : memref<1x128x128xf32, #tpu.memory_space<vmem>> -> memref<128x128xf32, #tpu.memory_space<vmem>>
    %dma_wait3A_177 = arith.constant 0 : i32
    %dma_wait3A_178 = tpu.memref_slice %arg4[%add3A_91, %dma_wait3A_177] : memref<16384x128xf32, #tpu.memory_space<hbm>> -> memref<128x128xf32, #tpu.memory_space<hbm>>
    %dma_wait3A_179 = arith.constant 0 : i32
    %dma_wait3A_180 = tpu.memref_slice %arg4[%add3A_91, %dma_wait3A_179] : memref<16384x128xf32, #tpu.memory_space<hbm>> -> memref<128x128xf32, #tpu.memory_space<hbm>>
    %dma_wait3A_181 = arith.constant 0 : i32
    %dma_wait3A_182 = arith.constant 0 : i32
    %dma_wait3A_183 = tpu.memref_slice %arg6[%dma_wait3A_172, %dma_wait3A_181, %dma_wait3A_182] : memref<4x128x128xf32, #tpu.memory_space<vmem>> -> memref<1x128x128xf32, #tpu.memory_space<vmem>>
    %dma_wait3A_184 = tpu.memref_squeeze %dma_wait3A_183 : memref<1x128x128xf32, #tpu.memory_space<vmem>> -> memref<128x128xf32, #tpu.memory_space<vmem>>
    tpu.wait_dma2 semaphore(%arg8 : memref<!tpu.dma_semaphore, #tpu.memory_space<semaphore_mem>>) src(%dma_wait3A_184 : memref<128x128xf32, #tpu.memory_space<vmem>>) dst(%dma_wait3A_180 : memref<128x128xf32, #tpu.memory_space<hbm>>)
    %dma_wait3A_185 = arith.constant 2 : i32
    %dma_wait3A_186 = arith.constant 0 : i32
    %dma_wait3A_187 = arith.constant 0 : i32
    %dma_wait3A_188 = tpu.memref_slice %arg6[%dma_wait3A_185, %dma_wait3A_186, %dma_wait3A_187] : memref<4x128x128xf32, #tpu.memory_space<vmem>> -> memref<1x128x128xf32, #tpu.memory_space<vmem>>
    %dma_wait3A_189 = tpu.memref_squeeze %dma_wait3A_188 : memref<1x128x128xf32, #tpu.memory_space<vmem>> -> memref<128x128xf32, #tpu.memory_space<vmem>>
    %dma_wait3A_190 = arith.constant 0 : i32
    %dma_wait3A_191 = tpu.memref_slice %arg4[%add3A_118, %dma_wait3A_190] : memref<16384x128xf32, #tpu.memory_space<hbm>> -> memref<128x128xf32, #tpu.memory_space<hbm>>
    %dma_wait3A_192 = arith.constant 0 : i32
    %dma_wait3A_193 = tpu.memref_slice %arg4[%add3A_118, %dma_wait3A_192] : memref<16384x128xf32, #tpu.memory_space<hbm>> -> memref<128x128xf32, #tpu.memory_space<hbm>>
    %dma_wait3A_194 = arith.constant 0 : i32
    %dma_wait3A_195 = arith.constant 0 : i32
    %dma_wait3A_196 = tpu.memref_slice %arg6[%dma_wait3A_185, %dma_wait3A_194, %dma_wait3A_195] : memref<4x128x128xf32, #tpu.memory_space<vmem>> -> memref<1x128x128xf32, #tpu.memory_space<vmem>>
    %dma_wait3A_197 = tpu.memref_squeeze %dma_wait3A_196 : memref<1x128x128xf32, #tpu.memory_space<vmem>> -> memref<128x128xf32, #tpu.memory_space<vmem>>
    tpu.wait_dma2 semaphore(%arg8 : memref<!tpu.dma_semaphore, #tpu.memory_space<semaphore_mem>>) src(%dma_wait3A_197 : memref<128x128xf32, #tpu.memory_space<vmem>>) dst(%dma_wait3A_193 : memref<128x128xf32, #tpu.memory_space<hbm>>)
    %dma_wait3A_198 = arith.constant 3 : i32
    %dma_wait3A_199 = arith.constant 0 : i32
    %dma_wait3A_200 = arith.constant 0 : i32
    %dma_wait3A_201 = tpu.memref_slice %arg6[%dma_wait3A_198, %dma_wait3A_199, %dma_wait3A_200] : memref<4x128x128xf32, #tpu.memory_space<vmem>> -> memref<1x128x128xf32, #tpu.memory_space<vmem>>
    %dma_wait3A_202 = tpu.memref_squeeze %dma_wait3A_201 : memref<1x128x128xf32, #tpu.memory_space<vmem>> -> memref<128x128xf32, #tpu.memory_space<vmem>>
    %dma_wait3A_203 = arith.constant 0 : i32
    %dma_wait3A_204 = tpu.memref_slice %arg4[%add3A_145, %dma_wait3A_203] : memref<16384x128xf32, #tpu.memory_space<hbm>> -> memref<128x128xf32, #tpu.memory_space<hbm>>
    %dma_wait3A_205 = arith.constant 0 : i32
    %dma_wait3A_206 = tpu.memref_slice %arg4[%add3A_145, %dma_wait3A_205] : memref<16384x128xf32, #tpu.memory_space<hbm>> -> memref<128x128xf32, #tpu.memory_space<hbm>>
    %dma_wait3A_207 = arith.constant 0 : i32
    %dma_wait3A_208 = arith.constant 0 : i32
    %dma_wait3A_209 = tpu.memref_slice %arg6[%dma_wait3A_198, %dma_wait3A_207, %dma_wait3A_208] : memref<4x128x128xf32, #tpu.memory_space<vmem>> -> memref<1x128x128xf32, #tpu.memory_space<vmem>>
    %dma_wait3A_210 = tpu.memref_squeeze %dma_wait3A_209 : memref<1x128x128xf32, #tpu.memory_space<vmem>> -> memref<128x128xf32, #tpu.memory_space<vmem>>
    tpu.wait_dma2 semaphore(%arg8 : memref<!tpu.dma_semaphore, #tpu.memory_space<semaphore_mem>>) src(%dma_wait3A_210 : memref<128x128xf32, #tpu.memory_space<vmem>>) dst(%dma_wait3A_206 : memref<128x128xf32, #tpu.memory_space<hbm>>)
    return
  }
}

#map = affine_map<(d0, d1) -> (0, 0)>
module attributes {stable_mosaic.version = 14 : i64} {
  func.func @gath(%arg0: i32, %arg1: i32, %arg2: memref<4096x128xf32, #tpu.memory_space<hbm>>, %arg3: memref<128x128xi32, #tpu.memory_space<hbm>>, %arg4: memref<16384x128xf32, #tpu.memory_space<hbm>>, %arg5: memref<4x128xi32, #tpu.memory_space<vmem>>, %arg6: memref<4x128x128xf32, #tpu.memory_space<vmem>>, %arg7: memref<!tpu.dma_semaphore, #tpu.memory_space<semaphore_mem>>, %arg8: memref<!tpu.dma_semaphore, #tpu.memory_space<semaphore_mem>>) attributes {dimension_semantics = [#tpu.dimension_semantics<core_parallel>, #tpu.dimension_semantics<subcore_parallel>], iteration_bounds = array<i64: 2, 16>, scalar_prefetch = 0 : i64, scratch_operands = 4 : i64, tpu.core_type = #tpu.core_type<sc_vector_subcore>, window_params = [{transform_indices = #map}, {transform_indices = #map}, {transform_indices = #map}]} {
    %mul3A = arith.constant 2 : i32
    %mul3A_0 = arith.muli %arg1, %mul3A : i32
    %add3A = arith.addi %mul3A_0, %arg0 : i32
    %mul3A_1 = arith.constant 512 : i32
    %mul3A_2 = arith.muli %add3A, %mul3A_1 : i32
    %mul3A_3 = arith.constant 4 : i32
    %mul3A_4 = arith.muli %add3A, %mul3A_3 : i32
    "tpu.region"() ({
      %run_scoped3A = tpu.sem_alloc : memref<!tpu.dma_semaphore, #tpu.memory_space<semaphore_mem>>
      %dma_start3A_211 = arith.constant 0 : i32
      %dma_start3A_212 = tpu.memref_slice %arg3[%mul3A_4, %dma_start3A_211] : memref<128x128xi32, #tpu.memory_space<hbm>> -> memref<4x128xi32, #tpu.memory_space<hbm>>
      %dma_start3A_213 = arith.constant 0 : i32
      %dma_start3A_214 = tpu.memref_slice %arg3[%mul3A_4, %dma_start3A_213] : memref<128x128xi32, #tpu.memory_space<hbm>> -> memref<4x128xi32, #tpu.memory_space<hbm>>
      tpu.enqueue_dma source(%dma_start3A_214 : memref<4x128xi32, #tpu.memory_space<hbm>>) target(%arg5 : memref<4x128xi32, #tpu.memory_space<vmem>>) target_semaphore(%run_scoped3A : memref<!tpu.dma_semaphore, #tpu.memory_space<semaphore_mem>>)
      %dma_wait3A_215 = arith.constant 0 : i32
      %dma_wait3A_216 = tpu.memref_slice %arg3[%mul3A_4, %dma_wait3A_215] : memref<128x128xi32, #tpu.memory_space<hbm>> -> memref<4x128xi32, #tpu.memory_space<hbm>>
      %dma_wait3A_217 = arith.constant 0 : i32
      %dma_wait3A_218 = tpu.memref_slice %arg3[%mul3A_4, %dma_wait3A_217] : memref<128x128xi32, #tpu.memory_space<hbm>> -> memref<4x128xi32, #tpu.memory_space<hbm>>
      tpu.wait_dma2 semaphore(%run_scoped3A : memref<!tpu.dma_semaphore, #tpu.memory_space<semaphore_mem>>) src(%dma_wait3A_218 : memref<4x128xi32, #tpu.memory_space<hbm>>) dst(%arg5 : memref<4x128xi32, #tpu.memory_space<vmem>>)
      tpu.yield
    }) : () -> ()
    %dma_start3A = arith.constant 0 : i32
    %dma_start3A_5 = arith.constant 0 : i32
    %dma_start3A_6 = arith.constant 0 : i32
    %dma_start3A_7 = arith.constant 0 : i32
    %dma_start3A_8 = tpu.memref_slice %arg6[%dma_start3A_5, %dma_start3A_6, %dma_start3A_7] : memref<4x128x128xf32, #tpu.memory_space<vmem>> -> memref<1x128x128xf32, #tpu.memory_space<vmem>>
    %dma_start3A_9 = tpu.memref_squeeze %dma_start3A_8 : memref<1x128x128xf32, #tpu.memory_space<vmem>> -> memref<128x128xf32, #tpu.memory_space<vmem>>
    %dma_start3A_10 = arith.constant 0 : i32
    %dma_start3A_11 = tpu.memref_slice %arg5[%dma_start3A, %dma_start3A_10] : memref<4x128xi32, #tpu.memory_space<vmem>> -> memref<1x128xi32, #tpu.memory_space<vmem>>
    %dma_start3A_12 = tpu.memref_squeeze %dma_start3A_11 : memref<1x128xi32, #tpu.memory_space<vmem>> -> memref<128xi32, #tpu.memory_space<vmem>>
    %dma_start3A_13 = arith.constant 0 : i32
    %dma_start3A_14 = arith.constant 0 : i32
    %dma_start3A_15 = tpu.memref_slice %arg2[%dma_start3A_13, %dma_start3A_14] : memref<4096x128xf32, #tpu.memory_space<hbm>> -> memref<4096x128xf32, #tpu.memory_space<hbm>>
    tpu.enqueue_indirect_dma source(%dma_start3A_15 : memref<4096x128xf32, #tpu.memory_space<hbm>>) target(%dma_start3A_9 : memref<128x128xf32, #tpu.memory_space<vmem>>) offsets(%dma_start3A_12 : memref<128xi32, #tpu.memory_space<vmem>>) semaphore(%arg7 : memref<!tpu.dma_semaphore, #tpu.memory_space<semaphore_mem>>)
    %dma_start3A_16 = arith.constant 1 : i32
    %dma_start3A_17 = arith.constant 1 : i32
    %dma_start3A_18 = arith.constant 0 : i32
    %dma_start3A_19 = arith.constant 0 : i32
    %dma_start3A_20 = tpu.memref_slice %arg6[%dma_start3A_17, %dma_start3A_18, %dma_start3A_19] : memref<4x128x128xf32, #tpu.memory_space<vmem>> -> memref<1x128x128xf32, #tpu.memory_space<vmem>>
    %dma_start3A_21 = tpu.memref_squeeze %dma_start3A_20 : memref<1x128x128xf32, #tpu.memory_space<vmem>> -> memref<128x128xf32, #tpu.memory_space<vmem>>
    %dma_start3A_22 = arith.constant 0 : i32
    %dma_start3A_23 = tpu.memref_slice %arg5[%dma_start3A_16, %dma_start3A_22] : memref<4x128xi32, #tpu.memory_space<vmem>> -> memref<1x128xi32, #tpu.memory_space<vmem>>
    %dma_start3A_24 = tpu.memref_squeeze %dma_start3A_23 : memref<1x128xi32, #tpu.memory_space<vmem>> -> memref<128xi32, #tpu.memory_space<vmem>>
    %dma_start3A_25 = arith.constant 0 : i32
    %dma_start3A_26 = arith.constant 0 : i32
    %dma_start3A_27 = tpu.memref_slice %arg2[%dma_start3A_25, %dma_start3A_26] : memref<4096x128xf32, #tpu.memory_space<hbm>> -> memref<4096x128xf32, #tpu.memory_space<hbm>>
    tpu.enqueue_indirect_dma source(%dma_start3A_27 : memref<4096x128xf32, #tpu.memory_space<hbm>>) target(%dma_start3A_21 : memref<128x128xf32, #tpu.memory_space<vmem>>) offsets(%dma_start3A_24 : memref<128xi32, #tpu.memory_space<vmem>>) semaphore(%arg7 : memref<!tpu.dma_semaphore, #tpu.memory_space<semaphore_mem>>)
    %dma_start3A_28 = arith.constant 2 : i32
    %dma_start3A_29 = arith.constant 2 : i32
    %dma_start3A_30 = arith.constant 0 : i32
    %dma_start3A_31 = arith.constant 0 : i32
    %dma_start3A_32 = tpu.memref_slice %arg6[%dma_start3A_29, %dma_start3A_30, %dma_start3A_31] : memref<4x128x128xf32, #tpu.memory_space<vmem>> -> memref<1x128x128xf32, #tpu.memory_space<vmem>>
    %dma_start3A_33 = tpu.memref_squeeze %dma_start3A_32 : memref<1x128x128xf32, #tpu.memory_space<vmem>> -> memref<128x128xf32, #tpu.memory_space<vmem>>
    %dma_start3A_34 = arith.constant 0 : i32
    %dma_start3A_35 = tpu.memref_slice %arg5[%dma_start3A_28, %dma_start3A_34] : memref<4x128xi32, #tpu.memory_space<vmem>> -> memref<1x128xi32, #tpu.memory_space<vmem>>
    %dma_start3A_36 = tpu.memref_squeeze %dma_start3A_35 : memref<1x128xi32, #tpu.memory_space<vmem>> -> memref<128xi32, #tpu.memory_space<vmem>>
    %dma_start3A_37 = arith.constant 0 : i32
    %dma_start3A_38 = arith.constant 0 : i32
    %dma_start3A_39 = tpu.memref_slice %arg2[%dma_start3A_37, %dma_start3A_38] : memref<4096x128xf32, #tpu.memory_space<hbm>> -> memref<4096x128xf32, #tpu.memory_space<hbm>>
    tpu.enqueue_indirect_dma source(%dma_start3A_39 : memref<4096x128xf32, #tpu.memory_space<hbm>>) target(%dma_start3A_33 : memref<128x128xf32, #tpu.memory_space<vmem>>) offsets(%dma_start3A_36 : memref<128xi32, #tpu.memory_space<vmem>>) semaphore(%arg7 : memref<!tpu.dma_semaphore, #tpu.memory_space<semaphore_mem>>)
    %dma_wait3A = arith.constant 0 : i32
    %dma_wait3A_40 = arith.constant 0 : i32
    %dma_wait3A_41 = arith.constant 0 : i32
    %dma_wait3A_42 = arith.constant 0 : i32
    %dma_wait3A_43 = tpu.memref_slice %arg6[%dma_wait3A_40, %dma_wait3A_41, %dma_wait3A_42] : memref<4x128x128xf32, #tpu.memory_space<vmem>> -> memref<1x128x128xf32, #tpu.memory_space<vmem>>
    %dma_wait3A_44 = tpu.memref_squeeze %dma_wait3A_43 : memref<1x128x128xf32, #tpu.memory_space<vmem>> -> memref<128x128xf32, #tpu.memory_space<vmem>>
    %dma_wait3A_45 = arith.constant 0 : i32
    %dma_wait3A_46 = tpu.memref_slice %arg5[%dma_wait3A, %dma_wait3A_45] : memref<4x128xi32, #tpu.memory_space<vmem>> -> memref<1x128xi32, #tpu.memory_space<vmem>>
    %dma_wait3A_47 = tpu.memref_squeeze %dma_wait3A_46 : memref<1x128xi32, #tpu.memory_space<vmem>> -> memref<128xi32, #tpu.memory_space<vmem>>
    %dma_wait3A_48 = arith.constant 0 : i32
    %dma_wait3A_49 = arith.constant 0 : i32
    %dma_wait3A_50 = tpu.memref_slice %arg2[%dma_wait3A_48, %dma_wait3A_49] : memref<4096x128xf32, #tpu.memory_space<hbm>> -> memref<4096x128xf32, #tpu.memory_space<hbm>>
    tpu.wait_indirect_dma semaphore(%arg7 : memref<!tpu.dma_semaphore, #tpu.memory_space<semaphore_mem>>) src(%dma_wait3A_50 : memref<4096x128xf32, #tpu.memory_space<hbm>>) dst(%dma_wait3A_44 : memref<128x128xf32, #tpu.memory_space<vmem>>)
    %add3A_51 = arith.constant 0 : i32
    %add3A_52 = arith.addi %mul3A_2, %add3A_51 : i32
    %dma_start3A_53 = arith.constant 0 : i32
    %dma_start3A_54 = arith.constant 0 : i32
    %dma_start3A_55 = arith.constant 0 : i32
    %dma_start3A_56 = tpu.memref_slice %arg6[%dma_start3A_53, %dma_start3A_54, %dma_start3A_55] : memref<4x128x128xf32, #tpu.memory_space<vmem>> -> memref<1x128x128xf32, #tpu.memory_space<vmem>>
    %dma_start3A_57 = tpu.memref_squeeze %dma_start3A_56 : memref<1x128x128xf32, #tpu.memory_space<vmem>> -> memref<128x128xf32, #tpu.memory_space<vmem>>
    %dma_start3A_58 = arith.constant 0 : i32
    %dma_start3A_59 = tpu.memref_slice %arg4[%add3A_52, %dma_start3A_58] : memref<16384x128xf32, #tpu.memory_space<hbm>> -> memref<128x128xf32, #tpu.memory_space<hbm>>
    %dma_start3A_60 = arith.constant 0 : i32
    %dma_start3A_61 = tpu.memref_slice %arg4[%add3A_52, %dma_start3A_60] : memref<16384x128xf32, #tpu.memory_space<hbm>> -> memref<128x128xf32, #tpu.memory_space<hbm>>
    %dma_start3A_62 = arith.constant 0 : i32
    %dma_start3A_63 = arith.constant 0 : i32
    %dma_start3A_64 = tpu.memref_slice %arg6[%dma_start3A_53, %dma_start3A_62, %dma_start3A_63] : memref<4x128x128xf32, #tpu.memory_space<vmem>> -> memref<1x128x128xf32, #tpu.memory_space<vmem>>
    %dma_start3A_65 = tpu.memref_squeeze %dma_start3A_64 : memref<1x128x128xf32, #tpu.memory_space<vmem>> -> memref<128x128xf32, #tpu.memory_space<vmem>>
    tpu.enqueue_dma source(%dma_start3A_65 : memref<128x128xf32, #tpu.memory_space<vmem>>) target(%dma_start3A_61 : memref<128x128xf32, #tpu.memory_space<hbm>>) target_semaphore(%arg8 : memref<!tpu.dma_semaphore, #tpu.memory_space<semaphore_mem>>)
    %dma_start3A_66 = arith.constant 3 : i32
    %dma_start3A_67 = arith.constant 3 : i32
    %dma_start3A_68 = arith.constant 0 : i32
    %dma_start3A_69 = arith.constant 0 : i32
    %dma_start3A_70 = tpu.memref_slice %arg6[%dma_start3A_67, %dma_start3A_68, %dma_start3A_69] : memref<4x128x128xf32, #tpu.memory_space<vmem>> -> memref<1x128x128xf32, #tpu.memory_space<vmem>>
    %dma_start3A_71 = tpu.memref_squeeze %dma_start3A_70 : memref<1x128x128xf32, #tpu.memory_space<vmem>> -> memref<128x128xf32, #tpu.memory_space<vmem>>
    %dma_start3A_72 = arith.constant 0 : i32
    %dma_start3A_73 = tpu.memref_slice %arg5[%dma_start3A_66, %dma_start3A_72] : memref<4x128xi32, #tpu.memory_space<vmem>> -> memref<1x128xi32, #tpu.memory_space<vmem>>
    %dma_start3A_74 = tpu.memref_squeeze %dma_start3A_73 : memref<1x128xi32, #tpu.memory_space<vmem>> -> memref<128xi32, #tpu.memory_space<vmem>>
    %dma_start3A_75 = arith.constant 0 : i32
    %dma_start3A_76 = arith.constant 0 : i32
    %dma_start3A_77 = tpu.memref_slice %arg2[%dma_start3A_75, %dma_start3A_76] : memref<4096x128xf32, #tpu.memory_space<hbm>> -> memref<4096x128xf32, #tpu.memory_space<hbm>>
    tpu.enqueue_indirect_dma source(%dma_start3A_77 : memref<4096x128xf32, #tpu.memory_space<hbm>>) target(%dma_start3A_71 : memref<128x128xf32, #tpu.memory_space<vmem>>) offsets(%dma_start3A_74 : memref<128xi32, #tpu.memory_space<vmem>>) semaphore(%arg7 : memref<!tpu.dma_semaphore, #tpu.memory_space<semaphore_mem>>)
    %dma_wait3A_78 = arith.constant 1 : i32
    %dma_wait3A_79 = arith.constant 1 : i32
    %dma_wait3A_80 = arith.constant 0 : i32
    %dma_wait3A_81 = arith.constant 0 : i32
    %dma_wait3A_82 = tpu.memref_slice %arg6[%dma_wait3A_79, %dma_wait3A_80, %dma_wait3A_81] : memref<4x128x128xf32, #tpu.memory_space<vmem>> -> memref<1x128x128xf32, #tpu.memory_space<vmem>>
    %dma_wait3A_83 = tpu.memref_squeeze %dma_wait3A_82 : memref<1x128x128xf32, #tpu.memory_space<vmem>> -> memref<128x128xf32, #tpu.memory_space<vmem>>
    %dma_wait3A_84 = arith.constant 0 : i32
    %dma_wait3A_85 = tpu.memref_slice %arg5[%dma_wait3A_78, %dma_wait3A_84] : memref<4x128xi32, #tpu.memory_space<vmem>> -> memref<1x128xi32, #tpu.memory_space<vmem>>
    %dma_wait3A_86 = tpu.memref_squeeze %dma_wait3A_85 : memref<1x128xi32, #tpu.memory_space<vmem>> -> memref<128xi32, #tpu.memory_space<vmem>>
    %dma_wait3A_87 = arith.constant 0 : i32
    %dma_wait3A_88 = arith.constant 0 : i32
    %dma_wait3A_89 = tpu.memref_slice %arg2[%dma_wait3A_87, %dma_wait3A_88] : memref<4096x128xf32, #tpu.memory_space<hbm>> -> memref<4096x128xf32, #tpu.memory_space<hbm>>
    tpu.wait_indirect_dma semaphore(%arg7 : memref<!tpu.dma_semaphore, #tpu.memory_space<semaphore_mem>>) src(%dma_wait3A_89 : memref<4096x128xf32, #tpu.memory_space<hbm>>) dst(%dma_wait3A_83 : memref<128x128xf32, #tpu.memory_space<vmem>>)
    %add3A_90 = arith.constant 128 : i32
    %add3A_91 = arith.addi %mul3A_2, %add3A_90 : i32
    %dma_start3A_92 = arith.constant 1 : i32
    %dma_start3A_93 = arith.constant 0 : i32
    %dma_start3A_94 = arith.constant 0 : i32
    %dma_start3A_95 = tpu.memref_slice %arg6[%dma_start3A_92, %dma_start3A_93, %dma_start3A_94] : memref<4x128x128xf32, #tpu.memory_space<vmem>> -> memref<1x128x128xf32, #tpu.memory_space<vmem>>
    %dma_start3A_96 = tpu.memref_squeeze %dma_start3A_95 : memref<1x128x128xf32, #tpu.memory_space<vmem>> -> memref<128x128xf32, #tpu.memory_space<vmem>>
    %dma_start3A_97 = arith.constant 0 : i32
    %dma_start3A_98 = tpu.memref_slice %arg4[%add3A_91, %dma_start3A_97] : memref<16384x128xf32, #tpu.memory_space<hbm>> -> memref<128x128xf32, #tpu.memory_space<hbm>>
    %dma_start3A_99 = arith.constant 0 : i32
    %dma_start3A_100 = tpu.memref_slice %arg4[%add3A_91, %dma_start3A_99] : memref<16384x128xf32, #tpu.memory_space<hbm>> -> memref<128x128xf32, #tpu.memory_space<hbm>>
    %dma_start3A_101 = arith.constant 0 : i32
    %dma_start3A_102 = arith.constant 0 : i32
    %dma_start3A_103 = tpu.memref_slice %arg6[%dma_start3A_92, %dma_start3A_101, %dma_start3A_102] : memref<4x128x128xf32, #tpu.memory_space<vmem>> -> memref<1x128x128xf32, #tpu.memory_space<vmem>>
    %dma_start3A_104 = tpu.memref_squeeze %dma_start3A_103 : memref<1x128x128xf32, #tpu.memory_space<vmem>> -> memref<128x128xf32, #tpu.memory_space<vmem>>
    tpu.enqueue_dma source(%dma_start3A_104 : memref<128x128xf32, #tpu.memory_space<vmem>>) target(%dma_start3A_100 : memref<128x128xf32, #tpu.memory_space<hbm>>) target_semaphore(%arg8 : memref<!tpu.dma_semaphore, #tpu.memory_space<semaphore_mem>>)
    %dma_wait3A_105 = arith.constant 2 : i32
    %dma_wait3A_106 = arith.constant 2 : i32
    %dma_wait3A_107 = arith.constant 0 : i32
    %dma_wait3A_108 = arith.constant 0 : i32
    %dma_wait3A_109 = tpu.memref_slice %arg6[%dma_wait3A_106, %dma_wait3A_107, %dma_wait3A_108] : memref<4x128x128xf32, #tpu.memory_space<vmem>> -> memref<1x128x128xf32, #tpu.memory_space<vmem>>
    %dma_wait3A_110 = tpu.memref_squeeze %dma_wait3A_109 : memref<1x128x128xf32, #tpu.memory_space<vmem>> -> memref<128x128xf32, #tpu.memory_space<vmem>>
    %dma_wait3A_111 = arith.constant 0 : i32
    %dma_wait3A_112 = tpu.memref_slice %arg5[%dma_wait3A_105, %dma_wait3A_111] : memref<4x128xi32, #tpu.memory_space<vmem>> -> memref<1x128xi32, #tpu.memory_space<vmem>>
    %dma_wait3A_113 = tpu.memref_squeeze %dma_wait3A_112 : memref<1x128xi32, #tpu.memory_space<vmem>> -> memref<128xi32, #tpu.memory_space<vmem>>
    %dma_wait3A_114 = arith.constant 0 : i32
    %dma_wait3A_115 = arith.constant 0 : i32
    %dma_wait3A_116 = tpu.memref_slice %arg2[%dma_wait3A_114, %dma_wait3A_115] : memref<4096x128xf32, #tpu.memory_space<hbm>> -> memref<4096x128xf32, #tpu.memory_space<hbm>>
    tpu.wait_indirect_dma semaphore(%arg7 : memref<!tpu.dma_semaphore, #tpu.memory_space<semaphore_mem>>) src(%dma_wait3A_116 : memref<4096x128xf32, #tpu.memory_space<hbm>>) dst(%dma_wait3A_110 : memref<128x128xf32, #tpu.memory_space<vmem>>)
    %add3A_117 = arith.constant 256 : i32
    %add3A_118 = arith.addi %mul3A_2, %add3A_117 : i32
    %dma_start3A_119 = arith.constant 2 : i32
    %dma_start3A_120 = arith.constant 0 : i32
    %dma_start3A_121 = arith.constant 0 : i32
    %dma_start3A_122 = tpu.memref_slice %arg6[%dma_start3A_119, %dma_start3A_120, %dma_start3A_121] : memref<4x128x128xf32, #tpu.memory_space<vmem>> -> memref<1x128x128xf32, #tpu.memory_space<vmem>>
    %dma_start3A_123 = tpu.memref_squeeze %dma_start3A_122 : memref<1x128x128xf32, #tpu.memory_space<vmem>> -> memref<128x128xf32, #tpu.memory_space<vmem>>
    %dma_start3A_124 = arith.constant 0 : i32
    %dma_start3A_125 = tpu.memref_slice %arg4[%add3A_118, %dma_start3A_124] : memref<16384x128xf32, #tpu.memory_space<hbm>> -> memref<128x128xf32, #tpu.memory_space<hbm>>
    %dma_start3A_126 = arith.constant 0 : i32
    %dma_start3A_127 = tpu.memref_slice %arg4[%add3A_118, %dma_start3A_126] : memref<16384x128xf32, #tpu.memory_space<hbm>> -> memref<128x128xf32, #tpu.memory_space<hbm>>
    %dma_start3A_128 = arith.constant 0 : i32
    %dma_start3A_129 = arith.constant 0 : i32
    %dma_start3A_130 = tpu.memref_slice %arg6[%dma_start3A_119, %dma_start3A_128, %dma_start3A_129] : memref<4x128x128xf32, #tpu.memory_space<vmem>> -> memref<1x128x128xf32, #tpu.memory_space<vmem>>
    %dma_start3A_131 = tpu.memref_squeeze %dma_start3A_130 : memref<1x128x128xf32, #tpu.memory_space<vmem>> -> memref<128x128xf32, #tpu.memory_space<vmem>>
    tpu.enqueue_dma source(%dma_start3A_131 : memref<128x128xf32, #tpu.memory_space<vmem>>) target(%dma_start3A_127 : memref<128x128xf32, #tpu.memory_space<hbm>>) target_semaphore(%arg8 : memref<!tpu.dma_semaphore, #tpu.memory_space<semaphore_mem>>)
    %dma_wait3A_132 = arith.constant 3 : i32
    %dma_wait3A_133 = arith.constant 3 : i32
    %dma_wait3A_134 = arith.constant 0 : i32
    %dma_wait3A_135 = arith.constant 0 : i32
    %dma_wait3A_136 = tpu.memref_slice %arg6[%dma_wait3A_133, %dma_wait3A_134, %dma_wait3A_135] : memref<4x128x128xf32, #tpu.memory_space<vmem>> -> memref<1x128x128xf32, #tpu.memory_space<vmem>>
    %dma_wait3A_137 = tpu.memref_squeeze %dma_wait3A_136 : memref<1x128x128xf32, #tpu.memory_space<vmem>> -> memref<128x128xf32, #tpu.memory_space<vmem>>
    %dma_wait3A_138 = arith.constant 0 : i32
    %dma_wait3A_139 = tpu.memref_slice %arg5[%dma_wait3A_132, %dma_wait3A_138] : memref<4x128xi32, #tpu.memory_space<vmem>> -> memref<1x128xi32, #tpu.memory_space<vmem>>
    %dma_wait3A_140 = tpu.memref_squeeze %dma_wait3A_139 : memref<1x128xi32, #tpu.memory_space<vmem>> -> memref<128xi32, #tpu.memory_space<vmem>>
    %dma_wait3A_141 = arith.constant 0 : i32
    %dma_wait3A_142 = arith.constant 0 : i32
    %dma_wait3A_143 = tpu.memref_slice %arg2[%dma_wait3A_141, %dma_wait3A_142] : memref<4096x128xf32, #tpu.memory_space<hbm>> -> memref<4096x128xf32, #tpu.memory_space<hbm>>
    tpu.wait_indirect_dma semaphore(%arg7 : memref<!tpu.dma_semaphore, #tpu.memory_space<semaphore_mem>>) src(%dma_wait3A_143 : memref<4096x128xf32, #tpu.memory_space<hbm>>) dst(%dma_wait3A_137 : memref<128x128xf32, #tpu.memory_space<vmem>>)
    %add3A_144 = arith.constant 384 : i32
    %add3A_145 = arith.addi %mul3A_2, %add3A_144 : i32
    %dma_start3A_146 = arith.constant 3 : i32
    %dma_start3A_147 = arith.constant 0 : i32
    %dma_start3A_148 = arith.constant 0 : i32
    %dma_start3A_149 = tpu.memref_slice %arg6[%dma_start3A_146, %dma_start3A_147, %dma_start3A_148] : memref<4x128x128xf32, #tpu.memory_space<vmem>> -> memref<1x128x128xf32, #tpu.memory_space<vmem>>
    %dma_start3A_150 = tpu.memref_squeeze %dma_start3A_149 : memref<1x128x128xf32, #tpu.memory_space<vmem>> -> memref<128x128xf32, #tpu.memory_space<vmem>>
    %dma_start3A_151 = arith.constant 0 : i32
    %dma_start3A_152 = tpu.memref_slice %arg4[%add3A_145, %dma_start3A_151] : memref<16384x128xf32, #tpu.memory_space<hbm>> -> memref<128x128xf32, #tpu.memory_space<hbm>>
    %dma_start3A_153 = arith.constant 0 : i32
    %dma_start3A_154 = tpu.memref_slice %arg4[%add3A_145, %dma_start3A_153] : memref<16384x128xf32, #tpu.memory_space<hbm>> -> memref<128x128xf32, #tpu.memory_space<hbm>>
    %dma_start3A_155 = arith.constant 0 : i32
    %dma_start3A_156 = arith.constant 0 : i32
    %dma_start3A_157 = tpu.memref_slice %arg6[%dma_start3A_146, %dma_start3A_155, %dma_start3A_156] : memref<4x128x128xf32, #tpu.memory_space<vmem>> -> memref<1x128x128xf32, #tpu.memory_space<vmem>>
    %dma_start3A_158 = tpu.memref_squeeze %dma_start3A_157 : memref<1x128x128xf32, #tpu.memory_space<vmem>> -> memref<128x128xf32, #tpu.memory_space<vmem>>
    tpu.enqueue_dma source(%dma_start3A_158 : memref<128x128xf32, #tpu.memory_space<vmem>>) target(%dma_start3A_154 : memref<128x128xf32, #tpu.memory_space<hbm>>) target_semaphore(%arg8 : memref<!tpu.dma_semaphore, #tpu.memory_space<semaphore_mem>>)
    %dma_wait3A_159 = arith.constant 0 : i32
    %dma_wait3A_160 = arith.constant 0 : i32
    %dma_wait3A_161 = arith.constant 0 : i32
    %dma_wait3A_162 = tpu.memref_slice %arg6[%dma_wait3A_159, %dma_wait3A_160, %dma_wait3A_161] : memref<4x128x128xf32, #tpu.memory_space<vmem>> -> memref<1x128x128xf32, #tpu.memory_space<vmem>>
    %dma_wait3A_163 = tpu.memref_squeeze %dma_wait3A_162 : memref<1x128x128xf32, #tpu.memory_space<vmem>> -> memref<128x128xf32, #tpu.memory_space<vmem>>
    %dma_wait3A_164 = arith.constant 0 : i32
    %dma_wait3A_165 = tpu.memref_slice %arg4[%add3A_52, %dma_wait3A_164] : memref<16384x128xf32, #tpu.memory_space<hbm>> -> memref<128x128xf32, #tpu.memory_space<hbm>>
    %dma_wait3A_166 = arith.constant 0 : i32
    %dma_wait3A_167 = tpu.memref_slice %arg4[%add3A_52, %dma_wait3A_166] : memref<16384x128xf32, #tpu.memory_space<hbm>> -> memref<128x128xf32, #tpu.memory_space<hbm>>
    %dma_wait3A_168 = arith.constant 0 : i32
    %dma_wait3A_169 = arith.constant 0 : i32
    %dma_wait3A_170 = tpu.memref_slice %arg6[%dma_wait3A_159, %dma_wait3A_168, %dma_wait3A_169] : memref<4x128x128xf32, #tpu.memory_space<vmem>> -> memref<1x128x128xf32, #tpu.memory_space<vmem>>
    %dma_wait3A_171 = tpu.memref_squeeze %dma_wait3A_170 : memref<1x128x128xf32, #tpu.memory_space<vmem>> -> memref<128x128xf32, #tpu.memory_space<vmem>>
    tpu.wait_dma2 semaphore(%arg8 : memref<!tpu.dma_semaphore, #tpu.memory_space<semaphore_mem>>) src(%dma_wait3A_171 : memref<128x128xf32, #tpu.memory_space<vmem>>) dst(%dma_wait3A_167 : memref<128x128xf32, #tpu.memory_space<hbm>>)
    %dma_wait3A_172 = arith.constant 1 : i32
    %dma_wait3A_173 = arith.constant 0 : i32
    %dma_wait3A_174 = arith.constant 0 : i32
    %dma_wait3A_175 = tpu.memref_slice %arg6[%dma_wait3A_172, %dma_wait3A_173, %dma_wait3A_174] : memref<4x128x128xf32, #tpu.memory_space<vmem>> -> memref<1x128x128xf32, #tpu.memory_space<vmem>>
    %dma_wait3A_176 = tpu.memref_squeeze %dma_wait3A_175 : memref<1x128x128xf32, #tpu.memory_space<vmem>> -> memref<128x128xf32, #tpu.memory_space<vmem>>
    %dma_wait3A_177 = arith.constant 0 : i32
    %dma_wait3A_178 = tpu.memref_slice %arg4[%add3A_91, %dma_wait3A_177] : memref<16384x128xf32, #tpu.memory_space<hbm>> -> memref<128x128xf32, #tpu.memory_space<hbm>>
    %dma_wait3A_179 = arith.constant 0 : i32
    %dma_wait3A_180 = tpu.memref_slice %arg4[%add3A_91, %dma_wait3A_179] : memref<16384x128xf32, #tpu.memory_space<hbm>> -> memref<128x128xf32, #tpu.memory_space<hbm>>
    %dma_wait3A_181 = arith.constant 0 : i32
    %dma_wait3A_182 = arith.constant 0 : i32
    %dma_wait3A_183 = tpu.memref_slice %arg6[%dma_wait3A_172, %dma_wait3A_181, %dma_wait3A_182] : memref<4x128x128xf32, #tpu.memory_space<vmem>> -> memref<1x128x128xf32, #tpu.memory_space<vmem>>
    %dma_wait3A_184 = tpu.memref_squeeze %dma_wait3A_183 : memref<1x128x128xf32, #tpu.memory_space<vmem>> -> memref<128x128xf32, #tpu.memory_space<vmem>>
    tpu.wait_dma2 semaphore(%arg8 : memref<!tpu.dma_semaphore, #tpu.memory_space<semaphore_mem>>) src(%dma_wait3A_184 : memref<128x128xf32, #tpu.memory_space<vmem>>) dst(%dma_wait3A_180 : memref<128x128xf32, #tpu.memory_space<hbm>>)
    %dma_wait3A_185 = arith.constant 2 : i32
    %dma_wait3A_186 = arith.constant 0 : i32
    %dma_wait3A_187 = arith.constant 0 : i32
    %dma_wait3A_188 = tpu.memref_slice %arg6[%dma_wait3A_185, %dma_wait3A_186, %dma_wait3A_187] : memref<4x128x128xf32, #tpu.memory_space<vmem>> -> memref<1x128x128xf32, #tpu.memory_space<vmem>>
    %dma_wait3A_189 = tpu.memref_squeeze %dma_wait3A_188 : memref<1x128x128xf32, #tpu.memory_space<vmem>> -> memref<128x128xf32, #tpu.memory_space<vmem>>
    %dma_wait3A_190 = arith.constant 0 : i32
    %dma_wait3A_191 = tpu.memref_slice %arg4[%add3A_118, %dma_wait3A_190] : memref<16384x128xf32, #tpu.memory_space<hbm>> -> memref<128x128xf32, #tpu.memory_space<hbm>>
    %dma_wait3A_192 = arith.constant 0 : i32
    %dma_wait3A_193 = tpu.memref_slice %arg4[%add3A_118, %dma_wait3A_192] : memref<16384x128xf32, #tpu.memory_space<hbm>> -> memref<128x128xf32, #tpu.memory_space<hbm>>
    %dma_wait3A_194 = arith.constant 0 : i32
    %dma_wait3A_195 = arith.constant 0 : i32
    %dma_wait3A_196 = tpu.memref_slice %arg6[%dma_wait3A_185, %dma_wait3A_194, %dma_wait3A_195] : memref<4x128x128xf32, #tpu.memory_space<vmem>> -> memref<1x128x128xf32, #tpu.memory_space<vmem>>
    %dma_wait3A_197 = tpu.memref_squeeze %dma_wait3A_196 : memref<1x128x128xf32, #tpu.memory_space<vmem>> -> memref<128x128xf32, #tpu.memory_space<vmem>>
    tpu.wait_dma2 semaphore(%arg8 : memref<!tpu.dma_semaphore, #tpu.memory_space<semaphore_mem>>) src(%dma_wait3A_197 : memref<128x128xf32, #tpu.memory_space<vmem>>) dst(%dma_wait3A_193 : memref<128x128xf32, #tpu.memory_space<hbm>>)
    %dma_wait3A_198 = arith.constant 3 : i32
    %dma_wait3A_199 = arith.constant 0 : i32
    %dma_wait3A_200 = arith.constant 0 : i32
    %dma_wait3A_201 = tpu.memref_slice %arg6[%dma_wait3A_198, %dma_wait3A_199, %dma_wait3A_200] : memref<4x128x128xf32, #tpu.memory_space<vmem>> -> memref<1x128x128xf32, #tpu.memory_space<vmem>>
    %dma_wait3A_202 = tpu.memref_squeeze %dma_wait3A_201 : memref<1x128x128xf32, #tpu.memory_space<vmem>> -> memref<128x128xf32, #tpu.memory_space<vmem>>
    %dma_wait3A_203 = arith.constant 0 : i32
    %dma_wait3A_204 = tpu.memref_slice %arg4[%add3A_145, %dma_wait3A_203] : memref<16384x128xf32, #tpu.memory_space<hbm>> -> memref<128x128xf32, #tpu.memory_space<hbm>>
    %dma_wait3A_205 = arith.constant 0 : i32
    %dma_wait3A_206 = tpu.memref_slice %arg4[%add3A_145, %dma_wait3A_205] : memref<16384x128xf32, #tpu.memory_space<hbm>> -> memref<128x128xf32, #tpu.memory_space<hbm>>
    %dma_wait3A_207 = arith.constant 0 : i32
    %dma_wait3A_208 = arith.constant 0 : i32
    %dma_wait3A_209 = tpu.memref_slice %arg6[%dma_wait3A_198, %dma_wait3A_207, %dma_wait3A_208] : memref<4x128x128xf32, #tpu.memory_space<vmem>> -> memref<1x128x128xf32, #tpu.memory_space<vmem>>
    %dma_wait3A_210 = tpu.memref_squeeze %dma_wait3A_209 : memref<1x128x128xf32, #tpu.memory_space<vmem>> -> memref<128x128xf32, #tpu.memory_space<vmem>>
    tpu.wait_dma2 semaphore(%arg8 : memref<!tpu.dma_semaphore, #tpu.memory_space<semaphore_mem>>) src(%dma_wait3A_210 : memref<128x128xf32, #tpu.memory_space<vmem>>) dst(%dma_wait3A_206 : memref<128x128xf32, #tpu.memory_space<hbm>>)
    return
  }
}

module attributes {stable_mosaic.version = 14 : i64} {
  func.func @_table_body(%arg0: i32, %arg1: i32, %arg2: memref<1x96x512xf32, #tpu.memory_space<vmem>>, %arg3: memref<1x512x128xf32, #tpu.memory_space<vmem>>) attributes {dimension_semantics = [#tpu.dimension_semantics<arbitrary>, #tpu.dimension_semantics<arbitrary>], iteration_bounds = array<i64: 2, 8>, scalar_prefetch = 0 : i64, scratch_operands = 0 : i64, tpu.core_type = #tpu.core_type<tc>, window_params = [{transform_indices = @transform_0, window_bounds = array<i64: 1, 96, 512>}, {transform_indices = @transform_1, window_bounds = array<i64: 1, 512, 128>}]} {
    %get3A = arith.constant 0 : index
    %get3A_0 = arith.constant 0 : index
    %get3A_1 = arith.constant 0 : index
    %get3A_2 = vector.load %arg2[%get3A, %get3A_0, %get3A_1] : memref<1x96x512xf32, #tpu.memory_space<vmem>>, vector<1x96x512xf32>
    %get3A_3 = vector.shape_cast %get3A_2 : vector<1x96x512xf32> to vector<96x512xf32>
    %transpose3A = tpu.transpose %get3A_3, [1, 0] : vector<96x512xf32> -> vector<512x96xf32>
    %broadcast_in_dim3A = arith.constant 0.000000e+00 : f32
    %broadcast_in_dim3A_4 = vector.broadcast %broadcast_in_dim3A : f32 to vector<512x32xf32>
    %concatenate3A = tpu.concatenate %transpose3A, %broadcast_in_dim3A_4 in 1 : vector<512x96xf32>, vector<512x32xf32> -> vector<512x128xf32>
    %swap3A = arith.constant 0 : index
    %swap3A_5 = arith.constant 0 : index
    %swap3A_6 = arith.constant 0 : index
    %swap3A_7 = vector.load %arg3[%swap3A, %swap3A_5, %swap3A_6] : memref<1x512x128xf32, #tpu.memory_space<vmem>>, vector<1x512x128xf32>
    %swap3A_8 = vector.shape_cast %swap3A_7 : vector<1x512x128xf32> to vector<512x128xf32>
    %swap3A_9 = vector.shape_cast %concatenate3A : vector<512x128xf32> to vector<1x512x128xf32>
    tpu.vector_store %arg3[%swap3A, %swap3A_5, %swap3A_6], %swap3A_9 {strides = array<i32>} : memref<1x512x128xf32, #tpu.memory_space<vmem>>, vector<1x512x128xf32>,
    return
  }
  func.func @transform_0(%arg0: i32, %arg1: i32) -> (i32, i32, i32) {
    %c0_i32 = arith.constant 0 : i32
    %c0_i32_0 = arith.constant 0 : i32
    return %arg0, %c0_i32, %arg1 : i32, i32, i32
  }
  func.func @transform_1(%arg0: i32, %arg1: i32) -> (i32, i32, i32) {
    %c0_i32 = arith.constant 0 : i32
    %c0_i32_0 = arith.constant 0 : i32
    return %arg0, %arg1, %c0_i32 : i32, i32, i32
  }
}

module attributes {stable_mosaic.version = 14 : i64} {
  func.func @_topk_body(%arg0: i32, %arg1: memref<1x96x512xf32, #tpu.memory_space<vmem>>, %arg2: memref<1x96x4096xf32, #tpu.memory_space<vmem>>, %arg3: memref<1x8x512xi32, #tpu.memory_space<vmem>>) attributes {dimension_semantics = [#tpu.dimension_semantics<arbitrary>], iteration_bounds = array<i64: 4>, scalar_prefetch = 0 : i64, scratch_operands = 0 : i64, tpu.core_type = #tpu.core_type<tc>, window_params = [{transform_indices = @transform_0, window_bounds = array<i64: 1, 96, 512>}, {transform_indices = @transform_1, window_bounds = array<i64: 1, 96, 4096>}, {transform_indices = @transform_2, window_bounds = array<i64: 1, 8, 512>}]} {
    %get3A = arith.constant 0 : index
    %get3A_0 = arith.constant 0 : index
    %get3A_1 = arith.constant 0 : index
    %get3A_2 = vector.load %arg1[%get3A, %get3A_0, %get3A_1] : memref<1x96x512xf32, #tpu.memory_space<vmem>>, vector<1x96x512xf32>
    %get3A_3 = vector.shape_cast %get3A_2 : vector<1x96x512xf32> to vector<96x512xf32>
    %get3A_4 = arith.constant 0 : index
    %get3A_5 = arith.constant 0 : index
    %get3A_6 = arith.constant 0 : index
    %get3A_7 = vector.load %arg2[%get3A_4, %get3A_5, %get3A_6] : memref<1x96x4096xf32, #tpu.memory_space<vmem>>, vector<1x96x4096xf32>
    %get3A_8 = vector.shape_cast %get3A_7 : vector<1x96x4096xf32> to vector<96x4096xf32>
    %dot_general3A = arith.constant dense<0.000000e+00> : vector<512x4096xf32>
    %dot_general3A_9 = tpu.matmul %get3A_3, %get3A_8, %dot_general3A {dimension_numbers = #tpu.dot_dimension_numbers<[0], [0], [1], [1], [0, 1, 1, 1], [], []>, transpose_lhs_hint = false} : vector<96x512xf32>, vector<96x4096xf32>, vector<512x4096xf32> -> vector<512x4096xf32>
    %mul3A = arith.mulf %get3A_8, %get3A_8 : vector<96x4096xf32>
    %reduce_sum3A = arith.constant dense<0.000000e+00> : vector<4096xf32>
    %reduce_sum3A_10 = vector.multi_reduction <add>, %mul3A, %reduce_sum3A [0] : vector<96x4096xf32> to vector<4096xf32>
    %broadcast_in_dim3A = vector.shape_cast %reduce_sum3A_10 : vector<4096xf32> to vector<1x4096xf32>
    %mul3A_11 = arith.constant 2.000000e+00 : f32
    %mul3A_12 = vector.broadcast %mul3A_11 : f32 to vector<512x4096xf32>
    %mul3A_13 = arith.mulf %mul3A_12, %dot_general3A_9 : vector<512x4096xf32>
    %sub3A = vector.broadcast %broadcast_in_dim3A : vector<1x4096xf32> to vector<512x4096xf32>
    %sub3A_14 = arith.subf %sub3A, %mul3A_13 : vector<512x4096xf32>
    %iota3A = tpu.iota {dimensions = array<i32: 1>} : vector<512x4096xi32>
    %mul3A_15 = arith.constant 512 : i32
    %mul3A_16 = arith.muli %arg0, %mul3A_15 : i32
    %add3A = arith.constant 0 : i32
    %add3A_17 = arith.addi %add3A, %mul3A_16 : i32
    %iota3A_18 = tpu.iota {dimensions = array<i32: 0>} : vector<512x4096xi32>
    %add3A_19 = vector.broadcast %add3A_17 : i32 to vector<512x4096xi32>
    %add3A_20 = arith.addi %add3A_19, %iota3A_18 : vector<512x4096xi32>
    %eq3A = arith.cmpi eq, %iota3A, %add3A_20 : vector<512x4096xi32>
    %jit3A = arith.constant 0x7F800000 : f32
    %broadcast_in_dim3A_21 = vector.broadcast %jit3A : f32 to vector<512x4096xf32>
    %select_n3A = arith.select %eq3A, %broadcast_in_dim3A_21, %sub3A_14 : vector<512x4096xi1>, vector<512x4096xf32>
    %convert_element_type3A = arith.sitofp %iota3A : vector<512x4096xi32> to vector<512x4096xf32>
    %iota3A_22 = tpu.iota {dimensions = array<i32: 1>} : vector<512x8xi32>
    %broadcast_in_dim3A_23 = arith.constant 0.000000e+00 : f32
    %broadcast_in_dim3A_24 = vector.broadcast %broadcast_in_dim3A_23 : f32 to vector<512x8xf32>
    %reduce_min3A = arith.constant dense<0x7F800000> : vector<512xf32>
    %reduce_min3A_25 = vector.multi_reduction <minimumf>, %select_n3A, %reduce_min3A [1] : vector<512x4096xf32> to vector<512xf32>
    %broadcast_in_dim3A_26 = vector.shape_cast %reduce_min3A_25 : vector<512xf32> to vector<512x1xf32>
    %eq3A_27 = vector.broadcast %broadcast_in_dim3A_26 : vector<512x1xf32> to vector<512x4096xf32>
    %eq3A_28 = arith.cmpf oeq, %select_n3A, %eq3A_27 : vector<512x4096xf32>
    %jit3A_29 = arith.constant 0x7F800000 : f32
    %broadcast_in_dim3A_30 = vector.broadcast %jit3A_29 : f32 to vector<512x4096xf32>
    %select_n3A_31 = arith.select %eq3A_28, %convert_element_type3A, %broadcast_in_dim3A_30 : vector<512x4096xi1>, vector<512x4096xf32>
    %reduce_min3A_32 = arith.constant dense<0x7F800000> : vector<512xf32>
    %reduce_min3A_33 = vector.multi_reduction <minimumf>, %select_n3A_31, %reduce_min3A_32 [1] : vector<512x4096xf32> to vector<512xf32>
    %broadcast_in_dim3A_34 = vector.shape_cast %reduce_min3A_33 : vector<512xf32> to vector<512x1xf32>
    %eq3A_35 = arith.constant 0 : i32
    %eq3A_36 = vector.broadcast %eq3A_35 : i32 to vector<512x8xi32>
    %eq3A_37 = arith.cmpi eq, %iota3A_22, %eq3A_36 : vector<512x8xi32>
    %broadcast_in_dim3A_38 = vector.shape_cast %broadcast_in_dim3A_34 : vector<512x1xf32> to vector<512x1xf32>
    %broadcast_in_dim3A_39 = vector.broadcast %broadcast_in_dim3A_38 : vector<512x1xf32> to vector<512x8xf32>
    %select_n3A_40 = arith.select %eq3A_37, %broadcast_in_dim3A_39, %broadcast_in_dim3A_24 : vector<512x8xi1>, vector<512x8xf32>
    %eq3A_41 = vector.broadcast %broadcast_in_dim3A_34 : vector<512x1xf32> to vector<512x4096xf32>
    %eq3A_42 = arith.cmpf oeq, %convert_element_type3A, %eq3A_41 : vector<512x4096xf32>
    %jit3A_43 = arith.constant 0x7F800000 : f32
    %broadcast_in_dim3A_44 = vector.broadcast %jit3A_43 : f32 to vector<512x4096xf32>
    %select_n3A_45 = arith.select %eq3A_42, %broadcast_in_dim3A_44, %select_n3A : vector<512x4096xi1>, vector<512x4096xf32>
    %reduce_min3A_46 = arith.constant dense<0x7F800000> : vector<512xf32>
    %reduce_min3A_47 = vector.multi_reduction <minimumf>, %select_n3A_45, %reduce_min3A_46 [1] : vector<512x4096xf32> to vector<512xf32>
    %broadcast_in_dim3A_48 = vector.shape_cast %reduce_min3A_47 : vector<512xf32> to vector<512x1xf32>
    %eq3A_49 = vector.broadcast %broadcast_in_dim3A_48 : vector<512x1xf32> to vector<512x4096xf32>
    %eq3A_50 = arith.cmpf oeq, %select_n3A_45, %eq3A_49 : vector<512x4096xf32>
    %jit3A_51 = arith.constant 0x7F800000 : f32
    %broadcast_in_dim3A_52 = vector.broadcast %jit3A_51 : f32 to vector<512x4096xf32>
    %select_n3A_53 = arith.select %eq3A_50, %convert_element_type3A, %broadcast_in_dim3A_52 : vector<512x4096xi1>, vector<512x4096xf32>
    %reduce_min3A_54 = arith.constant dense<0x7F800000> : vector<512xf32>
    %reduce_min3A_55 = vector.multi_reduction <minimumf>, %select_n3A_53, %reduce_min3A_54 [1] : vector<512x4096xf32> to vector<512xf32>
    %broadcast_in_dim3A_56 = vector.shape_cast %reduce_min3A_55 : vector<512xf32> to vector<512x1xf32>
    %eq3A_57 = arith.constant 1 : i32
    %eq3A_58 = vector.broadcast %eq3A_57 : i32 to vector<512x8xi32>
    %eq3A_59 = arith.cmpi eq, %iota3A_22, %eq3A_58 : vector<512x8xi32>
    %broadcast_in_dim3A_60 = vector.shape_cast %broadcast_in_dim3A_56 : vector<512x1xf32> to vector<512x1xf32>
    %broadcast_in_dim3A_61 = vector.broadcast %broadcast_in_dim3A_60 : vector<512x1xf32> to vector<512x8xf32>
    %select_n3A_62 = arith.select %eq3A_59, %broadcast_in_dim3A_61, %select_n3A_40 : vector<512x8xi1>, vector<512x8xf32>
    %eq3A_63 = vector.broadcast %broadcast_in_dim3A_56 : vector<512x1xf32> to vector<512x4096xf32>
    %eq3A_64 = arith.cmpf oeq, %convert_element_type3A, %eq3A_63 : vector<512x4096xf32>
    %jit3A_65 = arith.constant 0x7F800000 : f32
    %broadcast_in_dim3A_66 = vector.broadcast %jit3A_65 : f32 to vector<512x4096xf32>
    %select_n3A_67 = arith.select %eq3A_64, %broadcast_in_dim3A_66, %select_n3A_45 : vector<512x4096xi1>, vector<512x4096xf32>
    %reduce_min3A_68 = arith.constant dense<0x7F800000> : vector<512xf32>
    %reduce_min3A_69 = vector.multi_reduction <minimumf>, %select_n3A_67, %reduce_min3A_68 [1] : vector<512x4096xf32> to vector<512xf32>
    %broadcast_in_dim3A_70 = vector.shape_cast %reduce_min3A_69 : vector<512xf32> to vector<512x1xf32>
    %eq3A_71 = vector.broadcast %broadcast_in_dim3A_70 : vector<512x1xf32> to vector<512x4096xf32>
    %eq3A_72 = arith.cmpf oeq, %select_n3A_67, %eq3A_71 : vector<512x4096xf32>
    %jit3A_73 = arith.constant 0x7F800000 : f32
    %broadcast_in_dim3A_74 = vector.broadcast %jit3A_73 : f32 to vector<512x4096xf32>
    %select_n3A_75 = arith.select %eq3A_72, %convert_element_type3A, %broadcast_in_dim3A_74 : vector<512x4096xi1>, vector<512x4096xf32>
    %reduce_min3A_76 = arith.constant dense<0x7F800000> : vector<512xf32>
    %reduce_min3A_77 = vector.multi_reduction <minimumf>, %select_n3A_75, %reduce_min3A_76 [1] : vector<512x4096xf32> to vector<512xf32>
    %broadcast_in_dim3A_78 = vector.shape_cast %reduce_min3A_77 : vector<512xf32> to vector<512x1xf32>
    %eq3A_79 = arith.constant 2 : i32
    %eq3A_80 = vector.broadcast %eq3A_79 : i32 to vector<512x8xi32>
    %eq3A_81 = arith.cmpi eq, %iota3A_22, %eq3A_80 : vector<512x8xi32>
    %broadcast_in_dim3A_82 = vector.shape_cast %broadcast_in_dim3A_78 : vector<512x1xf32> to vector<512x1xf32>
    %broadcast_in_dim3A_83 = vector.broadcast %broadcast_in_dim3A_82 : vector<512x1xf32> to vector<512x8xf32>
    %select_n3A_84 = arith.select %eq3A_81, %broadcast_in_dim3A_83, %select_n3A_62 : vector<512x8xi1>, vector<512x8xf32>
    %eq3A_85 = vector.broadcast %broadcast_in_dim3A_78 : vector<512x1xf32> to vector<512x4096xf32>
    %eq3A_86 = arith.cmpf oeq, %convert_element_type3A, %eq3A_85 : vector<512x4096xf32>
    %jit3A_87 = arith.constant 0x7F800000 : f32
    %broadcast_in_dim3A_88 = vector.broadcast %jit3A_87 : f32 to vector<512x4096xf32>
    %select_n3A_89 = arith.select %eq3A_86, %broadcast_in_dim3A_88, %select_n3A_67 : vector<512x4096xi1>, vector<512x4096xf32>
    %reduce_min3A_90 = arith.constant dense<0x7F800000> : vector<512xf32>
    %reduce_min3A_91 = vector.multi_reduction <minimumf>, %select_n3A_89, %reduce_min3A_90 [1] : vector<512x4096xf32> to vector<512xf32>
    %broadcast_in_dim3A_92 = vector.shape_cast %reduce_min3A_91 : vector<512xf32> to vector<512x1xf32>
    %eq3A_93 = vector.broadcast %broadcast_in_dim3A_92 : vector<512x1xf32> to vector<512x4096xf32>
    %eq3A_94 = arith.cmpf oeq, %select_n3A_89, %eq3A_93 : vector<512x4096xf32>
    %jit3A_95 = arith.constant 0x7F800000 : f32
    %broadcast_in_dim3A_96 = vector.broadcast %jit3A_95 : f32 to vector<512x4096xf32>
    %select_n3A_97 = arith.select %eq3A_94, %convert_element_type3A, %broadcast_in_dim3A_96 : vector<512x4096xi1>, vector<512x4096xf32>
    %reduce_min3A_98 = arith.constant dense<0x7F800000> : vector<512xf32>
    %reduce_min3A_99 = vector.multi_reduction <minimumf>, %select_n3A_97, %reduce_min3A_98 [1] : vector<512x4096xf32> to vector<512xf32>
    %broadcast_in_dim3A_100 = vector.shape_cast %reduce_min3A_99 : vector<512xf32> to vector<512x1xf32>
    %eq3A_101 = arith.constant 3 : i32
    %eq3A_102 = vector.broadcast %eq3A_101 : i32 to vector<512x8xi32>
    %eq3A_103 = arith.cmpi eq, %iota3A_22, %eq3A_102 : vector<512x8xi32>
    %broadcast_in_dim3A_104 = vector.shape_cast %broadcast_in_dim3A_100 : vector<512x1xf32> to vector<512x1xf32>
    %broadcast_in_dim3A_105 = vector.broadcast %broadcast_in_dim3A_104 : vector<512x1xf32> to vector<512x8xf32>
    %select_n3A_106 = arith.select %eq3A_103, %broadcast_in_dim3A_105, %select_n3A_84 : vector<512x8xi1>, vector<512x8xf32>
    %eq3A_107 = vector.broadcast %broadcast_in_dim3A_100 : vector<512x1xf32> to vector<512x4096xf32>
    %eq3A_108 = arith.cmpf oeq, %convert_element_type3A, %eq3A_107 : vector<512x4096xf32>
    %jit3A_109 = arith.constant 0x7F800000 : f32
    %broadcast_in_dim3A_110 = vector.broadcast %jit3A_109 : f32 to vector<512x4096xf32>
    %select_n3A_111 = arith.select %eq3A_108, %broadcast_in_dim3A_110, %select_n3A_89 : vector<512x4096xi1>, vector<512x4096xf32>
    %reduce_min3A_112 = arith.constant dense<0x7F800000> : vector<512xf32>
    %reduce_min3A_113 = vector.multi_reduction <minimumf>, %select_n3A_111, %reduce_min3A_112 [1] : vector<512x4096xf32> to vector<512xf32>
    %broadcast_in_dim3A_114 = vector.shape_cast %reduce_min3A_113 : vector<512xf32> to vector<512x1xf32>
    %eq3A_115 = vector.broadcast %broadcast_in_dim3A_114 : vector<512x1xf32> to vector<512x4096xf32>
    %eq3A_116 = arith.cmpf oeq, %select_n3A_111, %eq3A_115 : vector<512x4096xf32>
    %jit3A_117 = arith.constant 0x7F800000 : f32
    %broadcast_in_dim3A_118 = vector.broadcast %jit3A_117 : f32 to vector<512x4096xf32>
    %select_n3A_119 = arith.select %eq3A_116, %convert_element_type3A, %broadcast_in_dim3A_118 : vector<512x4096xi1>, vector<512x4096xf32>
    %reduce_min3A_120 = arith.constant dense<0x7F800000> : vector<512xf32>
    %reduce_min3A_121 = vector.multi_reduction <minimumf>, %select_n3A_119, %reduce_min3A_120 [1] : vector<512x4096xf32> to vector<512xf32>
    %broadcast_in_dim3A_122 = vector.shape_cast %reduce_min3A_121 : vector<512xf32> to vector<512x1xf32>
    %eq3A_123 = arith.constant 4 : i32
    %eq3A_124 = vector.broadcast %eq3A_123 : i32 to vector<512x8xi32>
    %eq3A_125 = arith.cmpi eq, %iota3A_22, %eq3A_124 : vector<512x8xi32>
    %broadcast_in_dim3A_126 = vector.shape_cast %broadcast_in_dim3A_122 : vector<512x1xf32> to vector<512x1xf32>
    %broadcast_in_dim3A_127 = vector.broadcast %broadcast_in_dim3A_126 : vector<512x1xf32> to vector<512x8xf32>
    %select_n3A_128 = arith.select %eq3A_125, %broadcast_in_dim3A_127, %select_n3A_106 : vector<512x8xi1>, vector<512x8xf32>
    %eq3A_129 = vector.broadcast %broadcast_in_dim3A_122 : vector<512x1xf32> to vector<512x4096xf32>
    %eq3A_130 = arith.cmpf oeq, %convert_element_type3A, %eq3A_129 : vector<512x4096xf32>
    %jit3A_131 = arith.constant 0x7F800000 : f32
    %broadcast_in_dim3A_132 = vector.broadcast %jit3A_131 : f32 to vector<512x4096xf32>
    %select_n3A_133 = arith.select %eq3A_130, %broadcast_in_dim3A_132, %select_n3A_111 : vector<512x4096xi1>, vector<512x4096xf32>
    %reduce_min3A_134 = arith.constant dense<0x7F800000> : vector<512xf32>
    %reduce_min3A_135 = vector.multi_reduction <minimumf>, %select_n3A_133, %reduce_min3A_134 [1] : vector<512x4096xf32> to vector<512xf32>
    %broadcast_in_dim3A_136 = vector.shape_cast %reduce_min3A_135 : vector<512xf32> to vector<512x1xf32>
    %eq3A_137 = vector.broadcast %broadcast_in_dim3A_136 : vector<512x1xf32> to vector<512x4096xf32>
    %eq3A_138 = arith.cmpf oeq, %select_n3A_133, %eq3A_137 : vector<512x4096xf32>
    %jit3A_139 = arith.constant 0x7F800000 : f32
    %broadcast_in_dim3A_140 = vector.broadcast %jit3A_139 : f32 to vector<512x4096xf32>
    %select_n3A_141 = arith.select %eq3A_138, %convert_element_type3A, %broadcast_in_dim3A_140 : vector<512x4096xi1>, vector<512x4096xf32>
    %reduce_min3A_142 = arith.constant dense<0x7F800000> : vector<512xf32>
    %reduce_min3A_143 = vector.multi_reduction <minimumf>, %select_n3A_141, %reduce_min3A_142 [1] : vector<512x4096xf32> to vector<512xf32>
    %broadcast_in_dim3A_144 = vector.shape_cast %reduce_min3A_143 : vector<512xf32> to vector<512x1xf32>
    %eq3A_145 = arith.constant 5 : i32
    %eq3A_146 = vector.broadcast %eq3A_145 : i32 to vector<512x8xi32>
    %eq3A_147 = arith.cmpi eq, %iota3A_22, %eq3A_146 : vector<512x8xi32>
    %broadcast_in_dim3A_148 = vector.shape_cast %broadcast_in_dim3A_144 : vector<512x1xf32> to vector<512x1xf32>
    %broadcast_in_dim3A_149 = vector.broadcast %broadcast_in_dim3A_148 : vector<512x1xf32> to vector<512x8xf32>
    %select_n3A_150 = arith.select %eq3A_147, %broadcast_in_dim3A_149, %select_n3A_128 : vector<512x8xi1>, vector<512x8xf32>
    %eq3A_151 = vector.broadcast %broadcast_in_dim3A_144 : vector<512x1xf32> to vector<512x4096xf32>
    %eq3A_152 = arith.cmpf oeq, %convert_element_type3A, %eq3A_151 : vector<512x4096xf32>
    %jit3A_153 = arith.constant 0x7F800000 : f32
    %broadcast_in_dim3A_154 = vector.broadcast %jit3A_153 : f32 to vector<512x4096xf32>
    %select_n3A_155 = arith.select %eq3A_152, %broadcast_in_dim3A_154, %select_n3A_133 : vector<512x4096xi1>, vector<512x4096xf32>
    %reduce_min3A_156 = arith.constant dense<0x7F800000> : vector<512xf32>
    %reduce_min3A_157 = vector.multi_reduction <minimumf>, %select_n3A_155, %reduce_min3A_156 [1] : vector<512x4096xf32> to vector<512xf32>
    %broadcast_in_dim3A_158 = vector.shape_cast %reduce_min3A_157 : vector<512xf32> to vector<512x1xf32>
    %eq3A_159 = vector.broadcast %broadcast_in_dim3A_158 : vector<512x1xf32> to vector<512x4096xf32>
    %eq3A_160 = arith.cmpf oeq, %select_n3A_155, %eq3A_159 : vector<512x4096xf32>
    %jit3A_161 = arith.constant 0x7F800000 : f32
    %broadcast_in_dim3A_162 = vector.broadcast %jit3A_161 : f32 to vector<512x4096xf32>
    %select_n3A_163 = arith.select %eq3A_160, %convert_element_type3A, %broadcast_in_dim3A_162 : vector<512x4096xi1>, vector<512x4096xf32>
    %reduce_min3A_164 = arith.constant dense<0x7F800000> : vector<512xf32>
    %reduce_min3A_165 = vector.multi_reduction <minimumf>, %select_n3A_163, %reduce_min3A_164 [1] : vector<512x4096xf32> to vector<512xf32>
    %broadcast_in_dim3A_166 = vector.shape_cast %reduce_min3A_165 : vector<512xf32> to vector<512x1xf32>
    %eq3A_167 = arith.constant 6 : i32
    %eq3A_168 = vector.broadcast %eq3A_167 : i32 to vector<512x8xi32>
    %eq3A_169 = arith.cmpi eq, %iota3A_22, %eq3A_168 : vector<512x8xi32>
    %broadcast_in_dim3A_170 = vector.shape_cast %broadcast_in_dim3A_166 : vector<512x1xf32> to vector<512x1xf32>
    %broadcast_in_dim3A_171 = vector.broadcast %broadcast_in_dim3A_170 : vector<512x1xf32> to vector<512x8xf32>
    %select_n3A_172 = arith.select %eq3A_169, %broadcast_in_dim3A_171, %select_n3A_150 : vector<512x8xi1>, vector<512x8xf32>
    %eq3A_173 = vector.broadcast %broadcast_in_dim3A_166 : vector<512x1xf32> to vector<512x4096xf32>
    %eq3A_174 = arith.cmpf oeq, %convert_element_type3A, %eq3A_173 : vector<512x4096xf32>
    %jit3A_175 = arith.constant 0x7F800000 : f32
    %broadcast_in_dim3A_176 = vector.broadcast %jit3A_175 : f32 to vector<512x4096xf32>
    %select_n3A_177 = arith.select %eq3A_174, %broadcast_in_dim3A_176, %select_n3A_155 : vector<512x4096xi1>, vector<512x4096xf32>
    %reduce_min3A_178 = arith.constant dense<0x7F800000> : vector<512xf32>
    %reduce_min3A_179 = vector.multi_reduction <minimumf>, %select_n3A_177, %reduce_min3A_178 [1] : vector<512x4096xf32> to vector<512xf32>
    %broadcast_in_dim3A_180 = vector.shape_cast %reduce_min3A_179 : vector<512xf32> to vector<512x1xf32>
    %eq3A_181 = vector.broadcast %broadcast_in_dim3A_180 : vector<512x1xf32> to vector<512x4096xf32>
    %eq3A_182 = arith.cmpf oeq, %select_n3A_177, %eq3A_181 : vector<512x4096xf32>
    %jit3A_183 = arith.constant 0x7F800000 : f32
    %broadcast_in_dim3A_184 = vector.broadcast %jit3A_183 : f32 to vector<512x4096xf32>
    %select_n3A_185 = arith.select %eq3A_182, %convert_element_type3A, %broadcast_in_dim3A_184 : vector<512x4096xi1>, vector<512x4096xf32>
    %reduce_min3A_186 = arith.constant dense<0x7F800000> : vector<512xf32>
    %reduce_min3A_187 = vector.multi_reduction <minimumf>, %select_n3A_185, %reduce_min3A_186 [1] : vector<512x4096xf32> to vector<512xf32>
    %broadcast_in_dim3A_188 = vector.shape_cast %reduce_min3A_187 : vector<512xf32> to vector<512x1xf32>
    %eq3A_189 = arith.constant 7 : i32
    %eq3A_190 = vector.broadcast %eq3A_189 : i32 to vector<512x8xi32>
    %eq3A_191 = arith.cmpi eq, %iota3A_22, %eq3A_190 : vector<512x8xi32>
    %broadcast_in_dim3A_192 = vector.shape_cast %broadcast_in_dim3A_188 : vector<512x1xf32> to vector<512x1xf32>
    %broadcast_in_dim3A_193 = vector.broadcast %broadcast_in_dim3A_192 : vector<512x1xf32> to vector<512x8xf32>
    %select_n3A_194 = arith.select %eq3A_191, %broadcast_in_dim3A_193, %select_n3A_172 : vector<512x8xi1>, vector<512x8xf32>
    %transpose3A = tpu.transpose %select_n3A_194, [1, 0] : vector<512x8xf32> -> vector<8x512xf32>
    %convert_element_type3A_195 = arith.fptosi %transpose3A : vector<8x512xf32> to vector<8x512xi32>
    %swap3A = arith.constant 0 : index
    %swap3A_196 = arith.constant 0 : index
    %swap3A_197 = arith.constant 0 : index
    %swap3A_198 = vector.load %arg3[%swap3A, %swap3A_196, %swap3A_197] : memref<1x8x512xi32, #tpu.memory_space<vmem>>, vector<1x8x512xi32>
    %swap3A_199 = vector.shape_cast %swap3A_198 : vector<1x8x512xi32> to vector<8x512xi32>
    %swap3A_200 = vector.shape_cast %convert_element_type3A_195 : vector<8x512xi32> to vector<1x8x512xi32>
    tpu.vector_store %arg3[%swap3A, %swap3A_196, %swap3A_197], %swap3A_200 {strides = array<i32>} : memref<1x8x512xi32, #tpu.memory_space<vmem>>, vector<1x8x512xi32>,
    return
  }
  func.func @transform_0(%arg0: i32) -> (i32, i32, i32) {
    %add3A = arith.constant 0 : i32
    %add3A_0 = arith.addi %add3A, %arg0 : i32
    %c0_i32 = arith.constant 0 : i32
    %c0_i32_1 = arith.constant 0 : i32
    %c0_i32_2 = arith.constant 0 : i32
    return %c0_i32, %c0_i32_1, %add3A_0 : i32, i32, i32
  }
  func.func @transform_1(%arg0: i32) -> (i32, i32, i32) {
    %c0_i32 = arith.constant 0 : i32
    %c0_i32_0 = arith.constant 0 : i32
    %c0_i32_1 = arith.constant 0 : i32
    %c0_i32_2 = arith.constant 0 : i32
    return %c0_i32, %c0_i32_0, %c0_i32_1 : i32, i32, i32
  }
  func.func @transform_2(%arg0: i32) -> (i32, i32, i32) {
    %c0_i32 = arith.constant 0 : i32
    %c0_i32_0 = arith.constant 0 : i32
    %c0_i32_1 = arith.constant 0 : i32
    return %arg0, %c0_i32, %c0_i32_0 : i32, i32, i32
  }
}

module attributes {stable_mosaic.version = 14 : i64} {
  func.func @_topk_body(%arg0: i32, %arg1: memref<1x96x512xf32, #tpu.memory_space<vmem>>, %arg2: memref<1x96x4096xf32, #tpu.memory_space<vmem>>, %arg3: memref<1x8x512xi32, #tpu.memory_space<vmem>>) attributes {dimension_semantics = [#tpu.dimension_semantics<arbitrary>], iteration_bounds = array<i64: 4>, scalar_prefetch = 0 : i64, scratch_operands = 0 : i64, tpu.core_type = #tpu.core_type<tc>, window_params = [{transform_indices = @transform_0, window_bounds = array<i64: 1, 96, 512>}, {transform_indices = @transform_1, window_bounds = array<i64: 1, 96, 4096>}, {transform_indices = @transform_2, window_bounds = array<i64: 1, 8, 512>}]} {
    %get3A = arith.constant 0 : index
    %get3A_0 = arith.constant 0 : index
    %get3A_1 = arith.constant 0 : index
    %get3A_2 = vector.load %arg1[%get3A, %get3A_0, %get3A_1] : memref<1x96x512xf32, #tpu.memory_space<vmem>>, vector<1x96x512xf32>
    %get3A_3 = vector.shape_cast %get3A_2 : vector<1x96x512xf32> to vector<96x512xf32>
    %get3A_4 = arith.constant 0 : index
    %get3A_5 = arith.constant 0 : index
    %get3A_6 = arith.constant 0 : index
    %get3A_7 = vector.load %arg2[%get3A_4, %get3A_5, %get3A_6] : memref<1x96x4096xf32, #tpu.memory_space<vmem>>, vector<1x96x4096xf32>
    %get3A_8 = vector.shape_cast %get3A_7 : vector<1x96x4096xf32> to vector<96x4096xf32>
    %dot_general3A = arith.constant dense<0.000000e+00> : vector<512x4096xf32>
    %dot_general3A_9 = tpu.matmul %get3A_3, %get3A_8, %dot_general3A {dimension_numbers = #tpu.dot_dimension_numbers<[0], [0], [1], [1], [0, 1, 1, 1], [], []>, transpose_lhs_hint = false} : vector<96x512xf32>, vector<96x4096xf32>, vector<512x4096xf32> -> vector<512x4096xf32>
    %mul3A = arith.mulf %get3A_8, %get3A_8 : vector<96x4096xf32>
    %reduce_sum3A = arith.constant dense<0.000000e+00> : vector<4096xf32>
    %reduce_sum3A_10 = vector.multi_reduction <add>, %mul3A, %reduce_sum3A [0] : vector<96x4096xf32> to vector<4096xf32>
    %broadcast_in_dim3A = vector.shape_cast %reduce_sum3A_10 : vector<4096xf32> to vector<1x4096xf32>
    %mul3A_11 = arith.constant 2.000000e+00 : f32
    %mul3A_12 = vector.broadcast %mul3A_11 : f32 to vector<512x4096xf32>
    %mul3A_13 = arith.mulf %mul3A_12, %dot_general3A_9 : vector<512x4096xf32>
    %sub3A = vector.broadcast %broadcast_in_dim3A : vector<1x4096xf32> to vector<512x4096xf32>
    %sub3A_14 = arith.subf %sub3A, %mul3A_13 : vector<512x4096xf32>
    %iota3A = tpu.iota {dimensions = array<i32: 1>} : vector<512x4096xi32>
    %mul3A_15 = arith.constant 512 : i32
    %mul3A_16 = arith.muli %arg0, %mul3A_15 : i32
    %add3A = arith.constant 2048 : i32
    %add3A_17 = arith.addi %add3A, %mul3A_16 : i32
    %iota3A_18 = tpu.iota {dimensions = array<i32: 0>} : vector<512x4096xi32>
    %add3A_19 = vector.broadcast %add3A_17 : i32 to vector<512x4096xi32>
    %add3A_20 = arith.addi %add3A_19, %iota3A_18 : vector<512x4096xi32>
    %eq3A = arith.cmpi eq, %iota3A, %add3A_20 : vector<512x4096xi32>
    %jit3A = arith.constant 0x7F800000 : f32
    %broadcast_in_dim3A_21 = vector.broadcast %jit3A : f32 to vector<512x4096xf32>
    %select_n3A = arith.select %eq3A, %broadcast_in_dim3A_21, %sub3A_14 : vector<512x4096xi1>, vector<512x4096xf32>
    %convert_element_type3A = arith.sitofp %iota3A : vector<512x4096xi32> to vector<512x4096xf32>
    %iota3A_22 = tpu.iota {dimensions = array<i32: 1>} : vector<512x8xi32>
    %broadcast_in_dim3A_23 = arith.constant 0.000000e+00 : f32
    %broadcast_in_dim3A_24 = vector.broadcast %broadcast_in_dim3A_23 : f32 to vector<512x8xf32>
    %reduce_min3A = arith.constant dense<0x7F800000> : vector<512xf32>
    %reduce_min3A_25 = vector.multi_reduction <minimumf>, %select_n3A, %reduce_min3A [1] : vector<512x4096xf32> to vector<512xf32>
    %broadcast_in_dim3A_26 = vector.shape_cast %reduce_min3A_25 : vector<512xf32> to vector<512x1xf32>
    %eq3A_27 = vector.broadcast %broadcast_in_dim3A_26 : vector<512x1xf32> to vector<512x4096xf32>
    %eq3A_28 = arith.cmpf oeq, %select_n3A, %eq3A_27 : vector<512x4096xf32>
    %jit3A_29 = arith.constant 0x7F800000 : f32
    %broadcast_in_dim3A_30 = vector.broadcast %jit3A_29 : f32 to vector<512x4096xf32>
    %select_n3A_31 = arith.select %eq3A_28, %convert_element_type3A, %broadcast_in_dim3A_30 : vector<512x4096xi1>, vector<512x4096xf32>
    %reduce_min3A_32 = arith.constant dense<0x7F800000> : vector<512xf32>
    %reduce_min3A_33 = vector.multi_reduction <minimumf>, %select_n3A_31, %reduce_min3A_32 [1] : vector<512x4096xf32> to vector<512xf32>
    %broadcast_in_dim3A_34 = vector.shape_cast %reduce_min3A_33 : vector<512xf32> to vector<512x1xf32>
    %eq3A_35 = arith.constant 0 : i32
    %eq3A_36 = vector.broadcast %eq3A_35 : i32 to vector<512x8xi32>
    %eq3A_37 = arith.cmpi eq, %iota3A_22, %eq3A_36 : vector<512x8xi32>
    %broadcast_in_dim3A_38 = vector.shape_cast %broadcast_in_dim3A_34 : vector<512x1xf32> to vector<512x1xf32>
    %broadcast_in_dim3A_39 = vector.broadcast %broadcast_in_dim3A_38 : vector<512x1xf32> to vector<512x8xf32>
    %select_n3A_40 = arith.select %eq3A_37, %broadcast_in_dim3A_39, %broadcast_in_dim3A_24 : vector<512x8xi1>, vector<512x8xf32>
    %eq3A_41 = vector.broadcast %broadcast_in_dim3A_34 : vector<512x1xf32> to vector<512x4096xf32>
    %eq3A_42 = arith.cmpf oeq, %convert_element_type3A, %eq3A_41 : vector<512x4096xf32>
    %jit3A_43 = arith.constant 0x7F800000 : f32
    %broadcast_in_dim3A_44 = vector.broadcast %jit3A_43 : f32 to vector<512x4096xf32>
    %select_n3A_45 = arith.select %eq3A_42, %broadcast_in_dim3A_44, %select_n3A : vector<512x4096xi1>, vector<512x4096xf32>
    %reduce_min3A_46 = arith.constant dense<0x7F800000> : vector<512xf32>
    %reduce_min3A_47 = vector.multi_reduction <minimumf>, %select_n3A_45, %reduce_min3A_46 [1] : vector<512x4096xf32> to vector<512xf32>
    %broadcast_in_dim3A_48 = vector.shape_cast %reduce_min3A_47 : vector<512xf32> to vector<512x1xf32>
    %eq3A_49 = vector.broadcast %broadcast_in_dim3A_48 : vector<512x1xf32> to vector<512x4096xf32>
    %eq3A_50 = arith.cmpf oeq, %select_n3A_45, %eq3A_49 : vector<512x4096xf32>
    %jit3A_51 = arith.constant 0x7F800000 : f32
    %broadcast_in_dim3A_52 = vector.broadcast %jit3A_51 : f32 to vector<512x4096xf32>
    %select_n3A_53 = arith.select %eq3A_50, %convert_element_type3A, %broadcast_in_dim3A_52 : vector<512x4096xi1>, vector<512x4096xf32>
    %reduce_min3A_54 = arith.constant dense<0x7F800000> : vector<512xf32>
    %reduce_min3A_55 = vector.multi_reduction <minimumf>, %select_n3A_53, %reduce_min3A_54 [1] : vector<512x4096xf32> to vector<512xf32>
    %broadcast_in_dim3A_56 = vector.shape_cast %reduce_min3A_55 : vector<512xf32> to vector<512x1xf32>
    %eq3A_57 = arith.constant 1 : i32
    %eq3A_58 = vector.broadcast %eq3A_57 : i32 to vector<512x8xi32>
    %eq3A_59 = arith.cmpi eq, %iota3A_22, %eq3A_58 : vector<512x8xi32>
    %broadcast_in_dim3A_60 = vector.shape_cast %broadcast_in_dim3A_56 : vector<512x1xf32> to vector<512x1xf32>
    %broadcast_in_dim3A_61 = vector.broadcast %broadcast_in_dim3A_60 : vector<512x1xf32> to vector<512x8xf32>
    %select_n3A_62 = arith.select %eq3A_59, %broadcast_in_dim3A_61, %select_n3A_40 : vector<512x8xi1>, vector<512x8xf32>
    %eq3A_63 = vector.broadcast %broadcast_in_dim3A_56 : vector<512x1xf32> to vector<512x4096xf32>
    %eq3A_64 = arith.cmpf oeq, %convert_element_type3A, %eq3A_63 : vector<512x4096xf32>
    %jit3A_65 = arith.constant 0x7F800000 : f32
    %broadcast_in_dim3A_66 = vector.broadcast %jit3A_65 : f32 to vector<512x4096xf32>
    %select_n3A_67 = arith.select %eq3A_64, %broadcast_in_dim3A_66, %select_n3A_45 : vector<512x4096xi1>, vector<512x4096xf32>
    %reduce_min3A_68 = arith.constant dense<0x7F800000> : vector<512xf32>
    %reduce_min3A_69 = vector.multi_reduction <minimumf>, %select_n3A_67, %reduce_min3A_68 [1] : vector<512x4096xf32> to vector<512xf32>
    %broadcast_in_dim3A_70 = vector.shape_cast %reduce_min3A_69 : vector<512xf32> to vector<512x1xf32>
    %eq3A_71 = vector.broadcast %broadcast_in_dim3A_70 : vector<512x1xf32> to vector<512x4096xf32>
    %eq3A_72 = arith.cmpf oeq, %select_n3A_67, %eq3A_71 : vector<512x4096xf32>
    %jit3A_73 = arith.constant 0x7F800000 : f32
    %broadcast_in_dim3A_74 = vector.broadcast %jit3A_73 : f32 to vector<512x4096xf32>
    %select_n3A_75 = arith.select %eq3A_72, %convert_element_type3A, %broadcast_in_dim3A_74 : vector<512x4096xi1>, vector<512x4096xf32>
    %reduce_min3A_76 = arith.constant dense<0x7F800000> : vector<512xf32>
    %reduce_min3A_77 = vector.multi_reduction <minimumf>, %select_n3A_75, %reduce_min3A_76 [1] : vector<512x4096xf32> to vector<512xf32>
    %broadcast_in_dim3A_78 = vector.shape_cast %reduce_min3A_77 : vector<512xf32> to vector<512x1xf32>
    %eq3A_79 = arith.constant 2 : i32
    %eq3A_80 = vector.broadcast %eq3A_79 : i32 to vector<512x8xi32>
    %eq3A_81 = arith.cmpi eq, %iota3A_22, %eq3A_80 : vector<512x8xi32>
    %broadcast_in_dim3A_82 = vector.shape_cast %broadcast_in_dim3A_78 : vector<512x1xf32> to vector<512x1xf32>
    %broadcast_in_dim3A_83 = vector.broadcast %broadcast_in_dim3A_82 : vector<512x1xf32> to vector<512x8xf32>
    %select_n3A_84 = arith.select %eq3A_81, %broadcast_in_dim3A_83, %select_n3A_62 : vector<512x8xi1>, vector<512x8xf32>
    %eq3A_85 = vector.broadcast %broadcast_in_dim3A_78 : vector<512x1xf32> to vector<512x4096xf32>
    %eq3A_86 = arith.cmpf oeq, %convert_element_type3A, %eq3A_85 : vector<512x4096xf32>
    %jit3A_87 = arith.constant 0x7F800000 : f32
    %broadcast_in_dim3A_88 = vector.broadcast %jit3A_87 : f32 to vector<512x4096xf32>
    %select_n3A_89 = arith.select %eq3A_86, %broadcast_in_dim3A_88, %select_n3A_67 : vector<512x4096xi1>, vector<512x4096xf32>
    %reduce_min3A_90 = arith.constant dense<0x7F800000> : vector<512xf32>
    %reduce_min3A_91 = vector.multi_reduction <minimumf>, %select_n3A_89, %reduce_min3A_90 [1] : vector<512x4096xf32> to vector<512xf32>
    %broadcast_in_dim3A_92 = vector.shape_cast %reduce_min3A_91 : vector<512xf32> to vector<512x1xf32>
    %eq3A_93 = vector.broadcast %broadcast_in_dim3A_92 : vector<512x1xf32> to vector<512x4096xf32>
    %eq3A_94 = arith.cmpf oeq, %select_n3A_89, %eq3A_93 : vector<512x4096xf32>
    %jit3A_95 = arith.constant 0x7F800000 : f32
    %broadcast_in_dim3A_96 = vector.broadcast %jit3A_95 : f32 to vector<512x4096xf32>
    %select_n3A_97 = arith.select %eq3A_94, %convert_element_type3A, %broadcast_in_dim3A_96 : vector<512x4096xi1>, vector<512x4096xf32>
    %reduce_min3A_98 = arith.constant dense<0x7F800000> : vector<512xf32>
    %reduce_min3A_99 = vector.multi_reduction <minimumf>, %select_n3A_97, %reduce_min3A_98 [1] : vector<512x4096xf32> to vector<512xf32>
    %broadcast_in_dim3A_100 = vector.shape_cast %reduce_min3A_99 : vector<512xf32> to vector<512x1xf32>
    %eq3A_101 = arith.constant 3 : i32
    %eq3A_102 = vector.broadcast %eq3A_101 : i32 to vector<512x8xi32>
    %eq3A_103 = arith.cmpi eq, %iota3A_22, %eq3A_102 : vector<512x8xi32>
    %broadcast_in_dim3A_104 = vector.shape_cast %broadcast_in_dim3A_100 : vector<512x1xf32> to vector<512x1xf32>
    %broadcast_in_dim3A_105 = vector.broadcast %broadcast_in_dim3A_104 : vector<512x1xf32> to vector<512x8xf32>
    %select_n3A_106 = arith.select %eq3A_103, %broadcast_in_dim3A_105, %select_n3A_84 : vector<512x8xi1>, vector<512x8xf32>
    %eq3A_107 = vector.broadcast %broadcast_in_dim3A_100 : vector<512x1xf32> to vector<512x4096xf32>
    %eq3A_108 = arith.cmpf oeq, %convert_element_type3A, %eq3A_107 : vector<512x4096xf32>
    %jit3A_109 = arith.constant 0x7F800000 : f32
    %broadcast_in_dim3A_110 = vector.broadcast %jit3A_109 : f32 to vector<512x4096xf32>
    %select_n3A_111 = arith.select %eq3A_108, %broadcast_in_dim3A_110, %select_n3A_89 : vector<512x4096xi1>, vector<512x4096xf32>
    %reduce_min3A_112 = arith.constant dense<0x7F800000> : vector<512xf32>
    %reduce_min3A_113 = vector.multi_reduction <minimumf>, %select_n3A_111, %reduce_min3A_112 [1] : vector<512x4096xf32> to vector<512xf32>
    %broadcast_in_dim3A_114 = vector.shape_cast %reduce_min3A_113 : vector<512xf32> to vector<512x1xf32>
    %eq3A_115 = vector.broadcast %broadcast_in_dim3A_114 : vector<512x1xf32> to vector<512x4096xf32>
    %eq3A_116 = arith.cmpf oeq, %select_n3A_111, %eq3A_115 : vector<512x4096xf32>
    %jit3A_117 = arith.constant 0x7F800000 : f32
    %broadcast_in_dim3A_118 = vector.broadcast %jit3A_117 : f32 to vector<512x4096xf32>
    %select_n3A_119 = arith.select %eq3A_116, %convert_element_type3A, %broadcast_in_dim3A_118 : vector<512x4096xi1>, vector<512x4096xf32>
    %reduce_min3A_120 = arith.constant dense<0x7F800000> : vector<512xf32>
    %reduce_min3A_121 = vector.multi_reduction <minimumf>, %select_n3A_119, %reduce_min3A_120 [1] : vector<512x4096xf32> to vector<512xf32>
    %broadcast_in_dim3A_122 = vector.shape_cast %reduce_min3A_121 : vector<512xf32> to vector<512x1xf32>
    %eq3A_123 = arith.constant 4 : i32
    %eq3A_124 = vector.broadcast %eq3A_123 : i32 to vector<512x8xi32>
    %eq3A_125 = arith.cmpi eq, %iota3A_22, %eq3A_124 : vector<512x8xi32>
    %broadcast_in_dim3A_126 = vector.shape_cast %broadcast_in_dim3A_122 : vector<512x1xf32> to vector<512x1xf32>
    %broadcast_in_dim3A_127 = vector.broadcast %broadcast_in_dim3A_126 : vector<512x1xf32> to vector<512x8xf32>
    %select_n3A_128 = arith.select %eq3A_125, %broadcast_in_dim3A_127, %select_n3A_106 : vector<512x8xi1>, vector<512x8xf32>
    %eq3A_129 = vector.broadcast %broadcast_in_dim3A_122 : vector<512x1xf32> to vector<512x4096xf32>
    %eq3A_130 = arith.cmpf oeq, %convert_element_type3A, %eq3A_129 : vector<512x4096xf32>
    %jit3A_131 = arith.constant 0x7F800000 : f32
    %broadcast_in_dim3A_132 = vector.broadcast %jit3A_131 : f32 to vector<512x4096xf32>
    %select_n3A_133 = arith.select %eq3A_130, %broadcast_in_dim3A_132, %select_n3A_111 : vector<512x4096xi1>, vector<512x4096xf32>
    %reduce_min3A_134 = arith.constant dense<0x7F800000> : vector<512xf32>
    %reduce_min3A_135 = vector.multi_reduction <minimumf>, %select_n3A_133, %reduce_min3A_134 [1] : vector<512x4096xf32> to vector<512xf32>
    %broadcast_in_dim3A_136 = vector.shape_cast %reduce_min3A_135 : vector<512xf32> to vector<512x1xf32>
    %eq3A_137 = vector.broadcast %broadcast_in_dim3A_136 : vector<512x1xf32> to vector<512x4096xf32>
    %eq3A_138 = arith.cmpf oeq, %select_n3A_133, %eq3A_137 : vector<512x4096xf32>
    %jit3A_139 = arith.constant 0x7F800000 : f32
    %broadcast_in_dim3A_140 = vector.broadcast %jit3A_139 : f32 to vector<512x4096xf32>
    %select_n3A_141 = arith.select %eq3A_138, %convert_element_type3A, %broadcast_in_dim3A_140 : vector<512x4096xi1>, vector<512x4096xf32>
    %reduce_min3A_142 = arith.constant dense<0x7F800000> : vector<512xf32>
    %reduce_min3A_143 = vector.multi_reduction <minimumf>, %select_n3A_141, %reduce_min3A_142 [1] : vector<512x4096xf32> to vector<512xf32>
    %broadcast_in_dim3A_144 = vector.shape_cast %reduce_min3A_143 : vector<512xf32> to vector<512x1xf32>
    %eq3A_145 = arith.constant 5 : i32
    %eq3A_146 = vector.broadcast %eq3A_145 : i32 to vector<512x8xi32>
    %eq3A_147 = arith.cmpi eq, %iota3A_22, %eq3A_146 : vector<512x8xi32>
    %broadcast_in_dim3A_148 = vector.shape_cast %broadcast_in_dim3A_144 : vector<512x1xf32> to vector<512x1xf32>
    %broadcast_in_dim3A_149 = vector.broadcast %broadcast_in_dim3A_148 : vector<512x1xf32> to vector<512x8xf32>
    %select_n3A_150 = arith.select %eq3A_147, %broadcast_in_dim3A_149, %select_n3A_128 : vector<512x8xi1>, vector<512x8xf32>
    %eq3A_151 = vector.broadcast %broadcast_in_dim3A_144 : vector<512x1xf32> to vector<512x4096xf32>
    %eq3A_152 = arith.cmpf oeq, %convert_element_type3A, %eq3A_151 : vector<512x4096xf32>
    %jit3A_153 = arith.constant 0x7F800000 : f32
    %broadcast_in_dim3A_154 = vector.broadcast %jit3A_153 : f32 to vector<512x4096xf32>
    %select_n3A_155 = arith.select %eq3A_152, %broadcast_in_dim3A_154, %select_n3A_133 : vector<512x4096xi1>, vector<512x4096xf32>
    %reduce_min3A_156 = arith.constant dense<0x7F800000> : vector<512xf32>
    %reduce_min3A_157 = vector.multi_reduction <minimumf>, %select_n3A_155, %reduce_min3A_156 [1] : vector<512x4096xf32> to vector<512xf32>
    %broadcast_in_dim3A_158 = vector.shape_cast %reduce_min3A_157 : vector<512xf32> to vector<512x1xf32>
    %eq3A_159 = vector.broadcast %broadcast_in_dim3A_158 : vector<512x1xf32> to vector<512x4096xf32>
    %eq3A_160 = arith.cmpf oeq, %select_n3A_155, %eq3A_159 : vector<512x4096xf32>
    %jit3A_161 = arith.constant 0x7F800000 : f32
    %broadcast_in_dim3A_162 = vector.broadcast %jit3A_161 : f32 to vector<512x4096xf32>
    %select_n3A_163 = arith.select %eq3A_160, %convert_element_type3A, %broadcast_in_dim3A_162 : vector<512x4096xi1>, vector<512x4096xf32>
    %reduce_min3A_164 = arith.constant dense<0x7F800000> : vector<512xf32>
    %reduce_min3A_165 = vector.multi_reduction <minimumf>, %select_n3A_163, %reduce_min3A_164 [1] : vector<512x4096xf32> to vector<512xf32>
    %broadcast_in_dim3A_166 = vector.shape_cast %reduce_min3A_165 : vector<512xf32> to vector<512x1xf32>
    %eq3A_167 = arith.constant 6 : i32
    %eq3A_168 = vector.broadcast %eq3A_167 : i32 to vector<512x8xi32>
    %eq3A_169 = arith.cmpi eq, %iota3A_22, %eq3A_168 : vector<512x8xi32>
    %broadcast_in_dim3A_170 = vector.shape_cast %broadcast_in_dim3A_166 : vector<512x1xf32> to vector<512x1xf32>
    %broadcast_in_dim3A_171 = vector.broadcast %broadcast_in_dim3A_170 : vector<512x1xf32> to vector<512x8xf32>
    %select_n3A_172 = arith.select %eq3A_169, %broadcast_in_dim3A_171, %select_n3A_150 : vector<512x8xi1>, vector<512x8xf32>
    %eq3A_173 = vector.broadcast %broadcast_in_dim3A_166 : vector<512x1xf32> to vector<512x4096xf32>
    %eq3A_174 = arith.cmpf oeq, %convert_element_type3A, %eq3A_173 : vector<512x4096xf32>
    %jit3A_175 = arith.constant 0x7F800000 : f32
    %broadcast_in_dim3A_176 = vector.broadcast %jit3A_175 : f32 to vector<512x4096xf32>
    %select_n3A_177 = arith.select %eq3A_174, %broadcast_in_dim3A_176, %select_n3A_155 : vector<512x4096xi1>, vector<512x4096xf32>
    %reduce_min3A_178 = arith.constant dense<0x7F800000> : vector<512xf32>
    %reduce_min3A_179 = vector.multi_reduction <minimumf>, %select_n3A_177, %reduce_min3A_178 [1] : vector<512x4096xf32> to vector<512xf32>
    %broadcast_in_dim3A_180 = vector.shape_cast %reduce_min3A_179 : vector<512xf32> to vector<512x1xf32>
    %eq3A_181 = vector.broadcast %broadcast_in_dim3A_180 : vector<512x1xf32> to vector<512x4096xf32>
    %eq3A_182 = arith.cmpf oeq, %select_n3A_177, %eq3A_181 : vector<512x4096xf32>
    %jit3A_183 = arith.constant 0x7F800000 : f32
    %broadcast_in_dim3A_184 = vector.broadcast %jit3A_183 : f32 to vector<512x4096xf32>
    %select_n3A_185 = arith.select %eq3A_182, %convert_element_type3A, %broadcast_in_dim3A_184 : vector<512x4096xi1>, vector<512x4096xf32>
    %reduce_min3A_186 = arith.constant dense<0x7F800000> : vector<512xf32>
    %reduce_min3A_187 = vector.multi_reduction <minimumf>, %select_n3A_185, %reduce_min3A_186 [1] : vector<512x4096xf32> to vector<512xf32>
    %broadcast_in_dim3A_188 = vector.shape_cast %reduce_min3A_187 : vector<512xf32> to vector<512x1xf32>
    %eq3A_189 = arith.constant 7 : i32
    %eq3A_190 = vector.broadcast %eq3A_189 : i32 to vector<512x8xi32>
    %eq3A_191 = arith.cmpi eq, %iota3A_22, %eq3A_190 : vector<512x8xi32>
    %broadcast_in_dim3A_192 = vector.shape_cast %broadcast_in_dim3A_188 : vector<512x1xf32> to vector<512x1xf32>
    %broadcast_in_dim3A_193 = vector.broadcast %broadcast_in_dim3A_192 : vector<512x1xf32> to vector<512x8xf32>
    %select_n3A_194 = arith.select %eq3A_191, %broadcast_in_dim3A_193, %select_n3A_172 : vector<512x8xi1>, vector<512x8xf32>
    %transpose3A = tpu.transpose %select_n3A_194, [1, 0] : vector<512x8xf32> -> vector<8x512xf32>
    %convert_element_type3A_195 = arith.fptosi %transpose3A : vector<8x512xf32> to vector<8x512xi32>
    %swap3A = arith.constant 0 : index
    %swap3A_196 = arith.constant 0 : index
    %swap3A_197 = arith.constant 0 : index
    %swap3A_198 = vector.load %arg3[%swap3A, %swap3A_196, %swap3A_197] : memref<1x8x512xi32, #tpu.memory_space<vmem>>, vector<1x8x512xi32>
    %swap3A_199 = vector.shape_cast %swap3A_198 : vector<1x8x512xi32> to vector<8x512xi32>
    %swap3A_200 = vector.shape_cast %convert_element_type3A_195 : vector<8x512xi32> to vector<1x8x512xi32>
    tpu.vector_store %arg3[%swap3A, %swap3A_196, %swap3A_197], %swap3A_200 {strides = array<i32>} : memref<1x8x512xi32, #tpu.memory_space<vmem>>, vector<1x8x512xi32>,
    return
  }
  func.func @transform_0(%arg0: i32) -> (i32, i32, i32) {
    %add3A = arith.constant 4 : i32
    %add3A_0 = arith.addi %add3A, %arg0 : i32
    %c0_i32 = arith.constant 0 : i32
    %c0_i32_1 = arith.constant 0 : i32
    %c0_i32_2 = arith.constant 0 : i32
    return %c0_i32, %c0_i32_1, %add3A_0 : i32, i32, i32
  }
  func.func @transform_1(%arg0: i32) -> (i32, i32, i32) {
    %c0_i32 = arith.constant 0 : i32
    %c0_i32_0 = arith.constant 0 : i32
    %c0_i32_1 = arith.constant 0 : i32
    %c0_i32_2 = arith.constant 0 : i32
    return %c0_i32, %c0_i32_0, %c0_i32_1 : i32, i32, i32
  }
  func.func @transform_2(%arg0: i32) -> (i32, i32, i32) {
    %c0_i32 = arith.constant 0 : i32
    %c0_i32_0 = arith.constant 0 : i32
    %c0_i32_1 = arith.constant 0 : i32
    return %arg0, %c0_i32, %c0_i32_0 : i32, i32, i32
  }
}

module attributes {stable_mosaic.version = 14 : i64} {
  func.func @_topk_body(%arg0: i32, %arg1: memref<1x96x512xf32, #tpu.memory_space<vmem>>, %arg2: memref<1x96x4096xf32, #tpu.memory_space<vmem>>, %arg3: memref<1x8x512xi32, #tpu.memory_space<vmem>>) attributes {dimension_semantics = [#tpu.dimension_semantics<arbitrary>], iteration_bounds = array<i64: 4>, scalar_prefetch = 0 : i64, scratch_operands = 0 : i64, tpu.core_type = #tpu.core_type<tc>, window_params = [{transform_indices = @transform_0, window_bounds = array<i64: 1, 96, 512>}, {transform_indices = @transform_1, window_bounds = array<i64: 1, 96, 4096>}, {transform_indices = @transform_2, window_bounds = array<i64: 1, 8, 512>}]} {
    %get3A = arith.constant 0 : index
    %get3A_0 = arith.constant 0 : index
    %get3A_1 = arith.constant 0 : index
    %get3A_2 = vector.load %arg1[%get3A, %get3A_0, %get3A_1] : memref<1x96x512xf32, #tpu.memory_space<vmem>>, vector<1x96x512xf32>
    %get3A_3 = vector.shape_cast %get3A_2 : vector<1x96x512xf32> to vector<96x512xf32>
    %get3A_4 = arith.constant 0 : index
    %get3A_5 = arith.constant 0 : index
    %get3A_6 = arith.constant 0 : index
    %get3A_7 = vector.load %arg2[%get3A_4, %get3A_5, %get3A_6] : memref<1x96x4096xf32, #tpu.memory_space<vmem>>, vector<1x96x4096xf32>
    %get3A_8 = vector.shape_cast %get3A_7 : vector<1x96x4096xf32> to vector<96x4096xf32>
    %dot_general3A = arith.constant dense<0.000000e+00> : vector<512x4096xf32>
    %dot_general3A_9 = tpu.matmul %get3A_3, %get3A_8, %dot_general3A {dimension_numbers = #tpu.dot_dimension_numbers<[0], [0], [1], [1], [0, 1, 1, 1], [], []>, transpose_lhs_hint = false} : vector<96x512xf32>, vector<96x4096xf32>, vector<512x4096xf32> -> vector<512x4096xf32>
    %mul3A = arith.mulf %get3A_8, %get3A_8 : vector<96x4096xf32>
    %reduce_sum3A = arith.constant dense<0.000000e+00> : vector<4096xf32>
    %reduce_sum3A_10 = vector.multi_reduction <add>, %mul3A, %reduce_sum3A [0] : vector<96x4096xf32> to vector<4096xf32>
    %broadcast_in_dim3A = vector.shape_cast %reduce_sum3A_10 : vector<4096xf32> to vector<1x4096xf32>
    %mul3A_11 = arith.constant 2.000000e+00 : f32
    %mul3A_12 = vector.broadcast %mul3A_11 : f32 to vector<512x4096xf32>
    %mul3A_13 = arith.mulf %mul3A_12, %dot_general3A_9 : vector<512x4096xf32>
    %sub3A = vector.broadcast %broadcast_in_dim3A : vector<1x4096xf32> to vector<512x4096xf32>
    %sub3A_14 = arith.subf %sub3A, %mul3A_13 : vector<512x4096xf32>
    %iota3A = tpu.iota {dimensions = array<i32: 1>} : vector<512x4096xi32>
    %mul3A_15 = arith.constant 512 : i32
    %mul3A_16 = arith.muli %arg0, %mul3A_15 : i32
    %add3A = arith.constant 0 : i32
    %add3A_17 = arith.addi %add3A, %mul3A_16 : i32
    %iota3A_18 = tpu.iota {dimensions = array<i32: 0>} : vector<512x4096xi32>
    %add3A_19 = vector.broadcast %add3A_17 : i32 to vector<512x4096xi32>
    %add3A_20 = arith.addi %add3A_19, %iota3A_18 : vector<512x4096xi32>
    %eq3A = arith.cmpi eq, %iota3A, %add3A_20 : vector<512x4096xi32>
    %jit3A = arith.constant 0x7F800000 : f32
    %broadcast_in_dim3A_21 = vector.broadcast %jit3A : f32 to vector<512x4096xf32>
    %select_n3A = arith.select %eq3A, %broadcast_in_dim3A_21, %sub3A_14 : vector<512x4096xi1>, vector<512x4096xf32>
    %convert_element_type3A = arith.sitofp %iota3A : vector<512x4096xi32> to vector<512x4096xf32>
    %iota3A_22 = tpu.iota {dimensions = array<i32: 1>} : vector<512x8xi32>
    %broadcast_in_dim3A_23 = arith.constant 0.000000e+00 : f32
    %broadcast_in_dim3A_24 = vector.broadcast %broadcast_in_dim3A_23 : f32 to vector<512x8xf32>
    %reduce_min3A = arith.constant dense<0x7F800000> : vector<512xf32>
    %reduce_min3A_25 = vector.multi_reduction <minimumf>, %select_n3A, %reduce_min3A [1] : vector<512x4096xf32> to vector<512xf32>
    %broadcast_in_dim3A_26 = vector.shape_cast %reduce_min3A_25 : vector<512xf32> to vector<512x1xf32>
    %eq3A_27 = vector.broadcast %broadcast_in_dim3A_26 : vector<512x1xf32> to vector<512x4096xf32>
    %eq3A_28 = arith.cmpf oeq, %select_n3A, %eq3A_27 : vector<512x4096xf32>
    %jit3A_29 = arith.constant 0x7F800000 : f32
    %broadcast_in_dim3A_30 = vector.broadcast %jit3A_29 : f32 to vector<512x4096xf32>
    %select_n3A_31 = arith.select %eq3A_28, %convert_element_type3A, %broadcast_in_dim3A_30 : vector<512x4096xi1>, vector<512x4096xf32>
    %reduce_min3A_32 = arith.constant dense<0x7F800000> : vector<512xf32>
    %reduce_min3A_33 = vector.multi_reduction <minimumf>, %select_n3A_31, %reduce_min3A_32 [1] : vector<512x4096xf32> to vector<512xf32>
    %broadcast_in_dim3A_34 = vector.shape_cast %reduce_min3A_33 : vector<512xf32> to vector<512x1xf32>
    %eq3A_35 = arith.constant 0 : i32
    %eq3A_36 = vector.broadcast %eq3A_35 : i32 to vector<512x8xi32>
    %eq3A_37 = arith.cmpi eq, %iota3A_22, %eq3A_36 : vector<512x8xi32>
    %broadcast_in_dim3A_38 = vector.shape_cast %broadcast_in_dim3A_34 : vector<512x1xf32> to vector<512x1xf32>
    %broadcast_in_dim3A_39 = vector.broadcast %broadcast_in_dim3A_38 : vector<512x1xf32> to vector<512x8xf32>
    %select_n3A_40 = arith.select %eq3A_37, %broadcast_in_dim3A_39, %broadcast_in_dim3A_24 : vector<512x8xi1>, vector<512x8xf32>
    %eq3A_41 = vector.broadcast %broadcast_in_dim3A_34 : vector<512x1xf32> to vector<512x4096xf32>
    %eq3A_42 = arith.cmpf oeq, %convert_element_type3A, %eq3A_41 : vector<512x4096xf32>
    %jit3A_43 = arith.constant 0x7F800000 : f32
    %broadcast_in_dim3A_44 = vector.broadcast %jit3A_43 : f32 to vector<512x4096xf32>
    %select_n3A_45 = arith.select %eq3A_42, %broadcast_in_dim3A_44, %select_n3A : vector<512x4096xi1>, vector<512x4096xf32>
    %reduce_min3A_46 = arith.constant dense<0x7F800000> : vector<512xf32>
    %reduce_min3A_47 = vector.multi_reduction <minimumf>, %select_n3A_45, %reduce_min3A_46 [1] : vector<512x4096xf32> to vector<512xf32>
    %broadcast_in_dim3A_48 = vector.shape_cast %reduce_min3A_47 : vector<512xf32> to vector<512x1xf32>
    %eq3A_49 = vector.broadcast %broadcast_in_dim3A_48 : vector<512x1xf32> to vector<512x4096xf32>
    %eq3A_50 = arith.cmpf oeq, %select_n3A_45, %eq3A_49 : vector<512x4096xf32>
    %jit3A_51 = arith.constant 0x7F800000 : f32
    %broadcast_in_dim3A_52 = vector.broadcast %jit3A_51 : f32 to vector<512x4096xf32>
    %select_n3A_53 = arith.select %eq3A_50, %convert_element_type3A, %broadcast_in_dim3A_52 : vector<512x4096xi1>, vector<512x4096xf32>
    %reduce_min3A_54 = arith.constant dense<0x7F800000> : vector<512xf32>
    %reduce_min3A_55 = vector.multi_reduction <minimumf>, %select_n3A_53, %reduce_min3A_54 [1] : vector<512x4096xf32> to vector<512xf32>
    %broadcast_in_dim3A_56 = vector.shape_cast %reduce_min3A_55 : vector<512xf32> to vector<512x1xf32>
    %eq3A_57 = arith.constant 1 : i32
    %eq3A_58 = vector.broadcast %eq3A_57 : i32 to vector<512x8xi32>
    %eq3A_59 = arith.cmpi eq, %iota3A_22, %eq3A_58 : vector<512x8xi32>
    %broadcast_in_dim3A_60 = vector.shape_cast %broadcast_in_dim3A_56 : vector<512x1xf32> to vector<512x1xf32>
    %broadcast_in_dim3A_61 = vector.broadcast %broadcast_in_dim3A_60 : vector<512x1xf32> to vector<512x8xf32>
    %select_n3A_62 = arith.select %eq3A_59, %broadcast_in_dim3A_61, %select_n3A_40 : vector<512x8xi1>, vector<512x8xf32>
    %eq3A_63 = vector.broadcast %broadcast_in_dim3A_56 : vector<512x1xf32> to vector<512x4096xf32>
    %eq3A_64 = arith.cmpf oeq, %convert_element_type3A, %eq3A_63 : vector<512x4096xf32>
    %jit3A_65 = arith.constant 0x7F800000 : f32
    %broadcast_in_dim3A_66 = vector.broadcast %jit3A_65 : f32 to vector<512x4096xf32>
    %select_n3A_67 = arith.select %eq3A_64, %broadcast_in_dim3A_66, %select_n3A_45 : vector<512x4096xi1>, vector<512x4096xf32>
    %reduce_min3A_68 = arith.constant dense<0x7F800000> : vector<512xf32>
    %reduce_min3A_69 = vector.multi_reduction <minimumf>, %select_n3A_67, %reduce_min3A_68 [1] : vector<512x4096xf32> to vector<512xf32>
    %broadcast_in_dim3A_70 = vector.shape_cast %reduce_min3A_69 : vector<512xf32> to vector<512x1xf32>
    %eq3A_71 = vector.broadcast %broadcast_in_dim3A_70 : vector<512x1xf32> to vector<512x4096xf32>
    %eq3A_72 = arith.cmpf oeq, %select_n3A_67, %eq3A_71 : vector<512x4096xf32>
    %jit3A_73 = arith.constant 0x7F800000 : f32
    %broadcast_in_dim3A_74 = vector.broadcast %jit3A_73 : f32 to vector<512x4096xf32>
    %select_n3A_75 = arith.select %eq3A_72, %convert_element_type3A, %broadcast_in_dim3A_74 : vector<512x4096xi1>, vector<512x4096xf32>
    %reduce_min3A_76 = arith.constant dense<0x7F800000> : vector<512xf32>
    %reduce_min3A_77 = vector.multi_reduction <minimumf>, %select_n3A_75, %reduce_min3A_76 [1] : vector<512x4096xf32> to vector<512xf32>
    %broadcast_in_dim3A_78 = vector.shape_cast %reduce_min3A_77 : vector<512xf32> to vector<512x1xf32>
    %eq3A_79 = arith.constant 2 : i32
    %eq3A_80 = vector.broadcast %eq3A_79 : i32 to vector<512x8xi32>
    %eq3A_81 = arith.cmpi eq, %iota3A_22, %eq3A_80 : vector<512x8xi32>
    %broadcast_in_dim3A_82 = vector.shape_cast %broadcast_in_dim3A_78 : vector<512x1xf32> to vector<512x1xf32>
    %broadcast_in_dim3A_83 = vector.broadcast %broadcast_in_dim3A_82 : vector<512x1xf32> to vector<512x8xf32>
    %select_n3A_84 = arith.select %eq3A_81, %broadcast_in_dim3A_83, %select_n3A_62 : vector<512x8xi1>, vector<512x8xf32>
    %eq3A_85 = vector.broadcast %broadcast_in_dim3A_78 : vector<512x1xf32> to vector<512x4096xf32>
    %eq3A_86 = arith.cmpf oeq, %convert_element_type3A, %eq3A_85 : vector<512x4096xf32>
    %jit3A_87 = arith.constant 0x7F800000 : f32
    %broadcast_in_dim3A_88 = vector.broadcast %jit3A_87 : f32 to vector<512x4096xf32>
    %select_n3A_89 = arith.select %eq3A_86, %broadcast_in_dim3A_88, %select_n3A_67 : vector<512x4096xi1>, vector<512x4096xf32>
    %reduce_min3A_90 = arith.constant dense<0x7F800000> : vector<512xf32>
    %reduce_min3A_91 = vector.multi_reduction <minimumf>, %select_n3A_89, %reduce_min3A_90 [1] : vector<512x4096xf32> to vector<512xf32>
    %broadcast_in_dim3A_92 = vector.shape_cast %reduce_min3A_91 : vector<512xf32> to vector<512x1xf32>
    %eq3A_93 = vector.broadcast %broadcast_in_dim3A_92 : vector<512x1xf32> to vector<512x4096xf32>
    %eq3A_94 = arith.cmpf oeq, %select_n3A_89, %eq3A_93 : vector<512x4096xf32>
    %jit3A_95 = arith.constant 0x7F800000 : f32
    %broadcast_in_dim3A_96 = vector.broadcast %jit3A_95 : f32 to vector<512x4096xf32>
    %select_n3A_97 = arith.select %eq3A_94, %convert_element_type3A, %broadcast_in_dim3A_96 : vector<512x4096xi1>, vector<512x4096xf32>
    %reduce_min3A_98 = arith.constant dense<0x7F800000> : vector<512xf32>
    %reduce_min3A_99 = vector.multi_reduction <minimumf>, %select_n3A_97, %reduce_min3A_98 [1] : vector<512x4096xf32> to vector<512xf32>
    %broadcast_in_dim3A_100 = vector.shape_cast %reduce_min3A_99 : vector<512xf32> to vector<512x1xf32>
    %eq3A_101 = arith.constant 3 : i32
    %eq3A_102 = vector.broadcast %eq3A_101 : i32 to vector<512x8xi32>
    %eq3A_103 = arith.cmpi eq, %iota3A_22, %eq3A_102 : vector<512x8xi32>
    %broadcast_in_dim3A_104 = vector.shape_cast %broadcast_in_dim3A_100 : vector<512x1xf32> to vector<512x1xf32>
    %broadcast_in_dim3A_105 = vector.broadcast %broadcast_in_dim3A_104 : vector<512x1xf32> to vector<512x8xf32>
    %select_n3A_106 = arith.select %eq3A_103, %broadcast_in_dim3A_105, %select_n3A_84 : vector<512x8xi1>, vector<512x8xf32>
    %eq3A_107 = vector.broadcast %broadcast_in_dim3A_100 : vector<512x1xf32> to vector<512x4096xf32>
    %eq3A_108 = arith.cmpf oeq, %convert_element_type3A, %eq3A_107 : vector<512x4096xf32>
    %jit3A_109 = arith.constant 0x7F800000 : f32
    %broadcast_in_dim3A_110 = vector.broadcast %jit3A_109 : f32 to vector<512x4096xf32>
    %select_n3A_111 = arith.select %eq3A_108, %broadcast_in_dim3A_110, %select_n3A_89 : vector<512x4096xi1>, vector<512x4096xf32>
    %reduce_min3A_112 = arith.constant dense<0x7F800000> : vector<512xf32>
    %reduce_min3A_113 = vector.multi_reduction <minimumf>, %select_n3A_111, %reduce_min3A_112 [1] : vector<512x4096xf32> to vector<512xf32>
    %broadcast_in_dim3A_114 = vector.shape_cast %reduce_min3A_113 : vector<512xf32> to vector<512x1xf32>
    %eq3A_115 = vector.broadcast %broadcast_in_dim3A_114 : vector<512x1xf32> to vector<512x4096xf32>
    %eq3A_116 = arith.cmpf oeq, %select_n3A_111, %eq3A_115 : vector<512x4096xf32>
    %jit3A_117 = arith.constant 0x7F800000 : f32
    %broadcast_in_dim3A_118 = vector.broadcast %jit3A_117 : f32 to vector<512x4096xf32>
    %select_n3A_119 = arith.select %eq3A_116, %convert_element_type3A, %broadcast_in_dim3A_118 : vector<512x4096xi1>, vector<512x4096xf32>
    %reduce_min3A_120 = arith.constant dense<0x7F800000> : vector<512xf32>
    %reduce_min3A_121 = vector.multi_reduction <minimumf>, %select_n3A_119, %reduce_min3A_120 [1] : vector<512x4096xf32> to vector<512xf32>
    %broadcast_in_dim3A_122 = vector.shape_cast %reduce_min3A_121 : vector<512xf32> to vector<512x1xf32>
    %eq3A_123 = arith.constant 4 : i32
    %eq3A_124 = vector.broadcast %eq3A_123 : i32 to vector<512x8xi32>
    %eq3A_125 = arith.cmpi eq, %iota3A_22, %eq3A_124 : vector<512x8xi32>
    %broadcast_in_dim3A_126 = vector.shape_cast %broadcast_in_dim3A_122 : vector<512x1xf32> to vector<512x1xf32>
    %broadcast_in_dim3A_127 = vector.broadcast %broadcast_in_dim3A_126 : vector<512x1xf32> to vector<512x8xf32>
    %select_n3A_128 = arith.select %eq3A_125, %broadcast_in_dim3A_127, %select_n3A_106 : vector<512x8xi1>, vector<512x8xf32>
    %eq3A_129 = vector.broadcast %broadcast_in_dim3A_122 : vector<512x1xf32> to vector<512x4096xf32>
    %eq3A_130 = arith.cmpf oeq, %convert_element_type3A, %eq3A_129 : vector<512x4096xf32>
    %jit3A_131 = arith.constant 0x7F800000 : f32
    %broadcast_in_dim3A_132 = vector.broadcast %jit3A_131 : f32 to vector<512x4096xf32>
    %select_n3A_133 = arith.select %eq3A_130, %broadcast_in_dim3A_132, %select_n3A_111 : vector<512x4096xi1>, vector<512x4096xf32>
    %reduce_min3A_134 = arith.constant dense<0x7F800000> : vector<512xf32>
    %reduce_min3A_135 = vector.multi_reduction <minimumf>, %select_n3A_133, %reduce_min3A_134 [1] : vector<512x4096xf32> to vector<512xf32>
    %broadcast_in_dim3A_136 = vector.shape_cast %reduce_min3A_135 : vector<512xf32> to vector<512x1xf32>
    %eq3A_137 = vector.broadcast %broadcast_in_dim3A_136 : vector<512x1xf32> to vector<512x4096xf32>
    %eq3A_138 = arith.cmpf oeq, %select_n3A_133, %eq3A_137 : vector<512x4096xf32>
    %jit3A_139 = arith.constant 0x7F800000 : f32
    %broadcast_in_dim3A_140 = vector.broadcast %jit3A_139 : f32 to vector<512x4096xf32>
    %select_n3A_141 = arith.select %eq3A_138, %convert_element_type3A, %broadcast_in_dim3A_140 : vector<512x4096xi1>, vector<512x4096xf32>
    %reduce_min3A_142 = arith.constant dense<0x7F800000> : vector<512xf32>
    %reduce_min3A_143 = vector.multi_reduction <minimumf>, %select_n3A_141, %reduce_min3A_142 [1] : vector<512x4096xf32> to vector<512xf32>
    %broadcast_in_dim3A_144 = vector.shape_cast %reduce_min3A_143 : vector<512xf32> to vector<512x1xf32>
    %eq3A_145 = arith.constant 5 : i32
    %eq3A_146 = vector.broadcast %eq3A_145 : i32 to vector<512x8xi32>
    %eq3A_147 = arith.cmpi eq, %iota3A_22, %eq3A_146 : vector<512x8xi32>
    %broadcast_in_dim3A_148 = vector.shape_cast %broadcast_in_dim3A_144 : vector<512x1xf32> to vector<512x1xf32>
    %broadcast_in_dim3A_149 = vector.broadcast %broadcast_in_dim3A_148 : vector<512x1xf32> to vector<512x8xf32>
    %select_n3A_150 = arith.select %eq3A_147, %broadcast_in_dim3A_149, %select_n3A_128 : vector<512x8xi1>, vector<512x8xf32>
    %eq3A_151 = vector.broadcast %broadcast_in_dim3A_144 : vector<512x1xf32> to vector<512x4096xf32>
    %eq3A_152 = arith.cmpf oeq, %convert_element_type3A, %eq3A_151 : vector<512x4096xf32>
    %jit3A_153 = arith.constant 0x7F800000 : f32
    %broadcast_in_dim3A_154 = vector.broadcast %jit3A_153 : f32 to vector<512x4096xf32>
    %select_n3A_155 = arith.select %eq3A_152, %broadcast_in_dim3A_154, %select_n3A_133 : vector<512x4096xi1>, vector<512x4096xf32>
    %reduce_min3A_156 = arith.constant dense<0x7F800000> : vector<512xf32>
    %reduce_min3A_157 = vector.multi_reduction <minimumf>, %select_n3A_155, %reduce_min3A_156 [1] : vector<512x4096xf32> to vector<512xf32>
    %broadcast_in_dim3A_158 = vector.shape_cast %reduce_min3A_157 : vector<512xf32> to vector<512x1xf32>
    %eq3A_159 = vector.broadcast %broadcast_in_dim3A_158 : vector<512x1xf32> to vector<512x4096xf32>
    %eq3A_160 = arith.cmpf oeq, %select_n3A_155, %eq3A_159 : vector<512x4096xf32>
    %jit3A_161 = arith.constant 0x7F800000 : f32
    %broadcast_in_dim3A_162 = vector.broadcast %jit3A_161 : f32 to vector<512x4096xf32>
    %select_n3A_163 = arith.select %eq3A_160, %convert_element_type3A, %broadcast_in_dim3A_162 : vector<512x4096xi1>, vector<512x4096xf32>
    %reduce_min3A_164 = arith.constant dense<0x7F800000> : vector<512xf32>
    %reduce_min3A_165 = vector.multi_reduction <minimumf>, %select_n3A_163, %reduce_min3A_164 [1] : vector<512x4096xf32> to vector<512xf32>
    %broadcast_in_dim3A_166 = vector.shape_cast %reduce_min3A_165 : vector<512xf32> to vector<512x1xf32>
    %eq3A_167 = arith.constant 6 : i32
    %eq3A_168 = vector.broadcast %eq3A_167 : i32 to vector<512x8xi32>
    %eq3A_169 = arith.cmpi eq, %iota3A_22, %eq3A_168 : vector<512x8xi32>
    %broadcast_in_dim3A_170 = vector.shape_cast %broadcast_in_dim3A_166 : vector<512x1xf32> to vector<512x1xf32>
    %broadcast_in_dim3A_171 = vector.broadcast %broadcast_in_dim3A_170 : vector<512x1xf32> to vector<512x8xf32>
    %select_n3A_172 = arith.select %eq3A_169, %broadcast_in_dim3A_171, %select_n3A_150 : vector<512x8xi1>, vector<512x8xf32>
    %eq3A_173 = vector.broadcast %broadcast_in_dim3A_166 : vector<512x1xf32> to vector<512x4096xf32>
    %eq3A_174 = arith.cmpf oeq, %convert_element_type3A, %eq3A_173 : vector<512x4096xf32>
    %jit3A_175 = arith.constant 0x7F800000 : f32
    %broadcast_in_dim3A_176 = vector.broadcast %jit3A_175 : f32 to vector<512x4096xf32>
    %select_n3A_177 = arith.select %eq3A_174, %broadcast_in_dim3A_176, %select_n3A_155 : vector<512x4096xi1>, vector<512x4096xf32>
    %reduce_min3A_178 = arith.constant dense<0x7F800000> : vector<512xf32>
    %reduce_min3A_179 = vector.multi_reduction <minimumf>, %select_n3A_177, %reduce_min3A_178 [1] : vector<512x4096xf32> to vector<512xf32>
    %broadcast_in_dim3A_180 = vector.shape_cast %reduce_min3A_179 : vector<512xf32> to vector<512x1xf32>
    %eq3A_181 = vector.broadcast %broadcast_in_dim3A_180 : vector<512x1xf32> to vector<512x4096xf32>
    %eq3A_182 = arith.cmpf oeq, %select_n3A_177, %eq3A_181 : vector<512x4096xf32>
    %jit3A_183 = arith.constant 0x7F800000 : f32
    %broadcast_in_dim3A_184 = vector.broadcast %jit3A_183 : f32 to vector<512x4096xf32>
    %select_n3A_185 = arith.select %eq3A_182, %convert_element_type3A, %broadcast_in_dim3A_184 : vector<512x4096xi1>, vector<512x4096xf32>
    %reduce_min3A_186 = arith.constant dense<0x7F800000> : vector<512xf32>
    %reduce_min3A_187 = vector.multi_reduction <minimumf>, %select_n3A_185, %reduce_min3A_186 [1] : vector<512x4096xf32> to vector<512xf32>
    %broadcast_in_dim3A_188 = vector.shape_cast %reduce_min3A_187 : vector<512xf32> to vector<512x1xf32>
    %eq3A_189 = arith.constant 7 : i32
    %eq3A_190 = vector.broadcast %eq3A_189 : i32 to vector<512x8xi32>
    %eq3A_191 = arith.cmpi eq, %iota3A_22, %eq3A_190 : vector<512x8xi32>
    %broadcast_in_dim3A_192 = vector.shape_cast %broadcast_in_dim3A_188 : vector<512x1xf32> to vector<512x1xf32>
    %broadcast_in_dim3A_193 = vector.broadcast %broadcast_in_dim3A_192 : vector<512x1xf32> to vector<512x8xf32>
    %select_n3A_194 = arith.select %eq3A_191, %broadcast_in_dim3A_193, %select_n3A_172 : vector<512x8xi1>, vector<512x8xf32>
    %transpose3A = tpu.transpose %select_n3A_194, [1, 0] : vector<512x8xf32> -> vector<8x512xf32>
    %convert_element_type3A_195 = arith.fptosi %transpose3A : vector<8x512xf32> to vector<8x512xi32>
    %swap3A = arith.constant 0 : index
    %swap3A_196 = arith.constant 0 : index
    %swap3A_197 = arith.constant 0 : index
    %swap3A_198 = vector.load %arg3[%swap3A, %swap3A_196, %swap3A_197] : memref<1x8x512xi32, #tpu.memory_space<vmem>>, vector<1x8x512xi32>
    %swap3A_199 = vector.shape_cast %swap3A_198 : vector<1x8x512xi32> to vector<8x512xi32>
    %swap3A_200 = vector.shape_cast %convert_element_type3A_195 : vector<8x512xi32> to vector<1x8x512xi32>
    tpu.vector_store %arg3[%swap3A, %swap3A_196, %swap3A_197], %swap3A_200 {strides = array<i32>} : memref<1x8x512xi32, #tpu.memory_space<vmem>>, vector<1x8x512xi32>,
    return
  }
  func.func @transform_0(%arg0: i32) -> (i32, i32, i32) {
    %add3A = arith.constant 0 : i32
    %add3A_0 = arith.addi %add3A, %arg0 : i32
    %c1_i32 = arith.constant 1 : i32
    %c0_i32 = arith.constant 0 : i32
    %c0_i32_1 = arith.constant 0 : i32
    return %c1_i32, %c0_i32, %add3A_0 : i32, i32, i32
  }
  func.func @transform_1(%arg0: i32) -> (i32, i32, i32) {
    %c1_i32 = arith.constant 1 : i32
    %c0_i32 = arith.constant 0 : i32
    %c0_i32_0 = arith.constant 0 : i32
    %c0_i32_1 = arith.constant 0 : i32
    return %c1_i32, %c0_i32, %c0_i32_0 : i32, i32, i32
  }
  func.func @transform_2(%arg0: i32) -> (i32, i32, i32) {
    %c0_i32 = arith.constant 0 : i32
    %c0_i32_0 = arith.constant 0 : i32
    %c0_i32_1 = arith.constant 0 : i32
    return %arg0, %c0_i32, %c0_i32_0 : i32, i32, i32
  }
}

module attributes {stable_mosaic.version = 14 : i64} {
  func.func @_topk_body(%arg0: i32, %arg1: memref<1x96x512xf32, #tpu.memory_space<vmem>>, %arg2: memref<1x96x4096xf32, #tpu.memory_space<vmem>>, %arg3: memref<1x8x512xi32, #tpu.memory_space<vmem>>) attributes {dimension_semantics = [#tpu.dimension_semantics<arbitrary>], iteration_bounds = array<i64: 4>, scalar_prefetch = 0 : i64, scratch_operands = 0 : i64, tpu.core_type = #tpu.core_type<tc>, window_params = [{transform_indices = @transform_0, window_bounds = array<i64: 1, 96, 512>}, {transform_indices = @transform_1, window_bounds = array<i64: 1, 96, 4096>}, {transform_indices = @transform_2, window_bounds = array<i64: 1, 8, 512>}]} {
    %get3A = arith.constant 0 : index
    %get3A_0 = arith.constant 0 : index
    %get3A_1 = arith.constant 0 : index
    %get3A_2 = vector.load %arg1[%get3A, %get3A_0, %get3A_1] : memref<1x96x512xf32, #tpu.memory_space<vmem>>, vector<1x96x512xf32>
    %get3A_3 = vector.shape_cast %get3A_2 : vector<1x96x512xf32> to vector<96x512xf32>
    %get3A_4 = arith.constant 0 : index
    %get3A_5 = arith.constant 0 : index
    %get3A_6 = arith.constant 0 : index
    %get3A_7 = vector.load %arg2[%get3A_4, %get3A_5, %get3A_6] : memref<1x96x4096xf32, #tpu.memory_space<vmem>>, vector<1x96x4096xf32>
    %get3A_8 = vector.shape_cast %get3A_7 : vector<1x96x4096xf32> to vector<96x4096xf32>
    %dot_general3A = arith.constant dense<0.000000e+00> : vector<512x4096xf32>
    %dot_general3A_9 = tpu.matmul %get3A_3, %get3A_8, %dot_general3A {dimension_numbers = #tpu.dot_dimension_numbers<[0], [0], [1], [1], [0, 1, 1, 1], [], []>, transpose_lhs_hint = false} : vector<96x512xf32>, vector<96x4096xf32>, vector<512x4096xf32> -> vector<512x4096xf32>
    %mul3A = arith.mulf %get3A_8, %get3A_8 : vector<96x4096xf32>
    %reduce_sum3A = arith.constant dense<0.000000e+00> : vector<4096xf32>
    %reduce_sum3A_10 = vector.multi_reduction <add>, %mul3A, %reduce_sum3A [0] : vector<96x4096xf32> to vector<4096xf32>
    %broadcast_in_dim3A = vector.shape_cast %reduce_sum3A_10 : vector<4096xf32> to vector<1x4096xf32>
    %mul3A_11 = arith.constant 2.000000e+00 : f32
    %mul3A_12 = vector.broadcast %mul3A_11 : f32 to vector<512x4096xf32>
    %mul3A_13 = arith.mulf %mul3A_12, %dot_general3A_9 : vector<512x4096xf32>
    %sub3A = vector.broadcast %broadcast_in_dim3A : vector<1x4096xf32> to vector<512x4096xf32>
    %sub3A_14 = arith.subf %sub3A, %mul3A_13 : vector<512x4096xf32>
    %iota3A = tpu.iota {dimensions = array<i32: 1>} : vector<512x4096xi32>
    %mul3A_15 = arith.constant 512 : i32
    %mul3A_16 = arith.muli %arg0, %mul3A_15 : i32
    %add3A = arith.constant 2048 : i32
    %add3A_17 = arith.addi %add3A, %mul3A_16 : i32
    %iota3A_18 = tpu.iota {dimensions = array<i32: 0>} : vector<512x4096xi32>
    %add3A_19 = vector.broadcast %add3A_17 : i32 to vector<512x4096xi32>
    %add3A_20 = arith.addi %add3A_19, %iota3A_18 : vector<512x4096xi32>
    %eq3A = arith.cmpi eq, %iota3A, %add3A_20 : vector<512x4096xi32>
    %jit3A = arith.constant 0x7F800000 : f32
    %broadcast_in_dim3A_21 = vector.broadcast %jit3A : f32 to vector<512x4096xf32>
    %select_n3A = arith.select %eq3A, %broadcast_in_dim3A_21, %sub3A_14 : vector<512x4096xi1>, vector<512x4096xf32>
    %convert_element_type3A = arith.sitofp %iota3A : vector<512x4096xi32> to vector<512x4096xf32>
    %iota3A_22 = tpu.iota {dimensions = array<i32: 1>} : vector<512x8xi32>
    %broadcast_in_dim3A_23 = arith.constant 0.000000e+00 : f32
    %broadcast_in_dim3A_24 = vector.broadcast %broadcast_in_dim3A_23 : f32 to vector<512x8xf32>
    %reduce_min3A = arith.constant dense<0x7F800000> : vector<512xf32>
    %reduce_min3A_25 = vector.multi_reduction <minimumf>, %select_n3A, %reduce_min3A [1] : vector<512x4096xf32> to vector<512xf32>
    %broadcast_in_dim3A_26 = vector.shape_cast %reduce_min3A_25 : vector<512xf32> to vector<512x1xf32>
    %eq3A_27 = vector.broadcast %broadcast_in_dim3A_26 : vector<512x1xf32> to vector<512x4096xf32>
    %eq3A_28 = arith.cmpf oeq, %select_n3A, %eq3A_27 : vector<512x4096xf32>
    %jit3A_29 = arith.constant 0x7F800000 : f32
    %broadcast_in_dim3A_30 = vector.broadcast %jit3A_29 : f32 to vector<512x4096xf32>
    %select_n3A_31 = arith.select %eq3A_28, %convert_element_type3A, %broadcast_in_dim3A_30 : vector<512x4096xi1>, vector<512x4096xf32>
    %reduce_min3A_32 = arith.constant dense<0x7F800000> : vector<512xf32>
    %reduce_min3A_33 = vector.multi_reduction <minimumf>, %select_n3A_31, %reduce_min3A_32 [1] : vector<512x4096xf32> to vector<512xf32>
    %broadcast_in_dim3A_34 = vector.shape_cast %reduce_min3A_33 : vector<512xf32> to vector<512x1xf32>
    %eq3A_35 = arith.constant 0 : i32
    %eq3A_36 = vector.broadcast %eq3A_35 : i32 to vector<512x8xi32>
    %eq3A_37 = arith.cmpi eq, %iota3A_22, %eq3A_36 : vector<512x8xi32>
    %broadcast_in_dim3A_38 = vector.shape_cast %broadcast_in_dim3A_34 : vector<512x1xf32> to vector<512x1xf32>
    %broadcast_in_dim3A_39 = vector.broadcast %broadcast_in_dim3A_38 : vector<512x1xf32> to vector<512x8xf32>
    %select_n3A_40 = arith.select %eq3A_37, %broadcast_in_dim3A_39, %broadcast_in_dim3A_24 : vector<512x8xi1>, vector<512x8xf32>
    %eq3A_41 = vector.broadcast %broadcast_in_dim3A_34 : vector<512x1xf32> to vector<512x4096xf32>
    %eq3A_42 = arith.cmpf oeq, %convert_element_type3A, %eq3A_41 : vector<512x4096xf32>
    %jit3A_43 = arith.constant 0x7F800000 : f32
    %broadcast_in_dim3A_44 = vector.broadcast %jit3A_43 : f32 to vector<512x4096xf32>
    %select_n3A_45 = arith.select %eq3A_42, %broadcast_in_dim3A_44, %select_n3A : vector<512x4096xi1>, vector<512x4096xf32>
    %reduce_min3A_46 = arith.constant dense<0x7F800000> : vector<512xf32>
    %reduce_min3A_47 = vector.multi_reduction <minimumf>, %select_n3A_45, %reduce_min3A_46 [1] : vector<512x4096xf32> to vector<512xf32>
    %broadcast_in_dim3A_48 = vector.shape_cast %reduce_min3A_47 : vector<512xf32> to vector<512x1xf32>
    %eq3A_49 = vector.broadcast %broadcast_in_dim3A_48 : vector<512x1xf32> to vector<512x4096xf32>
    %eq3A_50 = arith.cmpf oeq, %select_n3A_45, %eq3A_49 : vector<512x4096xf32>
    %jit3A_51 = arith.constant 0x7F800000 : f32
    %broadcast_in_dim3A_52 = vector.broadcast %jit3A_51 : f32 to vector<512x4096xf32>
    %select_n3A_53 = arith.select %eq3A_50, %convert_element_type3A, %broadcast_in_dim3A_52 : vector<512x4096xi1>, vector<512x4096xf32>
    %reduce_min3A_54 = arith.constant dense<0x7F800000> : vector<512xf32>
    %reduce_min3A_55 = vector.multi_reduction <minimumf>, %select_n3A_53, %reduce_min3A_54 [1] : vector<512x4096xf32> to vector<512xf32>
    %broadcast_in_dim3A_56 = vector.shape_cast %reduce_min3A_55 : vector<512xf32> to vector<512x1xf32>
    %eq3A_57 = arith.constant 1 : i32
    %eq3A_58 = vector.broadcast %eq3A_57 : i32 to vector<512x8xi32>
    %eq3A_59 = arith.cmpi eq, %iota3A_22, %eq3A_58 : vector<512x8xi32>
    %broadcast_in_dim3A_60 = vector.shape_cast %broadcast_in_dim3A_56 : vector<512x1xf32> to vector<512x1xf32>
    %broadcast_in_dim3A_61 = vector.broadcast %broadcast_in_dim3A_60 : vector<512x1xf32> to vector<512x8xf32>
    %select_n3A_62 = arith.select %eq3A_59, %broadcast_in_dim3A_61, %select_n3A_40 : vector<512x8xi1>, vector<512x8xf32>
    %eq3A_63 = vector.broadcast %broadcast_in_dim3A_56 : vector<512x1xf32> to vector<512x4096xf32>
    %eq3A_64 = arith.cmpf oeq, %convert_element_type3A, %eq3A_63 : vector<512x4096xf32>
    %jit3A_65 = arith.constant 0x7F800000 : f32
    %broadcast_in_dim3A_66 = vector.broadcast %jit3A_65 : f32 to vector<512x4096xf32>
    %select_n3A_67 = arith.select %eq3A_64, %broadcast_in_dim3A_66, %select_n3A_45 : vector<512x4096xi1>, vector<512x4096xf32>
    %reduce_min3A_68 = arith.constant dense<0x7F800000> : vector<512xf32>
    %reduce_min3A_69 = vector.multi_reduction <minimumf>, %select_n3A_67, %reduce_min3A_68 [1] : vector<512x4096xf32> to vector<512xf32>
    %broadcast_in_dim3A_70 = vector.shape_cast %reduce_min3A_69 : vector<512xf32> to vector<512x1xf32>
    %eq3A_71 = vector.broadcast %broadcast_in_dim3A_70 : vector<512x1xf32> to vector<512x4096xf32>
    %eq3A_72 = arith.cmpf oeq, %select_n3A_67, %eq3A_71 : vector<512x4096xf32>
    %jit3A_73 = arith.constant 0x7F800000 : f32
    %broadcast_in_dim3A_74 = vector.broadcast %jit3A_73 : f32 to vector<512x4096xf32>
    %select_n3A_75 = arith.select %eq3A_72, %convert_element_type3A, %broadcast_in_dim3A_74 : vector<512x4096xi1>, vector<512x4096xf32>
    %reduce_min3A_76 = arith.constant dense<0x7F800000> : vector<512xf32>
    %reduce_min3A_77 = vector.multi_reduction <minimumf>, %select_n3A_75, %reduce_min3A_76 [1] : vector<512x4096xf32> to vector<512xf32>
    %broadcast_in_dim3A_78 = vector.shape_cast %reduce_min3A_77 : vector<512xf32> to vector<512x1xf32>
    %eq3A_79 = arith.constant 2 : i32
    %eq3A_80 = vector.broadcast %eq3A_79 : i32 to vector<512x8xi32>
    %eq3A_81 = arith.cmpi eq, %iota3A_22, %eq3A_80 : vector<512x8xi32>
    %broadcast_in_dim3A_82 = vector.shape_cast %broadcast_in_dim3A_78 : vector<512x1xf32> to vector<512x1xf32>
    %broadcast_in_dim3A_83 = vector.broadcast %broadcast_in_dim3A_82 : vector<512x1xf32> to vector<512x8xf32>
    %select_n3A_84 = arith.select %eq3A_81, %broadcast_in_dim3A_83, %select_n3A_62 : vector<512x8xi1>, vector<512x8xf32>
    %eq3A_85 = vector.broadcast %broadcast_in_dim3A_78 : vector<512x1xf32> to vector<512x4096xf32>
    %eq3A_86 = arith.cmpf oeq, %convert_element_type3A, %eq3A_85 : vector<512x4096xf32>
    %jit3A_87 = arith.constant 0x7F800000 : f32
    %broadcast_in_dim3A_88 = vector.broadcast %jit3A_87 : f32 to vector<512x4096xf32>
    %select_n3A_89 = arith.select %eq3A_86, %broadcast_in_dim3A_88, %select_n3A_67 : vector<512x4096xi1>, vector<512x4096xf32>
    %reduce_min3A_90 = arith.constant dense<0x7F800000> : vector<512xf32>
    %reduce_min3A_91 = vector.multi_reduction <minimumf>, %select_n3A_89, %reduce_min3A_90 [1] : vector<512x4096xf32> to vector<512xf32>
    %broadcast_in_dim3A_92 = vector.shape_cast %reduce_min3A_91 : vector<512xf32> to vector<512x1xf32>
    %eq3A_93 = vector.broadcast %broadcast_in_dim3A_92 : vector<512x1xf32> to vector<512x4096xf32>
    %eq3A_94 = arith.cmpf oeq, %select_n3A_89, %eq3A_93 : vector<512x4096xf32>
    %jit3A_95 = arith.constant 0x7F800000 : f32
    %broadcast_in_dim3A_96 = vector.broadcast %jit3A_95 : f32 to vector<512x4096xf32>
    %select_n3A_97 = arith.select %eq3A_94, %convert_element_type3A, %broadcast_in_dim3A_96 : vector<512x4096xi1>, vector<512x4096xf32>
    %reduce_min3A_98 = arith.constant dense<0x7F800000> : vector<512xf32>
    %reduce_min3A_99 = vector.multi_reduction <minimumf>, %select_n3A_97, %reduce_min3A_98 [1] : vector<512x4096xf32> to vector<512xf32>
    %broadcast_in_dim3A_100 = vector.shape_cast %reduce_min3A_99 : vector<512xf32> to vector<512x1xf32>
    %eq3A_101 = arith.constant 3 : i32
    %eq3A_102 = vector.broadcast %eq3A_101 : i32 to vector<512x8xi32>
    %eq3A_103 = arith.cmpi eq, %iota3A_22, %eq3A_102 : vector<512x8xi32>
    %broadcast_in_dim3A_104 = vector.shape_cast %broadcast_in_dim3A_100 : vector<512x1xf32> to vector<512x1xf32>
    %broadcast_in_dim3A_105 = vector.broadcast %broadcast_in_dim3A_104 : vector<512x1xf32> to vector<512x8xf32>
    %select_n3A_106 = arith.select %eq3A_103, %broadcast_in_dim3A_105, %select_n3A_84 : vector<512x8xi1>, vector<512x8xf32>
    %eq3A_107 = vector.broadcast %broadcast_in_dim3A_100 : vector<512x1xf32> to vector<512x4096xf32>
    %eq3A_108 = arith.cmpf oeq, %convert_element_type3A, %eq3A_107 : vector<512x4096xf32>
    %jit3A_109 = arith.constant 0x7F800000 : f32
    %broadcast_in_dim3A_110 = vector.broadcast %jit3A_109 : f32 to vector<512x4096xf32>
    %select_n3A_111 = arith.select %eq3A_108, %broadcast_in_dim3A_110, %select_n3A_89 : vector<512x4096xi1>, vector<512x4096xf32>
    %reduce_min3A_112 = arith.constant dense<0x7F800000> : vector<512xf32>
    %reduce_min3A_113 = vector.multi_reduction <minimumf>, %select_n3A_111, %reduce_min3A_112 [1] : vector<512x4096xf32> to vector<512xf32>
    %broadcast_in_dim3A_114 = vector.shape_cast %reduce_min3A_113 : vector<512xf32> to vector<512x1xf32>
    %eq3A_115 = vector.broadcast %broadcast_in_dim3A_114 : vector<512x1xf32> to vector<512x4096xf32>
    %eq3A_116 = arith.cmpf oeq, %select_n3A_111, %eq3A_115 : vector<512x4096xf32>
    %jit3A_117 = arith.constant 0x7F800000 : f32
    %broadcast_in_dim3A_118 = vector.broadcast %jit3A_117 : f32 to vector<512x4096xf32>
    %select_n3A_119 = arith.select %eq3A_116, %convert_element_type3A, %broadcast_in_dim3A_118 : vector<512x4096xi1>, vector<512x4096xf32>
    %reduce_min3A_120 = arith.constant dense<0x7F800000> : vector<512xf32>
    %reduce_min3A_121 = vector.multi_reduction <minimumf>, %select_n3A_119, %reduce_min3A_120 [1] : vector<512x4096xf32> to vector<512xf32>
    %broadcast_in_dim3A_122 = vector.shape_cast %reduce_min3A_121 : vector<512xf32> to vector<512x1xf32>
    %eq3A_123 = arith.constant 4 : i32
    %eq3A_124 = vector.broadcast %eq3A_123 : i32 to vector<512x8xi32>
    %eq3A_125 = arith.cmpi eq, %iota3A_22, %eq3A_124 : vector<512x8xi32>
    %broadcast_in_dim3A_126 = vector.shape_cast %broadcast_in_dim3A_122 : vector<512x1xf32> to vector<512x1xf32>
    %broadcast_in_dim3A_127 = vector.broadcast %broadcast_in_dim3A_126 : vector<512x1xf32> to vector<512x8xf32>
    %select_n3A_128 = arith.select %eq3A_125, %broadcast_in_dim3A_127, %select_n3A_106 : vector<512x8xi1>, vector<512x8xf32>
    %eq3A_129 = vector.broadcast %broadcast_in_dim3A_122 : vector<512x1xf32> to vector<512x4096xf32>
    %eq3A_130 = arith.cmpf oeq, %convert_element_type3A, %eq3A_129 : vector<512x4096xf32>
    %jit3A_131 = arith.constant 0x7F800000 : f32
    %broadcast_in_dim3A_132 = vector.broadcast %jit3A_131 : f32 to vector<512x4096xf32>
    %select_n3A_133 = arith.select %eq3A_130, %broadcast_in_dim3A_132, %select_n3A_111 : vector<512x4096xi1>, vector<512x4096xf32>
    %reduce_min3A_134 = arith.constant dense<0x7F800000> : vector<512xf32>
    %reduce_min3A_135 = vector.multi_reduction <minimumf>, %select_n3A_133, %reduce_min3A_134 [1] : vector<512x4096xf32> to vector<512xf32>
    %broadcast_in_dim3A_136 = vector.shape_cast %reduce_min3A_135 : vector<512xf32> to vector<512x1xf32>
    %eq3A_137 = vector.broadcast %broadcast_in_dim3A_136 : vector<512x1xf32> to vector<512x4096xf32>
    %eq3A_138 = arith.cmpf oeq, %select_n3A_133, %eq3A_137 : vector<512x4096xf32>
    %jit3A_139 = arith.constant 0x7F800000 : f32
    %broadcast_in_dim3A_140 = vector.broadcast %jit3A_139 : f32 to vector<512x4096xf32>
    %select_n3A_141 = arith.select %eq3A_138, %convert_element_type3A, %broadcast_in_dim3A_140 : vector<512x4096xi1>, vector<512x4096xf32>
    %reduce_min3A_142 = arith.constant dense<0x7F800000> : vector<512xf32>
    %reduce_min3A_143 = vector.multi_reduction <minimumf>, %select_n3A_141, %reduce_min3A_142 [1] : vector<512x4096xf32> to vector<512xf32>
    %broadcast_in_dim3A_144 = vector.shape_cast %reduce_min3A_143 : vector<512xf32> to vector<512x1xf32>
    %eq3A_145 = arith.constant 5 : i32
    %eq3A_146 = vector.broadcast %eq3A_145 : i32 to vector<512x8xi32>
    %eq3A_147 = arith.cmpi eq, %iota3A_22, %eq3A_146 : vector<512x8xi32>
    %broadcast_in_dim3A_148 = vector.shape_cast %broadcast_in_dim3A_144 : vector<512x1xf32> to vector<512x1xf32>
    %broadcast_in_dim3A_149 = vector.broadcast %broadcast_in_dim3A_148 : vector<512x1xf32> to vector<512x8xf32>
    %select_n3A_150 = arith.select %eq3A_147, %broadcast_in_dim3A_149, %select_n3A_128 : vector<512x8xi1>, vector<512x8xf32>
    %eq3A_151 = vector.broadcast %broadcast_in_dim3A_144 : vector<512x1xf32> to vector<512x4096xf32>
    %eq3A_152 = arith.cmpf oeq, %convert_element_type3A, %eq3A_151 : vector<512x4096xf32>
    %jit3A_153 = arith.constant 0x7F800000 : f32
    %broadcast_in_dim3A_154 = vector.broadcast %jit3A_153 : f32 to vector<512x4096xf32>
    %select_n3A_155 = arith.select %eq3A_152, %broadcast_in_dim3A_154, %select_n3A_133 : vector<512x4096xi1>, vector<512x4096xf32>
    %reduce_min3A_156 = arith.constant dense<0x7F800000> : vector<512xf32>
    %reduce_min3A_157 = vector.multi_reduction <minimumf>, %select_n3A_155, %reduce_min3A_156 [1] : vector<512x4096xf32> to vector<512xf32>
    %broadcast_in_dim3A_158 = vector.shape_cast %reduce_min3A_157 : vector<512xf32> to vector<512x1xf32>
    %eq3A_159 = vector.broadcast %broadcast_in_dim3A_158 : vector<512x1xf32> to vector<512x4096xf32>
    %eq3A_160 = arith.cmpf oeq, %select_n3A_155, %eq3A_159 : vector<512x4096xf32>
    %jit3A_161 = arith.constant 0x7F800000 : f32
    %broadcast_in_dim3A_162 = vector.broadcast %jit3A_161 : f32 to vector<512x4096xf32>
    %select_n3A_163 = arith.select %eq3A_160, %convert_element_type3A, %broadcast_in_dim3A_162 : vector<512x4096xi1>, vector<512x4096xf32>
    %reduce_min3A_164 = arith.constant dense<0x7F800000> : vector<512xf32>
    %reduce_min3A_165 = vector.multi_reduction <minimumf>, %select_n3A_163, %reduce_min3A_164 [1] : vector<512x4096xf32> to vector<512xf32>
    %broadcast_in_dim3A_166 = vector.shape_cast %reduce_min3A_165 : vector<512xf32> to vector<512x1xf32>
    %eq3A_167 = arith.constant 6 : i32
    %eq3A_168 = vector.broadcast %eq3A_167 : i32 to vector<512x8xi32>
    %eq3A_169 = arith.cmpi eq, %iota3A_22, %eq3A_168 : vector<512x8xi32>
    %broadcast_in_dim3A_170 = vector.shape_cast %broadcast_in_dim3A_166 : vector<512x1xf32> to vector<512x1xf32>
    %broadcast_in_dim3A_171 = vector.broadcast %broadcast_in_dim3A_170 : vector<512x1xf32> to vector<512x8xf32>
    %select_n3A_172 = arith.select %eq3A_169, %broadcast_in_dim3A_171, %select_n3A_150 : vector<512x8xi1>, vector<512x8xf32>
    %eq3A_173 = vector.broadcast %broadcast_in_dim3A_166 : vector<512x1xf32> to vector<512x4096xf32>
    %eq3A_174 = arith.cmpf oeq, %convert_element_type3A, %eq3A_173 : vector<512x4096xf32>
    %jit3A_175 = arith.constant 0x7F800000 : f32
    %broadcast_in_dim3A_176 = vector.broadcast %jit3A_175 : f32 to vector<512x4096xf32>
    %select_n3A_177 = arith.select %eq3A_174, %broadcast_in_dim3A_176, %select_n3A_155 : vector<512x4096xi1>, vector<512x4096xf32>
    %reduce_min3A_178 = arith.constant dense<0x7F800000> : vector<512xf32>
    %reduce_min3A_179 = vector.multi_reduction <minimumf>, %select_n3A_177, %reduce_min3A_178 [1] : vector<512x4096xf32> to vector<512xf32>
    %broadcast_in_dim3A_180 = vector.shape_cast %reduce_min3A_179 : vector<512xf32> to vector<512x1xf32>
    %eq3A_181 = vector.broadcast %broadcast_in_dim3A_180 : vector<512x1xf32> to vector<512x4096xf32>
    %eq3A_182 = arith.cmpf oeq, %select_n3A_177, %eq3A_181 : vector<512x4096xf32>
    %jit3A_183 = arith.constant 0x7F800000 : f32
    %broadcast_in_dim3A_184 = vector.broadcast %jit3A_183 : f32 to vector<512x4096xf32>
    %select_n3A_185 = arith.select %eq3A_182, %convert_element_type3A, %broadcast_in_dim3A_184 : vector<512x4096xi1>, vector<512x4096xf32>
    %reduce_min3A_186 = arith.constant dense<0x7F800000> : vector<512xf32>
    %reduce_min3A_187 = vector.multi_reduction <minimumf>, %select_n3A_185, %reduce_min3A_186 [1] : vector<512x4096xf32> to vector<512xf32>
    %broadcast_in_dim3A_188 = vector.shape_cast %reduce_min3A_187 : vector<512xf32> to vector<512x1xf32>
    %eq3A_189 = arith.constant 7 : i32
    %eq3A_190 = vector.broadcast %eq3A_189 : i32 to vector<512x8xi32>
    %eq3A_191 = arith.cmpi eq, %iota3A_22, %eq3A_190 : vector<512x8xi32>
    %broadcast_in_dim3A_192 = vector.shape_cast %broadcast_in_dim3A_188 : vector<512x1xf32> to vector<512x1xf32>
    %broadcast_in_dim3A_193 = vector.broadcast %broadcast_in_dim3A_192 : vector<512x1xf32> to vector<512x8xf32>
    %select_n3A_194 = arith.select %eq3A_191, %broadcast_in_dim3A_193, %select_n3A_172 : vector<512x8xi1>, vector<512x8xf32>
    %transpose3A = tpu.transpose %select_n3A_194, [1, 0] : vector<512x8xf32> -> vector<8x512xf32>
    %convert_element_type3A_195 = arith.fptosi %transpose3A : vector<8x512xf32> to vector<8x512xi32>
    %swap3A = arith.constant 0 : index
    %swap3A_196 = arith.constant 0 : index
    %swap3A_197 = arith.constant 0 : index
    %swap3A_198 = vector.load %arg3[%swap3A, %swap3A_196, %swap3A_197] : memref<1x8x512xi32, #tpu.memory_space<vmem>>, vector<1x8x512xi32>
    %swap3A_199 = vector.shape_cast %swap3A_198 : vector<1x8x512xi32> to vector<8x512xi32>
    %swap3A_200 = vector.shape_cast %convert_element_type3A_195 : vector<8x512xi32> to vector<1x8x512xi32>
    tpu.vector_store %arg3[%swap3A, %swap3A_196, %swap3A_197], %swap3A_200 {strides = array<i32>} : memref<1x8x512xi32, #tpu.memory_space<vmem>>, vector<1x8x512xi32>,
    return
  }
  func.func @transform_0(%arg0: i32) -> (i32, i32, i32) {
    %add3A = arith.constant 4 : i32
    %add3A_0 = arith.addi %add3A, %arg0 : i32
    %c1_i32 = arith.constant 1 : i32
    %c0_i32 = arith.constant 0 : i32
    %c0_i32_1 = arith.constant 0 : i32
    return %c1_i32, %c0_i32, %add3A_0 : i32, i32, i32
  }
  func.func @transform_1(%arg0: i32) -> (i32, i32, i32) {
    %c1_i32 = arith.constant 1 : i32
    %c0_i32 = arith.constant 0 : i32
    %c0_i32_0 = arith.constant 0 : i32
    %c0_i32_1 = arith.constant 0 : i32
    return %c1_i32, %c0_i32, %c0_i32_0 : i32, i32, i32
  }
  func.func @transform_2(%arg0: i32) -> (i32, i32, i32) {
    %c0_i32 = arith.constant 0 : i32
    %c0_i32_0 = arith.constant 0 : i32
    %c0_i32_1 = arith.constant 0 : i32
    return %arg0, %c0_i32, %c0_i32_0 : i32, i32, i32
  }
}

module attributes {stable_mosaic.version = 14 : i64} {
  func.func @_conv_body(%arg0: i32, %arg1: memref<1x96x512xf32, #tpu.memory_space<vmem>>, %arg2: memref<1x8x512x128xf32, #tpu.memory_space<vmem>>, %arg3: memref<96x96xf32, #tpu.memory_space<vmem>>, %arg4: memref<8x96x96xf32, #tpu.memory_space<vmem>>, %arg5: memref<1x96xf32, #tpu.memory_space<vmem>>, %arg6: memref<96x512xf32, #tpu.memory_space<vmem>>) attributes {dimension_semantics = [#tpu.dimension_semantics<arbitrary>], iteration_bounds = array<i64: 4>, scalar_prefetch = 0 : i64, scratch_operands = 0 : i64, tpu.core_type = #tpu.core_type<tc>, window_params = [{transform_indices = @transform_0, window_bounds = array<i64: 1, 96, 512>}, {transform_indices = @transform_1, window_bounds = array<i64: 1, 8, 512, 128>}, {pipeline_mode = #tpu.pipeline_mode<synchronous>, transform_indices = @transform_2, window_bounds = array<i64: 96, 96>}, {pipeline_mode = #tpu.pipeline_mode<synchronous>, transform_indices = @transform_3, window_bounds = array<i64: 8, 96, 96>}, {pipeline_mode = #tpu.pipeline_mode<synchronous>, transform_indices = @transform_4, window_bounds = array<i64: 1, 96>}, {transform_indices = @transform_5, window_bounds = array<i64: 96, 512>}]} {
    %get3A = arith.constant 0 : index
    %get3A_0 = arith.constant 0 : index
    %get3A_1 = arith.constant 0 : index
    %get3A_2 = vector.load %arg1[%get3A, %get3A_0, %get3A_1] : memref<1x96x512xf32, #tpu.memory_space<vmem>>, vector<1x96x512xf32>
    %get3A_3 = vector.shape_cast %get3A_2 : vector<1x96x512xf32> to vector<96x512xf32>
    %get3A_4 = arith.constant 0 : index
    %get3A_5 = arith.constant 0 : index
    %get3A_6 = vector.load %arg3[%get3A_4, %get3A_5] : memref<96x96xf32, #tpu.memory_space<vmem>>, vector<96x96xf32>
    %dot_general3A = arith.constant dense<0.000000e+00> : vector<512x96xf32>
    %dot_general3A_7 = tpu.matmul %get3A_3, %get3A_6, %dot_general3A {dimension_numbers = #tpu.dot_dimension_numbers<[0], [0], [1], [1], [0, 1, 1, 1], [], []>, transpose_lhs_hint = false} : vector<96x512xf32>, vector<96x96xf32>, vector<512x96xf32> -> vector<512x96xf32>
    %get3A_8 = arith.constant 0 : index
    %get3A_9 = arith.constant 0 : index
    %get3A_10 = vector.load %arg5[%get3A_8, %get3A_9] : memref<1x96xf32, #tpu.memory_space<vmem>>, vector<1x96xf32>
    %add3A = vector.broadcast %get3A_10 : vector<1x96xf32> to vector<512x96xf32>
    %add3A_11 = arith.addf %dot_general3A_7, %add3A : vector<512x96xf32>
    %get3A_12 = arith.constant 0 : index
    %get3A_13 = arith.constant 0 : index
    %get3A_14 = arith.constant 0 : index
    %get3A_15 = arith.constant 0 : index
    %get3A_16 = vector.load %arg2[%get3A_12, %get3A_13, %get3A_14, %get3A_15] : memref<1x8x512x128xf32, #tpu.memory_space<vmem>>, vector<1x1x512x128xf32>
    %get3A_17 = vector.shape_cast %get3A_16 : vector<1x1x512x128xf32> to vector<512x128xf32>
    %slice3A = vector.extract_strided_slice %get3A_17 {offsets = [0, 0], sizes = [512, 96], strides = [1, 1]} : vector<512x128xf32> to vector<512x96xf32>
    %get3A_18 = arith.constant 0 : index
    %get3A_19 = arith.constant 0 : index
    %get3A_20 = arith.constant 0 : index
    %get3A_21 = vector.load %arg4[%get3A_18, %get3A_19, %get3A_20] : memref<8x96x96xf32, #tpu.memory_space<vmem>>, vector<1x96x96xf32>
    %get3A_22 = vector.shape_cast %get3A_21 : vector<1x96x96xf32> to vector<96x96xf32>
    %dot_general3A_23 = arith.constant dense<0.000000e+00> : vector<512x96xf32>
    %dot_general3A_24 = tpu.matmul %slice3A, %get3A_22, %dot_general3A_23 {dimension_numbers = #tpu.dot_dimension_numbers<[1], [0], [0], [1], [0, 0, 1, 1], [], []>, transpose_lhs_hint = false} : vector<512x96xf32>, vector<96x96xf32>, vector<512x96xf32> -> vector<512x96xf32>
    %add3A_25 = arith.addf %add3A_11, %dot_general3A_24 : vector<512x96xf32>
    %get3A_26 = arith.constant 0 : index
    %get3A_27 = arith.constant 1 : index
    %get3A_28 = arith.constant 0 : index
    %get3A_29 = arith.constant 0 : index
    %get3A_30 = vector.load %arg2[%get3A_26, %get3A_27, %get3A_28, %get3A_29] : memref<1x8x512x128xf32, #tpu.memory_space<vmem>>, vector<1x1x512x128xf32>
    %get3A_31 = vector.shape_cast %get3A_30 : vector<1x1x512x128xf32> to vector<512x128xf32>
    %slice3A_32 = vector.extract_strided_slice %get3A_31 {offsets = [0, 0], sizes = [512, 96], strides = [1, 1]} : vector<512x128xf32> to vector<512x96xf32>
    %get3A_33 = arith.constant 1 : index
    %get3A_34 = arith.constant 0 : index
    %get3A_35 = arith.constant 0 : index
    %get3A_36 = vector.load %arg4[%get3A_33, %get3A_34, %get3A_35] : memref<8x96x96xf32, #tpu.memory_space<vmem>>, vector<1x96x96xf32>
    %get3A_37 = vector.shape_cast %get3A_36 : vector<1x96x96xf32> to vector<96x96xf32>
    %dot_general3A_38 = arith.constant dense<0.000000e+00> : vector<512x96xf32>
    %dot_general3A_39 = tpu.matmul %slice3A_32, %get3A_37, %dot_general3A_38 {dimension_numbers = #tpu.dot_dimension_numbers<[1], [0], [0], [1], [0, 0, 1, 1], [], []>, transpose_lhs_hint = false} : vector<512x96xf32>, vector<96x96xf32>, vector<512x96xf32> -> vector<512x96xf32>
    %add3A_40 = arith.addf %add3A_25, %dot_general3A_39 : vector<512x96xf32>
    %get3A_41 = arith.constant 0 : index
    %get3A_42 = arith.constant 2 : index
    %get3A_43 = arith.constant 0 : index
    %get3A_44 = arith.constant 0 : index
    %get3A_45 = vector.load %arg2[%get3A_41, %get3A_42, %get3A_43, %get3A_44] : memref<1x8x512x128xf32, #tpu.memory_space<vmem>>, vector<1x1x512x128xf32>
    %get3A_46 = vector.shape_cast %get3A_45 : vector<1x1x512x128xf32> to vector<512x128xf32>
    %slice3A_47 = vector.extract_strided_slice %get3A_46 {offsets = [0, 0], sizes = [512, 96], strides = [1, 1]} : vector<512x128xf32> to vector<512x96xf32>
    %get3A_48 = arith.constant 2 : index
    %get3A_49 = arith.constant 0 : index
    %get3A_50 = arith.constant 0 : index
    %get3A_51 = vector.load %arg4[%get3A_48, %get3A_49, %get3A_50] : memref<8x96x96xf32, #tpu.memory_space<vmem>>, vector<1x96x96xf32>
    %get3A_52 = vector.shape_cast %get3A_51 : vector<1x96x96xf32> to vector<96x96xf32>
    %dot_general3A_53 = arith.constant dense<0.000000e+00> : vector<512x96xf32>
    %dot_general3A_54 = tpu.matmul %slice3A_47, %get3A_52, %dot_general3A_53 {dimension_numbers = #tpu.dot_dimension_numbers<[1], [0], [0], [1], [0, 0, 1, 1], [], []>, transpose_lhs_hint = false} : vector<512x96xf32>, vector<96x96xf32>, vector<512x96xf32> -> vector<512x96xf32>
    %add3A_55 = arith.addf %add3A_40, %dot_general3A_54 : vector<512x96xf32>
    %get3A_56 = arith.constant 0 : index
    %get3A_57 = arith.constant 3 : index
    %get3A_58 = arith.constant 0 : index
    %get3A_59 = arith.constant 0 : index
    %get3A_60 = vector.load %arg2[%get3A_56, %get3A_57, %get3A_58, %get3A_59] : memref<1x8x512x128xf32, #tpu.memory_space<vmem>>, vector<1x1x512x128xf32>
    %get3A_61 = vector.shape_cast %get3A_60 : vector<1x1x512x128xf32> to vector<512x128xf32>
    %slice3A_62 = vector.extract_strided_slice %get3A_61 {offsets = [0, 0], sizes = [512, 96], strides = [1, 1]} : vector<512x128xf32> to vector<512x96xf32>
    %get3A_63 = arith.constant 3 : index
    %get3A_64 = arith.constant 0 : index
    %get3A_65 = arith.constant 0 : index
    %get3A_66 = vector.load %arg4[%get3A_63, %get3A_64, %get3A_65] : memref<8x96x96xf32, #tpu.memory_space<vmem>>, vector<1x96x96xf32>
    %get3A_67 = vector.shape_cast %get3A_66 : vector<1x96x96xf32> to vector<96x96xf32>
    %dot_general3A_68 = arith.constant dense<0.000000e+00> : vector<512x96xf32>
    %dot_general3A_69 = tpu.matmul %slice3A_62, %get3A_67, %dot_general3A_68 {dimension_numbers = #tpu.dot_dimension_numbers<[1], [0], [0], [1], [0, 0, 1, 1], [], []>, transpose_lhs_hint = false} : vector<512x96xf32>, vector<96x96xf32>, vector<512x96xf32> -> vector<512x96xf32>
    %add3A_70 = arith.addf %add3A_55, %dot_general3A_69 : vector<512x96xf32>
    %get3A_71 = arith.constant 0 : index
    %get3A_72 = arith.constant 4 : index
    %get3A_73 = arith.constant 0 : index
    %get3A_74 = arith.constant 0 : index
    %get3A_75 = vector.load %arg2[%get3A_71, %get3A_72, %get3A_73, %get3A_74] : memref<1x8x512x128xf32, #tpu.memory_space<vmem>>, vector<1x1x512x128xf32>
    %get3A_76 = vector.shape_cast %get3A_75 : vector<1x1x512x128xf32> to vector<512x128xf32>
    %slice3A_77 = vector.extract_strided_slice %get3A_76 {offsets = [0, 0], sizes = [512, 96], strides = [1, 1]} : vector<512x128xf32> to vector<512x96xf32>
    %get3A_78 = arith.constant 4 : index
    %get3A_79 = arith.constant 0 : index
    %get3A_80 = arith.constant 0 : index
    %get3A_81 = vector.load %arg4[%get3A_78, %get3A_79, %get3A_80] : memref<8x96x96xf32, #tpu.memory_space<vmem>>, vector<1x96x96xf32>
    %get3A_82 = vector.shape_cast %get3A_81 : vector<1x96x96xf32> to vector<96x96xf32>
    %dot_general3A_83 = arith.constant dense<0.000000e+00> : vector<512x96xf32>
    %dot_general3A_84 = tpu.matmul %slice3A_77, %get3A_82, %dot_general3A_83 {dimension_numbers = #tpu.dot_dimension_numbers<[1], [0], [0], [1], [0, 0, 1, 1], [], []>, transpose_lhs_hint = false} : vector<512x96xf32>, vector<96x96xf32>, vector<512x96xf32> -> vector<512x96xf32>
    %add3A_85 = arith.addf %add3A_70, %dot_general3A_84 : vector<512x96xf32>
    %get3A_86 = arith.constant 0 : index
    %get3A_87 = arith.constant 5 : index
    %get3A_88 = arith.constant 0 : index
    %get3A_89 = arith.constant 0 : index
    %get3A_90 = vector.load %arg2[%get3A_86, %get3A_87, %get3A_88, %get3A_89] : memref<1x8x512x128xf32, #tpu.memory_space<vmem>>, vector<1x1x512x128xf32>
    %get3A_91 = vector.shape_cast %get3A_90 : vector<1x1x512x128xf32> to vector<512x128xf32>
    %slice3A_92 = vector.extract_strided_slice %get3A_91 {offsets = [0, 0], sizes = [512, 96], strides = [1, 1]} : vector<512x128xf32> to vector<512x96xf32>
    %get3A_93 = arith.constant 5 : index
    %get3A_94 = arith.constant 0 : index
    %get3A_95 = arith.constant 0 : index
    %get3A_96 = vector.load %arg4[%get3A_93, %get3A_94, %get3A_95] : memref<8x96x96xf32, #tpu.memory_space<vmem>>, vector<1x96x96xf32>
    %get3A_97 = vector.shape_cast %get3A_96 : vector<1x96x96xf32> to vector<96x96xf32>
    %dot_general3A_98 = arith.constant dense<0.000000e+00> : vector<512x96xf32>
    %dot_general3A_99 = tpu.matmul %slice3A_92, %get3A_97, %dot_general3A_98 {dimension_numbers = #tpu.dot_dimension_numbers<[1], [0], [0], [1], [0, 0, 1, 1], [], []>, transpose_lhs_hint = false} : vector<512x96xf32>, vector<96x96xf32>, vector<512x96xf32> -> vector<512x96xf32>
    %add3A_100 = arith.addf %add3A_85, %dot_general3A_99 : vector<512x96xf32>
    %get3A_101 = arith.constant 0 : index
    %get3A_102 = arith.constant 6 : index
    %get3A_103 = arith.constant 0 : index
    %get3A_104 = arith.constant 0 : index
    %get3A_105 = vector.load %arg2[%get3A_101, %get3A_102, %get3A_103, %get3A_104] : memref<1x8x512x128xf32, #tpu.memory_space<vmem>>, vector<1x1x512x128xf32>
    %get3A_106 = vector.shape_cast %get3A_105 : vector<1x1x512x128xf32> to vector<512x128xf32>
    %slice3A_107 = vector.extract_strided_slice %get3A_106 {offsets = [0, 0], sizes = [512, 96], strides = [1, 1]} : vector<512x128xf32> to vector<512x96xf32>
    %get3A_108 = arith.constant 6 : index
    %get3A_109 = arith.constant 0 : index
    %get3A_110 = arith.constant 0 : index
    %get3A_111 = vector.load %arg4[%get3A_108, %get3A_109, %get3A_110] : memref<8x96x96xf32, #tpu.memory_space<vmem>>, vector<1x96x96xf32>
    %get3A_112 = vector.shape_cast %get3A_111 : vector<1x96x96xf32> to vector<96x96xf32>
    %dot_general3A_113 = arith.constant dense<0.000000e+00> : vector<512x96xf32>
    %dot_general3A_114 = tpu.matmul %slice3A_107, %get3A_112, %dot_general3A_113 {dimension_numbers = #tpu.dot_dimension_numbers<[1], [0], [0], [1], [0, 0, 1, 1], [], []>, transpose_lhs_hint = false} : vector<512x96xf32>, vector<96x96xf32>, vector<512x96xf32> -> vector<512x96xf32>
    %add3A_115 = arith.addf %add3A_100, %dot_general3A_114 : vector<512x96xf32>
    %get3A_116 = arith.constant 0 : index
    %get3A_117 = arith.constant 7 : index
    %get3A_118 = arith.constant 0 : index
    %get3A_119 = arith.constant 0 : index
    %get3A_120 = vector.load %arg2[%get3A_116, %get3A_117, %get3A_118, %get3A_119] : memref<1x8x512x128xf32, #tpu.memory_space<vmem>>, vector<1x1x512x128xf32>
    %get3A_121 = vector.shape_cast %get3A_120 : vector<1x1x512x128xf32> to vector<512x128xf32>
    %slice3A_122 = vector.extract_strided_slice %get3A_121 {offsets = [0, 0], sizes = [512, 96], strides = [1, 1]} : vector<512x128xf32> to vector<512x96xf32>
    %get3A_123 = arith.constant 7 : index
    %get3A_124 = arith.constant 0 : index
    %get3A_125 = arith.constant 0 : index
    %get3A_126 = vector.load %arg4[%get3A_123, %get3A_124, %get3A_125] : memref<8x96x96xf32, #tpu.memory_space<vmem>>, vector<1x96x96xf32>
    %get3A_127 = vector.shape_cast %get3A_126 : vector<1x96x96xf32> to vector<96x96xf32>
    %dot_general3A_128 = arith.constant dense<0.000000e+00> : vector<512x96xf32>
    %dot_general3A_129 = tpu.matmul %slice3A_122, %get3A_127, %dot_general3A_128 {dimension_numbers = #tpu.dot_dimension_numbers<[1], [0], [0], [1], [0, 0, 1, 1], [], []>, transpose_lhs_hint = false} : vector<512x96xf32>, vector<96x96xf32>, vector<512x96xf32> -> vector<512x96xf32>
    %add3A_130 = arith.addf %add3A_115, %dot_general3A_129 : vector<512x96xf32>
    %transpose3A = tpu.transpose %add3A_130, [1, 0] : vector<512x96xf32> -> vector<96x512xf32>
    %swap3A = arith.constant 0 : index
    %swap3A_131 = arith.constant 0 : index
    %swap3A_132 = vector.load %arg6[%swap3A, %swap3A_131] : memref<96x512xf32, #tpu.memory_space<vmem>>, vector<96x512xf32>
    tpu.vector_store %arg6[%swap3A, %swap3A_131], %transpose3A {strides = array<i32>} : memref<96x512xf32, #tpu.memory_space<vmem>>, vector<96x512xf32>,
    return
  }
  func.func @transform_0(%arg0: i32) -> (i32, i32, i32) {
    %add3A = arith.constant 0 : i32
    %add3A_0 = arith.addi %add3A, %arg0 : i32
    %c0_i32 = arith.constant 0 : i32
    %c0_i32_1 = arith.constant 0 : i32
    %c0_i32_2 = arith.constant 0 : i32
    return %c0_i32, %c0_i32_1, %add3A_0 : i32, i32, i32
  }
  func.func @transform_1(%arg0: i32) -> (i32, i32, i32, i32) {
    %c0_i32 = arith.constant 0 : i32
    %c0_i32_0 = arith.constant 0 : i32
    %c0_i32_1 = arith.constant 0 : i32
    %c0_i32_2 = arith.constant 0 : i32
    return %arg0, %c0_i32, %c0_i32_0, %c0_i32_1 : i32, i32, i32, i32
  }
  func.func @transform_2(%arg0: i32) -> (i32, i32) {
    %c0_i32 = arith.constant 0 : i32
    %c0_i32_0 = arith.constant 0 : i32
    %c0_i32_1 = arith.constant 0 : i32
    return %c0_i32, %c0_i32_0 : i32, i32
  }
  func.func @transform_3(%arg0: i32) -> (i32, i32, i32) {
    %c0_i32 = arith.constant 0 : i32
    %c0_i32_0 = arith.constant 0 : i32
    %c0_i32_1 = arith.constant 0 : i32
    %c0_i32_2 = arith.constant 0 : i32
    return %c0_i32, %c0_i32_0, %c0_i32_1 : i32, i32, i32
  }
  func.func @transform_4(%arg0: i32) -> (i32, i32) {
    %c0_i32 = arith.constant 0 : i32
    %c0_i32_0 = arith.constant 0 : i32
    %c0_i32_1 = arith.constant 0 : i32
    return %c0_i32, %c0_i32_0 : i32, i32
  }
  func.func @transform_5(%arg0: i32) -> (i32, i32) {
    %c0_i32 = arith.constant 0 : i32
    %c0_i32_0 = arith.constant 0 : i32
    return %c0_i32, %arg0 : i32, i32
  }
}

module attributes {stable_mosaic.version = 14 : i64} {
  func.func @_conv_body(%arg0: i32, %arg1: memref<1x96x512xf32, #tpu.memory_space<vmem>>, %arg2: memref<1x8x512x128xf32, #tpu.memory_space<vmem>>, %arg3: memref<96x96xf32, #tpu.memory_space<vmem>>, %arg4: memref<8x96x96xf32, #tpu.memory_space<vmem>>, %arg5: memref<1x96xf32, #tpu.memory_space<vmem>>, %arg6: memref<96x512xf32, #tpu.memory_space<vmem>>) attributes {dimension_semantics = [#tpu.dimension_semantics<arbitrary>], iteration_bounds = array<i64: 4>, scalar_prefetch = 0 : i64, scratch_operands = 0 : i64, tpu.core_type = #tpu.core_type<tc>, window_params = [{transform_indices = @transform_0, window_bounds = array<i64: 1, 96, 512>}, {transform_indices = @transform_1, window_bounds = array<i64: 1, 8, 512, 128>}, {pipeline_mode = #tpu.pipeline_mode<synchronous>, transform_indices = @transform_2, window_bounds = array<i64: 96, 96>}, {pipeline_mode = #tpu.pipeline_mode<synchronous>, transform_indices = @transform_3, window_bounds = array<i64: 8, 96, 96>}, {pipeline_mode = #tpu.pipeline_mode<synchronous>, transform_indices = @transform_4, window_bounds = array<i64: 1, 96>}, {transform_indices = @transform_5, window_bounds = array<i64: 96, 512>}]} {
    %get3A = arith.constant 0 : index
    %get3A_0 = arith.constant 0 : index
    %get3A_1 = arith.constant 0 : index
    %get3A_2 = vector.load %arg1[%get3A, %get3A_0, %get3A_1] : memref<1x96x512xf32, #tpu.memory_space<vmem>>, vector<1x96x512xf32>
    %get3A_3 = vector.shape_cast %get3A_2 : vector<1x96x512xf32> to vector<96x512xf32>
    %get3A_4 = arith.constant 0 : index
    %get3A_5 = arith.constant 0 : index
    %get3A_6 = vector.load %arg3[%get3A_4, %get3A_5] : memref<96x96xf32, #tpu.memory_space<vmem>>, vector<96x96xf32>
    %dot_general3A = arith.constant dense<0.000000e+00> : vector<512x96xf32>
    %dot_general3A_7 = tpu.matmul %get3A_3, %get3A_6, %dot_general3A {dimension_numbers = #tpu.dot_dimension_numbers<[0], [0], [1], [1], [0, 1, 1, 1], [], []>, transpose_lhs_hint = false} : vector<96x512xf32>, vector<96x96xf32>, vector<512x96xf32> -> vector<512x96xf32>
    %get3A_8 = arith.constant 0 : index
    %get3A_9 = arith.constant 0 : index
    %get3A_10 = vector.load %arg5[%get3A_8, %get3A_9] : memref<1x96xf32, #tpu.memory_space<vmem>>, vector<1x96xf32>
    %add3A = vector.broadcast %get3A_10 : vector<1x96xf32> to vector<512x96xf32>
    %add3A_11 = arith.addf %dot_general3A_7, %add3A : vector<512x96xf32>
    %get3A_12 = arith.constant 0 : index
    %get3A_13 = arith.constant 0 : index
    %get3A_14 = arith.constant 0 : index
    %get3A_15 = arith.constant 0 : index
    %get3A_16 = vector.load %arg2[%get3A_12, %get3A_13, %get3A_14, %get3A_15] : memref<1x8x512x128xf32, #tpu.memory_space<vmem>>, vector<1x1x512x128xf32>
    %get3A_17 = vector.shape_cast %get3A_16 : vector<1x1x512x128xf32> to vector<512x128xf32>
    %slice3A = vector.extract_strided_slice %get3A_17 {offsets = [0, 0], sizes = [512, 96], strides = [1, 1]} : vector<512x128xf32> to vector<512x96xf32>
    %get3A_18 = arith.constant 0 : index
    %get3A_19 = arith.constant 0 : index
    %get3A_20 = arith.constant 0 : index
    %get3A_21 = vector.load %arg4[%get3A_18, %get3A_19, %get3A_20] : memref<8x96x96xf32, #tpu.memory_space<vmem>>, vector<1x96x96xf32>
    %get3A_22 = vector.shape_cast %get3A_21 : vector<1x96x96xf32> to vector<96x96xf32>
    %dot_general3A_23 = arith.constant dense<0.000000e+00> : vector<512x96xf32>
    %dot_general3A_24 = tpu.matmul %slice3A, %get3A_22, %dot_general3A_23 {dimension_numbers = #tpu.dot_dimension_numbers<[1], [0], [0], [1], [0, 0, 1, 1], [], []>, transpose_lhs_hint = false} : vector<512x96xf32>, vector<96x96xf32>, vector<512x96xf32> -> vector<512x96xf32>
    %add3A_25 = arith.addf %add3A_11, %dot_general3A_24 : vector<512x96xf32>
    %get3A_26 = arith.constant 0 : index
    %get3A_27 = arith.constant 1 : index
    %get3A_28 = arith.constant 0 : index
    %get3A_29 = arith.constant 0 : index
    %get3A_30 = vector.load %arg2[%get3A_26, %get3A_27, %get3A_28, %get3A_29] : memref<1x8x512x128xf32, #tpu.memory_space<vmem>>, vector<1x1x512x128xf32>
    %get3A_31 = vector.shape_cast %get3A_30 : vector<1x1x512x128xf32> to vector<512x128xf32>
    %slice3A_32 = vector.extract_strided_slice %get3A_31 {offsets = [0, 0], sizes = [512, 96], strides = [1, 1]} : vector<512x128xf32> to vector<512x96xf32>
    %get3A_33 = arith.constant 1 : index
    %get3A_34 = arith.constant 0 : index
    %get3A_35 = arith.constant 0 : index
    %get3A_36 = vector.load %arg4[%get3A_33, %get3A_34, %get3A_35] : memref<8x96x96xf32, #tpu.memory_space<vmem>>, vector<1x96x96xf32>
    %get3A_37 = vector.shape_cast %get3A_36 : vector<1x96x96xf32> to vector<96x96xf32>
    %dot_general3A_38 = arith.constant dense<0.000000e+00> : vector<512x96xf32>
    %dot_general3A_39 = tpu.matmul %slice3A_32, %get3A_37, %dot_general3A_38 {dimension_numbers = #tpu.dot_dimension_numbers<[1], [0], [0], [1], [0, 0, 1, 1], [], []>, transpose_lhs_hint = false} : vector<512x96xf32>, vector<96x96xf32>, vector<512x96xf32> -> vector<512x96xf32>
    %add3A_40 = arith.addf %add3A_25, %dot_general3A_39 : vector<512x96xf32>
    %get3A_41 = arith.constant 0 : index
    %get3A_42 = arith.constant 2 : index
    %get3A_43 = arith.constant 0 : index
    %get3A_44 = arith.constant 0 : index
    %get3A_45 = vector.load %arg2[%get3A_41, %get3A_42, %get3A_43, %get3A_44] : memref<1x8x512x128xf32, #tpu.memory_space<vmem>>, vector<1x1x512x128xf32>
    %get3A_46 = vector.shape_cast %get3A_45 : vector<1x1x512x128xf32> to vector<512x128xf32>
    %slice3A_47 = vector.extract_strided_slice %get3A_46 {offsets = [0, 0], sizes = [512, 96], strides = [1, 1]} : vector<512x128xf32> to vector<512x96xf32>
    %get3A_48 = arith.constant 2 : index
    %get3A_49 = arith.constant 0 : index
    %get3A_50 = arith.constant 0 : index
    %get3A_51 = vector.load %arg4[%get3A_48, %get3A_49, %get3A_50] : memref<8x96x96xf32, #tpu.memory_space<vmem>>, vector<1x96x96xf32>
    %get3A_52 = vector.shape_cast %get3A_51 : vector<1x96x96xf32> to vector<96x96xf32>
    %dot_general3A_53 = arith.constant dense<0.000000e+00> : vector<512x96xf32>
    %dot_general3A_54 = tpu.matmul %slice3A_47, %get3A_52, %dot_general3A_53 {dimension_numbers = #tpu.dot_dimension_numbers<[1], [0], [0], [1], [0, 0, 1, 1], [], []>, transpose_lhs_hint = false} : vector<512x96xf32>, vector<96x96xf32>, vector<512x96xf32> -> vector<512x96xf32>
    %add3A_55 = arith.addf %add3A_40, %dot_general3A_54 : vector<512x96xf32>
    %get3A_56 = arith.constant 0 : index
    %get3A_57 = arith.constant 3 : index
    %get3A_58 = arith.constant 0 : index
    %get3A_59 = arith.constant 0 : index
    %get3A_60 = vector.load %arg2[%get3A_56, %get3A_57, %get3A_58, %get3A_59] : memref<1x8x512x128xf32, #tpu.memory_space<vmem>>, vector<1x1x512x128xf32>
    %get3A_61 = vector.shape_cast %get3A_60 : vector<1x1x512x128xf32> to vector<512x128xf32>
    %slice3A_62 = vector.extract_strided_slice %get3A_61 {offsets = [0, 0], sizes = [512, 96], strides = [1, 1]} : vector<512x128xf32> to vector<512x96xf32>
    %get3A_63 = arith.constant 3 : index
    %get3A_64 = arith.constant 0 : index
    %get3A_65 = arith.constant 0 : index
    %get3A_66 = vector.load %arg4[%get3A_63, %get3A_64, %get3A_65] : memref<8x96x96xf32, #tpu.memory_space<vmem>>, vector<1x96x96xf32>
    %get3A_67 = vector.shape_cast %get3A_66 : vector<1x96x96xf32> to vector<96x96xf32>
    %dot_general3A_68 = arith.constant dense<0.000000e+00> : vector<512x96xf32>
    %dot_general3A_69 = tpu.matmul %slice3A_62, %get3A_67, %dot_general3A_68 {dimension_numbers = #tpu.dot_dimension_numbers<[1], [0], [0], [1], [0, 0, 1, 1], [], []>, transpose_lhs_hint = false} : vector<512x96xf32>, vector<96x96xf32>, vector<512x96xf32> -> vector<512x96xf32>
    %add3A_70 = arith.addf %add3A_55, %dot_general3A_69 : vector<512x96xf32>
    %get3A_71 = arith.constant 0 : index
    %get3A_72 = arith.constant 4 : index
    %get3A_73 = arith.constant 0 : index
    %get3A_74 = arith.constant 0 : index
    %get3A_75 = vector.load %arg2[%get3A_71, %get3A_72, %get3A_73, %get3A_74] : memref<1x8x512x128xf32, #tpu.memory_space<vmem>>, vector<1x1x512x128xf32>
    %get3A_76 = vector.shape_cast %get3A_75 : vector<1x1x512x128xf32> to vector<512x128xf32>
    %slice3A_77 = vector.extract_strided_slice %get3A_76 {offsets = [0, 0], sizes = [512, 96], strides = [1, 1]} : vector<512x128xf32> to vector<512x96xf32>
    %get3A_78 = arith.constant 4 : index
    %get3A_79 = arith.constant 0 : index
    %get3A_80 = arith.constant 0 : index
    %get3A_81 = vector.load %arg4[%get3A_78, %get3A_79, %get3A_80] : memref<8x96x96xf32, #tpu.memory_space<vmem>>, vector<1x96x96xf32>
    %get3A_82 = vector.shape_cast %get3A_81 : vector<1x96x96xf32> to vector<96x96xf32>
    %dot_general3A_83 = arith.constant dense<0.000000e+00> : vector<512x96xf32>
    %dot_general3A_84 = tpu.matmul %slice3A_77, %get3A_82, %dot_general3A_83 {dimension_numbers = #tpu.dot_dimension_numbers<[1], [0], [0], [1], [0, 0, 1, 1], [], []>, transpose_lhs_hint = false} : vector<512x96xf32>, vector<96x96xf32>, vector<512x96xf32> -> vector<512x96xf32>
    %add3A_85 = arith.addf %add3A_70, %dot_general3A_84 : vector<512x96xf32>
    %get3A_86 = arith.constant 0 : index
    %get3A_87 = arith.constant 5 : index
    %get3A_88 = arith.constant 0 : index
    %get3A_89 = arith.constant 0 : index
    %get3A_90 = vector.load %arg2[%get3A_86, %get3A_87, %get3A_88, %get3A_89] : memref<1x8x512x128xf32, #tpu.memory_space<vmem>>, vector<1x1x512x128xf32>
    %get3A_91 = vector.shape_cast %get3A_90 : vector<1x1x512x128xf32> to vector<512x128xf32>
    %slice3A_92 = vector.extract_strided_slice %get3A_91 {offsets = [0, 0], sizes = [512, 96], strides = [1, 1]} : vector<512x128xf32> to vector<512x96xf32>
    %get3A_93 = arith.constant 5 : index
    %get3A_94 = arith.constant 0 : index
    %get3A_95 = arith.constant 0 : index
    %get3A_96 = vector.load %arg4[%get3A_93, %get3A_94, %get3A_95] : memref<8x96x96xf32, #tpu.memory_space<vmem>>, vector<1x96x96xf32>
    %get3A_97 = vector.shape_cast %get3A_96 : vector<1x96x96xf32> to vector<96x96xf32>
    %dot_general3A_98 = arith.constant dense<0.000000e+00> : vector<512x96xf32>
    %dot_general3A_99 = tpu.matmul %slice3A_92, %get3A_97, %dot_general3A_98 {dimension_numbers = #tpu.dot_dimension_numbers<[1], [0], [0], [1], [0, 0, 1, 1], [], []>, transpose_lhs_hint = false} : vector<512x96xf32>, vector<96x96xf32>, vector<512x96xf32> -> vector<512x96xf32>
    %add3A_100 = arith.addf %add3A_85, %dot_general3A_99 : vector<512x96xf32>
    %get3A_101 = arith.constant 0 : index
    %get3A_102 = arith.constant 6 : index
    %get3A_103 = arith.constant 0 : index
    %get3A_104 = arith.constant 0 : index
    %get3A_105 = vector.load %arg2[%get3A_101, %get3A_102, %get3A_103, %get3A_104] : memref<1x8x512x128xf32, #tpu.memory_space<vmem>>, vector<1x1x512x128xf32>
    %get3A_106 = vector.shape_cast %get3A_105 : vector<1x1x512x128xf32> to vector<512x128xf32>
    %slice3A_107 = vector.extract_strided_slice %get3A_106 {offsets = [0, 0], sizes = [512, 96], strides = [1, 1]} : vector<512x128xf32> to vector<512x96xf32>
    %get3A_108 = arith.constant 6 : index
    %get3A_109 = arith.constant 0 : index
    %get3A_110 = arith.constant 0 : index
    %get3A_111 = vector.load %arg4[%get3A_108, %get3A_109, %get3A_110] : memref<8x96x96xf32, #tpu.memory_space<vmem>>, vector<1x96x96xf32>
    %get3A_112 = vector.shape_cast %get3A_111 : vector<1x96x96xf32> to vector<96x96xf32>
    %dot_general3A_113 = arith.constant dense<0.000000e+00> : vector<512x96xf32>
    %dot_general3A_114 = tpu.matmul %slice3A_107, %get3A_112, %dot_general3A_113 {dimension_numbers = #tpu.dot_dimension_numbers<[1], [0], [0], [1], [0, 0, 1, 1], [], []>, transpose_lhs_hint = false} : vector<512x96xf32>, vector<96x96xf32>, vector<512x96xf32> -> vector<512x96xf32>
    %add3A_115 = arith.addf %add3A_100, %dot_general3A_114 : vector<512x96xf32>
    %get3A_116 = arith.constant 0 : index
    %get3A_117 = arith.constant 7 : index
    %get3A_118 = arith.constant 0 : index
    %get3A_119 = arith.constant 0 : index
    %get3A_120 = vector.load %arg2[%get3A_116, %get3A_117, %get3A_118, %get3A_119] : memref<1x8x512x128xf32, #tpu.memory_space<vmem>>, vector<1x1x512x128xf32>
    %get3A_121 = vector.shape_cast %get3A_120 : vector<1x1x512x128xf32> to vector<512x128xf32>
    %slice3A_122 = vector.extract_strided_slice %get3A_121 {offsets = [0, 0], sizes = [512, 96], strides = [1, 1]} : vector<512x128xf32> to vector<512x96xf32>
    %get3A_123 = arith.constant 7 : index
    %get3A_124 = arith.constant 0 : index
    %get3A_125 = arith.constant 0 : index
    %get3A_126 = vector.load %arg4[%get3A_123, %get3A_124, %get3A_125] : memref<8x96x96xf32, #tpu.memory_space<vmem>>, vector<1x96x96xf32>
    %get3A_127 = vector.shape_cast %get3A_126 : vector<1x96x96xf32> to vector<96x96xf32>
    %dot_general3A_128 = arith.constant dense<0.000000e+00> : vector<512x96xf32>
    %dot_general3A_129 = tpu.matmul %slice3A_122, %get3A_127, %dot_general3A_128 {dimension_numbers = #tpu.dot_dimension_numbers<[1], [0], [0], [1], [0, 0, 1, 1], [], []>, transpose_lhs_hint = false} : vector<512x96xf32>, vector<96x96xf32>, vector<512x96xf32> -> vector<512x96xf32>
    %add3A_130 = arith.addf %add3A_115, %dot_general3A_129 : vector<512x96xf32>
    %transpose3A = tpu.transpose %add3A_130, [1, 0] : vector<512x96xf32> -> vector<96x512xf32>
    %swap3A = arith.constant 0 : index
    %swap3A_131 = arith.constant 0 : index
    %swap3A_132 = vector.load %arg6[%swap3A, %swap3A_131] : memref<96x512xf32, #tpu.memory_space<vmem>>, vector<96x512xf32>
    tpu.vector_store %arg6[%swap3A, %swap3A_131], %transpose3A {strides = array<i32>} : memref<96x512xf32, #tpu.memory_space<vmem>>, vector<96x512xf32>,
    return
  }
  func.func @transform_0(%arg0: i32) -> (i32, i32, i32) {
    %add3A = arith.constant 4 : i32
    %add3A_0 = arith.addi %add3A, %arg0 : i32
    %c0_i32 = arith.constant 0 : i32
    %c0_i32_1 = arith.constant 0 : i32
    %c0_i32_2 = arith.constant 0 : i32
    return %c0_i32, %c0_i32_1, %add3A_0 : i32, i32, i32
  }
  func.func @transform_1(%arg0: i32) -> (i32, i32, i32, i32) {
    %c0_i32 = arith.constant 0 : i32
    %c0_i32_0 = arith.constant 0 : i32
    %c0_i32_1 = arith.constant 0 : i32
    %c0_i32_2 = arith.constant 0 : i32
    return %arg0, %c0_i32, %c0_i32_0, %c0_i32_1 : i32, i32, i32, i32
  }
  func.func @transform_2(%arg0: i32) -> (i32, i32) {
    %c0_i32 = arith.constant 0 : i32
    %c0_i32_0 = arith.constant 0 : i32
    %c0_i32_1 = arith.constant 0 : i32
    return %c0_i32, %c0_i32_0 : i32, i32
  }
  func.func @transform_3(%arg0: i32) -> (i32, i32, i32) {
    %c0_i32 = arith.constant 0 : i32
    %c0_i32_0 = arith.constant 0 : i32
    %c0_i32_1 = arith.constant 0 : i32
    %c0_i32_2 = arith.constant 0 : i32
    return %c0_i32, %c0_i32_0, %c0_i32_1 : i32, i32, i32
  }
  func.func @transform_4(%arg0: i32) -> (i32, i32) {
    %c0_i32 = arith.constant 0 : i32
    %c0_i32_0 = arith.constant 0 : i32
    %c0_i32_1 = arith.constant 0 : i32
    return %c0_i32, %c0_i32_0 : i32, i32
  }
  func.func @transform_5(%arg0: i32) -> (i32, i32) {
    %c0_i32 = arith.constant 0 : i32
    %c0_i32_0 = arith.constant 0 : i32
    return %c0_i32, %arg0 : i32, i32
  }
}

module attributes {stable_mosaic.version = 14 : i64} {
  func.func @_conv_body(%arg0: i32, %arg1: memref<1x96x512xf32, #tpu.memory_space<vmem>>, %arg2: memref<1x8x512x128xf32, #tpu.memory_space<vmem>>, %arg3: memref<96x96xf32, #tpu.memory_space<vmem>>, %arg4: memref<8x96x96xf32, #tpu.memory_space<vmem>>, %arg5: memref<1x96xf32, #tpu.memory_space<vmem>>, %arg6: memref<96x512xf32, #tpu.memory_space<vmem>>) attributes {dimension_semantics = [#tpu.dimension_semantics<arbitrary>], iteration_bounds = array<i64: 4>, scalar_prefetch = 0 : i64, scratch_operands = 0 : i64, tpu.core_type = #tpu.core_type<tc>, window_params = [{transform_indices = @transform_0, window_bounds = array<i64: 1, 96, 512>}, {transform_indices = @transform_1, window_bounds = array<i64: 1, 8, 512, 128>}, {pipeline_mode = #tpu.pipeline_mode<synchronous>, transform_indices = @transform_2, window_bounds = array<i64: 96, 96>}, {pipeline_mode = #tpu.pipeline_mode<synchronous>, transform_indices = @transform_3, window_bounds = array<i64: 8, 96, 96>}, {pipeline_mode = #tpu.pipeline_mode<synchronous>, transform_indices = @transform_4, window_bounds = array<i64: 1, 96>}, {transform_indices = @transform_5, window_bounds = array<i64: 96, 512>}]} {
    %get3A = arith.constant 0 : index
    %get3A_0 = arith.constant 0 : index
    %get3A_1 = arith.constant 0 : index
    %get3A_2 = vector.load %arg1[%get3A, %get3A_0, %get3A_1] : memref<1x96x512xf32, #tpu.memory_space<vmem>>, vector<1x96x512xf32>
    %get3A_3 = vector.shape_cast %get3A_2 : vector<1x96x512xf32> to vector<96x512xf32>
    %get3A_4 = arith.constant 0 : index
    %get3A_5 = arith.constant 0 : index
    %get3A_6 = vector.load %arg3[%get3A_4, %get3A_5] : memref<96x96xf32, #tpu.memory_space<vmem>>, vector<96x96xf32>
    %dot_general3A = arith.constant dense<0.000000e+00> : vector<512x96xf32>
    %dot_general3A_7 = tpu.matmul %get3A_3, %get3A_6, %dot_general3A {dimension_numbers = #tpu.dot_dimension_numbers<[0], [0], [1], [1], [0, 1, 1, 1], [], []>, transpose_lhs_hint = false} : vector<96x512xf32>, vector<96x96xf32>, vector<512x96xf32> -> vector<512x96xf32>
    %get3A_8 = arith.constant 0 : index
    %get3A_9 = arith.constant 0 : index
    %get3A_10 = vector.load %arg5[%get3A_8, %get3A_9] : memref<1x96xf32, #tpu.memory_space<vmem>>, vector<1x96xf32>
    %add3A = vector.broadcast %get3A_10 : vector<1x96xf32> to vector<512x96xf32>
    %add3A_11 = arith.addf %dot_general3A_7, %add3A : vector<512x96xf32>
    %get3A_12 = arith.constant 0 : index
    %get3A_13 = arith.constant 0 : index
    %get3A_14 = arith.constant 0 : index
    %get3A_15 = arith.constant 0 : index
    %get3A_16 = vector.load %arg2[%get3A_12, %get3A_13, %get3A_14, %get3A_15] : memref<1x8x512x128xf32, #tpu.memory_space<vmem>>, vector<1x1x512x128xf32>
    %get3A_17 = vector.shape_cast %get3A_16 : vector<1x1x512x128xf32> to vector<512x128xf32>
    %slice3A = vector.extract_strided_slice %get3A_17 {offsets = [0, 0], sizes = [512, 96], strides = [1, 1]} : vector<512x128xf32> to vector<512x96xf32>
    %get3A_18 = arith.constant 0 : index
    %get3A_19 = arith.constant 0 : index
    %get3A_20 = arith.constant 0 : index
    %get3A_21 = vector.load %arg4[%get3A_18, %get3A_19, %get3A_20] : memref<8x96x96xf32, #tpu.memory_space<vmem>>, vector<1x96x96xf32>
    %get3A_22 = vector.shape_cast %get3A_21 : vector<1x96x96xf32> to vector<96x96xf32>
    %dot_general3A_23 = arith.constant dense<0.000000e+00> : vector<512x96xf32>
    %dot_general3A_24 = tpu.matmul %slice3A, %get3A_22, %dot_general3A_23 {dimension_numbers = #tpu.dot_dimension_numbers<[1], [0], [0], [1], [0, 0, 1, 1], [], []>, transpose_lhs_hint = false} : vector<512x96xf32>, vector<96x96xf32>, vector<512x96xf32> -> vector<512x96xf32>
    %add3A_25 = arith.addf %add3A_11, %dot_general3A_24 : vector<512x96xf32>
    %get3A_26 = arith.constant 0 : index
    %get3A_27 = arith.constant 1 : index
    %get3A_28 = arith.constant 0 : index
    %get3A_29 = arith.constant 0 : index
    %get3A_30 = vector.load %arg2[%get3A_26, %get3A_27, %get3A_28, %get3A_29] : memref<1x8x512x128xf32, #tpu.memory_space<vmem>>, vector<1x1x512x128xf32>
    %get3A_31 = vector.shape_cast %get3A_30 : vector<1x1x512x128xf32> to vector<512x128xf32>
    %slice3A_32 = vector.extract_strided_slice %get3A_31 {offsets = [0, 0], sizes = [512, 96], strides = [1, 1]} : vector<512x128xf32> to vector<512x96xf32>
    %get3A_33 = arith.constant 1 : index
    %get3A_34 = arith.constant 0 : index
    %get3A_35 = arith.constant 0 : index
    %get3A_36 = vector.load %arg4[%get3A_33, %get3A_34, %get3A_35] : memref<8x96x96xf32, #tpu.memory_space<vmem>>, vector<1x96x96xf32>
    %get3A_37 = vector.shape_cast %get3A_36 : vector<1x96x96xf32> to vector<96x96xf32>
    %dot_general3A_38 = arith.constant dense<0.000000e+00> : vector<512x96xf32>
    %dot_general3A_39 = tpu.matmul %slice3A_32, %get3A_37, %dot_general3A_38 {dimension_numbers = #tpu.dot_dimension_numbers<[1], [0], [0], [1], [0, 0, 1, 1], [], []>, transpose_lhs_hint = false} : vector<512x96xf32>, vector<96x96xf32>, vector<512x96xf32> -> vector<512x96xf32>
    %add3A_40 = arith.addf %add3A_25, %dot_general3A_39 : vector<512x96xf32>
    %get3A_41 = arith.constant 0 : index
    %get3A_42 = arith.constant 2 : index
    %get3A_43 = arith.constant 0 : index
    %get3A_44 = arith.constant 0 : index
    %get3A_45 = vector.load %arg2[%get3A_41, %get3A_42, %get3A_43, %get3A_44] : memref<1x8x512x128xf32, #tpu.memory_space<vmem>>, vector<1x1x512x128xf32>
    %get3A_46 = vector.shape_cast %get3A_45 : vector<1x1x512x128xf32> to vector<512x128xf32>
    %slice3A_47 = vector.extract_strided_slice %get3A_46 {offsets = [0, 0], sizes = [512, 96], strides = [1, 1]} : vector<512x128xf32> to vector<512x96xf32>
    %get3A_48 = arith.constant 2 : index
    %get3A_49 = arith.constant 0 : index
    %get3A_50 = arith.constant 0 : index
    %get3A_51 = vector.load %arg4[%get3A_48, %get3A_49, %get3A_50] : memref<8x96x96xf32, #tpu.memory_space<vmem>>, vector<1x96x96xf32>
    %get3A_52 = vector.shape_cast %get3A_51 : vector<1x96x96xf32> to vector<96x96xf32>
    %dot_general3A_53 = arith.constant dense<0.000000e+00> : vector<512x96xf32>
    %dot_general3A_54 = tpu.matmul %slice3A_47, %get3A_52, %dot_general3A_53 {dimension_numbers = #tpu.dot_dimension_numbers<[1], [0], [0], [1], [0, 0, 1, 1], [], []>, transpose_lhs_hint = false} : vector<512x96xf32>, vector<96x96xf32>, vector<512x96xf32> -> vector<512x96xf32>
    %add3A_55 = arith.addf %add3A_40, %dot_general3A_54 : vector<512x96xf32>
    %get3A_56 = arith.constant 0 : index
    %get3A_57 = arith.constant 3 : index
    %get3A_58 = arith.constant 0 : index
    %get3A_59 = arith.constant 0 : index
    %get3A_60 = vector.load %arg2[%get3A_56, %get3A_57, %get3A_58, %get3A_59] : memref<1x8x512x128xf32, #tpu.memory_space<vmem>>, vector<1x1x512x128xf32>
    %get3A_61 = vector.shape_cast %get3A_60 : vector<1x1x512x128xf32> to vector<512x128xf32>
    %slice3A_62 = vector.extract_strided_slice %get3A_61 {offsets = [0, 0], sizes = [512, 96], strides = [1, 1]} : vector<512x128xf32> to vector<512x96xf32>
    %get3A_63 = arith.constant 3 : index
    %get3A_64 = arith.constant 0 : index
    %get3A_65 = arith.constant 0 : index
    %get3A_66 = vector.load %arg4[%get3A_63, %get3A_64, %get3A_65] : memref<8x96x96xf32, #tpu.memory_space<vmem>>, vector<1x96x96xf32>
    %get3A_67 = vector.shape_cast %get3A_66 : vector<1x96x96xf32> to vector<96x96xf32>
    %dot_general3A_68 = arith.constant dense<0.000000e+00> : vector<512x96xf32>
    %dot_general3A_69 = tpu.matmul %slice3A_62, %get3A_67, %dot_general3A_68 {dimension_numbers = #tpu.dot_dimension_numbers<[1], [0], [0], [1], [0, 0, 1, 1], [], []>, transpose_lhs_hint = false} : vector<512x96xf32>, vector<96x96xf32>, vector<512x96xf32> -> vector<512x96xf32>
    %add3A_70 = arith.addf %add3A_55, %dot_general3A_69 : vector<512x96xf32>
    %get3A_71 = arith.constant 0 : index
    %get3A_72 = arith.constant 4 : index
    %get3A_73 = arith.constant 0 : index
    %get3A_74 = arith.constant 0 : index
    %get3A_75 = vector.load %arg2[%get3A_71, %get3A_72, %get3A_73, %get3A_74] : memref<1x8x512x128xf32, #tpu.memory_space<vmem>>, vector<1x1x512x128xf32>
    %get3A_76 = vector.shape_cast %get3A_75 : vector<1x1x512x128xf32> to vector<512x128xf32>
    %slice3A_77 = vector.extract_strided_slice %get3A_76 {offsets = [0, 0], sizes = [512, 96], strides = [1, 1]} : vector<512x128xf32> to vector<512x96xf32>
    %get3A_78 = arith.constant 4 : index
    %get3A_79 = arith.constant 0 : index
    %get3A_80 = arith.constant 0 : index
    %get3A_81 = vector.load %arg4[%get3A_78, %get3A_79, %get3A_80] : memref<8x96x96xf32, #tpu.memory_space<vmem>>, vector<1x96x96xf32>
    %get3A_82 = vector.shape_cast %get3A_81 : vector<1x96x96xf32> to vector<96x96xf32>
    %dot_general3A_83 = arith.constant dense<0.000000e+00> : vector<512x96xf32>
    %dot_general3A_84 = tpu.matmul %slice3A_77, %get3A_82, %dot_general3A_83 {dimension_numbers = #tpu.dot_dimension_numbers<[1], [0], [0], [1], [0, 0, 1, 1], [], []>, transpose_lhs_hint = false} : vector<512x96xf32>, vector<96x96xf32>, vector<512x96xf32> -> vector<512x96xf32>
    %add3A_85 = arith.addf %add3A_70, %dot_general3A_84 : vector<512x96xf32>
    %get3A_86 = arith.constant 0 : index
    %get3A_87 = arith.constant 5 : index
    %get3A_88 = arith.constant 0 : index
    %get3A_89 = arith.constant 0 : index
    %get3A_90 = vector.load %arg2[%get3A_86, %get3A_87, %get3A_88, %get3A_89] : memref<1x8x512x128xf32, #tpu.memory_space<vmem>>, vector<1x1x512x128xf32>
    %get3A_91 = vector.shape_cast %get3A_90 : vector<1x1x512x128xf32> to vector<512x128xf32>
    %slice3A_92 = vector.extract_strided_slice %get3A_91 {offsets = [0, 0], sizes = [512, 96], strides = [1, 1]} : vector<512x128xf32> to vector<512x96xf32>
    %get3A_93 = arith.constant 5 : index
    %get3A_94 = arith.constant 0 : index
    %get3A_95 = arith.constant 0 : index
    %get3A_96 = vector.load %arg4[%get3A_93, %get3A_94, %get3A_95] : memref<8x96x96xf32, #tpu.memory_space<vmem>>, vector<1x96x96xf32>
    %get3A_97 = vector.shape_cast %get3A_96 : vector<1x96x96xf32> to vector<96x96xf32>
    %dot_general3A_98 = arith.constant dense<0.000000e+00> : vector<512x96xf32>
    %dot_general3A_99 = tpu.matmul %slice3A_92, %get3A_97, %dot_general3A_98 {dimension_numbers = #tpu.dot_dimension_numbers<[1], [0], [0], [1], [0, 0, 1, 1], [], []>, transpose_lhs_hint = false} : vector<512x96xf32>, vector<96x96xf32>, vector<512x96xf32> -> vector<512x96xf32>
    %add3A_100 = arith.addf %add3A_85, %dot_general3A_99 : vector<512x96xf32>
    %get3A_101 = arith.constant 0 : index
    %get3A_102 = arith.constant 6 : index
    %get3A_103 = arith.constant 0 : index
    %get3A_104 = arith.constant 0 : index
    %get3A_105 = vector.load %arg2[%get3A_101, %get3A_102, %get3A_103, %get3A_104] : memref<1x8x512x128xf32, #tpu.memory_space<vmem>>, vector<1x1x512x128xf32>
    %get3A_106 = vector.shape_cast %get3A_105 : vector<1x1x512x128xf32> to vector<512x128xf32>
    %slice3A_107 = vector.extract_strided_slice %get3A_106 {offsets = [0, 0], sizes = [512, 96], strides = [1, 1]} : vector<512x128xf32> to vector<512x96xf32>
    %get3A_108 = arith.constant 6 : index
    %get3A_109 = arith.constant 0 : index
    %get3A_110 = arith.constant 0 : index
    %get3A_111 = vector.load %arg4[%get3A_108, %get3A_109, %get3A_110] : memref<8x96x96xf32, #tpu.memory_space<vmem>>, vector<1x96x96xf32>
    %get3A_112 = vector.shape_cast %get3A_111 : vector<1x96x96xf32> to vector<96x96xf32>
    %dot_general3A_113 = arith.constant dense<0.000000e+00> : vector<512x96xf32>
    %dot_general3A_114 = tpu.matmul %slice3A_107, %get3A_112, %dot_general3A_113 {dimension_numbers = #tpu.dot_dimension_numbers<[1], [0], [0], [1], [0, 0, 1, 1], [], []>, transpose_lhs_hint = false} : vector<512x96xf32>, vector<96x96xf32>, vector<512x96xf32> -> vector<512x96xf32>
    %add3A_115 = arith.addf %add3A_100, %dot_general3A_114 : vector<512x96xf32>
    %get3A_116 = arith.constant 0 : index
    %get3A_117 = arith.constant 7 : index
    %get3A_118 = arith.constant 0 : index
    %get3A_119 = arith.constant 0 : index
    %get3A_120 = vector.load %arg2[%get3A_116, %get3A_117, %get3A_118, %get3A_119] : memref<1x8x512x128xf32, #tpu.memory_space<vmem>>, vector<1x1x512x128xf32>
    %get3A_121 = vector.shape_cast %get3A_120 : vector<1x1x512x128xf32> to vector<512x128xf32>
    %slice3A_122 = vector.extract_strided_slice %get3A_121 {offsets = [0, 0], sizes = [512, 96], strides = [1, 1]} : vector<512x128xf32> to vector<512x96xf32>
    %get3A_123 = arith.constant 7 : index
    %get3A_124 = arith.constant 0 : index
    %get3A_125 = arith.constant 0 : index
    %get3A_126 = vector.load %arg4[%get3A_123, %get3A_124, %get3A_125] : memref<8x96x96xf32, #tpu.memory_space<vmem>>, vector<1x96x96xf32>
    %get3A_127 = vector.shape_cast %get3A_126 : vector<1x96x96xf32> to vector<96x96xf32>
    %dot_general3A_128 = arith.constant dense<0.000000e+00> : vector<512x96xf32>
    %dot_general3A_129 = tpu.matmul %slice3A_122, %get3A_127, %dot_general3A_128 {dimension_numbers = #tpu.dot_dimension_numbers<[1], [0], [0], [1], [0, 0, 1, 1], [], []>, transpose_lhs_hint = false} : vector<512x96xf32>, vector<96x96xf32>, vector<512x96xf32> -> vector<512x96xf32>
    %add3A_130 = arith.addf %add3A_115, %dot_general3A_129 : vector<512x96xf32>
    %transpose3A = tpu.transpose %add3A_130, [1, 0] : vector<512x96xf32> -> vector<96x512xf32>
    %swap3A = arith.constant 0 : index
    %swap3A_131 = arith.constant 0 : index
    %swap3A_132 = vector.load %arg6[%swap3A, %swap3A_131] : memref<96x512xf32, #tpu.memory_space<vmem>>, vector<96x512xf32>
    tpu.vector_store %arg6[%swap3A, %swap3A_131], %transpose3A {strides = array<i32>} : memref<96x512xf32, #tpu.memory_space<vmem>>, vector<96x512xf32>,
    return
  }
  func.func @transform_0(%arg0: i32) -> (i32, i32, i32) {
    %add3A = arith.constant 0 : i32
    %add3A_0 = arith.addi %add3A, %arg0 : i32
    %c1_i32 = arith.constant 1 : i32
    %c0_i32 = arith.constant 0 : i32
    %c0_i32_1 = arith.constant 0 : i32
    return %c1_i32, %c0_i32, %add3A_0 : i32, i32, i32
  }
  func.func @transform_1(%arg0: i32) -> (i32, i32, i32, i32) {
    %c0_i32 = arith.constant 0 : i32
    %c0_i32_0 = arith.constant 0 : i32
    %c0_i32_1 = arith.constant 0 : i32
    %c0_i32_2 = arith.constant 0 : i32
    return %arg0, %c0_i32, %c0_i32_0, %c0_i32_1 : i32, i32, i32, i32
  }
  func.func @transform_2(%arg0: i32) -> (i32, i32) {
    %c0_i32 = arith.constant 0 : i32
    %c0_i32_0 = arith.constant 0 : i32
    %c0_i32_1 = arith.constant 0 : i32
    return %c0_i32, %c0_i32_0 : i32, i32
  }
  func.func @transform_3(%arg0: i32) -> (i32, i32, i32) {
    %c0_i32 = arith.constant 0 : i32
    %c0_i32_0 = arith.constant 0 : i32
    %c0_i32_1 = arith.constant 0 : i32
    %c0_i32_2 = arith.constant 0 : i32
    return %c0_i32, %c0_i32_0, %c0_i32_1 : i32, i32, i32
  }
  func.func @transform_4(%arg0: i32) -> (i32, i32) {
    %c0_i32 = arith.constant 0 : i32
    %c0_i32_0 = arith.constant 0 : i32
    %c0_i32_1 = arith.constant 0 : i32
    return %c0_i32, %c0_i32_0 : i32, i32
  }
  func.func @transform_5(%arg0: i32) -> (i32, i32) {
    %c0_i32 = arith.constant 0 : i32
    %c0_i32_0 = arith.constant 0 : i32
    return %c0_i32, %arg0 : i32, i32
  }
}

module attributes {stable_mosaic.version = 14 : i64} {
  func.func @_conv_body(%arg0: i32, %arg1: memref<1x96x512xf32, #tpu.memory_space<vmem>>, %arg2: memref<1x8x512x128xf32, #tpu.memory_space<vmem>>, %arg3: memref<96x96xf32, #tpu.memory_space<vmem>>, %arg4: memref<8x96x96xf32, #tpu.memory_space<vmem>>, %arg5: memref<1x96xf32, #tpu.memory_space<vmem>>, %arg6: memref<96x512xf32, #tpu.memory_space<vmem>>) attributes {dimension_semantics = [#tpu.dimension_semantics<arbitrary>], iteration_bounds = array<i64: 4>, scalar_prefetch = 0 : i64, scratch_operands = 0 : i64, tpu.core_type = #tpu.core_type<tc>, window_params = [{transform_indices = @transform_0, window_bounds = array<i64: 1, 96, 512>}, {transform_indices = @transform_1, window_bounds = array<i64: 1, 8, 512, 128>}, {pipeline_mode = #tpu.pipeline_mode<synchronous>, transform_indices = @transform_2, window_bounds = array<i64: 96, 96>}, {pipeline_mode = #tpu.pipeline_mode<synchronous>, transform_indices = @transform_3, window_bounds = array<i64: 8, 96, 96>}, {pipeline_mode = #tpu.pipeline_mode<synchronous>, transform_indices = @transform_4, window_bounds = array<i64: 1, 96>}, {transform_indices = @transform_5, window_bounds = array<i64: 96, 512>}]} {
    %get3A = arith.constant 0 : index
    %get3A_0 = arith.constant 0 : index
    %get3A_1 = arith.constant 0 : index
    %get3A_2 = vector.load %arg1[%get3A, %get3A_0, %get3A_1] : memref<1x96x512xf32, #tpu.memory_space<vmem>>, vector<1x96x512xf32>
    %get3A_3 = vector.shape_cast %get3A_2 : vector<1x96x512xf32> to vector<96x512xf32>
    %get3A_4 = arith.constant 0 : index
    %get3A_5 = arith.constant 0 : index
    %get3A_6 = vector.load %arg3[%get3A_4, %get3A_5] : memref<96x96xf32, #tpu.memory_space<vmem>>, vector<96x96xf32>
    %dot_general3A = arith.constant dense<0.000000e+00> : vector<512x96xf32>
    %dot_general3A_7 = tpu.matmul %get3A_3, %get3A_6, %dot_general3A {dimension_numbers = #tpu.dot_dimension_numbers<[0], [0], [1], [1], [0, 1, 1, 1], [], []>, transpose_lhs_hint = false} : vector<96x512xf32>, vector<96x96xf32>, vector<512x96xf32> -> vector<512x96xf32>
    %get3A_8 = arith.constant 0 : index
    %get3A_9 = arith.constant 0 : index
    %get3A_10 = vector.load %arg5[%get3A_8, %get3A_9] : memref<1x96xf32, #tpu.memory_space<vmem>>, vector<1x96xf32>
    %add3A = vector.broadcast %get3A_10 : vector<1x96xf32> to vector<512x96xf32>
    %add3A_11 = arith.addf %dot_general3A_7, %add3A : vector<512x96xf32>
    %get3A_12 = arith.constant 0 : index
    %get3A_13 = arith.constant 0 : index
    %get3A_14 = arith.constant 0 : index
    %get3A_15 = arith.constant 0 : index
    %get3A_16 = vector.load %arg2[%get3A_12, %get3A_13, %get3A_14, %get3A_15] : memref<1x8x512x128xf32, #tpu.memory_space<vmem>>, vector<1x1x512x128xf32>
    %get3A_17 = vector.shape_cast %get3A_16 : vector<1x1x512x128xf32> to vector<512x128xf32>
    %slice3A = vector.extract_strided_slice %get3A_17 {offsets = [0, 0], sizes = [512, 96], strides = [1, 1]} : vector<512x128xf32> to vector<512x96xf32>
    %get3A_18 = arith.constant 0 : index
    %get3A_19 = arith.constant 0 : index
    %get3A_20 = arith.constant 0 : index
    %get3A_21 = vector.load %arg4[%get3A_18, %get3A_19, %get3A_20] : memref<8x96x96xf32, #tpu.memory_space<vmem>>, vector<1x96x96xf32>
    %get3A_22 = vector.shape_cast %get3A_21 : vector<1x96x96xf32> to vector<96x96xf32>
    %dot_general3A_23 = arith.constant dense<0.000000e+00> : vector<512x96xf32>
    %dot_general3A_24 = tpu.matmul %slice3A, %get3A_22, %dot_general3A_23 {dimension_numbers = #tpu.dot_dimension_numbers<[1], [0], [0], [1], [0, 0, 1, 1], [], []>, transpose_lhs_hint = false} : vector<512x96xf32>, vector<96x96xf32>, vector<512x96xf32> -> vector<512x96xf32>
    %add3A_25 = arith.addf %add3A_11, %dot_general3A_24 : vector<512x96xf32>
    %get3A_26 = arith.constant 0 : index
    %get3A_27 = arith.constant 1 : index
    %get3A_28 = arith.constant 0 : index
    %get3A_29 = arith.constant 0 : index
    %get3A_30 = vector.load %arg2[%get3A_26, %get3A_27, %get3A_28, %get3A_29] : memref<1x8x512x128xf32, #tpu.memory_space<vmem>>, vector<1x1x512x128xf32>
    %get3A_31 = vector.shape_cast %get3A_30 : vector<1x1x512x128xf32> to vector<512x128xf32>
    %slice3A_32 = vector.extract_strided_slice %get3A_31 {offsets = [0, 0], sizes = [512, 96], strides = [1, 1]} : vector<512x128xf32> to vector<512x96xf32>
    %get3A_33 = arith.constant 1 : index
    %get3A_34 = arith.constant 0 : index
    %get3A_35 = arith.constant 0 : index
    %get3A_36 = vector.load %arg4[%get3A_33, %get3A_34, %get3A_35] : memref<8x96x96xf32, #tpu.memory_space<vmem>>, vector<1x96x96xf32>
    %get3A_37 = vector.shape_cast %get3A_36 : vector<1x96x96xf32> to vector<96x96xf32>
    %dot_general3A_38 = arith.constant dense<0.000000e+00> : vector<512x96xf32>
    %dot_general3A_39 = tpu.matmul %slice3A_32, %get3A_37, %dot_general3A_38 {dimension_numbers = #tpu.dot_dimension_numbers<[1], [0], [0], [1], [0, 0, 1, 1], [], []>, transpose_lhs_hint = false} : vector<512x96xf32>, vector<96x96xf32>, vector<512x96xf32> -> vector<512x96xf32>
    %add3A_40 = arith.addf %add3A_25, %dot_general3A_39 : vector<512x96xf32>
    %get3A_41 = arith.constant 0 : index
    %get3A_42 = arith.constant 2 : index
    %get3A_43 = arith.constant 0 : index
    %get3A_44 = arith.constant 0 : index
    %get3A_45 = vector.load %arg2[%get3A_41, %get3A_42, %get3A_43, %get3A_44] : memref<1x8x512x128xf32, #tpu.memory_space<vmem>>, vector<1x1x512x128xf32>
    %get3A_46 = vector.shape_cast %get3A_45 : vector<1x1x512x128xf32> to vector<512x128xf32>
    %slice3A_47 = vector.extract_strided_slice %get3A_46 {offsets = [0, 0], sizes = [512, 96], strides = [1, 1]} : vector<512x128xf32> to vector<512x96xf32>
    %get3A_48 = arith.constant 2 : index
    %get3A_49 = arith.constant 0 : index
    %get3A_50 = arith.constant 0 : index
    %get3A_51 = vector.load %arg4[%get3A_48, %get3A_49, %get3A_50] : memref<8x96x96xf32, #tpu.memory_space<vmem>>, vector<1x96x96xf32>
    %get3A_52 = vector.shape_cast %get3A_51 : vector<1x96x96xf32> to vector<96x96xf32>
    %dot_general3A_53 = arith.constant dense<0.000000e+00> : vector<512x96xf32>
    %dot_general3A_54 = tpu.matmul %slice3A_47, %get3A_52, %dot_general3A_53 {dimension_numbers = #tpu.dot_dimension_numbers<[1], [0], [0], [1], [0, 0, 1, 1], [], []>, transpose_lhs_hint = false} : vector<512x96xf32>, vector<96x96xf32>, vector<512x96xf32> -> vector<512x96xf32>
    %add3A_55 = arith.addf %add3A_40, %dot_general3A_54 : vector<512x96xf32>
    %get3A_56 = arith.constant 0 : index
    %get3A_57 = arith.constant 3 : index
    %get3A_58 = arith.constant 0 : index
    %get3A_59 = arith.constant 0 : index
    %get3A_60 = vector.load %arg2[%get3A_56, %get3A_57, %get3A_58, %get3A_59] : memref<1x8x512x128xf32, #tpu.memory_space<vmem>>, vector<1x1x512x128xf32>
    %get3A_61 = vector.shape_cast %get3A_60 : vector<1x1x512x128xf32> to vector<512x128xf32>
    %slice3A_62 = vector.extract_strided_slice %get3A_61 {offsets = [0, 0], sizes = [512, 96], strides = [1, 1]} : vector<512x128xf32> to vector<512x96xf32>
    %get3A_63 = arith.constant 3 : index
    %get3A_64 = arith.constant 0 : index
    %get3A_65 = arith.constant 0 : index
    %get3A_66 = vector.load %arg4[%get3A_63, %get3A_64, %get3A_65] : memref<8x96x96xf32, #tpu.memory_space<vmem>>, vector<1x96x96xf32>
    %get3A_67 = vector.shape_cast %get3A_66 : vector<1x96x96xf32> to vector<96x96xf32>
    %dot_general3A_68 = arith.constant dense<0.000000e+00> : vector<512x96xf32>
    %dot_general3A_69 = tpu.matmul %slice3A_62, %get3A_67, %dot_general3A_68 {dimension_numbers = #tpu.dot_dimension_numbers<[1], [0], [0], [1], [0, 0, 1, 1], [], []>, transpose_lhs_hint = false} : vector<512x96xf32>, vector<96x96xf32>, vector<512x96xf32> -> vector<512x96xf32>
    %add3A_70 = arith.addf %add3A_55, %dot_general3A_69 : vector<512x96xf32>
    %get3A_71 = arith.constant 0 : index
    %get3A_72 = arith.constant 4 : index
    %get3A_73 = arith.constant 0 : index
    %get3A_74 = arith.constant 0 : index
    %get3A_75 = vector.load %arg2[%get3A_71, %get3A_72, %get3A_73, %get3A_74] : memref<1x8x512x128xf32, #tpu.memory_space<vmem>>, vector<1x1x512x128xf32>
    %get3A_76 = vector.shape_cast %get3A_75 : vector<1x1x512x128xf32> to vector<512x128xf32>
    %slice3A_77 = vector.extract_strided_slice %get3A_76 {offsets = [0, 0], sizes = [512, 96], strides = [1, 1]} : vector<512x128xf32> to vector<512x96xf32>
    %get3A_78 = arith.constant 4 : index
    %get3A_79 = arith.constant 0 : index
    %get3A_80 = arith.constant 0 : index
    %get3A_81 = vector.load %arg4[%get3A_78, %get3A_79, %get3A_80] : memref<8x96x96xf32, #tpu.memory_space<vmem>>, vector<1x96x96xf32>
    %get3A_82 = vector.shape_cast %get3A_81 : vector<1x96x96xf32> to vector<96x96xf32>
    %dot_general3A_83 = arith.constant dense<0.000000e+00> : vector<512x96xf32>
    %dot_general3A_84 = tpu.matmul %slice3A_77, %get3A_82, %dot_general3A_83 {dimension_numbers = #tpu.dot_dimension_numbers<[1], [0], [0], [1], [0, 0, 1, 1], [], []>, transpose_lhs_hint = false} : vector<512x96xf32>, vector<96x96xf32>, vector<512x96xf32> -> vector<512x96xf32>
    %add3A_85 = arith.addf %add3A_70, %dot_general3A_84 : vector<512x96xf32>
    %get3A_86 = arith.constant 0 : index
    %get3A_87 = arith.constant 5 : index
    %get3A_88 = arith.constant 0 : index
    %get3A_89 = arith.constant 0 : index
    %get3A_90 = vector.load %arg2[%get3A_86, %get3A_87, %get3A_88, %get3A_89] : memref<1x8x512x128xf32, #tpu.memory_space<vmem>>, vector<1x1x512x128xf32>
    %get3A_91 = vector.shape_cast %get3A_90 : vector<1x1x512x128xf32> to vector<512x128xf32>
    %slice3A_92 = vector.extract_strided_slice %get3A_91 {offsets = [0, 0], sizes = [512, 96], strides = [1, 1]} : vector<512x128xf32> to vector<512x96xf32>
    %get3A_93 = arith.constant 5 : index
    %get3A_94 = arith.constant 0 : index
    %get3A_95 = arith.constant 0 : index
    %get3A_96 = vector.load %arg4[%get3A_93, %get3A_94, %get3A_95] : memref<8x96x96xf32, #tpu.memory_space<vmem>>, vector<1x96x96xf32>
    %get3A_97 = vector.shape_cast %get3A_96 : vector<1x96x96xf32> to vector<96x96xf32>
    %dot_general3A_98 = arith.constant dense<0.000000e+00> : vector<512x96xf32>
    %dot_general3A_99 = tpu.matmul %slice3A_92, %get3A_97, %dot_general3A_98 {dimension_numbers = #tpu.dot_dimension_numbers<[1], [0], [0], [1], [0, 0, 1, 1], [], []>, transpose_lhs_hint = false} : vector<512x96xf32>, vector<96x96xf32>, vector<512x96xf32> -> vector<512x96xf32>
    %add3A_100 = arith.addf %add3A_85, %dot_general3A_99 : vector<512x96xf32>
    %get3A_101 = arith.constant 0 : index
    %get3A_102 = arith.constant 6 : index
    %get3A_103 = arith.constant 0 : index
    %get3A_104 = arith.constant 0 : index
    %get3A_105 = vector.load %arg2[%get3A_101, %get3A_102, %get3A_103, %get3A_104] : memref<1x8x512x128xf32, #tpu.memory_space<vmem>>, vector<1x1x512x128xf32>
    %get3A_106 = vector.shape_cast %get3A_105 : vector<1x1x512x128xf32> to vector<512x128xf32>
    %slice3A_107 = vector.extract_strided_slice %get3A_106 {offsets = [0, 0], sizes = [512, 96], strides = [1, 1]} : vector<512x128xf32> to vector<512x96xf32>
    %get3A_108 = arith.constant 6 : index
    %get3A_109 = arith.constant 0 : index
    %get3A_110 = arith.constant 0 : index
    %get3A_111 = vector.load %arg4[%get3A_108, %get3A_109, %get3A_110] : memref<8x96x96xf32, #tpu.memory_space<vmem>>, vector<1x96x96xf32>
    %get3A_112 = vector.shape_cast %get3A_111 : vector<1x96x96xf32> to vector<96x96xf32>
    %dot_general3A_113 = arith.constant dense<0.000000e+00> : vector<512x96xf32>
    %dot_general3A_114 = tpu.matmul %slice3A_107, %get3A_112, %dot_general3A_113 {dimension_numbers = #tpu.dot_dimension_numbers<[1], [0], [0], [1], [0, 0, 1, 1], [], []>, transpose_lhs_hint = false} : vector<512x96xf32>, vector<96x96xf32>, vector<512x96xf32> -> vector<512x96xf32>
    %add3A_115 = arith.addf %add3A_100, %dot_general3A_114 : vector<512x96xf32>
    %get3A_116 = arith.constant 0 : index
    %get3A_117 = arith.constant 7 : index
    %get3A_118 = arith.constant 0 : index
    %get3A_119 = arith.constant 0 : index
    %get3A_120 = vector.load %arg2[%get3A_116, %get3A_117, %get3A_118, %get3A_119] : memref<1x8x512x128xf32, #tpu.memory_space<vmem>>, vector<1x1x512x128xf32>
    %get3A_121 = vector.shape_cast %get3A_120 : vector<1x1x512x128xf32> to vector<512x128xf32>
    %slice3A_122 = vector.extract_strided_slice %get3A_121 {offsets = [0, 0], sizes = [512, 96], strides = [1, 1]} : vector<512x128xf32> to vector<512x96xf32>
    %get3A_123 = arith.constant 7 : index
    %get3A_124 = arith.constant 0 : index
    %get3A_125 = arith.constant 0 : index
    %get3A_126 = vector.load %arg4[%get3A_123, %get3A_124, %get3A_125] : memref<8x96x96xf32, #tpu.memory_space<vmem>>, vector<1x96x96xf32>
    %get3A_127 = vector.shape_cast %get3A_126 : vector<1x96x96xf32> to vector<96x96xf32>
    %dot_general3A_128 = arith.constant dense<0.000000e+00> : vector<512x96xf32>
    %dot_general3A_129 = tpu.matmul %slice3A_122, %get3A_127, %dot_general3A_128 {dimension_numbers = #tpu.dot_dimension_numbers<[1], [0], [0], [1], [0, 0, 1, 1], [], []>, transpose_lhs_hint = false} : vector<512x96xf32>, vector<96x96xf32>, vector<512x96xf32> -> vector<512x96xf32>
    %add3A_130 = arith.addf %add3A_115, %dot_general3A_129 : vector<512x96xf32>
    %transpose3A = tpu.transpose %add3A_130, [1, 0] : vector<512x96xf32> -> vector<96x512xf32>
    %swap3A = arith.constant 0 : index
    %swap3A_131 = arith.constant 0 : index
    %swap3A_132 = vector.load %arg6[%swap3A, %swap3A_131] : memref<96x512xf32, #tpu.memory_space<vmem>>, vector<96x512xf32>
    tpu.vector_store %arg6[%swap3A, %swap3A_131], %transpose3A {strides = array<i32>} : memref<96x512xf32, #tpu.memory_space<vmem>>, vector<96x512xf32>,
    return
  }
  func.func @transform_0(%arg0: i32) -> (i32, i32, i32) {
    %add3A = arith.constant 4 : i32
    %add3A_0 = arith.addi %add3A, %arg0 : i32
    %c1_i32 = arith.constant 1 : i32
    %c0_i32 = arith.constant 0 : i32
    %c0_i32_1 = arith.constant 0 : i32
    return %c1_i32, %c0_i32, %add3A_0 : i32, i32, i32
  }
  func.func @transform_1(%arg0: i32) -> (i32, i32, i32, i32) {
    %c0_i32 = arith.constant 0 : i32
    %c0_i32_0 = arith.constant 0 : i32
    %c0_i32_1 = arith.constant 0 : i32
    %c0_i32_2 = arith.constant 0 : i32
    return %arg0, %c0_i32, %c0_i32_0, %c0_i32_1 : i32, i32, i32, i32
  }
  func.func @transform_2(%arg0: i32) -> (i32, i32) {
    %c0_i32 = arith.constant 0 : i32
    %c0_i32_0 = arith.constant 0 : i32
    %c0_i32_1 = arith.constant 0 : i32
    return %c0_i32, %c0_i32_0 : i32, i32
  }
  func.func @transform_3(%arg0: i32) -> (i32, i32, i32) {
    %c0_i32 = arith.constant 0 : i32
    %c0_i32_0 = arith.constant 0 : i32
    %c0_i32_1 = arith.constant 0 : i32
    %c0_i32_2 = arith.constant 0 : i32
    return %c0_i32, %c0_i32_0, %c0_i32_1 : i32, i32, i32
  }
  func.func @transform_4(%arg0: i32) -> (i32, i32) {
    %c0_i32 = arith.constant 0 : i32
    %c0_i32_0 = arith.constant 0 : i32
    %c0_i32_1 = arith.constant 0 : i32
    return %c0_i32, %c0_i32_0 : i32, i32
  }
  func.func @transform_5(%arg0: i32) -> (i32, i32) {
    %c0_i32 = arith.constant 0 : i32
    %c0_i32_0 = arith.constant 0 : i32
    return %c0_i32, %arg0 : i32, i32
  }
}

</mosaic_0001>

<sc_bundles>
// kernel: kernel.15.cloned.1.call-start
scs
__scs_entry_jumppad:
0x0: {  	(pc) =	sbr.rel $0x88, $3  }
0x1: {  	(tag) =	ssettag $0x0;
	lr =	simm.s32 $0x1  }
0x2: {  	[smem:$0x3F9E] =	sst lr;
	_ =	strace $0xD0000000  }
0x3: {  	_ = 	snop  }
0x4: {  	_ = 	snop  }
0x5: {  	_ = 	snop  }
0x6: {  	_ = 	snop  }
0x7: {  	_ = 	snop  }
__scs_overlays_trampoline_lowered:
0x8: {  	[smem:$0x3FAD] =	sst s0  }
0x9: {  	[smem:$0x3FAE] =	sst s1  }
0xa: {  	[smem:$0x3FAF] =	sst s2  }
0xb: {  	[smem:$0x3FB0] =	sst s3  }
0xc: {  	[smem:$0x3FB1] =	sst s4  }
0xd: {  	[smem:$0x3FB2] =	sst s5  }
0xe: {  	[smem:$0x3FB3] =	sst s6  }
0xf: {  	[smem:$0x3FB4] =	sst s7  }
0x10: {  	[smem:$0x3FB5] =	sst s8  }
0x11: {  	[smem:$0x3FB6] =	sst s9;
	s0 =	simm.s32 @!p0 $0x0  }
0x12: {  	s1 =	sld [smem:$0x3F9C];
	s0 =	simm.s32 @p0 $0x1  }
0x13: {  	[smem:$0x3FB7] =	sst s0;
	s0 =	simm.s32 @!p1 $0x0  }
0x14: {  	s2 =	sld [smem:$0x3F9B];
	s0 =	simm.s32 @p1 $0x1  }
0x15: {  	[smem:$0x3FB8] =	sst s0;
	s0 =	simm.s32 @!p2 $0x0  }
0x16: {  	s3 =	sld [smem:$0x3FDB];
	s0 =	simm.s32 @p2 $0x1  }
0x17: {  	s4 =	simm.s32 $0x1BF5;
	[smem:$0x3FBA] =	sst s0  }
0x18: {  	s0 =	sld [smem:$0x3F9D];
	_ =	swait.ge [sflag:s4], $0x0  }
0x19: {  	s7 =	sld [smem:$0x3F9E]  }
0x1a: {  	s8 =	sadd.s32 $0xFFFFE003, lr  }
0x1b: {  	s9 =	sadd.s32 $0xFFFFFEF7, lr;
	s5 =	simm.s32 $0xFFFFFFFF;
	p2 =	slt.u32 s8, $0xFFFFF086  }
0x1c: {  	p1 =	slt.u32 s9, $0xF7A;
	s5 =	simm.s32 @!p2 $0x0  }
0x1d: {  	s5 =	simm.s32 @p1 $0x1;
	p0 =	seq.s32 s7, s2  }
0x1e: {  	s7 =	smul.u32 @!p0 $0xF7A, s2;
	p2 =	seq.s32 @!p0 s5, $0x0  }
0x1f: {  	s9 =	smul.u32 $0xF7A, s1;
	s8 =	simm.s32 @!p0 $0x1BF5;
	p2 =	por !p2, p0  }
0x20: {  	[sflag:s8] =	ssyncset.s32 @!p0 $0xFFFFF086;
	s6 =	sadd.s32 @!p0 s3, s7;
	s7 =	simm.s32 @!p0 $0x108  }
0x21: {  	s3 =	sadd.s32 s3, s9;
	s6 =	sadd.s32 @!p0 $0x88, s6;
	s7 =	simm.s32 @p2 $0x1082  }
0x22: {  	[simem:s7], [sflag:s8] =	dma.local @!p0 [hbm:s6], $0xF7A  }
0x23: {  	s9 =	sor.u32 $0xD0000000, s2;
	s6 =	simm.s32 $0x108;
	_ =	swait.ge @!p0 [sflag:s8], $0x0  }
0x24: {  	s3 =	sadd.s32 $0x88, s3;
	s6 =	simm.s32 @!p1 $0x1082;
	[sflag:s4] =	ssyncset.s32 $0xFFFFF086  }
0x25: {  	[simem:s6], [sflag:s4] =	dma.local [hbm:s3], $0xF7A  }
0x26: {  	[smem:$0x3F9E] =	sst s1;
	(tag) =	ssettag s2;
	_ =	strace s9  }
0x27: {  	s1 =	sld [smem:$0x3FAE]  }
0x28: {  	s2 =	sld [smem:$0x3FAF]  }
0x29: {  	s4 =	sld [smem:$0x3FB1]  }
0x2a: {  	p0 =	seq.s32 s5, $0x0;
	s5 =	sld [smem:$0x3FB2]  }
0x2b: {  	s6 =	sld [smem:$0x3FB3]  }
0x2c: {  	s7 =	sld [smem:$0x3FB4]  }
0x2d: {  	s3 =	simm.s32 $0x108;
	s8 =	sld [smem:$0x3FB5]  }
0x2e: {  	s3 =	simm.s32 @!p0 $0x1082;
	s9 =	sld [smem:$0x3FB6]  }
0x2f: {  	lr =	sadd.s32 s0, s3;
	s0 =	sld [smem:$0x3FAD]  }
0x30: {  	s3 =	sld [smem:$0x3FB0]  }
0x31: {  	[smem:$0x3FB9] =	sst s10  }
0x32: {  	s10 =	sld [smem:$0x3FB7];
	_ =	sdelay $0x3  }
0x33: {  	p0 =	seq.s32 s10, $0x1;
	s10 =	sld [smem:$0x3FB9];
	_ =	sdelay $0x3  }
0x34: {  	[smem:$0x3FB9] =	sst s10  }
0x35: {  	s10 =	sld [smem:$0x3FB8];
	_ =	sdelay $0x3  }
0x36: {  	p1 =	seq.s32 s10, $0x1;
	s10 =	sld [smem:$0x3FB9];
	_ =	sdelay $0x3  }
0x37: {  	[smem:$0x3FB9] =	sst s10  }
0x38: {  	s10 =	sld [smem:$0x3FBA]  }
0x39: {  	_ = 	snop;
	(pc) =	sbr.ind lr, $3  }
0x3a: {  	_ = 	snop  }
0x3b: {  	_ = 	snop  }
0x3c: {  	p2 =	seq.s32 s10, $0x1;
	s10 =	sld [smem:$0x3FB9]  }
0x3d: {  	_ =	shalt  }
0x3e: {  	_ =	shalt  }
0x3f: {  	_ =	shalt  }
0x40: {  	_ =	shalt  }
0x41: {  	_ =	shalt  }
0x42: {  	_ =	shalt  }
0x43: {  	_ =	shalt  }
0x44: {  	_ =	shalt  }
0x45: {  	_ =	shalt  }
0x46: {  	_ =	shalt  }
0x47: {  	_ =	shalt  }
0x48: {  	_ =	shalt  }
0x49: {  	_ =	shalt  }
0x4a: {  	_ =	shalt  }
0x4b: {  	_ =	shalt  }
0x4c: {  	_ =	shalt  }
0x4d: {  	_ =	shalt  }
0x4e: {  	_ =	shalt  }
0x4f: {  	_ =	shalt  }
0x50: {  	_ =	shalt  }
0x51: {  	_ =	shalt  }
0x52: {  	_ =	shalt  }
0x53: {  	_ =	shalt  }
0x54: {  	_ =	shalt  }
0x55: {  	_ =	shalt  }
0x56: {  	_ =	shalt  }
0x57: {  	_ =	shalt  }
0x58: {  	_ =	shalt  }
0x59: {  	_ =	shalt  }
0x5a: {  	_ =	shalt  }
0x5b: {  	_ =	shalt  }
0x5c: {  	_ =	shalt  }
0x5d: {  	_ =	shalt  }
0x5e: {  	_ =	shalt  }
0x5f: {  	_ =	shalt  }
0x60: {  	_ =	shalt  }
0x61: {  	_ =	shalt  }
0x62: {  	_ =	shalt  }
0x63: {  	_ =	shalt  }
0x64: {  	_ =	shalt  }
0x65: {  	_ =	shalt  }
0x66: {  	_ =	shalt  }
0x67: {  	_ =	shalt  }
0x68: {  	_ =	shalt  }
0x69: {  	_ =	shalt  }
0x6a: {  	_ =	shalt  }
0x6b: {  	_ =	shalt  }
0x6c: {  	_ =	shalt  }
0x6d: {  	_ =	shalt  }
0x6e: {  	_ =	shalt  }
0x6f: {  	_ =	shalt  }
0x70: {  	_ =	shalt  }
0x71: {  	_ =	shalt  }
0x72: {  	_ =	shalt  }
0x73: {  	_ =	shalt  }
0x74: {  	_ =	shalt  }
0x75: {  	_ =	shalt  }
0x76: {  	_ =	shalt  }
0x77: {  	_ =	shalt  }
0x78: {  	_ =	shalt  }
0x79: {  	_ =	shalt  }
0x7a: {  	_ =	shalt  }
0x7b: {  	_ =	shalt  }
0x7c: {  	_ =	shalt  }
0x7d: {  	_ =	shalt  }
0x7e: {  	_ =	shalt  }
0x7f: {  	_ =	shalt  }
0x80: {  	_ =	shalt  }
0x81: {  	_ =	shalt  }
0x82: {  	_ =	shalt  }
0x83: {  	_ =	shalt  }
0x84: {  	_ =	shalt  }
0x85: {  	_ =	shalt  }
0x86: {  	_ =	shalt  }
0x87: {  	_ =	shalt  }
.Lfunc_end0:
.L_simem_size_0:
called_computation_lowered:
.L_overlay_start_0:
0x88: {  	s2 =	sld [smem:$0x3FD9]  }
0x89: {  	s3 =	sld [smem:$0x3FFE];
	_ =	sdelay $0x1  }
0x8a: {  	s1 =	srdreg.scid  }
0x8b: {  	s0 =	sand.u32 $0x1, s1  }
0x8c: {  	s17 =	sshll.u32 s0, $0xA;
	s2 =	sadd.s32 s3, s2  }
0x8d: {  	s2 =	sadd.s32 s2, s17  }
0x8e: {  	[smem:$0x3FC5] =	sst s2  }
0x8f: {  	_ = 	snop  }
0x90: {  	s2 =	sld [smem:$0x3FD0];
	(tm) =	ssettm $0x1  }
0x91: {  	s18 =	sld [smem:$0x3FFB];
	_ =	sdelay $0x3  }
0x92: {  	_ =	strace s18  }
0x93: {  	s3 =	sld [smem:$0x3FFC];
	_ =	sdelay $0x3  }
0x94: {  	_ =	strace s3  }
0x95: {  	s3 =	sld [smem:$0x3FFD];
	_ =	sdelay $0x3  }
0x96: {  	_ =	strace s3  }
0x97: {  	_ =	strace $0x8FFFFFFF  }
0x98: {  	s19 =	sld [smem:$0x3FDB];
	_ =	sdelay $0x1  }
0x99: {  	s4 =	simm.s32 $_scs_section_size  }
0x9a: {  	s5 =	simm.s32 $_size__tile_overlayer_lowered;
	s6 =	simm.s32 $_tile_overlayer_lowered  }
0x9b: {  	s22 =	simm.s32 $0x1BFF;
	s21 =	sshll.u32 s6, $0x1;
	s3 =	sadd.s32 s4, s19  }
0x9c: {  	s7 =	simm.s32 $0x0;
	s20 =	sshll.u32 s5, $0x1;
	s5 =	sadd.s32 s21, s3  }
0x9d: {  	[timem:s7], [sflag:s22] =	dma.local [hbm:s5], s20  }
0x9e: {  	_ =	swait.ge [sflag:s22], s20  }
0x9f: {  	s4 =	ssub.s32 $0x0, s20;
	[sflag:s22] =	ssyncset.done $0x0  }
0xa0: {  	[sflag:s22] =	ssyncadd.s32 s4;
	_ =	sdelay $0x1  }
0xa1: {  	s23 =	simm.s32 $0x1B8B  }
0xa2: {  	_ =	swait.ge [sflag:s23], $0x1  }
0xa3: {  	[sflag:s23] =	ssyncset.done $0x0  }
0xa4: {  	s25 =	simm.s32 $0x1B8E;
	s24 =	sld [smem:$0x3FFE];
	[sflag:s23] =	ssyncadd.s32 $0xFFFFFFFF  }
0xa5: {  	s26 =	simm.s32 $execute0_lowered;
	[smem:$0x3FD2] =	sst s25  }
0xa6: {  	s5 =	sshll.u32 s26, $0x1;
	_ =	strace $0x80000046;
	[dreg:$0x1] =	wrdreg $0xFFFFFFFF  }
0xa7: {  	s28 =	simm.s32 $_size_execute0_lowered;
	s3 =	sadd.s32 s3, s5;
	[dreg:$0x0] =	wrdreg $0x0  }
0xa8: {  	s5 =	sshll.u32 s28, $0x1;
	[dreg:$0x2] =	wrdreg s3  }
0xa9: {  	[dreg:$0x3] =	wrdreg s5  }
0xaa: {  	[dreg:$0x4] =	wrdreg $0xC0  }
0xab: {  	_ =	task [dreg:s7], $0x5FFFF  }
0xac: {  	[dreg:$0x1] =	wrdreg $0xFFFFFFFF  }
0xad: {  	[dreg:$0x0] =	wrdreg $0x60  }
0xae: {  	[dreg:$0x2] =	wrdreg s2  }
0xaf: {  	[dreg:$0x3] =	wrdreg s24  }
0xb0: {  	[dreg:$0x4] =	wrdreg $0x9  }
0xb1: {  	_ =	task.clear_ibuf [dreg:s7], $0x5FFFF;
	_ =	strace $0x90000046  }
0xb2: {  	s29 =	simm.s32 $0x9;
	_ =	strace $0x80000048  }
0xb3: {  	_ =	swait.ge [sflag:s29], $0x1  }
0xb4: {  	[sflag:s29] =	ssyncadd.s32 $0xFFFFFFFF  }
0xb5: {  	_ =	strace $0x90000048  }
0xb6: {  	_ =	sfence  }
0xb7: {  	s30 =	sld [smem:$0x0];
	_ =	sdelay $0x2  }
0xb8: {  	s31 =	sshll.u32 s1, $0xD;
	s1 =	sshrl.u32 s1, $0x2  }
0xb9: {  	s3 =	sand.u32 $0x4000, s31;
	s1 =	sadd.s32 s1, s30  }
0xba: {  	s0 =	sor.u32 s3, s0;
	s1 =	sshll.u32 s1, $0x11  }
0xbb: {  	s0 =	sor.u32 s1, s0  }
0xbc: {  	s0 =	sadd.s32 $0x8F2B, s0  }
0xbd: {  	[sflag:s0] =	ssyncadd.remote.s32 $0x1  }
0xbe: {  	_ =	sfence.sel $0xFFFF  }
0xbf: {  	[dreg:$0x0] =	wrdreg $0xFFFFFFFF;
	(pc) =	sbr.abs _section_cstart, $3  }
0xc0: {  	[dreg:$0x1] =	wrdreg $0xFFFFFFFF  }
0xc1: {  	_ =	task.clear_ibuf [dreg:s7], $0x2FFFF;
	_ =	strace $0x9FFFFFFF  }
0xc2: {  	(tm) =	ssettm $0x7FFFFFFF  }
0xc3: {  	_ =	shalt  }
tec
execute0_lowered:
.L_overlay_start_1:
0x0: {  	(tag) =	ssettag $0x1  }
0x1: {  	s1 =	rddreg [dreg:$0x0];
	s0 =	srdreg.scid  }
0x2: {  	s12 =	rddreg [dreg:$0x1];
	s19 =	sand.u32 $0x1, s0  }
0x3: {  	s2 =	stileid.u32;
	s3 =	simm.s32 $0x0;
	s4 =	sshll.u32 s19, $0x6  }
0x4: {  	s0 =	rddreg [dreg:$0x2];
	s5 =	sshll.u32 s2, $0x7;
	s4 =	sadd.s32 s4, s12  }
0x5: {  	[smem:$0x7FF] =	sst s3;
	s4 =	sadd.s32 s5, s4  }
0x6: {  	_ =	strace $0x80000047;
	s5 =	simm.s32 $0x3;
	s4 =	sadd.s32 $0x11E00, s4  }
0x7: {  	[tilespmem:s3], [sflag:$0x3] =	stream.linear.gather [hbm4b:s4+s3], $0x200, $0x38;
	[tilespmem:$0x10200] =	vst v63  }
0x8: {  	_ =	swait.ge [sflag:s5], $0x200  }
0x9: {  	[sflag:s5] =	ssyncset.done $0x0  }
0xa: {  	s6 =	simm.s32 $0x80;
	s7 =	simm.s32 $0x200;
	[sflag:s5] =	ssyncadd.s32 $0xFFFFFE00  }
0xb: {  	[tilespmem:s7], [sflag:$0x1] =	stream.indirect.gather [hbm4b:s1+s6], $0x80, s3, s6, $0xb8;
	[tilespmem:$0x10200] =	vst v63  }
0xc: {  	s8 =	simm.s32 $0x4200;
	s9 =	simm.s32 $0x100;
	s10 =	simm.s32 $0x8200  }
0xd: {  	[tilespmem:s8], [sflag:$0x1] =	stream.indirect.gather [hbm4b:s1+s6], $0x80, s6, s6, $0xb8;
	[tilespmem:$0x10200] =	vst v63  }
0xe: {  	s11 =	simm.s32 $0x1;
	s13 =	sshll.u32 s2, $0xE;
	s14 =	sshll.u32 s19, $0xD  }
0xf: {  	[tilespmem:s10], [sflag:$0x1] =	stream.indirect.gather [hbm4b:s1+s6], $0x80, s9, s6, $0xb8;
	[tilespmem:$0x10200] =	vst v63  }
0x10: {  	s13 =	sor.u32 s14, s13;
	_ =	swait.ge [sflag:s11], $0x4000  }
0x11: {  	s17 =	sadd.s32 s13, s12;
	[sflag:s11] =	ssyncset.done $0x0  }
0x12: {  	s12 =	sadd.s32 $0x12600, s17;
	[sflag:s11] =	ssyncadd.s32 $0xFFFFC000  }
0x13: {  	[hbm4b:s12+s3] =	stream.linear.scatter [tilespmem:s7], [sflag:$0x2], $0x4000, $0x38;
	[tilespmem:$0x10200] =	vst v63  }
0x14: {  	s14 =	simm.s32 $0xC200;
	s13 =	simm.s32 $0x180  }
0x15: {  	[tilespmem:s14], [sflag:$0x1] =	stream.indirect.gather [hbm4b:s1+s6], $0x80, s13, s6, $0xb8;
	[tilespmem:$0x10200] =	vst v63  }
0x16: {  	_ =	swait.ge [sflag:s11], $0x4000  }
0x17: {  	[sflag:s11] =	ssyncset.done $0x0  }
0x18: {  	s15 =	sadd.s32 $0x12E00, s17;
	[sflag:s11] =	ssyncadd.s32 $0xFFFFC000  }
0x19: {  	[hbm4b:s15+s3] =	stream.linear.scatter [tilespmem:s8], [sflag:$0x2], $0x4000, $0x38;
	[tilespmem:$0x10200] =	vst v63  }
0x1a: {  	_ =	swait.ge [sflag:s11], $0x4000  }
0x1b: {  	[sflag:s11] =	ssyncset.done $0x0  }
0x1c: {  	s16 =	sadd.s32 $0x13600, s17;
	[sflag:s11] =	ssyncadd.s32 $0xFFFFC000  }
0x1d: {  	[hbm4b:s16+s3] =	stream.linear.scatter [tilespmem:s10], [sflag:$0x2], $0x4000, $0x38;
	[tilespmem:$0x10200] =	vst v63  }
0x1e: {  	_ =	swait.ge [sflag:s11], $0x4000  }
0x1f: {  	[sflag:s11] =	ssyncset.done $0x0  }
0x20: {  	s18 =	sadd.s32 $0x13E00, s17;
	s17 =	simm.s32 $0x2;
	[sflag:s11] =	ssyncadd.s32 $0xFFFFC000  }
0x21: {  	[hbm4b:s18+s3] =	stream.linear.scatter [tilespmem:s14], [sflag:$0x2], $0x4000, $0x38;
	[tilespmem:$0x10200] =	vst v63  }
0x22: {  	_ =	swait.ge [sflag:s17], $0x4000  }
0x23: {  	s19 =	ssub.s32 $0x2, s19;
	[sflag:s17] =	ssyncset.done $0x0  }
0x24: {  	s20 =	sshrl.u32 s19, $0x1;
	[sflag:s17] =	ssyncadd.s32 $0xFFFFC000  }
0x25: {  	s19 =	ssub.s32 s19, s20;
	_ =	swait.ge [sflag:s17], $0x4000  }
0x26: {  	s19 =	smax.u32 s19, $0x1;
	[sflag:s17] =	ssyncset.done $0x0  }
0x27: {  	p0 =	sne.s32 s19, $0x1;
	[sflag:s17] =	ssyncadd.s32 $0xFFFFC000  }
.Ltmp0:
0x28: {  	_ =	swait.ge [sflag:s17], $0x4000;
	(pc) =	sbr.rel @!p0 .LBB2_2-.Ltmp0, $4  }
0x29: {  	[sflag:s17] =	ssyncset.done $0x0  }
0x2a: {  	[sflag:s17] =	ssyncadd.s32 $0xFFFFC000  }
0x2b: {  	_ =	swait.ge [sflag:s17], $0x4000  }
0x2c: {  	s19 =	sadd.s32 $0xFFFFFFFF, s19;
	[sflag:s17] =	ssyncset.done $0x0  }
.LBB2_1:
0x2d: {  	p0 =	sne.s32 s19, $0x1;
	s19 =	sadd.s32 $0xFFFFFFFF, s19;
	[sflag:s17] =	ssyncadd.s32 $0xFFFFC000  }
0x2e: {  	[tilespmem:s3], [sflag:$0x3] =	stream.linear.gather [hbm4b:s4+s3], $0x200, $0x38;
	[tilespmem:$0x10200] =	vst v63  }
0x2f: {  	_ =	swait.ge [sflag:s5], $0x200  }
0x30: {  	[sflag:s5] =	ssyncset.done $0x0  }
0x31: {  	[sflag:s5] =	ssyncadd.s32 $0xFFFFFE00  }
0x32: {  	[tilespmem:s7], [sflag:$0x1] =	stream.indirect.gather [hbm4b:s1+s6], $0x80, s3, s6, $0xb8;
	[tilespmem:$0x10200] =	vst v63  }
0x33: {  	_ = 	snop  }
0x34: {  	[tilespmem:s8], [sflag:$0x1] =	stream.indirect.gather [hbm4b:s1+s6], $0x80, s6, s6, $0xb8;
	[tilespmem:$0x10200] =	vst v63  }
0x35: {  	_ = 	snop  }
0x36: {  	[tilespmem:s10], [sflag:$0x1] =	stream.indirect.gather [hbm4b:s1+s6], $0x80, s9, s6, $0xb8;
	[tilespmem:$0x10200] =	vst v63  }
0x37: {  	_ =	swait.ge [sflag:s11], $0x4000  }
0x38: {  	[sflag:s11] =	ssyncset.done $0x0  }
0x39: {  	[sflag:s11] =	ssyncadd.s32 $0xFFFFC000  }
0x3a: {  	[hbm4b:s12+s3] =	stream.linear.scatter [tilespmem:s7], [sflag:$0x2], $0x4000, $0x38;
	[tilespmem:$0x10200] =	vst v63  }
0x3b: {  	_ = 	snop  }
0x3c: {  	[tilespmem:s14], [sflag:$0x1] =	stream.indirect.gather [hbm4b:s1+s6], $0x80, s13, s6, $0xb8;
	[tilespmem:$0x10200] =	vst v63  }
0x3d: {  	_ =	swait.ge [sflag:s11], $0x4000  }
0x3e: {  	[sflag:s11] =	ssyncset.done $0x0  }
0x3f: {  	[sflag:s11] =	ssyncadd.s32 $0xFFFFC000  }
0x40: {  	[hbm4b:s15+s3] =	stream.linear.scatter [tilespmem:s8], [sflag:$0x2], $0x4000, $0x38;
	[tilespmem:$0x10200] =	vst v63  }
0x41: {  	_ =	swait.ge [sflag:s11], $0x4000  }
0x42: {  	[sflag:s11] =	ssyncset.done $0x0  }
0x43: {  	[sflag:s11] =	ssyncadd.s32 $0xFFFFC000  }
0x44: {  	[hbm4b:s16+s3] =	stream.linear.scatter [tilespmem:s10], [sflag:$0x2], $0x4000, $0x38;
	[tilespmem:$0x10200] =	vst v63  }
0x45: {  	_ =	swait.ge [sflag:s11], $0x4000  }
0x46: {  	[sflag:s11] =	ssyncset.done $0x0  }
0x47: {  	[sflag:s11] =	ssyncadd.s32 $0xFFFFC000  }
0x48: {  	[hbm4b:s18+s3] =	stream.linear.scatter [tilespmem:s14], [sflag:$0x2], $0x4000, $0x38;
	[tilespmem:$0x10200] =	vst v63  }
0x49: {  	_ =	swait.ge [sflag:s17], $0x4000  }
0x4a: {  	[sflag:s17] =	ssyncset.done $0x0  }
0x4b: {  	[sflag:s17] =	ssyncadd.s32 $0xFFFFC000  }
0x4c: {  	_ =	swait.ge [sflag:s17], $0x4000  }
0x4d: {  	[sflag:s17] =	ssyncset.done $0x0  }
0x4e: {  	[sflag:s17] =	ssyncadd.s32 $0xFFFFC000  }
.Ltmp1:
0x4f: {  	_ =	swait.ge [sflag:s17], $0x4000;
	(pc) =	sbr.rel @p0 .LBB2_1-.Ltmp1, $4  }
0x50: {  	[sflag:s17] =	ssyncset.done $0x0  }
0x51: {  	[sflag:s17] =	ssyncadd.s32 $0xFFFFC000  }
0x52: {  	_ =	swait.ge [sflag:s17], $0x4000  }
0x53: {  	[sflag:s17] =	ssyncset.done $0x0  }
.LBB2_2:
0x54: {  	[sflag:s17] =	ssyncadd.s32 $0xFFFFC000  }
0x55: {  	_ =	sfence.sel $0x180000  }
0x56: {  	[bflag:$0x0] =	sbarrier.arrive $0xFFFF  }
0x57: {  	p0 =	sne.s32 s2, $0x0;
	_ =	strace $0x90000047  }
0x58: {  	s0 =	sadd.s32 @!p0 $0x100000, s0;
	[bflag:$0x2] =	sbarrier.arrive $0xFFFF  }
0x59: {  	[sflag:s0] =	ssyncadd.tile.s32 @!p0 $0x1;
	_ =	shalt  }
.Lfunc_end2:
_tile_overlayer_lowered:
.L_overlay_start_2:
0x5a: {  	(tag) =	ssettag $0x2  }
0x5b: {  	s0 =	rddreg [dreg:$0x0];
	s2 =	stileid.u32  }
0x5c: {  	s1 =	rddreg [dreg:$0x1];
	p0 =	sne.s32 s2, $0x0  }
0x5d: {  	s3 =	rddreg [dreg:$0x2];
	[bflag:$0x3] =	sbarrier.arrive $0xFFFF;
	s2 =	simm.s32 @!p0 $0x1C03  }
0x5e: {  	[timem:s3], [sflag:s2] =	dma.local @!p0 [hbm:s0], s1  }
0x5f: {  	s0 =	simm.s32 @!p0 $0x3  }
0x60: {  	_ =	swait.ge @!p0 [sflag:s0], s1  }
0x61: {  	s1 =	ssub.s32 @!p0 $0x0, s1;
	[sflag:s0] =	ssyncset.done @!p0 $0x0  }
0x62: {  	[sflag:s0] =	ssyncadd.s32 @!p0 s1  }
0x63: {  	[bflag:$0x3] =	sbarrier.arrive $0xFFFF  }
0x64: {  	_ =	shalt  }

// kernel: kernel.18.cloned.1.call-start
scs
__scs_entry_jumppad:
0x0: {  	(pc) =	sbr.rel $0x88, $3  }
0x1: {  	(tag) =	ssettag $0x0;
	lr =	simm.s32 $0x1  }
0x2: {  	[smem:$0x3F9E] =	sst lr;
	_ =	strace $0xD0000000  }
0x3: {  	_ = 	snop  }
0x4: {  	_ = 	snop  }
0x5: {  	_ = 	snop  }
0x6: {  	_ = 	snop  }
0x7: {  	_ = 	snop  }
__scs_overlays_trampoline_lowered:
0x8: {  	[smem:$0x3FAD] =	sst s0  }
0x9: {  	[smem:$0x3FAE] =	sst s1  }
0xa: {  	[smem:$0x3FAF] =	sst s2  }
0xb: {  	[smem:$0x3FB0] =	sst s3  }
0xc: {  	[smem:$0x3FB1] =	sst s4  }
0xd: {  	[smem:$0x3FB2] =	sst s5  }
0xe: {  	[smem:$0x3FB3] =	sst s6  }
0xf: {  	[smem:$0x3FB4] =	sst s7  }
0x10: {  	[smem:$0x3FB5] =	sst s8  }
0x11: {  	[smem:$0x3FB6] =	sst s9;
	s0 =	simm.s32 @!p0 $0x0  }
0x12: {  	s1 =	sld [smem:$0x3F9C];
	s0 =	simm.s32 @p0 $0x1  }
0x13: {  	[smem:$0x3FB7] =	sst s0;
	s0 =	simm.s32 @!p1 $0x0  }
0x14: {  	s2 =	sld [smem:$0x3F9B];
	s0 =	simm.s32 @p1 $0x1  }
0x15: {  	[smem:$0x3FB8] =	sst s0;
	s0 =	simm.s32 @!p2 $0x0  }
0x16: {  	s3 =	sld [smem:$0x3FDB];
	s0 =	simm.s32 @p2 $0x1  }
0x17: {  	s4 =	simm.s32 $0x1BF5;
	[smem:$0x3FBA] =	sst s0  }
0x18: {  	s0 =	sld [smem:$0x3F9D];
	_ =	swait.ge [sflag:s4], $0x0  }
0x19: {  	s7 =	sld [smem:$0x3F9E]  }
0x1a: {  	s8 =	sadd.s32 $0xFFFFE003, lr  }
0x1b: {  	s9 =	sadd.s32 $0xFFFFFEF7, lr;
	s5 =	simm.s32 $0xFFFFFFFF;
	p2 =	slt.u32 s8, $0xFFFFF086  }
0x1c: {  	p1 =	slt.u32 s9, $0xF7A;
	s5 =	simm.s32 @!p2 $0x0  }
0x1d: {  	s5 =	simm.s32 @p1 $0x1;
	p0 =	seq.s32 s7, s2  }
0x1e: {  	s7 =	smul.u32 @!p0 $0xF7A, s2;
	p2 =	seq.s32 @!p0 s5, $0x0  }
0x1f: {  	s9 =	smul.u32 $0xF7A, s1;
	s8 =	simm.s32 @!p0 $0x1BF5;
	p2 =	por !p2, p0  }
0x20: {  	[sflag:s8] =	ssyncset.s32 @!p0 $0xFFFFF086;
	s6 =	sadd.s32 @!p0 s3, s7;
	s7 =	simm.s32 @!p0 $0x108  }
0x21: {  	s3 =	sadd.s32 s3, s9;
	s6 =	sadd.s32 @!p0 $0x88, s6;
	s7 =	simm.s32 @p2 $0x1082  }
0x22: {  	[simem:s7], [sflag:s8] =	dma.local @!p0 [hbm:s6], $0xF7A  }
0x23: {  	s9 =	sor.u32 $0xD0000000, s2;
	s6 =	simm.s32 $0x108;
	_ =	swait.ge @!p0 [sflag:s8], $0x0  }
0x24: {  	s3 =	sadd.s32 $0x88, s3;
	s6 =	simm.s32 @!p1 $0x1082;
	[sflag:s4] =	ssyncset.s32 $0xFFFFF086  }
0x25: {  	[simem:s6], [sflag:s4] =	dma.local [hbm:s3], $0xF7A  }
0x26: {  	[smem:$0x3F9E] =	sst s1;
	(tag) =	ssettag s2;
	_ =	strace s9  }
0x27: {  	s1 =	sld [smem:$0x3FAE]  }
0x28: {  	s2 =	sld [smem:$0x3FAF]  }
0x29: {  	s4 =	sld [smem:$0x3FB1]  }
0x2a: {  	p0 =	seq.s32 s5, $0x0;
	s5 =	sld [smem:$0x3FB2]  }
0x2b: {  	s6 =	sld [smem:$0x3FB3]  }
0x2c: {  	s7 =	sld [smem:$0x3FB4]  }
0x2d: {  	s3 =	simm.s32 $0x108;
	s8 =	sld [smem:$0x3FB5]  }
0x2e: {  	s3 =	simm.s32 @!p0 $0x1082;
	s9 =	sld [smem:$0x3FB6]  }
0x2f: {  	lr =	sadd.s32 s0, s3;
	s0 =	sld [smem:$0x3FAD]  }
0x30: {  	s3 =	sld [smem:$0x3FB0]  }
0x31: {  	[smem:$0x3FB9] =	sst s10  }
0x32: {  	s10 =	sld [smem:$0x3FB7];
	_ =	sdelay $0x3  }
0x33: {  	p0 =	seq.s32 s10, $0x1;
	s10 =	sld [smem:$0x3FB9];
	_ =	sdelay $0x3  }
0x34: {  	[smem:$0x3FB9] =	sst s10  }
0x35: {  	s10 =	sld [smem:$0x3FB8];
	_ =	sdelay $0x3  }
0x36: {  	p1 =	seq.s32 s10, $0x1;
	s10 =	sld [smem:$0x3FB9];
	_ =	sdelay $0x3  }
0x37: {  	[smem:$0x3FB9] =	sst s10  }
0x38: {  	s10 =	sld [smem:$0x3FBA]  }
0x39: {  	_ = 	snop;
	(pc) =	sbr.ind lr, $3  }
0x3a: {  	_ = 	snop  }
0x3b: {  	_ = 	snop  }
0x3c: {  	p2 =	seq.s32 s10, $0x1;
	s10 =	sld [smem:$0x3FB9]  }
0x3d: {  	_ =	shalt  }
0x3e: {  	_ =	shalt  }
0x3f: {  	_ =	shalt  }
0x40: {  	_ =	shalt  }
0x41: {  	_ =	shalt  }
0x42: {  	_ =	shalt  }
0x43: {  	_ =	shalt  }
0x44: {  	_ =	shalt  }
0x45: {  	_ =	shalt  }
0x46: {  	_ =	shalt  }
0x47: {  	_ =	shalt  }
0x48: {  	_ =	shalt  }
0x49: {  	_ =	shalt  }
0x4a: {  	_ =	shalt  }
0x4b: {  	_ =	shalt  }
0x4c: {  	_ =	shalt  }
0x4d: {  	_ =	shalt  }
0x4e: {  	_ =	shalt  }
0x4f: {  	_ =	shalt  }
0x50: {  	_ =	shalt  }
0x51: {  	_ =	shalt  }
0x52: {  	_ =	shalt  }
0x53: {  	_ =	shalt  }
0x54: {  	_ =	shalt  }
0x55: {  	_ =	shalt  }
0x56: {  	_ =	shalt  }
0x57: {  	_ =	shalt  }
0x58: {  	_ =	shalt  }
0x59: {  	_ =	shalt  }
0x5a: {  	_ =	shalt  }
0x5b: {  	_ =	shalt  }
0x5c: {  	_ =	shalt  }
0x5d: {  	_ =	shalt  }
0x5e: {  	_ =	shalt  }
0x5f: {  	_ =	shalt  }
0x60: {  	_ =	shalt  }
0x61: {  	_ =	shalt  }
0x62: {  	_ =	shalt  }
0x63: {  	_ =	shalt  }
0x64: {  	_ =	shalt  }
0x65: {  	_ =	shalt  }
0x66: {  	_ =	shalt  }
0x67: {  	_ =	shalt  }
0x68: {  	_ =	shalt  }
0x69: {  	_ =	shalt  }
0x6a: {  	_ =	shalt  }
0x6b: {  	_ =	shalt  }
0x6c: {  	_ =	shalt  }
0x6d: {  	_ =	shalt  }
0x6e: {  	_ =	shalt  }
0x6f: {  	_ =	shalt  }
0x70: {  	_ =	shalt  }
0x71: {  	_ =	shalt  }
0x72: {  	_ =	shalt  }
0x73: {  	_ =	shalt  }
0x74: {  	_ =	shalt  }
0x75: {  	_ =	shalt  }
0x76: {  	_ =	shalt  }
0x77: {  	_ =	shalt  }
0x78: {  	_ =	shalt  }
0x79: {  	_ =	shalt  }
0x7a: {  	_ =	shalt  }
0x7b: {  	_ =	shalt  }
0x7c: {  	_ =	shalt  }
0x7d: {  	_ =	shalt  }
0x7e: {  	_ =	shalt  }
0x7f: {  	_ =	shalt  }
0x80: {  	_ =	shalt  }
0x81: {  	_ =	shalt  }
0x82: {  	_ =	shalt  }
0x83: {  	_ =	shalt  }
0x84: {  	_ =	shalt  }
0x85: {  	_ =	shalt  }
0x86: {  	_ =	shalt  }
0x87: {  	_ =	shalt  }
.Lfunc_end0:
.L_simem_size_0:
called_computation.1_lowered:
.L_overlay_start_0:
0x88: {  	s2 =	sld [smem:$0x3FD9]  }
0x89: {  	s3 =	sld [smem:$0x3FFE];
	_ =	sdelay $0x1  }
0x8a: {  	s1 =	srdreg.scid  }
0x8b: {  	s0 =	sand.u32 $0x1, s1  }
0x8c: {  	s17 =	sshll.u32 s0, $0xA;
	s2 =	sadd.s32 s3, s2  }
0x8d: {  	s2 =	sadd.s32 s2, s17  }
0x8e: {  	[smem:$0x3FC5] =	sst s2  }
0x8f: {  	_ = 	snop  }
0x90: {  	s18 =	sld [smem:$0x3FD0];
	(tm) =	ssettm $0x1  }
0x91: {  	s19 =	sld [smem:$0x3FFB];
	_ =	sdelay $0x3  }
0x92: {  	_ =	strace s19  }
0x93: {  	s2 =	sld [smem:$0x3FFC];
	_ =	sdelay $0x3  }
0x94: {  	_ =	strace s2  }
0x95: {  	s2 =	sld [smem:$0x3FFD];
	_ =	sdelay $0x3  }
0x96: {  	_ =	strace s2  }
0x97: {  	_ =	strace $0x8FFFFFFF  }
0x98: {  	s20 =	sld [smem:$0x3FDB];
	_ =	sdelay $0x1  }
0x99: {  	s4 =	simm.s32 $_scs_section_size  }
0x9a: {  	s5 =	simm.s32 $_size__tile_overlayer_lowered;
	s6 =	simm.s32 $_tile_overlayer_lowered  }
0x9b: {  	s7 =	simm.s32 $0x1BFF;
	s21 =	sshll.u32 s6, $0x1;
	s4 =	sadd.s32 s4, s20  }
0x9c: {  	s22 =	simm.s32 $0x0;
	s5 =	sshll.u32 s5, $0x1;
	s6 =	sadd.s32 s21, s4  }
0x9d: {  	[timem:s22], [sflag:s7] =	dma.local [hbm:s6], s5  }
0x9e: {  	_ =	swait.ge [sflag:s7], s5  }
0x9f: {  	s5 =	ssub.s32 $0x0, s5;
	[sflag:s7] =	ssyncset.done $0x0  }
0xa0: {  	[sflag:s7] =	ssyncadd.s32 s5;
	_ =	sdelay $0x1  }
0xa1: {  	s23 =	simm.s32 $0x1B8B  }
0xa2: {  	_ =	swait.ge [sflag:s23], $0x1  }
0xa3: {  	[sflag:s23] =	ssyncset.done $0x0  }
0xa4: {  	[sflag:s23] =	ssyncadd.s32 $0xFFFFFFFF  }
0xa5: {  	s5 =	sld [smem:$0x0]  }
0xa6: {  	s6 =	sand.u32 $0xFFFFFFFE, s1  }
0xa7: {  	p0 =	sne.s32 s1, s6  }
0xa8: {  	s6 =	sshll.u32 @p0 s6, $0xE  }
0xa9: {  	s6 =	sadd.s32 @p0 $0x11B8D, s6;
	s7 =	sshll.u32 @p0 s5, $0x11  }
0xaa: {  	s6 =	sor.u32 @p0 s7, s6  }
0xab: {  	[sflag:s6] =	ssyncadd.remote.s32 @p0 $0x1;
	_ =	sdelay $0x1  }
0xac: {  	s6 =	simm.s32 @p0 $0x1B8D  }
0xad: {  	_ =	swait.eq @p0 [sflag:s6], $0x1  }
0xae: {  	[sflag:s6] =	ssyncadd.s32 @p0 $0xFFFFFFFF  }
0xaf: {  	s7 =	sshll.u32 @!p0 s1, $0xE  }
0xb0: {  	s7 =	sor.u32 @!p0 $0x4000, s7;
	s6 =	simm.s32 @!p0 $0x1B8D  }
0xb1: {  	s5 =	sshll.u32 @!p0 s5, $0x11;
	s7 =	sadd.s32 @!p0 $0x11B8D, s7;
	_ =	swait.eq @!p0 [sflag:s6], $0x1  }
0xb2: {  	s5 =	sor.u32 @!p0 s5, s7;
	[sflag:s6] =	ssyncadd.s32 @!p0 $0xFFFFFFFF  }
0xb3: {  	s25 =	simm.s32 $0x1B8E;
	s24 =	sld [smem:$0x3FFE];
	[sflag:s5] =	ssyncadd.remote.s32 @!p0 $0x1  }
0xb4: {  	s26 =	simm.s32 $execute0_lowered;
	[smem:$0x3FD2] =	sst s25  }
0xb5: {  	s6 =	sshll.u32 s26, $0x1;
	_ =	strace $0x80000049;
	[dreg:$0x1] =	wrdreg $0xFFFFFFFF  }
0xb6: {  	s28 =	simm.s32 $_size_execute0_lowered;
	s4 =	sadd.s32 s4, s6;
	[dreg:$0x0] =	wrdreg $0x0  }
0xb7: {  	s6 =	sshll.u32 s28, $0x1;
	[dreg:$0x2] =	wrdreg s4  }
0xb8: {  	[dreg:$0x3] =	wrdreg s6  }
0xb9: {  	[dreg:$0x4] =	wrdreg $0xC0  }
0xba: {  	_ =	task [dreg:s22], $0x5FFFF  }
0xbb: {  	[dreg:$0x1] =	wrdreg $0xFFFFFFFF  }
0xbc: {  	[dreg:$0x0] =	wrdreg $0x60  }
0xbd: {  	[dreg:$0x2] =	wrdreg s18  }
0xbe: {  	[dreg:$0x3] =	wrdreg s24  }
0xbf: {  	[dreg:$0x4] =	wrdreg $0xA  }
0xc0: {  	_ =	task.clear_ibuf [dreg:s22], $0x5FFFF;
	_ =	strace $0x90000049  }
0xc1: {  	s29 =	simm.s32 $0xA;
	_ =	strace $0x8000004B  }
0xc2: {  	_ =	swait.ge [sflag:s29], $0x1  }
0xc3: {  	[sflag:s29] =	ssyncadd.s32 $0xFFFFFFFF  }
0xc4: {  	_ =	strace $0x9000004B  }
0xc5: {  	_ =	sfence  }
0xc6: {  	s30 =	sld [smem:$0x0];
	_ =	sdelay $0x2  }
0xc7: {  	s31 =	sshll.u32 s1, $0xD;
	s1 =	sshrl.u32 s1, $0x2  }
0xc8: {  	s4 =	sand.u32 $0x4000, s31;
	s1 =	sadd.s32 s1, s30  }
0xc9: {  	s0 =	sor.u32 s4, s0;
	s1 =	sshll.u32 s1, $0x11  }
0xca: {  	s0 =	sor.u32 s1, s0  }
0xcb: {  	s0 =	sadd.s32 $0x8F2B, s0  }
0xcc: {  	[sflag:s0] =	ssyncadd.remote.s32 $0x1  }
0xcd: {  	_ =	sfence.sel $0xFFFF  }
0xce: {  	[dreg:$0x0] =	wrdreg $0xFFFFFFFF;
	(pc) =	sbr.abs _section_cstart, $3  }
0xcf: {  	[dreg:$0x1] =	wrdreg $0xFFFFFFFF  }
0xd0: {  	_ =	task.clear_ibuf [dreg:s22], $0x2FFFF;
	_ =	strace $0x9FFFFFFF  }
0xd1: {  	(tm) =	ssettm $0x7FFFFFFF  }
tec
execute0_lowered:
.L_overlay_start_1:
0x0: {  	(tag) =	ssettag $0x1  }
0x1: {  	s1 =	rddreg [dreg:$0x0];
	s0 =	srdreg.scid  }
0x2: {  	s12 =	rddreg [dreg:$0x1];
	s19 =	sand.u32 $0x1, s0  }
0x3: {  	s2 =	stileid.u32;
	s3 =	simm.s32 $0x0;
	s4 =	sshll.u32 s19, $0x6  }
0x4: {  	s0 =	rddreg [dreg:$0x2];
	s5 =	sshll.u32 s2, $0x7;
	s4 =	sadd.s32 s4, s12  }
0x5: {  	[smem:$0x7FF] =	sst s3;
	s4 =	sadd.s32 s5, s4  }
0x6: {  	_ =	strace $0x8000004A;
	s5 =	simm.s32 $0x3;
	s4 =	sadd.s32 $0x52600, s4  }
0x7: {  	[tilespmem:s3], [sflag:$0x3] =	stream.linear.gather [hbm4b:s4+s3], $0x200, $0x38;
	[tilespmem:$0x10200] =	vst v63  }
0x8: {  	_ =	swait.ge [sflag:s5], $0x200  }
0x9: {  	[sflag:s5] =	ssyncset.done $0x0  }
0xa: {  	s6 =	simm.s32 $0x80;
	s7 =	simm.s32 $0x200;
	[sflag:s5] =	ssyncadd.s32 $0xFFFFFE00  }
0xb: {  	[tilespmem:s7], [sflag:$0x1] =	stream.indirect.gather [hbm4b:s1+s6], $0x80, s3, s6, $0xb8;
	[tilespmem:$0x10200] =	vst v63  }
0xc: {  	s8 =	simm.s32 $0x4200;
	s9 =	simm.s32 $0x100;
	s10 =	simm.s32 $0x8200  }
0xd: {  	[tilespmem:s8], [sflag:$0x1] =	stream.indirect.gather [hbm4b:s1+s6], $0x80, s6, s6, $0xb8;
	[tilespmem:$0x10200] =	vst v63  }
0xe: {  	s11 =	simm.s32 $0x1;
	s13 =	sshll.u32 s2, $0xE;
	s14 =	sshll.u32 s19, $0xD  }
0xf: {  	[tilespmem:s10], [sflag:$0x1] =	stream.indirect.gather [hbm4b:s1+s6], $0x80, s9, s6, $0xb8;
	[tilespmem:$0x10200] =	vst v63  }
0x10: {  	s13 =	sor.u32 s14, s13;
	_ =	swait.ge [sflag:s11], $0x4000  }
0x11: {  	s17 =	sadd.s32 s13, s12;
	[sflag:s11] =	ssyncset.done $0x0  }
0x12: {  	s12 =	sadd.s32 $0x52E00, s17;
	[sflag:s11] =	ssyncadd.s32 $0xFFFFC000  }
0x13: {  	[hbm4b:s12+s3] =	stream.linear.scatter [tilespmem:s7], [sflag:$0x2], $0x4000, $0x38;
	[tilespmem:$0x10200] =	vst v63  }
0x14: {  	s14 =	simm.s32 $0xC200;
	s13 =	simm.s32 $0x180  }
0x15: {  	[tilespmem:s14], [sflag:$0x1] =	stream.indirect.gather [hbm4b:s1+s6], $0x80, s13, s6, $0xb8;
	[tilespmem:$0x10200] =	vst v63  }
0x16: {  	_ =	swait.ge [sflag:s11], $0x4000  }
0x17: {  	[sflag:s11] =	ssyncset.done $0x0  }
0x18: {  	s15 =	sadd.s32 $0x53600, s17;
	[sflag:s11] =	ssyncadd.s32 $0xFFFFC000  }
0x19: {  	[hbm4b:s15+s3] =	stream.linear.scatter [tilespmem:s8], [sflag:$0x2], $0x4000, $0x38;
	[tilespmem:$0x10200] =	vst v63  }
0x1a: {  	_ =	swait.ge [sflag:s11], $0x4000  }
0x1b: {  	[sflag:s11] =	ssyncset.done $0x0  }
0x1c: {  	s16 =	sadd.s32 $0x53E00, s17;
	[sflag:s11] =	ssyncadd.s32 $0xFFFFC000  }
0x1d: {  	[hbm4b:s16+s3] =	stream.linear.scatter [tilespmem:s10], [sflag:$0x2], $0x4000, $0x38;
	[tilespmem:$0x10200] =	vst v63  }
0x1e: {  	_ =	swait.ge [sflag:s11], $0x4000  }
0x1f: {  	[sflag:s11] =	ssyncset.done $0x0  }
0x20: {  	s18 =	sadd.s32 $0x54600, s17;
	s17 =	simm.s32 $0x2;
	[sflag:s11] =	ssyncadd.s32 $0xFFFFC000  }
0x21: {  	[hbm4b:s18+s3] =	stream.linear.scatter [tilespmem:s14], [sflag:$0x2], $0x4000, $0x38;
	[tilespmem:$0x10200] =	vst v63  }
0x22: {  	_ =	swait.ge [sflag:s17], $0x4000  }
0x23: {  	s19 =	ssub.s32 $0x2, s19;
	[sflag:s17] =	ssyncset.done $0x0  }
0x24: {  	s20 =	sshrl.u32 s19, $0x1;
	[sflag:s17] =	ssyncadd.s32 $0xFFFFC000  }
0x25: {  	s19 =	ssub.s32 s19, s20;
	_ =	swait.ge [sflag:s17], $0x4000  }
0x26: {  	s19 =	smax.u32 s19, $0x1;
	[sflag:s17] =	ssyncset.done $0x0  }
0x27: {  	p0 =	sne.s32 s19, $0x1;
	[sflag:s17] =	ssyncadd.s32 $0xFFFFC000  }
.Ltmp0:
0x28: {  	_ =	swait.ge [sflag:s17], $0x4000;
	(pc) =	sbr.rel @!p0 .LBB2_2-.Ltmp0, $4  }
0x29: {  	[sflag:s17] =	ssyncset.done $0x0  }
0x2a: {  	[sflag:s17] =	ssyncadd.s32 $0xFFFFC000  }
0x2b: {  	_ =	swait.ge [sflag:s17], $0x4000  }
0x2c: {  	s19 =	sadd.s32 $0xFFFFFFFF, s19;
	[sflag:s17] =	ssyncset.done $0x0  }
.LBB2_1:
0x2d: {  	p0 =	sne.s32 s19, $0x1;
	s19 =	sadd.s32 $0xFFFFFFFF, s19;
	[sflag:s17] =	ssyncadd.s32 $0xFFFFC000  }
0x2e: {  	[tilespmem:s3], [sflag:$0x3] =	stream.linear.gather [hbm4b:s4+s3], $0x200, $0x38;
	[tilespmem:$0x10200] =	vst v63  }
0x2f: {  	_ =	swait.ge [sflag:s5], $0x200  }
0x30: {  	[sflag:s5] =	ssyncset.done $0x0  }
0x31: {  	[sflag:s5] =	ssyncadd.s32 $0xFFFFFE00  }
0x32: {  	[tilespmem:s7], [sflag:$0x1] =	stream.indirect.gather [hbm4b:s1+s6], $0x80, s3, s6, $0xb8;
	[tilespmem:$0x10200] =	vst v63  }
0x33: {  	_ = 	snop  }
0x34: {  	[tilespmem:s8], [sflag:$0x1] =	stream.indirect.gather [hbm4b:s1+s6], $0x80, s6, s6, $0xb8;
	[tilespmem:$0x10200] =	vst v63  }
0x35: {  	_ = 	snop  }
0x36: {  	[tilespmem:s10], [sflag:$0x1] =	stream.indirect.gather [hbm4b:s1+s6], $0x80, s9, s6, $0xb8;
	[tilespmem:$0x10200] =	vst v63  }
0x37: {  	_ =	swait.ge [sflag:s11], $0x4000  }
0x38: {  	[sflag:s11] =	ssyncset.done $0x0  }
0x39: {  	[sflag:s11] =	ssyncadd.s32 $0xFFFFC000  }
0x3a: {  	[hbm4b:s12+s3] =	stream.linear.scatter [tilespmem:s7], [sflag:$0x2], $0x4000, $0x38;
	[tilespmem:$0x10200] =	vst v63  }
0x3b: {  	_ = 	snop  }
0x3c: {  	[tilespmem:s14], [sflag:$0x1] =	stream.indirect.gather [hbm4b:s1+s6], $0x80, s13, s6, $0xb8;
	[tilespmem:$0x10200] =	vst v63  }
0x3d: {  	_ =	swait.ge [sflag:s11], $0x4000  }
0x3e: {  	[sflag:s11] =	ssyncset.done $0x0  }
0x3f: {  	[sflag:s11] =	ssyncadd.s32 $0xFFFFC000  }
0x40: {  	[hbm4b:s15+s3] =	stream.linear.scatter [tilespmem:s8], [sflag:$0x2], $0x4000, $0x38;
	[tilespmem:$0x10200] =	vst v63  }
0x41: {  	_ =	swait.ge [sflag:s11], $0x4000  }
0x42: {  	[sflag:s11] =	ssyncset.done $0x0  }
0x43: {  	[sflag:s11] =	ssyncadd.s32 $0xFFFFC000  }
0x44: {  	[hbm4b:s16+s3] =	stream.linear.scatter [tilespmem:s10], [sflag:$0x2], $0x4000, $0x38;
	[tilespmem:$0x10200] =	vst v63  }
0x45: {  	_ =	swait.ge [sflag:s11], $0x4000  }
0x46: {  	[sflag:s11] =	ssyncset.done $0x0  }
0x47: {  	[sflag:s11] =	ssyncadd.s32 $0xFFFFC000  }
0x48: {  	[hbm4b:s18+s3] =	stream.linear.scatter [tilespmem:s14], [sflag:$0x2], $0x4000, $0x38;
	[tilespmem:$0x10200] =	vst v63  }
0x49: {  	_ =	swait.ge [sflag:s17], $0x4000  }
0x4a: {  	[sflag:s17] =	ssyncset.done $0x0  }
0x4b: {  	[sflag:s17] =	ssyncadd.s32 $0xFFFFC000  }
0x4c: {  	_ =	swait.ge [sflag:s17], $0x4000  }
0x4d: {  	[sflag:s17] =	ssyncset.done $0x0  }
0x4e: {  	[sflag:s17] =	ssyncadd.s32 $0xFFFFC000  }
.Ltmp1:
0x4f: {  	_ =	swait.ge [sflag:s17], $0x4000;
	(pc) =	sbr.rel @p0 .LBB2_1-.Ltmp1, $4  }
0x50: {  	[sflag:s17] =	ssyncset.done $0x0  }
0x51: {  	[sflag:s17] =	ssyncadd.s32 $0xFFFFC000  }
0x52: {  	_ =	swait.ge [sflag:s17], $0x4000  }
0x53: {  	[sflag:s17] =	ssyncset.done $0x0  }
.LBB2_2:
0x54: {  	[sflag:s17] =	ssyncadd.s32 $0xFFFFC000  }
0x55: {  	_ =	sfence.sel $0x180000  }
0x56: {  	[bflag:$0x0] =	sbarrier.arrive $0xFFFF  }
0x57: {  	p0 =	sne.s32 s2, $0x0;
	_ =	strace $0x9000004A  }
0x58: {  	s0 =	sadd.s32 @!p0 $0x100000, s0;
	[bflag:$0x2] =	sbarrier.arrive $0xFFFF  }
0x59: {  	[sflag:s0] =	ssyncadd.tile.s32 @!p0 $0x1;
	_ =	shalt  }
.Lfunc_end2:
_tile_overlayer_lowered:
.L_overlay_start_2:
0x5a: {  	(tag) =	ssettag $0x2  }
0x5b: {  	s0 =	rddreg [dreg:$0x0];
	s2 =	stileid.u32  }
0x5c: {  	s1 =	rddreg [dreg:$0x1];
	p0 =	sne.s32 s2, $0x0  }
0x5d: {  	s3 =	rddreg [dreg:$0x2];
	[bflag:$0x3] =	sbarrier.arrive $0xFFFF;
	s2 =	simm.s32 @!p0 $0x1C03  }
0x5e: {  	[timem:s3], [sflag:s2] =	dma.local @!p0 [hbm:s0], s1  }
0x5f: {  	s0 =	simm.s32 @!p0 $0x3  }
0x60: {  	_ =	swait.ge @!p0 [sflag:s0], s1  }
0x61: {  	s1 =	ssub.s32 @!p0 $0x0, s1;
	[sflag:s0] =	ssyncset.done @!p0 $0x0  }
0x62: {  	[sflag:s0] =	ssyncadd.s32 @!p0 s1  }
0x63: {  	[bflag:$0x3] =	sbarrier.arrive $0xFFFF  }
0x64: {  	_ =	shalt  }

// kernel: kernel.21.cloned.1.call-start
scs
__scs_entry_jumppad:
0x0: {  	(pc) =	sbr.rel $0x88, $3  }
0x1: {  	(tag) =	ssettag $0x0;
	lr =	simm.s32 $0x1  }
0x2: {  	[smem:$0x3F9E] =	sst lr;
	_ =	strace $0xD0000000  }
0x3: {  	_ = 	snop  }
0x4: {  	_ = 	snop  }
0x5: {  	_ = 	snop  }
0x6: {  	_ = 	snop  }
0x7: {  	_ = 	snop  }
__scs_overlays_trampoline_lowered:
0x8: {  	[smem:$0x3FAD] =	sst s0  }
0x9: {  	[smem:$0x3FAE] =	sst s1  }
0xa: {  	[smem:$0x3FAF] =	sst s2  }
0xb: {  	[smem:$0x3FB0] =	sst s3  }
0xc: {  	[smem:$0x3FB1] =	sst s4  }
0xd: {  	[smem:$0x3FB2] =	sst s5  }
0xe: {  	[smem:$0x3FB3] =	sst s6  }
0xf: {  	[smem:$0x3FB4] =	sst s7  }
0x10: {  	[smem:$0x3FB5] =	sst s8  }
0x11: {  	[smem:$0x3FB6] =	sst s9;
	s0 =	simm.s32 @!p0 $0x0  }
0x12: {  	s1 =	sld [smem:$0x3F9C];
	s0 =	simm.s32 @p0 $0x1  }
0x13: {  	[smem:$0x3FB7] =	sst s0;
	s0 =	simm.s32 @!p1 $0x0  }
0x14: {  	s2 =	sld [smem:$0x3F9B];
	s0 =	simm.s32 @p1 $0x1  }
0x15: {  	[smem:$0x3FB8] =	sst s0;
	s0 =	simm.s32 @!p2 $0x0  }
0x16: {  	s3 =	sld [smem:$0x3FDB];
	s0 =	simm.s32 @p2 $0x1  }
0x17: {  	s4 =	simm.s32 $0x1BF5;
	[smem:$0x3FBA] =	sst s0  }
0x18: {  	s0 =	sld [smem:$0x3F9D];
	_ =	swait.ge [sflag:s4], $0x0  }
0x19: {  	s7 =	sld [smem:$0x3F9E]  }
0x1a: {  	s8 =	sadd.s32 $0xFFFFE003, lr  }
0x1b: {  	s9 =	sadd.s32 $0xFFFFFEF7, lr;
	s5 =	simm.s32 $0xFFFFFFFF;
	p2 =	slt.u32 s8, $0xFFFFF086  }
0x1c: {  	p1 =	slt.u32 s9, $0xF7A;
	s5 =	simm.s32 @!p2 $0x0  }
0x1d: {  	s5 =	simm.s32 @p1 $0x1;
	p0 =	seq.s32 s7, s2  }
0x1e: {  	s7 =	smul.u32 @!p0 $0xF7A, s2;
	p2 =	seq.s32 @!p0 s5, $0x0  }
0x1f: {  	s9 =	smul.u32 $0xF7A, s1;
	s8 =	simm.s32 @!p0 $0x1BF5;
	p2 =	por !p2, p0  }
0x20: {  	[sflag:s8] =	ssyncset.s32 @!p0 $0xFFFFF086;
	s6 =	sadd.s32 @!p0 s3, s7;
	s7 =	simm.s32 @!p0 $0x108  }
0x21: {  	s3 =	sadd.s32 s3, s9;
	s6 =	sadd.s32 @!p0 $0x88, s6;
	s7 =	simm.s32 @p2 $0x1082  }
0x22: {  	[simem:s7], [sflag:s8] =	dma.local @!p0 [hbm:s6], $0xF7A  }
0x23: {  	s9 =	sor.u32 $0xD0000000, s2;
	s6 =	simm.s32 $0x108;
	_ =	swait.ge @!p0 [sflag:s8], $0x0  }
0x24: {  	s3 =	sadd.s32 $0x88, s3;
	s6 =	simm.s32 @!p1 $0x1082;
	[sflag:s4] =	ssyncset.s32 $0xFFFFF086  }
0x25: {  	[simem:s6], [sflag:s4] =	dma.local [hbm:s3], $0xF7A  }
0x26: {  	[smem:$0x3F9E] =	sst s1;
	(tag) =	ssettag s2;
	_ =	strace s9  }
0x27: {  	s1 =	sld [smem:$0x3FAE]  }
0x28: {  	s2 =	sld [smem:$0x3FAF]  }
0x29: {  	s4 =	sld [smem:$0x3FB1]  }
0x2a: {  	p0 =	seq.s32 s5, $0x0;
	s5 =	sld [smem:$0x3FB2]  }
0x2b: {  	s6 =	sld [smem:$0x3FB3]  }
0x2c: {  	s7 =	sld [smem:$0x3FB4]  }
0x2d: {  	s3 =	simm.s32 $0x108;
	s8 =	sld [smem:$0x3FB5]  }
0x2e: {  	s3 =	simm.s32 @!p0 $0x1082;
	s9 =	sld [smem:$0x3FB6]  }
0x2f: {  	lr =	sadd.s32 s0, s3;
	s0 =	sld [smem:$0x3FAD]  }
0x30: {  	s3 =	sld [smem:$0x3FB0]  }
0x31: {  	[smem:$0x3FB9] =	sst s10  }
0x32: {  	s10 =	sld [smem:$0x3FB7];
	_ =	sdelay $0x3  }
0x33: {  	p0 =	seq.s32 s10, $0x1;
	s10 =	sld [smem:$0x3FB9];
	_ =	sdelay $0x3  }
0x34: {  	[smem:$0x3FB9] =	sst s10  }
0x35: {  	s10 =	sld [smem:$0x3FB8];
	_ =	sdelay $0x3  }
0x36: {  	p1 =	seq.s32 s10, $0x1;
	s10 =	sld [smem:$0x3FB9];
	_ =	sdelay $0x3  }
0x37: {  	[smem:$0x3FB9] =	sst s10  }
0x38: {  	s10 =	sld [smem:$0x3FBA]  }
0x39: {  	_ = 	snop;
	(pc) =	sbr.ind lr, $3  }
0x3a: {  	_ = 	snop  }
0x3b: {  	_ = 	snop  }
0x3c: {  	p2 =	seq.s32 s10, $0x1;
	s10 =	sld [smem:$0x3FB9]  }
0x3d: {  	_ =	shalt  }
0x3e: {  	_ =	shalt  }
0x3f: {  	_ =	shalt  }
0x40: {  	_ =	shalt  }
0x41: {  	_ =	shalt  }
0x42: {  	_ =	shalt  }
0x43: {  	_ =	shalt  }
0x44: {  	_ =	shalt  }
0x45: {  	_ =	shalt  }
0x46: {  	_ =	shalt  }
0x47: {  	_ =	shalt  }
0x48: {  	_ =	shalt  }
0x49: {  	_ =	shalt  }
0x4a: {  	_ =	shalt  }
0x4b: {  	_ =	shalt  }
0x4c: {  	_ =	shalt  }
0x4d: {  	_ =	shalt  }
0x4e: {  	_ =	shalt  }
0x4f: {  	_ =	shalt  }
0x50: {  	_ =	shalt  }
0x51: {  	_ =	shalt  }
0x52: {  	_ =	shalt  }
0x53: {  	_ =	shalt  }
0x54: {  	_ =	shalt  }
0x55: {  	_ =	shalt  }
0x56: {  	_ =	shalt  }
0x57: {  	_ =	shalt  }
0x58: {  	_ =	shalt  }
0x59: {  	_ =	shalt  }
0x5a: {  	_ =	shalt  }
0x5b: {  	_ =	shalt  }
0x5c: {  	_ =	shalt  }
0x5d: {  	_ =	shalt  }
0x5e: {  	_ =	shalt  }
0x5f: {  	_ =	shalt  }
0x60: {  	_ =	shalt  }
0x61: {  	_ =	shalt  }
0x62: {  	_ =	shalt  }
0x63: {  	_ =	shalt  }
0x64: {  	_ =	shalt  }
0x65: {  	_ =	shalt  }
0x66: {  	_ =	shalt  }
0x67: {  	_ =	shalt  }
0x68: {  	_ =	shalt  }
0x69: {  	_ =	shalt  }
0x6a: {  	_ =	shalt  }
0x6b: {  	_ =	shalt  }
0x6c: {  	_ =	shalt  }
0x6d: {  	_ =	shalt  }
0x6e: {  	_ =	shalt  }
0x6f: {  	_ =	shalt  }
0x70: {  	_ =	shalt  }
0x71: {  	_ =	shalt  }
0x72: {  	_ =	shalt  }
0x73: {  	_ =	shalt  }
0x74: {  	_ =	shalt  }
0x75: {  	_ =	shalt  }
0x76: {  	_ =	shalt  }
0x77: {  	_ =	shalt  }
0x78: {  	_ =	shalt  }
0x79: {  	_ =	shalt  }
0x7a: {  	_ =	shalt  }
0x7b: {  	_ =	shalt  }
0x7c: {  	_ =	shalt  }
0x7d: {  	_ =	shalt  }
0x7e: {  	_ =	shalt  }
0x7f: {  	_ =	shalt  }
0x80: {  	_ =	shalt  }
0x81: {  	_ =	shalt  }
0x82: {  	_ =	shalt  }
0x83: {  	_ =	shalt  }
0x84: {  	_ =	shalt  }
0x85: {  	_ =	shalt  }
0x86: {  	_ =	shalt  }
0x87: {  	_ =	shalt  }
.Lfunc_end0:
.L_simem_size_0:
called_computation.2_lowered:
.L_overlay_start_0:
0x88: {  	s2 =	sld [smem:$0x3FD9]  }
0x89: {  	s3 =	sld [smem:$0x3FFE];
	_ =	sdelay $0x1  }
0x8a: {  	s1 =	srdreg.scid  }
0x8b: {  	s0 =	sand.u32 $0x1, s1  }
0x8c: {  	s17 =	sshll.u32 s0, $0xA;
	s2 =	sadd.s32 s3, s2  }
0x8d: {  	s2 =	sadd.s32 s2, s17  }
0x8e: {  	[smem:$0x3FC5] =	sst s2  }
0x8f: {  	_ = 	snop  }
0x90: {  	(tm) =	ssettm $0x1  }
0x91: {  	s18 =	sld [smem:$0x3FFB];
	_ =	sdelay $0x3  }
0x92: {  	_ =	strace s18  }
0x93: {  	s2 =	sld [smem:$0x3FFC];
	_ =	sdelay $0x3  }
0x94: {  	_ =	strace s2  }
0x95: {  	s2 =	sld [smem:$0x3FFD];
	_ =	sdelay $0x3  }
0x96: {  	_ =	strace s2  }
0x97: {  	_ =	strace $0x8FFFFFFF  }
0x98: {  	s19 =	sld [smem:$0x3FDB];
	_ =	sdelay $0x1  }
0x99: {  	s20 =	simm.s32 $_scs_section_size  }
0x9a: {  	s4 =	simm.s32 $_size__tile_overlayer_lowered;
	s5 =	simm.s32 $_tile_overlayer_lowered  }
0x9b: {  	s6 =	simm.s32 $0x1BFF;
	s21 =	sshll.u32 s5, $0x1;
	s3 =	sadd.s32 s20, s19  }
0x9c: {  	s22 =	simm.s32 $0x0;
	s4 =	sshll.u32 s4, $0x1;
	s5 =	sadd.s32 s21, s3  }
0x9d: {  	[timem:s22], [sflag:s6] =	dma.local [hbm:s5], s4  }
0x9e: {  	_ =	swait.ge [sflag:s6], s4  }
0x9f: {  	s4 =	ssub.s32 $0x0, s4;
	[sflag:s6] =	ssyncset.done $0x0  }
0xa0: {  	[sflag:s6] =	ssyncadd.s32 s4;
	_ =	sdelay $0x1  }
0xa1: {  	s23 =	simm.s32 $0x1B8B  }
0xa2: {  	_ =	swait.ge [sflag:s23], $0x1  }
0xa3: {  	[sflag:s23] =	ssyncset.done $0x0  }
0xa4: {  	[sflag:s23] =	ssyncadd.s32 $0xFFFFFFFF  }
0xa5: {  	s4 =	sld [smem:$0x0]  }
0xa6: {  	s5 =	sand.u32 $0xFFFFFFFE, s1  }
0xa7: {  	p0 =	sne.s32 s1, s5  }
0xa8: {  	s5 =	sshll.u32 @p0 s5, $0xE  }
0xa9: {  	s5 =	sadd.s32 @p0 $0x11B8D, s5;
	s6 =	sshll.u32 @p0 s4, $0x11  }
0xaa: {  	s5 =	sor.u32 @p0 s6, s5  }
0xab: {  	[sflag:s5] =	ssyncadd.remote.s32 @p0 $0x1;
	_ =	sdelay $0x1  }
0xac: {  	s5 =	simm.s32 @p0 $0x1B8D  }
0xad: {  	_ =	swait.eq @p0 [sflag:s5], $0x1  }
0xae: {  	[sflag:s5] =	ssyncadd.s32 @p0 $0xFFFFFFFF  }
0xaf: {  	s6 =	sshll.u32 @!p0 s1, $0xE  }
0xb0: {  	s6 =	sor.u32 @!p0 $0x4000, s6;
	s5 =	simm.s32 @!p0 $0x1B8D  }
0xb1: {  	s4 =	sshll.u32 @!p0 s4, $0x11;
	s6 =	sadd.s32 @!p0 $0x11B8D, s6;
	_ =	swait.eq @!p0 [sflag:s5], $0x1  }
0xb2: {  	s4 =	sor.u32 @!p0 s4, s6;
	[sflag:s5] =	ssyncadd.s32 @!p0 $0xFFFFFFFF  }
0xb3: {  	s25 =	simm.s32 $0x1B8E;
	s24 =	sld [smem:$0x3FFE];
	[sflag:s4] =	ssyncadd.remote.s32 @!p0 $0x1  }
0xb4: {  	s26 =	simm.s32 $execute0_lowered;
	[smem:$0x3FD2] =	sst s25  }
0xb5: {  	s5 =	sshll.u32 s26, $0x1;
	_ =	strace $0x8000004C;
	[dreg:$0x1] =	wrdreg $0xFFFFFFFF  }
0xb6: {  	s28 =	simm.s32 $_size_execute0_lowered;
	s3 =	sadd.s32 s3, s5;
	[dreg:$0x0] =	wrdreg $0x0  }
0xb7: {  	s5 =	sshll.u32 s28, $0x1;
	[dreg:$0x2] =	wrdreg s3  }
0xb8: {  	[dreg:$0x3] =	wrdreg s5  }
0xb9: {  	[dreg:$0x4] =	wrdreg $0xC0  }
0xba: {  	_ =	task [dreg:s22], $0x5FFFF  }
0xbb: {  	[dreg:$0x1] =	wrdreg $0xFFFFFFFF  }
0xbc: {  	[dreg:$0x0] =	wrdreg $0x60  }
0xbd: {  	[dreg:$0x2] =	wrdreg s24  }
0xbe: {  	[dreg:$0x3] =	wrdreg $0xB  }
0xbf: {  	_ =	task.clear_ibuf [dreg:s22], $0x4FFFF;
	_ =	strace $0x9000004C  }
0xc0: {  	s29 =	simm.s32 $0xB;
	_ =	strace $0x8000004E  }
0xc1: {  	_ =	swait.ge [sflag:s29], $0x1  }
0xc2: {  	[sflag:s29] =	ssyncadd.s32 $0xFFFFFFFF  }
0xc3: {  	_ =	strace $0x9000004E  }
0xc4: {  	_ =	sfence  }
0xc5: {  	s30 =	sld [smem:$0x0];
	_ =	sdelay $0x2  }
0xc6: {  	s31 =	sshll.u32 s1, $0xD;
	s1 =	sshrl.u32 s1, $0x2  }
0xc7: {  	s4 =	sand.u32 $0x4000, s31;
	s1 =	sadd.s32 s1, s30  }
0xc8: {  	s0 =	sor.u32 s4, s0;
	s1 =	sshll.u32 s1, $0x11  }
0xc9: {  	s0 =	sor.u32 s1, s0  }
0xca: {  	s0 =	sadd.s32 $0x8F2B, s0  }
0xcb: {  	[sflag:s0] =	ssyncadd.remote.s32 $0x1  }
0xcc: {  	_ =	sfence.sel $0xFFFF  }
0xcd: {  	[dreg:$0x0] =	wrdreg $0xFFFFFFFF;
	(pc) =	sbr.abs _section_cstart, $3  }
0xce: {  	[dreg:$0x1] =	wrdreg $0xFFFFFFFF  }
0xcf: {  	_ =	task.clear_ibuf [dreg:s22], $0x2FFFF;
	_ =	strace $0x9FFFFFFF  }
0xd0: {  	(tm) =	ssettm $0x7FFFFFFF  }
0xd1: {  	_ =	shalt  }
tec
execute0_lowered:
.L_overlay_start_1:
0x0: {  	(tag) =	ssettag $0x1  }
0x1: {  	s0 =	srdreg.scid  }
0x2: {  	s12 =	rddreg [dreg:$0x0];
	s19 =	sand.u32 $0x1, s0  }
0x3: {  	s1 =	stileid.u32;
	s2 =	simm.s32 $0x0;
	s3 =	sshll.u32 s19, $0x6  }
0x4: {  	s0 =	rddreg [dreg:$0x1];
	s4 =	sshll.u32 s1, $0x7;
	s3 =	sadd.s32 s3, s12  }
0x5: {  	[smem:$0x7FF] =	sst s2;
	s3 =	sadd.s32 s4, s3  }
0x6: {  	_ =	strace $0x8000004D;
	s4 =	simm.s32 $0x3;
	s3 =	sadd.s32 $0x92E00, s3  }
0x7: {  	[tilespmem:s2], [sflag:$0x3] =	stream.linear.gather [hbm4b:s3+s2], $0x200, $0x38;
	[tilespmem:$0x10200] =	vst v63  }
0x8: {  	_ =	swait.ge [sflag:s4], $0x200  }
0x9: {  	s6 =	simm.s32 $0x80;
	[sflag:s4] =	ssyncset.done $0x0  }
0xa: {  	s7 =	simm.s32 $0x200;
	s5 =	sadd.s32 $0x1E00, s12;
	[sflag:s4] =	ssyncadd.s32 $0xFFFFFE00  }
0xb: {  	[tilespmem:s7], [sflag:$0x1] =	stream.indirect.gather [hbm4b:s5+s6], $0x80, s2, s6, $0xb8;
	[tilespmem:$0x10200] =	vst v63  }
0xc: {  	s8 =	simm.s32 $0x4200;
	s9 =	simm.s32 $0x100;
	s10 =	simm.s32 $0x8200  }
0xd: {  	[tilespmem:s8], [sflag:$0x1] =	stream.indirect.gather [hbm4b:s5+s6], $0x80, s6, s6, $0xb8;
	[tilespmem:$0x10200] =	vst v63  }
0xe: {  	s11 =	simm.s32 $0x1;
	s13 =	sshll.u32 s1, $0xE;
	s14 =	sshll.u32 s19, $0xD  }
0xf: {  	[tilespmem:s10], [sflag:$0x1] =	stream.indirect.gather [hbm4b:s5+s6], $0x80, s9, s6, $0xb8;
	[tilespmem:$0x10200] =	vst v63  }
0x10: {  	s13 =	sor.u32 s14, s13;
	_ =	swait.ge [sflag:s11], $0x4000  }
0x11: {  	s17 =	sadd.s32 s13, s12;
	[sflag:s11] =	ssyncset.done $0x0  }
0x12: {  	s12 =	sadd.s32 $0x93600, s17;
	[sflag:s11] =	ssyncadd.s32 $0xFFFFC000  }
0x13: {  	[hbm4b:s12+s2] =	stream.linear.scatter [tilespmem:s7], [sflag:$0x2], $0x4000, $0x38;
	[tilespmem:$0x10200] =	vst v63  }
0x14: {  	s14 =	simm.s32 $0xC200;
	s13 =	simm.s32 $0x180  }
0x15: {  	[tilespmem:s14], [sflag:$0x1] =	stream.indirect.gather [hbm4b:s5+s6], $0x80, s13, s6, $0xb8;
	[tilespmem:$0x10200] =	vst v63  }
0x16: {  	_ =	swait.ge [sflag:s11], $0x4000  }
0x17: {  	[sflag:s11] =	ssyncset.done $0x0  }
0x18: {  	s15 =	sadd.s32 $0x93E00, s17;
	[sflag:s11] =	ssyncadd.s32 $0xFFFFC000  }
0x19: {  	[hbm4b:s15+s2] =	stream.linear.scatter [tilespmem:s8], [sflag:$0x2], $0x4000, $0x38;
	[tilespmem:$0x10200] =	vst v63  }
0x1a: {  	_ =	swait.ge [sflag:s11], $0x4000  }
0x1b: {  	[sflag:s11] =	ssyncset.done $0x0  }
0x1c: {  	s16 =	sadd.s32 $0x94600, s17;
	[sflag:s11] =	ssyncadd.s32 $0xFFFFC000  }
0x1d: {  	[hbm4b:s16+s2] =	stream.linear.scatter [tilespmem:s10], [sflag:$0x2], $0x4000, $0x38;
	[tilespmem:$0x10200] =	vst v63  }
0x1e: {  	_ =	swait.ge [sflag:s11], $0x4000  }
0x1f: {  	[sflag:s11] =	ssyncset.done $0x0  }
0x20: {  	s18 =	sadd.s32 $0x94E00, s17;
	s17 =	simm.s32 $0x2;
	[sflag:s11] =	ssyncadd.s32 $0xFFFFC000  }
0x21: {  	[hbm4b:s18+s2] =	stream.linear.scatter [tilespmem:s14], [sflag:$0x2], $0x4000, $0x38;
	[tilespmem:$0x10200] =	vst v63  }
0x22: {  	_ =	swait.ge [sflag:s17], $0x4000  }
0x23: {  	s19 =	ssub.s32 $0x2, s19;
	[sflag:s17] =	ssyncset.done $0x0  }
0x24: {  	s20 =	sshrl.u32 s19, $0x1;
	[sflag:s17] =	ssyncadd.s32 $0xFFFFC000  }
0x25: {  	s19 =	ssub.s32 s19, s20;
	_ =	swait.ge [sflag:s17], $0x4000  }
0x26: {  	s19 =	smax.u32 s19, $0x1;
	[sflag:s17] =	ssyncset.done $0x0  }
0x27: {  	p0 =	sne.s32 s19, $0x1;
	[sflag:s17] =	ssyncadd.s32 $0xFFFFC000  }
.Ltmp0:
0x28: {  	_ =	swait.ge [sflag:s17], $0x4000;
	(pc) =	sbr.rel @!p0 .LBB2_2-.Ltmp0, $4  }
0x29: {  	[sflag:s17] =	ssyncset.done $0x0  }
0x2a: {  	[sflag:s17] =	ssyncadd.s32 $0xFFFFC000  }
0x2b: {  	_ =	swait.ge [sflag:s17], $0x4000  }
0x2c: {  	s19 =	sadd.s32 $0xFFFFFFFF, s19;
	[sflag:s17] =	ssyncset.done $0x0  }
.LBB2_1:
0x2d: {  	p0 =	sne.s32 s19, $0x1;
	s19 =	sadd.s32 $0xFFFFFFFF, s19;
	[sflag:s17] =	ssyncadd.s32 $0xFFFFC000  }
0x2e: {  	[tilespmem:s2], [sflag:$0x3] =	stream.linear.gather [hbm4b:s3+s2], $0x200, $0x38;
	[tilespmem:$0x10200] =	vst v63  }
0x2f: {  	_ =	swait.ge [sflag:s4], $0x200  }
0x30: {  	[sflag:s4] =	ssyncset.done $0x0  }
0x31: {  	[sflag:s4] =	ssyncadd.s32 $0xFFFFFE00  }
0x32: {  	[tilespmem:s7], [sflag:$0x1] =	stream.indirect.gather [hbm4b:s5+s6], $0x80, s2, s6, $0xb8;
	[tilespmem:$0x10200] =	vst v63  }
0x33: {  	_ = 	snop  }
0x34: {  	[tilespmem:s8], [sflag:$0x1] =	stream.indirect.gather [hbm4b:s5+s6], $0x80, s6, s6, $0xb8;
	[tilespmem:$0x10200] =	vst v63  }
0x35: {  	_ = 	snop  }
0x36: {  	[tilespmem:s10], [sflag:$0x1] =	stream.indirect.gather [hbm4b:s5+s6], $0x80, s9, s6, $0xb8;
	[tilespmem:$0x10200] =	vst v63  }
0x37: {  	_ =	swait.ge [sflag:s11], $0x4000  }
0x38: {  	[sflag:s11] =	ssyncset.done $0x0  }
0x39: {  	[sflag:s11] =	ssyncadd.s32 $0xFFFFC000  }
0x3a: {  	[hbm4b:s12+s2] =	stream.linear.scatter [tilespmem:s7], [sflag:$0x2], $0x4000, $0x38;
	[tilespmem:$0x10200] =	vst v63  }
0x3b: {  	_ = 	snop  }
0x3c: {  	[tilespmem:s14], [sflag:$0x1] =	stream.indirect.gather [hbm4b:s5+s6], $0x80, s13, s6, $0xb8;
	[tilespmem:$0x10200] =	vst v63  }
0x3d: {  	_ =	swait.ge [sflag:s11], $0x4000  }
0x3e: {  	[sflag:s11] =	ssyncset.done $0x0  }
0x3f: {  	[sflag:s11] =	ssyncadd.s32 $0xFFFFC000  }
0x40: {  	[hbm4b:s15+s2] =	stream.linear.scatter [tilespmem:s8], [sflag:$0x2], $0x4000, $0x38;
	[tilespmem:$0x10200] =	vst v63  }
0x41: {  	_ =	swait.ge [sflag:s11], $0x4000  }
0x42: {  	[sflag:s11] =	ssyncset.done $0x0  }
0x43: {  	[sflag:s11] =	ssyncadd.s32 $0xFFFFC000  }
0x44: {  	[hbm4b:s16+s2] =	stream.linear.scatter [tilespmem:s10], [sflag:$0x2], $0x4000, $0x38;
	[tilespmem:$0x10200] =	vst v63  }
0x45: {  	_ =	swait.ge [sflag:s11], $0x4000  }
0x46: {  	[sflag:s11] =	ssyncset.done $0x0  }
0x47: {  	[sflag:s11] =	ssyncadd.s32 $0xFFFFC000  }
0x48: {  	[hbm4b:s18+s2] =	stream.linear.scatter [tilespmem:s14], [sflag:$0x2], $0x4000, $0x38;
	[tilespmem:$0x10200] =	vst v63  }
0x49: {  	_ =	swait.ge [sflag:s17], $0x4000  }
0x4a: {  	[sflag:s17] =	ssyncset.done $0x0  }
0x4b: {  	[sflag:s17] =	ssyncadd.s32 $0xFFFFC000  }
0x4c: {  	_ =	swait.ge [sflag:s17], $0x4000  }
0x4d: {  	[sflag:s17] =	ssyncset.done $0x0  }
0x4e: {  	[sflag:s17] =	ssyncadd.s32 $0xFFFFC000  }
.Ltmp1:
0x4f: {  	_ =	swait.ge [sflag:s17], $0x4000;
	(pc) =	sbr.rel @p0 .LBB2_1-.Ltmp1, $4  }
0x50: {  	[sflag:s17] =	ssyncset.done $0x0  }
0x51: {  	[sflag:s17] =	ssyncadd.s32 $0xFFFFC000  }
0x52: {  	_ =	swait.ge [sflag:s17], $0x4000  }
0x53: {  	[sflag:s17] =	ssyncset.done $0x0  }
.LBB2_2:
0x54: {  	[sflag:s17] =	ssyncadd.s32 $0xFFFFC000  }
0x55: {  	_ =	sfence.sel $0x180000  }
0x56: {  	[bflag:$0x0] =	sbarrier.arrive $0xFFFF  }
0x57: {  	p0 =	sne.s32 s1, $0x0;
	_ =	strace $0x9000004D  }
0x58: {  	s0 =	sadd.s32 @!p0 $0x100000, s0;
	[bflag:$0x2] =	sbarrier.arrive $0xFFFF  }
0x59: {  	[sflag:s0] =	ssyncadd.tile.s32 @!p0 $0x1;
	_ =	shalt  }
.Lfunc_end2:
_tile_overlayer_lowered:
.L_overlay_start_2:
0x5a: {  	(tag) =	ssettag $0x2  }
0x5b: {  	s0 =	rddreg [dreg:$0x0];
	s2 =	stileid.u32  }
0x5c: {  	s1 =	rddreg [dreg:$0x1];
	p0 =	sne.s32 s2, $0x0  }
0x5d: {  	s3 =	rddreg [dreg:$0x2];
	[bflag:$0x3] =	sbarrier.arrive $0xFFFF;
	s2 =	simm.s32 @!p0 $0x1C03  }
0x5e: {  	[timem:s3], [sflag:s2] =	dma.local @!p0 [hbm:s0], s1  }
0x5f: {  	s0 =	simm.s32 @!p0 $0x3  }
0x60: {  	_ =	swait.ge @!p0 [sflag:s0], s1  }
0x61: {  	s1 =	ssub.s32 @!p0 $0x0, s1;
	[sflag:s0] =	ssyncset.done @!p0 $0x0  }
0x62: {  	[sflag:s0] =	ssyncadd.s32 @!p0 s1  }
0x63: {  	[bflag:$0x3] =	sbarrier.arrive $0xFFFF  }
0x64: {  	_ =	shalt  }

// kernel: kernel.24.cloned.1.call-start
scs
__scs_entry_jumppad:
0x0: {  	(pc) =	sbr.rel $0x88, $3  }
0x1: {  	(tag) =	ssettag $0x0;
	lr =	simm.s32 $0x1  }
0x2: {  	[smem:$0x3F9E] =	sst lr;
	_ =	strace $0xD0000000  }
0x3: {  	_ = 	snop  }
0x4: {  	_ = 	snop  }
0x5: {  	_ = 	snop  }
0x6: {  	_ = 	snop  }
0x7: {  	_ = 	snop  }
__scs_overlays_trampoline_lowered:
0x8: {  	[smem:$0x3FAD] =	sst s0  }
0x9: {  	[smem:$0x3FAE] =	sst s1  }
0xa: {  	[smem:$0x3FAF] =	sst s2  }
0xb: {  	[smem:$0x3FB0] =	sst s3  }
0xc: {  	[smem:$0x3FB1] =	sst s4  }
0xd: {  	[smem:$0x3FB2] =	sst s5  }
0xe: {  	[smem:$0x3FB3] =	sst s6  }
0xf: {  	[smem:$0x3FB4] =	sst s7  }
0x10: {  	[smem:$0x3FB5] =	sst s8  }
0x11: {  	[smem:$0x3FB6] =	sst s9;
	s0 =	simm.s32 @!p0 $0x0  }
0x12: {  	s1 =	sld [smem:$0x3F9C];
	s0 =	simm.s32 @p0 $0x1  }
0x13: {  	[smem:$0x3FB7] =	sst s0;
	s0 =	simm.s32 @!p1 $0x0  }
0x14: {  	s2 =	sld [smem:$0x3F9B];
	s0 =	simm.s32 @p1 $0x1  }
0x15: {  	[smem:$0x3FB8] =	sst s0;
	s0 =	simm.s32 @!p2 $0x0  }
0x16: {  	s3 =	sld [smem:$0x3FDB];
	s0 =	simm.s32 @p2 $0x1  }
0x17: {  	s4 =	simm.s32 $0x1BF5;
	[smem:$0x3FBA] =	sst s0  }
0x18: {  	s0 =	sld [smem:$0x3F9D];
	_ =	swait.ge [sflag:s4], $0x0  }
0x19: {  	s7 =	sld [smem:$0x3F9E]  }
0x1a: {  	s8 =	sadd.s32 $0xFFFFE003, lr  }
0x1b: {  	s9 =	sadd.s32 $0xFFFFFEF7, lr;
	s5 =	simm.s32 $0xFFFFFFFF;
	p2 =	slt.u32 s8, $0xFFFFF086  }
0x1c: {  	p1 =	slt.u32 s9, $0xF7A;
	s5 =	simm.s32 @!p2 $0x0  }
0x1d: {  	s5 =	simm.s32 @p1 $0x1;
	p0 =	seq.s32 s7, s2  }
0x1e: {  	s7 =	smul.u32 @!p0 $0xF7A, s2;
	p2 =	seq.s32 @!p0 s5, $0x0  }
0x1f: {  	s9 =	smul.u32 $0xF7A, s1;
	s8 =	simm.s32 @!p0 $0x1BF5;
	p2 =	por !p2, p0  }
0x20: {  	[sflag:s8] =	ssyncset.s32 @!p0 $0xFFFFF086;
	s6 =	sadd.s32 @!p0 s3, s7;
	s7 =	simm.s32 @!p0 $0x108  }
0x21: {  	s3 =	sadd.s32 s3, s9;
	s6 =	sadd.s32 @!p0 $0x88, s6;
	s7 =	simm.s32 @p2 $0x1082  }
0x22: {  	[simem:s7], [sflag:s8] =	dma.local @!p0 [hbm:s6], $0xF7A  }
0x23: {  	s9 =	sor.u32 $0xD0000000, s2;
	s6 =	simm.s32 $0x108;
	_ =	swait.ge @!p0 [sflag:s8], $0x0  }
0x24: {  	s3 =	sadd.s32 $0x88, s3;
	s6 =	simm.s32 @!p1 $0x1082;
	[sflag:s4] =	ssyncset.s32 $0xFFFFF086  }
0x25: {  	[simem:s6], [sflag:s4] =	dma.local [hbm:s3], $0xF7A  }
0x26: {  	[smem:$0x3F9E] =	sst s1;
	(tag) =	ssettag s2;
	_ =	strace s9  }
0x27: {  	s1 =	sld [smem:$0x3FAE]  }
0x28: {  	s2 =	sld [smem:$0x3FAF]  }
0x29: {  	s4 =	sld [smem:$0x3FB1]  }
0x2a: {  	p0 =	seq.s32 s5, $0x0;
	s5 =	sld [smem:$0x3FB2]  }
0x2b: {  	s6 =	sld [smem:$0x3FB3]  }
0x2c: {  	s7 =	sld [smem:$0x3FB4]  }
0x2d: {  	s3 =	simm.s32 $0x108;
	s8 =	sld [smem:$0x3FB5]  }
0x2e: {  	s3 =	simm.s32 @!p0 $0x1082;
	s9 =	sld [smem:$0x3FB6]  }
0x2f: {  	lr =	sadd.s32 s0, s3;
	s0 =	sld [smem:$0x3FAD]  }
0x30: {  	s3 =	sld [smem:$0x3FB0]  }
0x31: {  	[smem:$0x3FB9] =	sst s10  }
0x32: {  	s10 =	sld [smem:$0x3FB7];
	_ =	sdelay $0x3  }
0x33: {  	p0 =	seq.s32 s10, $0x1;
	s10 =	sld [smem:$0x3FB9];
	_ =	sdelay $0x3  }
0x34: {  	[smem:$0x3FB9] =	sst s10  }
0x35: {  	s10 =	sld [smem:$0x3FB8];
	_ =	sdelay $0x3  }
0x36: {  	p1 =	seq.s32 s10, $0x1;
	s10 =	sld [smem:$0x3FB9];
	_ =	sdelay $0x3  }
0x37: {  	[smem:$0x3FB9] =	sst s10  }
0x38: {  	s10 =	sld [smem:$0x3FBA]  }
0x39: {  	_ = 	snop;
	(pc) =	sbr.ind lr, $3  }
0x3a: {  	_ = 	snop  }
0x3b: {  	_ = 	snop  }
0x3c: {  	p2 =	seq.s32 s10, $0x1;
	s10 =	sld [smem:$0x3FB9]  }
0x3d: {  	_ =	shalt  }
0x3e: {  	_ =	shalt  }
0x3f: {  	_ =	shalt  }
0x40: {  	_ =	shalt  }
0x41: {  	_ =	shalt  }
0x42: {  	_ =	shalt  }
0x43: {  	_ =	shalt  }
0x44: {  	_ =	shalt  }
0x45: {  	_ =	shalt  }
0x46: {  	_ =	shalt  }
0x47: {  	_ =	shalt  }
0x48: {  	_ =	shalt  }
0x49: {  	_ =	shalt  }
0x4a: {  	_ =	shalt  }
0x4b: {  	_ =	shalt  }
0x4c: {  	_ =	shalt  }
0x4d: {  	_ =	shalt  }
0x4e: {  	_ =	shalt  }
0x4f: {  	_ =	shalt  }
0x50: {  	_ =	shalt  }
0x51: {  	_ =	shalt  }
0x52: {  	_ =	shalt  }
0x53: {  	_ =	shalt  }
0x54: {  	_ =	shalt  }
0x55: {  	_ =	shalt  }
0x56: {  	_ =	shalt  }
0x57: {  	_ =	shalt  }
0x58: {  	_ =	shalt  }
0x59: {  	_ =	shalt  }
0x5a: {  	_ =	shalt  }
0x5b: {  	_ =	shalt  }
0x5c: {  	_ =	shalt  }
0x5d: {  	_ =	shalt  }
0x5e: {  	_ =	shalt  }
0x5f: {  	_ =	shalt  }
0x60: {  	_ =	shalt  }
0x61: {  	_ =	shalt  }
0x62: {  	_ =	shalt  }
0x63: {  	_ =	shalt  }
0x64: {  	_ =	shalt  }
0x65: {  	_ =	shalt  }
0x66: {  	_ =	shalt  }
0x67: {  	_ =	shalt  }
0x68: {  	_ =	shalt  }
0x69: {  	_ =	shalt  }
0x6a: {  	_ =	shalt  }
0x6b: {  	_ =	shalt  }
0x6c: {  	_ =	shalt  }
0x6d: {  	_ =	shalt  }
0x6e: {  	_ =	shalt  }
0x6f: {  	_ =	shalt  }
0x70: {  	_ =	shalt  }
0x71: {  	_ =	shalt  }
0x72: {  	_ =	shalt  }
0x73: {  	_ =	shalt  }
0x74: {  	_ =	shalt  }
0x75: {  	_ =	shalt  }
0x76: {  	_ =	shalt  }
0x77: {  	_ =	shalt  }
0x78: {  	_ =	shalt  }
0x79: {  	_ =	shalt  }
0x7a: {  	_ =	shalt  }
0x7b: {  	_ =	shalt  }
0x7c: {  	_ =	shalt  }
0x7d: {  	_ =	shalt  }
0x7e: {  	_ =	shalt  }
0x7f: {  	_ =	shalt  }
0x80: {  	_ =	shalt  }
0x81: {  	_ =	shalt  }
0x82: {  	_ =	shalt  }
0x83: {  	_ =	shalt  }
0x84: {  	_ =	shalt  }
0x85: {  	_ =	shalt  }
0x86: {  	_ =	shalt  }
0x87: {  	_ =	shalt  }
.Lfunc_end0:
.L_simem_size_0:
called_computation.3_lowered:
.L_overlay_start_0:
0x88: {  	s2 =	sld [smem:$0x3FD9]  }
0x89: {  	s3 =	sld [smem:$0x3FFE];
	_ =	sdelay $0x1  }
0x8a: {  	s1 =	srdreg.scid  }
0x8b: {  	s0 =	sand.u32 $0x1, s1  }
0x8c: {  	s17 =	sshll.u32 s0, $0xA;
	s2 =	sadd.s32 s3, s2  }
0x8d: {  	s2 =	sadd.s32 s2, s17  }
0x8e: {  	[smem:$0x3FC5] =	sst s2  }
0x8f: {  	_ = 	snop  }
0x90: {  	(tm) =	ssettm $0x1  }
0x91: {  	s18 =	sld [smem:$0x3FFB];
	_ =	sdelay $0x3  }
0x92: {  	_ =	strace s18  }
0x93: {  	s2 =	sld [smem:$0x3FFC];
	_ =	sdelay $0x3  }
0x94: {  	_ =	strace s2  }
0x95: {  	s2 =	sld [smem:$0x3FFD];
	_ =	sdelay $0x3  }
0x96: {  	_ =	strace s2  }
0x97: {  	_ =	strace $0x8FFFFFFF  }
0x98: {  	s19 =	sld [smem:$0x3FDB];
	_ =	sdelay $0x1  }
0x99: {  	s20 =	simm.s32 $_scs_section_size  }
0x9a: {  	s4 =	simm.s32 $_size__tile_overlayer_lowered;
	s5 =	simm.s32 $_tile_overlayer_lowered  }
0x9b: {  	s6 =	simm.s32 $0x1BFF;
	s21 =	sshll.u32 s5, $0x1;
	s3 =	sadd.s32 s20, s19  }
0x9c: {  	s22 =	simm.s32 $0x0;
	s4 =	sshll.u32 s4, $0x1;
	s5 =	sadd.s32 s21, s3  }
0x9d: {  	[timem:s22], [sflag:s6] =	dma.local [hbm:s5], s4  }
0x9e: {  	_ =	swait.ge [sflag:s6], s4  }
0x9f: {  	s4 =	ssub.s32 $0x0, s4;
	[sflag:s6] =	ssyncset.done $0x0  }
0xa0: {  	[sflag:s6] =	ssyncadd.s32 s4;
	_ =	sdelay $0x1  }
0xa1: {  	s23 =	simm.s32 $0x1B8B  }
0xa2: {  	_ =	swait.ge [sflag:s23], $0x1  }
0xa3: {  	[sflag:s23] =	ssyncset.done $0x0  }
0xa4: {  	[sflag:s23] =	ssyncadd.s32 $0xFFFFFFFF  }
0xa5: {  	s4 =	sld [smem:$0x0]  }
0xa6: {  	s5 =	sand.u32 $0xFFFFFFFE, s1  }
0xa7: {  	p0 =	sne.s32 s1, s5  }
0xa8: {  	s5 =	sshll.u32 @p0 s5, $0xE  }
0xa9: {  	s5 =	sadd.s32 @p0 $0x11B8D, s5;
	s6 =	sshll.u32 @p0 s4, $0x11  }
0xaa: {  	s5 =	sor.u32 @p0 s6, s5  }
0xab: {  	[sflag:s5] =	ssyncadd.remote.s32 @p0 $0x1;
	_ =	sdelay $0x1  }
0xac: {  	s5 =	simm.s32 @p0 $0x1B8D  }
0xad: {  	_ =	swait.eq @p0 [sflag:s5], $0x1  }
0xae: {  	[sflag:s5] =	ssyncadd.s32 @p0 $0xFFFFFFFF  }
0xaf: {  	s6 =	sshll.u32 @!p0 s1, $0xE  }
0xb0: {  	s6 =	sor.u32 @!p0 $0x4000, s6;
	s5 =	simm.s32 @!p0 $0x1B8D  }
0xb1: {  	s4 =	sshll.u32 @!p0 s4, $0x11;
	s6 =	sadd.s32 @!p0 $0x11B8D, s6;
	_ =	swait.eq @!p0 [sflag:s5], $0x1  }
0xb2: {  	s4 =	sor.u32 @!p0 s4, s6;
	[sflag:s5] =	ssyncadd.s32 @!p0 $0xFFFFFFFF  }
0xb3: {  	s25 =	simm.s32 $0x1B8E;
	s24 =	sld [smem:$0x3FFE];
	[sflag:s4] =	ssyncadd.remote.s32 @!p0 $0x1  }
0xb4: {  	s26 =	simm.s32 $execute0_lowered;
	[smem:$0x3FD2] =	sst s25  }
0xb5: {  	s5 =	sshll.u32 s26, $0x1;
	_ =	strace $0x8000004F;
	[dreg:$0x1] =	wrdreg $0xFFFFFFFF  }
0xb6: {  	s28 =	simm.s32 $_size_execute0_lowered;
	s3 =	sadd.s32 s3, s5;
	[dreg:$0x0] =	wrdreg $0x0  }
0xb7: {  	s5 =	sshll.u32 s28, $0x1;
	[dreg:$0x2] =	wrdreg s3  }
0xb8: {  	[dreg:$0x3] =	wrdreg s5  }
0xb9: {  	[dreg:$0x4] =	wrdreg $0xC0  }
0xba: {  	_ =	task [dreg:s22], $0x5FFFF  }
0xbb: {  	[dreg:$0x1] =	wrdreg $0xFFFFFFFF  }
0xbc: {  	[dreg:$0x0] =	wrdreg $0x60  }
0xbd: {  	[dreg:$0x2] =	wrdreg s24  }
0xbe: {  	[dreg:$0x3] =	wrdreg $0xC  }
0xbf: {  	_ =	task.clear_ibuf [dreg:s22], $0x4FFFF;
	_ =	strace $0x9000004F  }
0xc0: {  	s29 =	simm.s32 $0xC;
	_ =	strace $0x80000051  }
0xc1: {  	_ =	swait.ge [sflag:s29], $0x1  }
0xc2: {  	[sflag:s29] =	ssyncadd.s32 $0xFFFFFFFF  }
0xc3: {  	_ =	strace $0x90000051  }
0xc4: {  	_ =	sfence  }
0xc5: {  	s30 =	sld [smem:$0x0];
	_ =	sdelay $0x2  }
0xc6: {  	s31 =	sshll.u32 s1, $0xD;
	s1 =	sshrl.u32 s1, $0x2  }
0xc7: {  	s4 =	sand.u32 $0x4000, s31;
	s1 =	sadd.s32 s1, s30  }
0xc8: {  	s0 =	sor.u32 s4, s0;
	s1 =	sshll.u32 s1, $0x11  }
0xc9: {  	s0 =	sor.u32 s1, s0  }
0xca: {  	s0 =	sadd.s32 $0x8F2B, s0  }
0xcb: {  	[sflag:s0] =	ssyncadd.remote.s32 $0x1  }
0xcc: {  	_ =	sfence.sel $0xFFFF  }
0xcd: {  	[dreg:$0x0] =	wrdreg $0xFFFFFFFF;
	(pc) =	sbr.abs _section_cstart, $3  }
0xce: {  	[dreg:$0x1] =	wrdreg $0xFFFFFFFF  }
0xcf: {  	_ =	task.clear_ibuf [dreg:s22], $0x2FFFF;
	_ =	strace $0x9FFFFFFF  }
0xd0: {  	(tm) =	ssettm $0x7FFFFFFF  }
0xd1: {  	_ =	shalt  }
tec
execute0_lowered:
.L_overlay_start_1:
0x0: {  	(tag) =	ssettag $0x1  }
0x1: {  	s0 =	srdreg.scid  }
0x2: {  	s12 =	rddreg [dreg:$0x0];
	s19 =	sand.u32 $0x1, s0  }
0x3: {  	s1 =	stileid.u32;
	s2 =	simm.s32 $0x0;
	s3 =	sshll.u32 s19, $0x6  }
0x4: {  	s0 =	rddreg [dreg:$0x1];
	s4 =	sshll.u32 s1, $0x7;
	s3 =	sadd.s32 s3, s12  }
0x5: {  	[smem:$0x7FF] =	sst s2;
	s3 =	sadd.s32 s4, s3  }
0x6: {  	_ =	strace $0x80000050;
	s4 =	simm.s32 $0x3;
	s3 =	sadd.s32 $0xD3600, s3  }
0x7: {  	[tilespmem:s2], [sflag:$0x3] =	stream.linear.gather [hbm4b:s3+s2], $0x200, $0x38;
	[tilespmem:$0x10200] =	vst v63  }
0x8: {  	_ =	swait.ge [sflag:s4], $0x200  }
0x9: {  	s6 =	simm.s32 $0x80;
	[sflag:s4] =	ssyncset.done $0x0  }
0xa: {  	s7 =	simm.s32 $0x200;
	s5 =	sadd.s32 $0x1E00, s12;
	[sflag:s4] =	ssyncadd.s32 $0xFFFFFE00  }
0xb: {  	[tilespmem:s7], [sflag:$0x1] =	stream.indirect.gather [hbm4b:s5+s6], $0x80, s2, s6, $0xb8;
	[tilespmem:$0x10200] =	vst v63  }
0xc: {  	s8 =	simm.s32 $0x4200;
	s9 =	simm.s32 $0x100;
	s10 =	simm.s32 $0x8200  }
0xd: {  	[tilespmem:s8], [sflag:$0x1] =	stream.indirect.gather [hbm4b:s5+s6], $0x80, s6, s6, $0xb8;
	[tilespmem:$0x10200] =	vst v63  }
0xe: {  	s11 =	simm.s32 $0x1;
	s13 =	sshll.u32 s1, $0xE;
	s14 =	sshll.u32 s19, $0xD  }
0xf: {  	[tilespmem:s10], [sflag:$0x1] =	stream.indirect.gather [hbm4b:s5+s6], $0x80, s9, s6, $0xb8;
	[tilespmem:$0x10200] =	vst v63  }
0x10: {  	s13 =	sor.u32 s14, s13;
	_ =	swait.ge [sflag:s11], $0x4000  }
0x11: {  	s17 =	sadd.s32 s13, s12;
	[sflag:s11] =	ssyncset.done $0x0  }
0x12: {  	s12 =	sadd.s32 $0xD3E00, s17;
	[sflag:s11] =	ssyncadd.s32 $0xFFFFC000  }
0x13: {  	[hbm4b:s12+s2] =	stream.linear.scatter [tilespmem:s7], [sflag:$0x2], $0x4000, $0x38;
	[tilespmem:$0x10200] =	vst v63  }
0x14: {  	s14 =	simm.s32 $0xC200;
	s13 =	simm.s32 $0x180  }
0x15: {  	[tilespmem:s14], [sflag:$0x1] =	stream.indirect.gather [hbm4b:s5+s6], $0x80, s13, s6, $0xb8;
	[tilespmem:$0x10200] =	vst v63  }
0x16: {  	_ =	swait.ge [sflag:s11], $0x4000  }
0x17: {  	[sflag:s11] =	ssyncset.done $0x0  }
0x18: {  	s15 =	sadd.s32 $0xD4600, s17;
	[sflag:s11] =	ssyncadd.s32 $0xFFFFC000  }
0x19: {  	[hbm4b:s15+s2] =	stream.linear.scatter [tilespmem:s8], [sflag:$0x2], $0x4000, $0x38;
	[tilespmem:$0x10200] =	vst v63  }
0x1a: {  	_ =	swait.ge [sflag:s11], $0x4000  }
0x1b: {  	[sflag:s11] =	ssyncset.done $0x0  }
0x1c: {  	s16 =	sadd.s32 $0xD4E00, s17;
	[sflag:s11] =	ssyncadd.s32 $0xFFFFC000  }
0x1d: {  	[hbm4b:s16+s2] =	stream.linear.scatter [tilespmem:s10], [sflag:$0x2], $0x4000, $0x38;
	[tilespmem:$0x10200] =	vst v63  }
0x1e: {  	_ =	swait.ge [sflag:s11], $0x4000  }
0x1f: {  	[sflag:s11] =	ssyncset.done $0x0  }
0x20: {  	s18 =	sadd.s32 $0xD5600, s17;
	s17 =	simm.s32 $0x2;
	[sflag:s11] =	ssyncadd.s32 $0xFFFFC000  }
0x21: {  	[hbm4b:s18+s2] =	stream.linear.scatter [tilespmem:s14], [sflag:$0x2], $0x4000, $0x38;
	[tilespmem:$0x10200] =	vst v63  }
0x22: {  	_ =	swait.ge [sflag:s17], $0x4000  }
0x23: {  	s19 =	ssub.s32 $0x2, s19;
	[sflag:s17] =	ssyncset.done $0x0  }
0x24: {  	s20 =	sshrl.u32 s19, $0x1;
	[sflag:s17] =	ssyncadd.s32 $0xFFFFC000  }
0x25: {  	s19 =	ssub.s32 s19, s20;
	_ =	swait.ge [sflag:s17], $0x4000  }
0x26: {  	s19 =	smax.u32 s19, $0x1;
	[sflag:s17] =	ssyncset.done $0x0  }
0x27: {  	p0 =	sne.s32 s19, $0x1;
	[sflag:s17] =	ssyncadd.s32 $0xFFFFC000  }
.Ltmp0:
0x28: {  	_ =	swait.ge [sflag:s17], $0x4000;
	(pc) =	sbr.rel @!p0 .LBB2_2-.Ltmp0, $4  }
0x29: {  	[sflag:s17] =	ssyncset.done $0x0  }
0x2a: {  	[sflag:s17] =	ssyncadd.s32 $0xFFFFC000  }
0x2b: {  	_ =	swait.ge [sflag:s17], $0x4000  }
0x2c: {  	s19 =	sadd.s32 $0xFFFFFFFF, s19;
	[sflag:s17] =	ssyncset.done $0x0  }
.LBB2_1:
0x2d: {  	p0 =	sne.s32 s19, $0x1;
	s19 =	sadd.s32 $0xFFFFFFFF, s19;
	[sflag:s17] =	ssyncadd.s32 $0xFFFFC000  }
0x2e: {  	[tilespmem:s2], [sflag:$0x3] =	stream.linear.gather [hbm4b:s3+s2], $0x200, $0x38;
	[tilespmem:$0x10200] =	vst v63  }
0x2f: {  	_ =	swait.ge [sflag:s4], $0x200  }
0x30: {  	[sflag:s4] =	ssyncset.done $0x0  }
0x31: {  	[sflag:s4] =	ssyncadd.s32 $0xFFFFFE00  }
0x32: {  	[tilespmem:s7], [sflag:$0x1] =	stream.indirect.gather [hbm4b:s5+s6], $0x80, s2, s6, $0xb8;
	[tilespmem:$0x10200] =	vst v63  }
0x33: {  	_ = 	snop  }
0x34: {  	[tilespmem:s8], [sflag:$0x1] =	stream.indirect.gather [hbm4b:s5+s6], $0x80, s6, s6, $0xb8;
	[tilespmem:$0x10200] =	vst v63  }
0x35: {  	_ = 	snop  }
0x36: {  	[tilespmem:s10], [sflag:$0x1] =	stream.indirect.gather [hbm4b:s5+s6], $0x80, s9, s6, $0xb8;
	[tilespmem:$0x10200] =	vst v63  }
0x37: {  	_ =	swait.ge [sflag:s11], $0x4000  }
0x38: {  	[sflag:s11] =	ssyncset.done $0x0  }
0x39: {  	[sflag:s11] =	ssyncadd.s32 $0xFFFFC000  }
0x3a: {  	[hbm4b:s12+s2] =	stream.linear.scatter [tilespmem:s7], [sflag:$0x2], $0x4000, $0x38;
	[tilespmem:$0x10200] =	vst v63  }
0x3b: {  	_ = 	snop  }
0x3c: {  	[tilespmem:s14], [sflag:$0x1] =	stream.indirect.gather [hbm4b:s5+s6], $0x80, s13, s6, $0xb8;
	[tilespmem:$0x10200] =	vst v63  }
0x3d: {  	_ =	swait.ge [sflag:s11], $0x4000  }
0x3e: {  	[sflag:s11] =	ssyncset.done $0x0  }
0x3f: {  	[sflag:s11] =	ssyncadd.s32 $0xFFFFC000  }
0x40: {  	[hbm4b:s15+s2] =	stream.linear.scatter [tilespmem:s8], [sflag:$0x2], $0x4000, $0x38;
	[tilespmem:$0x10200] =	vst v63  }
0x41: {  	_ =	swait.ge [sflag:s11], $0x4000  }
0x42: {  	[sflag:s11] =	ssyncset.done $0x0  }
0x43: {  	[sflag:s11] =	ssyncadd.s32 $0xFFFFC000  }
0x44: {  	[hbm4b:s16+s2] =	stream.linear.scatter [tilespmem:s10], [sflag:$0x2], $0x4000, $0x38;
	[tilespmem:$0x10200] =	vst v63  }
0x45: {  	_ =	swait.ge [sflag:s11], $0x4000  }
0x46: {  	[sflag:s11] =	ssyncset.done $0x0  }
0x47: {  	[sflag:s11] =	ssyncadd.s32 $0xFFFFC000  }
0x48: {  	[hbm4b:s18+s2] =	stream.linear.scatter [tilespmem:s14], [sflag:$0x2], $0x4000, $0x38;
	[tilespmem:$0x10200] =	vst v63  }
0x49: {  	_ =	swait.ge [sflag:s17], $0x4000  }
0x4a: {  	[sflag:s17] =	ssyncset.done $0x0  }
0x4b: {  	[sflag:s17] =	ssyncadd.s32 $0xFFFFC000  }
0x4c: {  	_ =	swait.ge [sflag:s17], $0x4000  }
0x4d: {  	[sflag:s17] =	ssyncset.done $0x0  }
0x4e: {  	[sflag:s17] =	ssyncadd.s32 $0xFFFFC000  }
.Ltmp1:
0x4f: {  	_ =	swait.ge [sflag:s17], $0x4000;
	(pc) =	sbr.rel @p0 .LBB2_1-.Ltmp1, $4  }
0x50: {  	[sflag:s17] =	ssyncset.done $0x0  }
0x51: {  	[sflag:s17] =	ssyncadd.s32 $0xFFFFC000  }
0x52: {  	_ =	swait.ge [sflag:s17], $0x4000  }
0x53: {  	[sflag:s17] =	ssyncset.done $0x0  }
.LBB2_2:
0x54: {  	[sflag:s17] =	ssyncadd.s32 $0xFFFFC000  }
0x55: {  	_ =	sfence.sel $0x180000  }
0x56: {  	[bflag:$0x0] =	sbarrier.arrive $0xFFFF  }
0x57: {  	p0 =	sne.s32 s1, $0x0;
	_ =	strace $0x90000050  }
0x58: {  	s0 =	sadd.s32 @!p0 $0x100000, s0;
	[bflag:$0x2] =	sbarrier.arrive $0xFFFF  }
0x59: {  	[sflag:s0] =	ssyncadd.tile.s32 @!p0 $0x1;
	_ =	shalt  }
.Lfunc_end2:
_tile_overlayer_lowered:
.L_overlay_start_2:
0x5a: {  	(tag) =	ssettag $0x2  }
0x5b: {  	s0 =	rddreg [dreg:$0x0];
	s2 =	stileid.u32  }
0x5c: {  	s1 =	rddreg [dreg:$0x1];
	p0 =	sne.s32 s2, $0x0  }
0x5d: {  	s3 =	rddreg [dreg:$0x2];
	[bflag:$0x3] =	sbarrier.arrive $0xFFFF;
	s2 =	simm.s32 @!p0 $0x1C03  }
0x5e: {  	[timem:s3], [sflag:s2] =	dma.local @!p0 [hbm:s0], s1  }
0x5f: {  	s0 =	simm.s32 @!p0 $0x3  }
0x60: {  	_ =	swait.ge @!p0 [sflag:s0], s1  }
0x61: {  	s1 =	ssub.s32 @!p0 $0x0, s1;
	[sflag:s0] =	ssyncset.done @!p0 $0x0  }
0x62: {  	[sflag:s0] =	ssyncadd.s32 @!p0 s1  }
0x63: {  	[bflag:$0x3] =	sbarrier.arrive $0xFFFF  }
0x64: {  	_ =	shalt  }

</sc_bundles>
